<compile_context>
chip_gen: v7x
topology: tpu7x:2x2x1
jax: 0.10.2.dev20260603
libtpu: 0.0.44.dev20260713+nightly
codegen_flags: <defaults>
</compile_context>

<pallas_src>
import functools

import jax
import jax.numpy as jnp
from jax import lax
from jax.experimental import pallas as pl
from jax.experimental.pallas import tpu as pltpu
from jax.experimental.pallas import tpu_sc as plsc

_GRID_RES = 0.05

_NZ = 101
_PL = 10752
_XS = 104
_CH = _PL // 16
_NWIN = 4
_PACKED = _NWIN * _PL
_SLAB = _NZ * _PL + 128
_ZCH = 1408
_ZPT = _SLAB // 16

_B = 8
_P = 64 * 64 * 64
_N = 200000
_QCH = 2048
_SCH = 512


def _minmax_body(x_ref, mn_ref, mx_ref):
    x = x_ref[0]
    mn_ref[0] = jnp.min(x, axis=1)
    mx_ref[0] = jnp.max(x, axis=1)


def _tc_minmax(coords):
    x = coords.reshape(_B, 3, _P // 128, 128)
    mn, mx = pl.pallas_call(
        _minmax_body,
        grid=(_B,),
        in_specs=[pl.BlockSpec((1, 3, _P // 128, 128), lambda i: (i, 0, 0, 0))],
        out_specs=[pl.BlockSpec((1, 3, 128), lambda i: (i, 0, 0)),
                   pl.BlockSpec((1, 3, 128), lambda i: (i, 0, 0))],
        out_shape=[jax.ShapeDtypeStruct((_B, 3, 128), jnp.float32),
                   jax.ShapeDtypeStruct((_B, 3, 128), jnp.float32)],
    )(x)
    return mn.min(axis=-1), mx.max(axis=-1)


def _sc_body(coords_hbm, sparse_hbm, params_hbm, out_hbm,
             packed_v, pbuf, acc, zbuf, ones, sbuf,
             ab0, ab1, ab2, ab3, pvec, cbuf, obuf, scat_sem,
             sgrid, packed_s):
    c = lax.axis_index("c")
    s = lax.axis_index("s")
    lanes = lax.iota(jnp.int32, 16)

    pltpu.sync_copy(params_hbm.at[pl.ds(c * 768, 768)], pvec)

    def _fill1(i, _):
        ones[pl.ds(i * 16, 16)] = jnp.full((16,), 1.0, jnp.float32)
        return 0
    lax.fori_loop(0, 8, _fill1, 0)

    def _fill0(i, _):
        zbuf[pl.ds(i * 16, 16)] = jnp.full((16,), 0.0, jnp.float32)
        return 0
    lax.fori_loop(0, _ZCH // 16, _fill0, 0)

    def _batch(bb, _):
        b = c * 4 + bb
        pb = bb * 192
        mx_ = pvec[pl.ds(pb + 6 * 16, 16)]
        my_ = pvec[pl.ds(pb + 7 * 16, 16)]
        mz_ = pvec[pl.ds(pb + 8 * 16, 16)]
        szx = pvec[pl.ds(pb + 9 * 16, 16)]
        szy = pvec[pl.ds(pb + 10 * 16, 16)]
        szz = pvec[pl.ds(pb + 11 * 16, 16)]


        zb = s * _ZPT
        def _zero(k, _):
            pltpu.sync_copy(zbuf, sgrid.at[pl.ds(zb + k * _ZCH, _ZCH)])
            return 0
        lax.fori_loop(0, _ZPT // _ZCH, _zero, 0)
        ztail = _ZPT - (_ZPT // _ZCH) * _ZCH
        if ztail:
            pltpu.sync_copy(zbuf.at[pl.ds(0, ztail)],
                            sgrid.at[pl.ds(zb + _ZPT - ztail, ztail)])
        plsc.subcore_barrier()

        lo = (s * _N) // 16
        lo = lo - (lo % 8)
        hi = ((s + 1) * _N) // 16
        hi = hi + (-hi) % 8
        nch = (_N // 16 + 16 + _SCH - 1) // _SCH
        dump = _NZ * _PL

        def _scat(i, _):
            base = jnp.minimum(lo + i * _SCH, hi - _SCH)
            off = pl.multiple_of(b * (_N * 3) + base * 3, 8)
            pltpu.sync_copy(sparse_hbm.at[pl.ds(off, _SCH * 3)], sbuf)
            copies = []
            for q, ab in enumerate((ab0, ab1, ab2, ab3)):
                for j in range(8):
                    r0 = (q * 128 + j * 16) * 3
                    vx = plsc.load_gather(sbuf, [r0 + lanes * 3])
                    vy = plsc.load_gather(sbuf, [r0 + lanes * 3 + 1])
                    vz = plsc.load_gather(sbuf, [r0 + lanes * 3 + 2])
                    sx = vx - mx_
                    sy = vy - my_
                    sz = vz - mz_
                    valid = ((sx >= 0.0) & (sx < szx) & (sy >= 0.0) &
                             (sy < szy) & (sz >= 0.0) & (sz < szz))
                    ix = sx.astype(jnp.int32)
                    iy = sy.astype(jnp.int32)
                    iz = sz.astype(jnp.int32)
                    addr = iz * _PL + ix * _XS + iy
                    addr = jnp.where(valid, addr, jnp.int32(dump))
                    ab[pl.ds(j * 16, 16)] = addr
                copies.append(pltpu.async_copy(ones, sgrid.at[ab], scat_sem))
            for cp in copies:
                cp.wait()
            return 0
        lax.fori_loop(0, nch, _scat, 0)
        plsc.subcore_barrier()

        def _packw(w, _):
            cnt = jnp.minimum(32, _NZ - 32 * w)

            def _packr(r, _):
                pltpu.sync_copy(
                    sgrid.at[pl.ds((32 * w + r) * _PL + s * _CH, _CH)],
                    pbuf.at[pl.ds(0, _CH)])
                rv = jnp.full((16,), r, jnp.int32)
                bit = jnp.full((16,), 1, jnp.int32) << rv
                for j in range(_CH // 16):
                    v = pbuf[pl.ds(j * 16, 16)]
                    add = jnp.where(v != 0.0, bit, jnp.int32(0))
                    old = acc[pl.ds(j * 16, 16)]
                    acc[pl.ds(j * 16, 16)] = jnp.where(
                        rv == 0, add, old | add)
                return 0
            lax.fori_loop(0, cnt, _packr, 0)
            pltpu.sync_copy(acc,
                            packed_s.at[pl.ds(w * _PL + s * _CH, _CH)])
            return 0
        lax.fori_loop(0, _NWIN, _packw, 0)
        plsc.subcore_barrier()

        @pl.when(s // 4 == bb)
        def _own():
            pltpu.sync_copy(packed_s, packed_v)
        plsc.subcore_barrier()
        return 0
    lax.fori_loop(0, 4, _batch, 0)

    bl = s // 4
    q = s % 4
    b = c * 4 + bl
    pbase = bl * 192
    scx = plsc.load_gather(pvec, [pbase + 0 * 16 + lanes])
    scy = plsc.load_gather(pvec, [pbase + 1 * 16 + lanes])
    scz = plsc.load_gather(pvec, [pbase + 2 * 16 + lanes])
    ofx = plsc.load_gather(pvec, [pbase + 3 * 16 + lanes])
    ofy = plsc.load_gather(pvec, [pbase + 4 * 16 + lanes])
    ofz = plsc.load_gather(pvec, [pbase + 5 * 16 + lanes])
    sfx = plsc.load_gather(pvec, [pbase + 9 * 16 + lanes])
    sfy = plsc.load_gather(pvec, [pbase + 10 * 16 + lanes])
    sfz = plsc.load_gather(pvec, [pbase + 11 * 16 + lanes])
    six = sfx.astype(jnp.int32) - 1
    siy = sfy.astype(jnp.int32) - 1
    siz = sfz.astype(jnp.int32) - 1
    qbase = q * (_P // 4)

    def _chunk(i, _):
        cb = qbase + i * _QCH
        for a in range(3):
            pltpu.sync_copy(
                coords_hbm.at[pl.ds((b * 3 + a) * _P + cb, _QCH)],
                cbuf.at[pl.ds(a * _QCH, _QCH)])

        def _vec(j, _):
            ux = cbuf[pl.ds(0 * _QCH + j * 16, 16)] * scx - ofx
            uy = cbuf[pl.ds(1 * _QCH + j * 16, 16)] * scy - ofy
            uz = cbuf[pl.ds(2 * _QCH + j * 16, 16)] * scz - ofz
            ux = jnp.clip(ux, 0.0, sfx - 1.0)
            uy = jnp.clip(uy, 0.0, sfy - 1.0)
            uz = jnp.clip(uz, 0.0, sfz - 1.0)
            x0 = ux.astype(jnp.int32)
            y0 = uy.astype(jnp.int32)
            z0 = uz.astype(jnp.int32)
            fx = ux - x0.astype(jnp.float32)
            fy = uy - y0.astype(jnp.float32)
            fz = uz - z0.astype(jnp.float32)
            x1 = jnp.minimum(x0 + 1, six)
            y1 = jnp.minimum(y0 + 1, siy)
            z1 = jnp.minimum(z0 + 1, siz)
            wa = z0 >> 5
            ra = z0 & 31
            wb = z1 >> 5
            rb = z1 & 31
            ca0 = wa * _PL + y0
            ca1 = wa * _PL + y1
            cb0 = wb * _PL + y0
            cb1 = wb * _PL + y1
            xs0 = x0 * _XS
            xs1 = x1 * _XS

            def bitf(cell, r):
                word = plsc.load_gather(packed_v, [cell])
                return ((word >> r) & 1).astype(jnp.float32)

            def zlerp(clo, chi):
                b0 = bitf(clo, ra)
                b1 = bitf(chi, rb)
                return b0 + fz * (b1 - b0)
            v00 = zlerp(ca0 + xs0, cb0 + xs0)
            v01 = zlerp(ca1 + xs0, cb1 + xs0)
            v10 = zlerp(ca0 + xs1, cb0 + xs1)
            v11 = zlerp(ca1 + xs1, cb1 + xs1)
            v0 = v00 + fy * (v01 - v00)
            v1 = v10 + fy * (v11 - v10)
            obuf[pl.ds(j * 16, 16)] = v0 + fx * (v1 - v0)
            return 0
        lax.fori_loop(0, _QCH // 16, _vec, 0)
        pltpu.sync_copy(obuf, out_hbm.at[pl.ds(b * _P + cb, _QCH)])
        return 0
    lax.fori_loop(0, _P // 4 // _QCH, _chunk, 0)


def _sc_call(coords_flat, sparse_flat, params):
    mesh = plsc.VectorSubcoreMesh(core_axis_name="c", subcore_axis_name="s")
    f = functools.partial(
        pl.kernel,
        out_type=jax.ShapeDtypeStruct((_B * _P,), jnp.float32),
        mesh=mesh,
        compiler_params=pltpu.CompilerParams(needs_layout_passes=False),
        scratch_types=[
            pltpu.VMEM((_PACKED,), jnp.int32),
            pltpu.VMEM((4 * _CH,), jnp.float32),
            pltpu.VMEM((_CH,), jnp.int32),
            pltpu.VMEM((_ZCH,), jnp.float32),
            pltpu.VMEM((128,), jnp.float32),
            pltpu.VMEM((_SCH * 3,), jnp.float32),
            pltpu.VMEM((128,), jnp.int32),
            pltpu.VMEM((128,), jnp.int32),
            pltpu.VMEM((128,), jnp.int32),
            pltpu.VMEM((128,), jnp.int32),
            pltpu.VMEM((768,), jnp.float32),
            pltpu.VMEM((3 * _QCH,), jnp.float32),
            pltpu.VMEM((_QCH,), jnp.float32),
            pltpu.SemaphoreType.DMA,
            pltpu.VMEM_SHARED((_SLAB,), jnp.float32),
            pltpu.VMEM_SHARED((_PACKED,), jnp.int32),
        ],
    )(_sc_body)
    return f(coords_flat, sparse_flat, params)


@jax.jit
def kernel(coordinate_grids, sparse_indices, transforms, transforms_inv):
    B, C, X, Y, Z = coordinate_grids.shape
    coords = coordinate_grids.reshape(B, 3, -1)

    min_loc, max_loc = _tc_minmax(coords)

    max_size_grid = (max_loc + _GRID_RES - min_loc).max(axis=0)
    min_homo = jnp.concatenate(
        [min_loc, jnp.ones((B, 1), jnp.float32)], axis=1)
    min_voxel_idx = jnp.floor(
        jnp.einsum("bij,bj->bi", transforms_inv, min_homo)[:, :3])
    min_voxel_idx = jnp.maximum(min_voxel_idx, 0.0)
    size_voxel_grid = jnp.ceil(
        jnp.max(transforms_inv[:, :3, :3] @ max_size_grid, axis=0))
    size_f = size_voxel_grid.astype(jnp.float32)
    min_idx_homo = jnp.concatenate(
        [min_voxel_idx, jnp.ones((B, 1), jnp.float32)], axis=1)
    position_base = jnp.einsum("bij,bj->bi", transforms, min_idx_homo)[:, :3]
    extent = jnp.einsum("bij,j->bi", transforms[:, :3, :3], size_f)
    scale = size_f[None, :] / extent
    offset = position_base * scale

    slots = jnp.stack([
        scale[:, 0], scale[:, 1], scale[:, 2],
        offset[:, 0], offset[:, 1], offset[:, 2],
        min_voxel_idx[:, 0], min_voxel_idx[:, 1], min_voxel_idx[:, 2],
        jnp.broadcast_to(size_f[0], (B,)),
        jnp.broadcast_to(size_f[1], (B,)),
        jnp.broadcast_to(size_f[2], (B,)),
    ], axis=1)
    params = jnp.broadcast_to(slots[:, :, None], (B, 12, 16)).reshape(-1)

    out = _sc_call(coords.reshape(-1), sparse_indices.reshape(-1), params)
    return out.reshape(B, X, Y, Z)

# --- scband reference (transcript-rebuilt; emitter-appended) ---
"""Pipeline reference for scband-sample-occ-grid-44324062494929 (READ-ONLY COPY).

The authoritative reference and input builder live on the scoring server;
editing this copy changes nothing except your own understanding.
"""

import jax, jax.numpy as jnp
import numpy as np

GRID_RESOLUTION_SAMPLE = 0.05
SCENE_RESOLUTION = 0.05

# static upper bound on local voxel-grid extent: coords lie in [0, 5) meters,
# voxel size 0.05 -> at most ceil(5.05 / 0.05) = 101 voxels per axis
MAX_GRID = 128


def setup_inputs(seed: int = 0) -> dict:
    key = jax.random.key(seed)
    k1, k2 = jax.random.split(key)
    B, X, Y, Z = 8, 64, 64, 64
    N = 200000
    # world-space query coordinates in [0, 5) meters
    coordinate_grids = jax.random.uniform(k1, (B, 3, X, Y, Z), dtype=jnp.float32) * 5.0
    # sparse occupied voxel indices (stored as float tensors in the torch module)
    sparse_indices = jax.random.randint(k2, (B, N, 3), 0, 100).astype(jnp.float32)
    voxel_size = 0.05
    T = np.eye(4, dtype=np.float32)
    T[0, 0] = T[1, 1] = T[2, 2] = voxel_size
    transforms = jnp.asarray(np.tile(T[None], (B, 1, 1)))
    Tinv = np.linalg.inv(T).astype(np.float32)
    transforms_inv = jnp.asarray(np.tile(Tinv[None], (B, 1, 1)))
    return {"coordinate_grids": coordinate_grids, "sparse_indices": sparse_indices,
            "transforms": transforms, "transforms_inv": transforms_inv}


def _trilinear_sample(grid, u, size):
    # grid: [S, S, S] (statically padded); size: [3] traced valid extent
    # u: [P, 3] voxel-space coordinates
    u0f = jnp.floor(u)
    frac = u - u0f
    u0 = u0f.astype(jnp.int32)
    out = jnp.zeros((u.shape[0],), dtype=grid.dtype)
    for dx in (0, 1):
        for dy in (0, 1):
            for dz in (0, 1):
                ix = jnp.clip(u0[:, 0] + dx, 0, size[0] - 1)
                iy = jnp.clip(u0[:, 1] + dy, 0, size[1] - 1)
                iz = jnp.clip(u0[:, 2] + dz, 0, size[2] - 1)
                w = ((frac[:, 0] if dx else (1.0 - frac[:, 0])) *
                     (frac[:, 1] if dy else (1.0 - frac[:, 1])) *
                     (frac[:, 2] if dz else (1.0 - frac[:, 2])))
                out = out + w * grid[ix, iy, iz]
    return out


def reference(coordinate_grids, sparse_indices, transforms, transforms_inv):
    B, C, X, Y, Z = coordinate_grids.shape
    flat = coordinate_grids.reshape(B, 3, -1).transpose(0, 2, 1)  # [B, P, 3]
    min_loc = flat.min(axis=1)
    max_loc = flat.max(axis=1)
    max_size_grid = (max_loc + GRID_RESOLUTION_SAMPLE - min_loc).max(axis=0)  # [3]
    min_homo = jnp.concatenate([min_loc, jnp.ones((B, 1), dtype=min_loc.dtype)], axis=1)
    min_voxel_idx = jnp.floor(jnp.einsum('bij,bj->bi', transforms_inv, min_homo)[:, :3])
    min_voxel_idx = jnp.maximum(min_voxel_idx, 0.0)
    size_voxel_grid = jnp.ceil(jnp.max(transforms_inv[:, :3, :3] @ max_size_grid, axis=0)).astype(jnp.int32)
    size_f = size_voxel_grid.astype(jnp.float32)
    # shift sparse indices into local grid frame, mask out-of-range, scatter 1s
    shifted = sparse_indices - min_voxel_idx[:, None, :]  # [B, N, 3]
    valid = ((shifted >= 0.0) & (shifted < size_f[None, None, :])).all(axis=-1)
    # invalid rows -> OOB sentinel (= static pad size), dropped by mode='drop'
    sentinel = jnp.full((3,), float(MAX_GRID), dtype=jnp.float32)
    idx = jnp.where(valid[..., None], shifted, sentinel[None, None, :]).astype(jnp.int32)
    occ = jnp.zeros((B, MAX_GRID, MAX_GRID, MAX_GRID), dtype=jnp.float32)
    bidx = jnp.broadcast_to(jnp.arange(B)[:, None], idx.shape[:2])
    occ = occ.at[bidx, idx[..., 0], idx[..., 1], idx[..., 2]].set(1.0, mode='drop')
    # world-space placement of the local grid
    min_idx_homo = jnp.concatenate([min_voxel_idx, jnp.ones((B, 1), dtype=min_voxel_idx.dtype)], axis=1)
    position_base = jnp.einsum('bij,bj->bi', transforms, min_idx_homo)[:, :3]
    extent = jnp.einsum('bij,j->bi', transforms[:, :3, :3], size_f)
    # interpolate_grid_batch: trilinear sampling of occ grid at query coords
    u = (flat - position_base[:, None, :]) * size_f[None, None, :] / extent[:, None, :]
    samples = jax.vmap(_trilinear_sample, in_axes=(0, 0, None))(occ, u, size_voxel_grid)  # [B, P]
    occ_grids = samples.reshape(B, X, Y, Z)
    return occ_grids

if __name__ == "__main__":
    import jax
    _d = setup_inputs()
    print(jax.jit(kernel)(*tuple(_d.values())))

</pallas_src>

<mosaic_0001>
#map = affine_map<(d0, d1) -> (0)>
module attributes {stable_mosaic.version = 14 : i64} {
  func.func @_sc_body(%arg0: i32, %arg1: i32, %arg2: memref<6291456xf32, #tpu.memory_space<hbm>>, %arg3: memref<4800000xf32, #tpu.memory_space<hbm>>, %arg4: memref<1536xf32, #tpu.memory_space<hbm>>, %arg5: memref<2097152xf32, #tpu.memory_space<hbm>>, %arg6: memref<43008xi32, #tpu.memory_space<vmem>>, %arg7: memref<2688xf32, #tpu.memory_space<vmem>>, %arg8: memref<672xi32, #tpu.memory_space<vmem>>, %arg9: memref<1408xf32, #tpu.memory_space<vmem>>, %arg10: memref<128xf32, #tpu.memory_space<vmem>>, %arg11: memref<1536xf32, #tpu.memory_space<vmem>>, %arg12: memref<128xi32, #tpu.memory_space<vmem>>, %arg13: memref<128xi32, #tpu.memory_space<vmem>>, %arg14: memref<128xi32, #tpu.memory_space<vmem>>, %arg15: memref<128xi32, #tpu.memory_space<vmem>>, %arg16: memref<768xf32, #tpu.memory_space<vmem>>, %arg17: memref<6144xf32, #tpu.memory_space<vmem>>, %arg18: memref<2048xf32, #tpu.memory_space<vmem>>, %arg19: memref<!tpu.dma_semaphore, #tpu.memory_space<semaphore_mem>>, %arg20: memref<1086080xf32, #tpu.memory_space<vmem_shared>>, %arg21: memref<43008xi32, #tpu.memory_space<vmem_shared>>) attributes {dimension_semantics = [#tpu.dimension_semantics<core_parallel>, #tpu.dimension_semantics<subcore_parallel>], iteration_bounds = array<i64: 2, 16>, scalar_prefetch = 0 : i64, scratch_operands = 16 : i64, tpu.core_type = #tpu.core_type<sc_vector_subcore>, window_params = [{transform_indices = #map}, {transform_indices = #map}, {transform_indices = #map}, {transform_indices = #map}]} {
    %iota3A = tpu.iota {dimensions = array<i32: 0>} : vector<16xi32>
    %mul3A = arith.constant 768 : i32
    %mul3A_0 = arith.muli %arg0, %mul3A : i32
    "tpu.region"() ({
      %run_scoped3A = tpu.sem_alloc : memref<!tpu.dma_semaphore, #tpu.memory_space<semaphore_mem>>
      %dma_start3A = tpu.memref_slice %arg4[%mul3A_0] : memref<1536xf32, #tpu.memory_space<hbm>> -> memref<768xf32, #tpu.memory_space<hbm>>
      %dma_start3A_119 = tpu.memref_slice %arg4[%mul3A_0] : memref<1536xf32, #tpu.memory_space<hbm>> -> memref<768xf32, #tpu.memory_space<hbm>>
      tpu.enqueue_dma source(%dma_start3A_119 : memref<768xf32, #tpu.memory_space<hbm>>) target(%arg16 : memref<768xf32, #tpu.memory_space<vmem>>) target_semaphore(%run_scoped3A : memref<!tpu.dma_semaphore, #tpu.memory_space<semaphore_mem>>)
      %dma_wait3A = tpu.memref_slice %arg4[%mul3A_0] : memref<1536xf32, #tpu.memory_space<hbm>> -> memref<768xf32, #tpu.memory_space<hbm>>
      %dma_wait3A_120 = tpu.memref_slice %arg4[%mul3A_0] : memref<1536xf32, #tpu.memory_space<hbm>> -> memref<768xf32, #tpu.memory_space<hbm>>
      tpu.wait_dma2 semaphore(%run_scoped3A : memref<!tpu.dma_semaphore, #tpu.memory_space<semaphore_mem>>) src(%dma_wait3A_120 : memref<768xf32, #tpu.memory_space<hbm>>) dst(%arg16 : memref<768xf32, #tpu.memory_space<vmem>>)
      tpu.yield
    }) : () -> ()
    %scan3A = arith.constant 0 : i32
    %scan3A_1 = arith.constant 0 : i32
    %scan3A_2 = arith.constant 8 : i32
    %scan3A_3 = arith.addi %scan3A_1, %scan3A_2 : i32
    %scan3A_4 = arith.constant 1 : i32
    %scan3A_5 = scf.for %scan3A_119 = %scan3A_1 to %scan3A_3 step %scan3A_4 iter_args(%scan3A_120 = %scan3A) -> (i32)  : i32 {
      %broadcast_in_dim3A = arith.constant 1.000000e+00 : f32
      %broadcast_in_dim3A_121 = vector.broadcast %broadcast_in_dim3A : f32 to vector<16xf32>
      %mul3A_122 = arith.constant 16 : i32
      %mul3A_123 = arith.muli %scan3A_119, %mul3A_122 : i32
      %swap3A = arith.index_cast %mul3A_123 : i32 to index
      %swap3A_124 = tpu.vector_load %arg10[%swap3A] {strides = array<i32>} : memref<128xf32, #tpu.memory_space<vmem>>, vector<16xf32>,
      tpu.vector_store %arg10[%swap3A], %broadcast_in_dim3A_121 {strides = array<i32>} : memref<128xf32, #tpu.memory_space<vmem>>, vector<16xf32>,
      %scan3A_125 = arith.constant 0 : i32
      scf.yield %scan3A_125 : i32
    }
    %scan3A_6 = arith.constant 8 : i32
    %scan3A_7 = arith.constant 0 : i32
    %scan3A_8 = arith.constant 0 : i32
    %scan3A_9 = arith.constant 88 : i32
    %scan3A_10 = arith.addi %scan3A_8, %scan3A_9 : i32
    %scan3A_11 = arith.constant 1 : i32
    %scan3A_12 = scf.for %scan3A_119 = %scan3A_8 to %scan3A_10 step %scan3A_11 iter_args(%scan3A_120 = %scan3A_7) -> (i32)  : i32 {
      %broadcast_in_dim3A = arith.constant 0.000000e+00 : f32
      %broadcast_in_dim3A_121 = vector.broadcast %broadcast_in_dim3A : f32 to vector<16xf32>
      %mul3A_122 = arith.constant 16 : i32
      %mul3A_123 = arith.muli %scan3A_119, %mul3A_122 : i32
      %swap3A = arith.index_cast %mul3A_123 : i32 to index
      %swap3A_124 = tpu.vector_load %arg9[%swap3A] {strides = array<i32>} : memref<1408xf32, #tpu.memory_space<vmem>>, vector<16xf32>,
      tpu.vector_store %arg9[%swap3A], %broadcast_in_dim3A_121 {strides = array<i32>} : memref<1408xf32, #tpu.memory_space<vmem>>, vector<16xf32>,
      %scan3A_125 = arith.constant 0 : i32
      scf.yield %scan3A_125 : i32
    }
    %scan3A_13 = arith.constant 88 : i32
    %scan3A_14 = arith.constant 0 : i32
    %scan3A_15 = arith.constant 0 : i32
    %scan3A_16 = arith.constant 4 : i32
    %scan3A_17 = arith.addi %scan3A_15, %scan3A_16 : i32
    %scan3A_18 = arith.constant 1 : i32
    %scan3A_19 = scf.for %scan3A_119 = %scan3A_15 to %scan3A_17 step %scan3A_18 iter_args(%scan3A_120 = %scan3A_14) -> (i32)  : i32 {
      %mul3A_121 = arith.constant 4 : i32
      %mul3A_122 = arith.muli %arg0, %mul3A_121 : i32
      %add3A_123 = arith.addi %mul3A_122, %scan3A_119 : i32
      %mul3A_124 = arith.constant 192 : i32
      %mul3A_125 = arith.muli %scan3A_119, %mul3A_124 : i32
      %add3A_126 = arith.constant 96 : i32
      %add3A_127 = arith.addi %mul3A_125, %add3A_126 : i32
      %get3A = arith.index_cast %add3A_127 : i32 to index
      %get3A_128 = tpu.vector_load %arg16[%get3A] {strides = array<i32>} : memref<768xf32, #tpu.memory_space<vmem>>, vector<16xf32>,
      %add3A_129 = arith.constant 112 : i32
      %add3A_130 = arith.addi %mul3A_125, %add3A_129 : i32
      %get3A_131 = arith.index_cast %add3A_130 : i32 to index
      %get3A_132 = tpu.vector_load %arg16[%get3A_131] {strides = array<i32>} : memref<768xf32, #tpu.memory_space<vmem>>, vector<16xf32>,
      %add3A_133 = arith.constant 128 : i32
      %add3A_134 = arith.addi %mul3A_125, %add3A_133 : i32
      %get3A_135 = arith.index_cast %add3A_134 : i32 to index
      %get3A_136 = tpu.vector_load %arg16[%get3A_135] {strides = array<i32>} : memref<768xf32, #tpu.memory_space<vmem>>, vector<16xf32>,
      %add3A_137 = arith.constant 144 : i32
      %add3A_138 = arith.addi %mul3A_125, %add3A_137 : i32
      %get3A_139 = arith.index_cast %add3A_138 : i32 to index
      %get3A_140 = tpu.vector_load %arg16[%get3A_139] {strides = array<i32>} : memref<768xf32, #tpu.memory_space<vmem>>, vector<16xf32>,
      %add3A_141 = arith.constant 160 : i32
      %add3A_142 = arith.addi %mul3A_125, %add3A_141 : i32
      %get3A_143 = arith.index_cast %add3A_142 : i32 to index
      %get3A_144 = tpu.vector_load %arg16[%get3A_143] {strides = array<i32>} : memref<768xf32, #tpu.memory_space<vmem>>, vector<16xf32>,
      %add3A_145 = arith.constant 176 : i32
      %add3A_146 = arith.addi %mul3A_125, %add3A_145 : i32
      %get3A_147 = arith.index_cast %add3A_146 : i32 to index
      %get3A_148 = tpu.vector_load %arg16[%get3A_147] {strides = array<i32>} : memref<768xf32, #tpu.memory_space<vmem>>, vector<16xf32>,
      %mul3A_149 = arith.constant 67880 : i32
      %mul3A_150 = arith.muli %arg1, %mul3A_149 : i32
      %scan3A_151 = arith.constant 0 : i32
      %scan3A_152 = arith.constant 0 : i32
      %scan3A_153 = arith.constant 48 : i32
      %scan3A_154 = arith.addi %scan3A_152, %scan3A_153 : i32
      %scan3A_155 = arith.constant 1 : i32
      %scan3A_156 = scf.for %scan3A_296 = %scan3A_152 to %scan3A_154 step %scan3A_155 iter_args(%scan3A_297 = %scan3A_151) -> (i32)  : i32 {
        %mul3A_298 = arith.constant 1408 : i32
        %mul3A_299 = arith.muli %scan3A_296, %mul3A_298 : i32
        %add3A_300 = arith.addi %mul3A_150, %mul3A_299 : i32
        "tpu.region"() ({
          %run_scoped3A = tpu.sem_alloc : memref<!tpu.dma_semaphore, #tpu.memory_space<semaphore_mem>>
          %dma_start3A = tpu.memref_slice %arg20[%add3A_300] : memref<1086080xf32, #tpu.memory_space<vmem_shared>> -> memref<1408xf32, #tpu.memory_space<vmem_shared>>
          %dma_start3A_302 = tpu.memref_slice %arg20[%add3A_300] : memref<1086080xf32, #tpu.memory_space<vmem_shared>> -> memref<1408xf32, #tpu.memory_space<vmem_shared>>
          tpu.enqueue_dma source(%arg9 : memref<1408xf32, #tpu.memory_space<vmem>>) target(%dma_start3A_302 : memref<1408xf32, #tpu.memory_space<vmem_shared>>) target_semaphore(%run_scoped3A : memref<!tpu.dma_semaphore, #tpu.memory_space<semaphore_mem>>)
          %dma_wait3A = tpu.memref_slice %arg20[%add3A_300] : memref<1086080xf32, #tpu.memory_space<vmem_shared>> -> memref<1408xf32, #tpu.memory_space<vmem_shared>>
          %dma_wait3A_303 = tpu.memref_slice %arg20[%add3A_300] : memref<1086080xf32, #tpu.memory_space<vmem_shared>> -> memref<1408xf32, #tpu.memory_space<vmem_shared>>
          tpu.wait_dma2 semaphore(%run_scoped3A : memref<!tpu.dma_semaphore, #tpu.memory_space<semaphore_mem>>) src(%arg9 : memref<1408xf32, #tpu.memory_space<vmem>>) dst(%dma_wait3A_303 : memref<1408xf32, #tpu.memory_space<vmem_shared>>)
          tpu.yield
        }) : () -> ()
        %scan3A_301 = arith.constant 0 : i32
        scf.yield %scan3A_301 : i32
      }
      %scan3A_157 = arith.constant 48 : i32
      %add3A_158 = arith.constant 67880 : i32
      %add3A_159 = arith.addi %mul3A_150, %add3A_158 : i32
      %sub3A_160 = arith.constant 296 : i32
      %sub3A_161 = arith.subi %add3A_159, %sub3A_160 : i32
      "tpu.region"() ({
        %run_scoped3A = tpu.sem_alloc : memref<!tpu.dma_semaphore, #tpu.memory_space<semaphore_mem>>
        %dma_start3A = arith.constant 0 : i32
        %dma_start3A_296 = tpu.memref_slice %arg9[%dma_start3A] : memref<1408xf32, #tpu.memory_space<vmem>> -> memref<296xf32, #tpu.memory_space<vmem>>
        %dma_start3A_297 = tpu.memref_slice %arg20[%sub3A_161] : memref<1086080xf32, #tpu.memory_space<vmem_shared>> -> memref<296xf32, #tpu.memory_space<vmem_shared>>
        %dma_start3A_298 = tpu.memref_slice %arg20[%sub3A_161] : memref<1086080xf32, #tpu.memory_space<vmem_shared>> -> memref<296xf32, #tpu.memory_space<vmem_shared>>
        %dma_start3A_299 = arith.constant 0 : i32
        %dma_start3A_300 = tpu.memref_slice %arg9[%dma_start3A_299] : memref<1408xf32, #tpu.memory_space<vmem>> -> memref<296xf32, #tpu.memory_space<vmem>>
        tpu.enqueue_dma source(%dma_start3A_300 : memref<296xf32, #tpu.memory_space<vmem>>) target(%dma_start3A_298 : memref<296xf32, #tpu.memory_space<vmem_shared>>) target_semaphore(%run_scoped3A : memref<!tpu.dma_semaphore, #tpu.memory_space<semaphore_mem>>)
        %dma_wait3A = arith.constant 0 : i32
        %dma_wait3A_301 = tpu.memref_slice %arg9[%dma_wait3A] : memref<1408xf32, #tpu.memory_space<vmem>> -> memref<296xf32, #tpu.memory_space<vmem>>
        %dma_wait3A_302 = tpu.memref_slice %arg20[%sub3A_161] : memref<1086080xf32, #tpu.memory_space<vmem_shared>> -> memref<296xf32, #tpu.memory_space<vmem_shared>>
        %dma_wait3A_303 = tpu.memref_slice %arg20[%sub3A_161] : memref<1086080xf32, #tpu.memory_space<vmem_shared>> -> memref<296xf32, #tpu.memory_space<vmem_shared>>
        %dma_wait3A_304 = arith.constant 0 : i32
        %dma_wait3A_305 = tpu.memref_slice %arg9[%dma_wait3A_304] : memref<1408xf32, #tpu.memory_space<vmem>> -> memref<296xf32, #tpu.memory_space<vmem>>
        tpu.wait_dma2 semaphore(%run_scoped3A : memref<!tpu.dma_semaphore, #tpu.memory_space<semaphore_mem>>) src(%dma_wait3A_305 : memref<296xf32, #tpu.memory_space<vmem>>) dst(%dma_wait3A_303 : memref<296xf32, #tpu.memory_space<vmem_shared>>)
        tpu.yield
      }) : () -> ()
      %barrier3A = arith.constant 0 : index
      tpu.barrier barrier_id(%barrier3A)
      %mul3A_162 = arith.constant 200000 : i32
      %mul3A_163 = arith.muli %arg1, %mul3A_162 : i32
      %jit3A_164 = arith.constant 16 : i32
      %div3A_165 = arith.divsi %mul3A_163, %jit3A_164 : i32
      %sign3A_166 = arith.constant 0 : i32
      %sign3A_167 = arith.cmpi sgt, %mul3A_163, %sign3A_166 : i32
      %sign3A_168 = arith.extui %sign3A_167 : i1 to i32
      %sign3A_169 = arith.constant 0 : i32
      %sign3A_170 = arith.cmpi slt, %mul3A_163, %sign3A_169 : i32
      %sign3A_171 = arith.extui %sign3A_170 : i1 to i32
      %sign3A_172 = arith.subi %sign3A_168, %sign3A_171 : i32
      %sign3A_173 = arith.constant 0 : i32
      %sign3A_174 = arith.cmpi sgt, %jit3A_164, %sign3A_173 : i32
      %sign3A_175 = arith.extui %sign3A_174 : i1 to i32
      %sign3A_176 = arith.constant 0 : i32
      %sign3A_177 = arith.cmpi slt, %jit3A_164, %sign3A_176 : i32
      %sign3A_178 = arith.extui %sign3A_177 : i1 to i32
      %sign3A_179 = arith.subi %sign3A_175, %sign3A_178 : i32
      %ne3A_180 = arith.cmpi ne, %sign3A_172, %sign3A_179 : i32
      %rem3A_181 = arith.remsi %mul3A_163, %jit3A_164 : i32
      %ne3A_182 = arith.constant 0 : i32
      %ne3A_183 = arith.cmpi ne, %rem3A_181, %ne3A_182 : i32
      %and3A_184 = arith.andi %ne3A_180, %ne3A_183 : i1
      %sub3A_185 = arith.constant 1 : i32
      %sub3A_186 = arith.subi %div3A_165, %sub3A_185 : i32
      %select_n3A_187 = arith.select %and3A_184, %sub3A_186, %div3A_165 : i32
      %jit3A_188 = arith.constant 8 : i32
      %eq3A_189 = arith.constant 0 : i32
      %eq3A_190 = arith.cmpi eq, %jit3A_188, %eq3A_189 : i32
      %jit3A_191 = arith.constant 1 : i32
      %select_n3A_192 = arith.select %eq3A_190, %jit3A_191, %jit3A_188 : i32
      %rem3A_193 = arith.remsi %select_n3A_187, %select_n3A_192 : i32
      %ne3A_194 = arith.constant 0 : i32
      %ne3A_195 = arith.cmpi ne, %rem3A_193, %ne3A_194 : i32
      %lt3A_196 = arith.constant 0 : i32
      %lt3A_197 = arith.cmpi slt, %rem3A_193, %lt3A_196 : i32
      %lt3A_198 = arith.constant 0 : i32
      %lt3A_199 = arith.cmpi slt, %select_n3A_192, %lt3A_198 : i32
      %ne3A_200 = arith.xori %lt3A_197, %lt3A_199 : i1
      %and3A_201 = arith.andi %ne3A_200, %ne3A_195 : i1
      %add3A_202 = arith.addi %rem3A_193, %select_n3A_192 : i32
      %select_n3A_203 = arith.select %and3A_201, %add3A_202, %rem3A_193 : i32
      %sub3A_204 = arith.subi %select_n3A_187, %select_n3A_203 : i32
      %add3A_205 = arith.constant 1 : i32
      %add3A_206 = arith.addi %arg1, %add3A_205 : i32
      %mul3A_207 = arith.constant 200000 : i32
      %mul3A_208 = arith.muli %add3A_206, %mul3A_207 : i32
      %jit3A_209 = arith.constant 16 : i32
      %div3A_210 = arith.divsi %mul3A_208, %jit3A_209 : i32
      %sign3A_211 = arith.constant 0 : i32
      %sign3A_212 = arith.cmpi sgt, %mul3A_208, %sign3A_211 : i32
      %sign3A_213 = arith.extui %sign3A_212 : i1 to i32
      %sign3A_214 = arith.constant 0 : i32
      %sign3A_215 = arith.cmpi slt, %mul3A_208, %sign3A_214 : i32
      %sign3A_216 = arith.extui %sign3A_215 : i1 to i32
      %sign3A_217 = arith.subi %sign3A_213, %sign3A_216 : i32
      %sign3A_218 = arith.constant 0 : i32
      %sign3A_219 = arith.cmpi sgt, %jit3A_209, %sign3A_218 : i32
      %sign3A_220 = arith.extui %sign3A_219 : i1 to i32
      %sign3A_221 = arith.constant 0 : i32
      %sign3A_222 = arith.cmpi slt, %jit3A_209, %sign3A_221 : i32
      %sign3A_223 = arith.extui %sign3A_222 : i1 to i32
      %sign3A_224 = arith.subi %sign3A_220, %sign3A_223 : i32
      %ne3A_225 = arith.cmpi ne, %sign3A_217, %sign3A_224 : i32
      %rem3A_226 = arith.remsi %mul3A_208, %jit3A_209 : i32
      %ne3A_227 = arith.constant 0 : i32
      %ne3A_228 = arith.cmpi ne, %rem3A_226, %ne3A_227 : i32
      %and3A_229 = arith.andi %ne3A_225, %ne3A_228 : i1
      %sub3A_230 = arith.constant 1 : i32
      %sub3A_231 = arith.subi %div3A_210, %sub3A_230 : i32
      %select_n3A_232 = arith.select %and3A_229, %sub3A_231, %div3A_210 : i32
      %neg3A = arith.constant 0 : i32
      %neg3A_233 = arith.subi %neg3A, %select_n3A_232 : i32
      %jit3A_234 = arith.constant 8 : i32
      %eq3A_235 = arith.constant 0 : i32
      %eq3A_236 = arith.cmpi eq, %jit3A_234, %eq3A_235 : i32
      %jit3A_237 = arith.constant 1 : i32
      %select_n3A_238 = arith.select %eq3A_236, %jit3A_237, %jit3A_234 : i32
      %rem3A_239 = arith.remsi %neg3A_233, %select_n3A_238 : i32
      %ne3A_240 = arith.constant 0 : i32
      %ne3A_241 = arith.cmpi ne, %rem3A_239, %ne3A_240 : i32
      %lt3A_242 = arith.constant 0 : i32
      %lt3A_243 = arith.cmpi slt, %rem3A_239, %lt3A_242 : i32
      %lt3A_244 = arith.constant 0 : i32
      %lt3A_245 = arith.cmpi slt, %select_n3A_238, %lt3A_244 : i32
      %ne3A_246 = arith.xori %lt3A_243, %lt3A_245 : i1
      %and3A_247 = arith.andi %ne3A_246, %ne3A_241 : i1
      %add3A_248 = arith.addi %rem3A_239, %select_n3A_238 : i32
      %select_n3A_249 = arith.select %and3A_247, %add3A_248, %rem3A_239 : i32
      %add3A_250 = arith.addi %select_n3A_232, %select_n3A_249 : i32
      %scan3A_251 = arith.constant 0 : i32
      %scan3A_252 = arith.constant 0 : i32
      %scan3A_253 = arith.constant 25 : i32
      %scan3A_254 = arith.addi %scan3A_252, %scan3A_253 : i32
      %scan3A_255 = arith.constant 1 : i32
      %scan3A_256 = scf.for %scan3A_296 = %scan3A_252 to %scan3A_254 step %scan3A_255 iter_args(%scan3A_297 = %scan3A_251) -> (i32)  : i32 {
        %mul3A_298 = arith.constant 512 : i32
        %mul3A_299 = arith.muli %scan3A_296, %mul3A_298 : i32
        %add3A_300 = arith.addi %sub3A_204, %mul3A_299 : i32
        %sub3A_301 = arith.constant 512 : i32
        %sub3A_302 = arith.subi %add3A_250, %sub3A_301 : i32
        %min3A = arith.minsi %add3A_300, %sub3A_302 : i32
        %mul3A_303 = arith.constant 600000 : i32
        %mul3A_304 = arith.muli %add3A_123, %mul3A_303 : i32
        %mul3A_305 = arith.constant 3 : i32
        %mul3A_306 = arith.muli %min3A, %mul3A_305 : i32
        %add3A_307 = arith.addi %mul3A_304, %mul3A_306 : i32
        %multiple_of3A = tpu.assume_multiple %add3A_307, 8 : i32
        "tpu.region"() ({
          %run_scoped3A = tpu.sem_alloc : memref<!tpu.dma_semaphore, #tpu.memory_space<semaphore_mem>>
          %dma_start3A_2336 = tpu.memref_slice %arg3[%multiple_of3A] : memref<4800000xf32, #tpu.memory_space<hbm>> -> memref<1536xf32, #tpu.memory_space<hbm>>
          %dma_start3A_2337 = tpu.memref_slice %arg3[%multiple_of3A] : memref<4800000xf32, #tpu.memory_space<hbm>> -> memref<1536xf32, #tpu.memory_space<hbm>>
          tpu.enqueue_dma source(%dma_start3A_2337 : memref<1536xf32, #tpu.memory_space<hbm>>) target(%arg11 : memref<1536xf32, #tpu.memory_space<vmem>>) target_semaphore(%run_scoped3A : memref<!tpu.dma_semaphore, #tpu.memory_space<semaphore_mem>>)
          %dma_wait3A_2338 = tpu.memref_slice %arg3[%multiple_of3A] : memref<4800000xf32, #tpu.memory_space<hbm>> -> memref<1536xf32, #tpu.memory_space<hbm>>
          %dma_wait3A_2339 = tpu.memref_slice %arg3[%multiple_of3A] : memref<4800000xf32, #tpu.memory_space<hbm>> -> memref<1536xf32, #tpu.memory_space<hbm>>
          tpu.wait_dma2 semaphore(%run_scoped3A : memref<!tpu.dma_semaphore, #tpu.memory_space<semaphore_mem>>) src(%dma_wait3A_2339 : memref<1536xf32, #tpu.memory_space<hbm>>) dst(%arg11 : memref<1536xf32, #tpu.memory_space<vmem>>)
          tpu.yield
        }) : () -> ()
        %mul3A_308 = arith.constant 3 : i32
        %mul3A_309 = vector.broadcast %mul3A_308 : i32 to vector<16xi32>
        %mul3A_310 = arith.muli %iota3A, %mul3A_309 : vector<16xi32>
        %add3A_311 = arith.constant 0 : i32
        %add3A_312 = vector.broadcast %add3A_311 : i32 to vector<16xi32>
        %add3A_313 = arith.addi %add3A_312, %mul3A_310 : vector<16xi32>
        %gather3A_314 = tpu.vector_load_idx %arg11[%add3A_313] : memref<1536xf32, #tpu.memory_space<vmem>>[vector<16xi32>], vector<16xf32>,
        %mul3A_315 = arith.constant 3 : i32
        %mul3A_316 = vector.broadcast %mul3A_315 : i32 to vector<16xi32>
        %mul3A_317 = arith.muli %iota3A, %mul3A_316 : vector<16xi32>
        %add3A_318 = arith.constant 0 : i32
        %add3A_319 = vector.broadcast %add3A_318 : i32 to vector<16xi32>
        %add3A_320 = arith.addi %add3A_319, %mul3A_317 : vector<16xi32>
        %add3A_321 = arith.constant 1 : i32
        %add3A_322 = vector.broadcast %add3A_321 : i32 to vector<16xi32>
        %add3A_323 = arith.addi %add3A_320, %add3A_322 : vector<16xi32>
        %gather3A_324 = tpu.vector_load_idx %arg11[%add3A_323] : memref<1536xf32, #tpu.memory_space<vmem>>[vector<16xi32>], vector<16xf32>,
        %mul3A_325 = arith.constant 3 : i32
        %mul3A_326 = vector.broadcast %mul3A_325 : i32 to vector<16xi32>
        %mul3A_327 = arith.muli %iota3A, %mul3A_326 : vector<16xi32>
        %add3A_328 = arith.constant 0 : i32
        %add3A_329 = vector.broadcast %add3A_328 : i32 to vector<16xi32>
        %add3A_330 = arith.addi %add3A_329, %mul3A_327 : vector<16xi32>
        %add3A_331 = arith.constant 2 : i32
        %add3A_332 = vector.broadcast %add3A_331 : i32 to vector<16xi32>
        %add3A_333 = arith.addi %add3A_330, %add3A_332 : vector<16xi32>
        %gather3A_334 = tpu.vector_load_idx %arg11[%add3A_333] : memref<1536xf32, #tpu.memory_space<vmem>>[vector<16xi32>], vector<16xf32>,
        %sub3A_335 = arith.subf %gather3A_314, %get3A_128 : vector<16xf32>
        %sub3A_336 = arith.subf %gather3A_324, %get3A_132 : vector<16xf32>
        %sub3A_337 = arith.subf %gather3A_334, %get3A_136 : vector<16xf32>
        %ge3A = arith.constant 0.000000e+00 : f32
        %ge3A_338 = vector.broadcast %ge3A : f32 to vector<16xf32>
        %ge3A_339 = arith.cmpf oge, %sub3A_335, %ge3A_338 : vector<16xf32>
        %lt3A_340 = arith.cmpf olt, %sub3A_335, %get3A_140 : vector<16xf32>
        %and3A_341 = arith.andi %ge3A_339, %lt3A_340 : vector<16xi1>
        %ge3A_342 = arith.constant 0.000000e+00 : f32
        %ge3A_343 = vector.broadcast %ge3A_342 : f32 to vector<16xf32>
        %ge3A_344 = arith.cmpf oge, %sub3A_336, %ge3A_343 : vector<16xf32>
        %and3A_345 = arith.andi %and3A_341, %ge3A_344 : vector<16xi1>
        %lt3A_346 = arith.cmpf olt, %sub3A_336, %get3A_144 : vector<16xf32>
        %and3A_347 = arith.andi %and3A_345, %lt3A_346 : vector<16xi1>
        %ge3A_348 = arith.constant 0.000000e+00 : f32
        %ge3A_349 = vector.broadcast %ge3A_348 : f32 to vector<16xf32>
        %ge3A_350 = arith.cmpf oge, %sub3A_337, %ge3A_349 : vector<16xf32>
        %and3A_351 = arith.andi %and3A_347, %ge3A_350 : vector<16xi1>
        %lt3A_352 = arith.cmpf olt, %sub3A_337, %get3A_148 : vector<16xf32>
        %and3A_353 = arith.andi %and3A_351, %lt3A_352 : vector<16xi1>
        %convert_element_type3A_354 = arith.fptosi %sub3A_335 : vector<16xf32> to vector<16xi32>
        %convert_element_type3A_355 = arith.fptosi %sub3A_336 : vector<16xf32> to vector<16xi32>
        %convert_element_type3A_356 = arith.fptosi %sub3A_337 : vector<16xf32> to vector<16xi32>
        %mul3A_357 = arith.constant 10752 : i32
        %mul3A_358 = vector.broadcast %mul3A_357 : i32 to vector<16xi32>
        %mul3A_359 = arith.muli %convert_element_type3A_356, %mul3A_358 : vector<16xi32>
        %mul3A_360 = arith.constant 104 : i32
        %mul3A_361 = vector.broadcast %mul3A_360 : i32 to vector<16xi32>
        %mul3A_362 = arith.muli %convert_element_type3A_354, %mul3A_361 : vector<16xi32>
        %add3A_363 = arith.addi %mul3A_359, %mul3A_362 : vector<16xi32>
        %add3A_364 = arith.addi %add3A_363, %convert_element_type3A_355 : vector<16xi32>
        %jit3A_365 = arith.constant 1085952 : i32
        %broadcast_in_dim3A = vector.broadcast %jit3A_365 : i32 to vector<16xi32>
        %select_n3A_366 = arith.select %and3A_353, %add3A_364, %broadcast_in_dim3A : vector<16xi1>, vector<16xi32>
        %swap3A = arith.constant 0 : index
        %swap3A_367 = tpu.vector_load %arg12[%swap3A] {strides = array<i32>} : memref<128xi32, #tpu.memory_space<vmem>>, vector<16xi32>,
        tpu.vector_store %arg12[%swap3A], %select_n3A_366 {strides = array<i32>} : memref<128xi32, #tpu.memory_space<vmem>>, vector<16xi32>,
        %mul3A_368 = arith.constant 3 : i32
        %mul3A_369 = vector.broadcast %mul3A_368 : i32 to vector<16xi32>
        %mul3A_370 = arith.muli %iota3A, %mul3A_369 : vector<16xi32>
        %add3A_371 = arith.constant 48 : i32
        %add3A_372 = vector.broadcast %add3A_371 : i32 to vector<16xi32>
        %add3A_373 = arith.addi %add3A_372, %mul3A_370 : vector<16xi32>
        %gather3A_374 = tpu.vector_load_idx %arg11[%add3A_373] : memref<1536xf32, #tpu.memory_space<vmem>>[vector<16xi32>], vector<16xf32>,
        %mul3A_375 = arith.constant 3 : i32
        %mul3A_376 = vector.broadcast %mul3A_375 : i32 to vector<16xi32>
        %mul3A_377 = arith.muli %iota3A, %mul3A_376 : vector<16xi32>
        %add3A_378 = arith.constant 48 : i32
        %add3A_379 = vector.broadcast %add3A_378 : i32 to vector<16xi32>
        %add3A_380 = arith.addi %add3A_379, %mul3A_377 : vector<16xi32>
        %add3A_381 = arith.constant 1 : i32
        %add3A_382 = vector.broadcast %add3A_381 : i32 to vector<16xi32>
        %add3A_383 = arith.addi %add3A_380, %add3A_382 : vector<16xi32>
        %gather3A_384 = tpu.vector_load_idx %arg11[%add3A_383] : memref<1536xf32, #tpu.memory_space<vmem>>[vector<16xi32>], vector<16xf32>,
        %mul3A_385 = arith.constant 3 : i32
        %mul3A_386 = vector.broadcast %mul3A_385 : i32 to vector<16xi32>
        %mul3A_387 = arith.muli %iota3A, %mul3A_386 : vector<16xi32>
        %add3A_388 = arith.constant 48 : i32
        %add3A_389 = vector.broadcast %add3A_388 : i32 to vector<16xi32>
        %add3A_390 = arith.addi %add3A_389, %mul3A_387 : vector<16xi32>
        %add3A_391 = arith.constant 2 : i32
        %add3A_392 = vector.broadcast %add3A_391 : i32 to vector<16xi32>
        %add3A_393 = arith.addi %add3A_390, %add3A_392 : vector<16xi32>
        %gather3A_394 = tpu.vector_load_idx %arg11[%add3A_393] : memref<1536xf32, #tpu.memory_space<vmem>>[vector<16xi32>], vector<16xf32>,
        %sub3A_395 = arith.subf %gather3A_374, %get3A_128 : vector<16xf32>
        %sub3A_396 = arith.subf %gather3A_384, %get3A_132 : vector<16xf32>
        %sub3A_397 = arith.subf %gather3A_394, %get3A_136 : vector<16xf32>
        %ge3A_398 = arith.constant 0.000000e+00 : f32
        %ge3A_399 = vector.broadcast %ge3A_398 : f32 to vector<16xf32>
        %ge3A_400 = arith.cmpf oge, %sub3A_395, %ge3A_399 : vector<16xf32>
        %lt3A_401 = arith.cmpf olt, %sub3A_395, %get3A_140 : vector<16xf32>
        %and3A_402 = arith.andi %ge3A_400, %lt3A_401 : vector<16xi1>
        %ge3A_403 = arith.constant 0.000000e+00 : f32
        %ge3A_404 = vector.broadcast %ge3A_403 : f32 to vector<16xf32>
        %ge3A_405 = arith.cmpf oge, %sub3A_396, %ge3A_404 : vector<16xf32>
        %and3A_406 = arith.andi %and3A_402, %ge3A_405 : vector<16xi1>
        %lt3A_407 = arith.cmpf olt, %sub3A_396, %get3A_144 : vector<16xf32>
        %and3A_408 = arith.andi %and3A_406, %lt3A_407 : vector<16xi1>
        %ge3A_409 = arith.constant 0.000000e+00 : f32
        %ge3A_410 = vector.broadcast %ge3A_409 : f32 to vector<16xf32>
        %ge3A_411 = arith.cmpf oge, %sub3A_397, %ge3A_410 : vector<16xf32>
        %and3A_412 = arith.andi %and3A_408, %ge3A_411 : vector<16xi1>
        %lt3A_413 = arith.cmpf olt, %sub3A_397, %get3A_148 : vector<16xf32>
        %and3A_414 = arith.andi %and3A_412, %lt3A_413 : vector<16xi1>
        %convert_element_type3A_415 = arith.fptosi %sub3A_395 : vector<16xf32> to vector<16xi32>
        %convert_element_type3A_416 = arith.fptosi %sub3A_396 : vector<16xf32> to vector<16xi32>
        %convert_element_type3A_417 = arith.fptosi %sub3A_397 : vector<16xf32> to vector<16xi32>
        %mul3A_418 = arith.constant 10752 : i32
        %mul3A_419 = vector.broadcast %mul3A_418 : i32 to vector<16xi32>
        %mul3A_420 = arith.muli %convert_element_type3A_417, %mul3A_419 : vector<16xi32>
        %mul3A_421 = arith.constant 104 : i32
        %mul3A_422 = vector.broadcast %mul3A_421 : i32 to vector<16xi32>
        %mul3A_423 = arith.muli %convert_element_type3A_415, %mul3A_422 : vector<16xi32>
        %add3A_424 = arith.addi %mul3A_420, %mul3A_423 : vector<16xi32>
        %add3A_425 = arith.addi %add3A_424, %convert_element_type3A_416 : vector<16xi32>
        %jit3A_426 = arith.constant 1085952 : i32
        %broadcast_in_dim3A_427 = vector.broadcast %jit3A_426 : i32 to vector<16xi32>
        %select_n3A_428 = arith.select %and3A_414, %add3A_425, %broadcast_in_dim3A_427 : vector<16xi1>, vector<16xi32>
        %swap3A_429 = arith.constant 16 : index
        %swap3A_430 = tpu.vector_load %arg12[%swap3A_429] {strides = array<i32>} : memref<128xi32, #tpu.memory_space<vmem>>, vector<16xi32>,
        tpu.vector_store %arg12[%swap3A_429], %select_n3A_428 {strides = array<i32>} : memref<128xi32, #tpu.memory_space<vmem>>, vector<16xi32>,
        %mul3A_431 = arith.constant 3 : i32
        %mul3A_432 = vector.broadcast %mul3A_431 : i32 to vector<16xi32>
        %mul3A_433 = arith.muli %iota3A, %mul3A_432 : vector<16xi32>
        %add3A_434 = arith.constant 96 : i32
        %add3A_435 = vector.broadcast %add3A_434 : i32 to vector<16xi32>
        %add3A_436 = arith.addi %add3A_435, %mul3A_433 : vector<16xi32>
        %gather3A_437 = tpu.vector_load_idx %arg11[%add3A_436] : memref<1536xf32, #tpu.memory_space<vmem>>[vector<16xi32>], vector<16xf32>,
        %mul3A_438 = arith.constant 3 : i32
        %mul3A_439 = vector.broadcast %mul3A_438 : i32 to vector<16xi32>
        %mul3A_440 = arith.muli %iota3A, %mul3A_439 : vector<16xi32>
        %add3A_441 = arith.constant 96 : i32
        %add3A_442 = vector.broadcast %add3A_441 : i32 to vector<16xi32>
        %add3A_443 = arith.addi %add3A_442, %mul3A_440 : vector<16xi32>
        %add3A_444 = arith.constant 1 : i32
        %add3A_445 = vector.broadcast %add3A_444 : i32 to vector<16xi32>
        %add3A_446 = arith.addi %add3A_443, %add3A_445 : vector<16xi32>
        %gather3A_447 = tpu.vector_load_idx %arg11[%add3A_446] : memref<1536xf32, #tpu.memory_space<vmem>>[vector<16xi32>], vector<16xf32>,
        %mul3A_448 = arith.constant 3 : i32
        %mul3A_449 = vector.broadcast %mul3A_448 : i32 to vector<16xi32>
        %mul3A_450 = arith.muli %iota3A, %mul3A_449 : vector<16xi32>
        %add3A_451 = arith.constant 96 : i32
        %add3A_452 = vector.broadcast %add3A_451 : i32 to vector<16xi32>
        %add3A_453 = arith.addi %add3A_452, %mul3A_450 : vector<16xi32>
        %add3A_454 = arith.constant 2 : i32
        %add3A_455 = vector.broadcast %add3A_454 : i32 to vector<16xi32>
        %add3A_456 = arith.addi %add3A_453, %add3A_455 : vector<16xi32>
        %gather3A_457 = tpu.vector_load_idx %arg11[%add3A_456] : memref<1536xf32, #tpu.memory_space<vmem>>[vector<16xi32>], vector<16xf32>,
        %sub3A_458 = arith.subf %gather3A_437, %get3A_128 : vector<16xf32>
        %sub3A_459 = arith.subf %gather3A_447, %get3A_132 : vector<16xf32>
        %sub3A_460 = arith.subf %gather3A_457, %get3A_136 : vector<16xf32>
        %ge3A_461 = arith.constant 0.000000e+00 : f32
        %ge3A_462 = vector.broadcast %ge3A_461 : f32 to vector<16xf32>
        %ge3A_463 = arith.cmpf oge, %sub3A_458, %ge3A_462 : vector<16xf32>
        %lt3A_464 = arith.cmpf olt, %sub3A_458, %get3A_140 : vector<16xf32>
        %and3A_465 = arith.andi %ge3A_463, %lt3A_464 : vector<16xi1>
        %ge3A_466 = arith.constant 0.000000e+00 : f32
        %ge3A_467 = vector.broadcast %ge3A_466 : f32 to vector<16xf32>
        %ge3A_468 = arith.cmpf oge, %sub3A_459, %ge3A_467 : vector<16xf32>
        %and3A_469 = arith.andi %and3A_465, %ge3A_468 : vector<16xi1>
        %lt3A_470 = arith.cmpf olt, %sub3A_459, %get3A_144 : vector<16xf32>
        %and3A_471 = arith.andi %and3A_469, %lt3A_470 : vector<16xi1>
        %ge3A_472 = arith.constant 0.000000e+00 : f32
        %ge3A_473 = vector.broadcast %ge3A_472 : f32 to vector<16xf32>
        %ge3A_474 = arith.cmpf oge, %sub3A_460, %ge3A_473 : vector<16xf32>
        %and3A_475 = arith.andi %and3A_471, %ge3A_474 : vector<16xi1>
        %lt3A_476 = arith.cmpf olt, %sub3A_460, %get3A_148 : vector<16xf32>
        %and3A_477 = arith.andi %and3A_475, %lt3A_476 : vector<16xi1>
        %convert_element_type3A_478 = arith.fptosi %sub3A_458 : vector<16xf32> to vector<16xi32>
        %convert_element_type3A_479 = arith.fptosi %sub3A_459 : vector<16xf32> to vector<16xi32>
        %convert_element_type3A_480 = arith.fptosi %sub3A_460 : vector<16xf32> to vector<16xi32>
        %mul3A_481 = arith.constant 10752 : i32
        %mul3A_482 = vector.broadcast %mul3A_481 : i32 to vector<16xi32>
        %mul3A_483 = arith.muli %convert_element_type3A_480, %mul3A_482 : vector<16xi32>
        %mul3A_484 = arith.constant 104 : i32
        %mul3A_485 = vector.broadcast %mul3A_484 : i32 to vector<16xi32>
        %mul3A_486 = arith.muli %convert_element_type3A_478, %mul3A_485 : vector<16xi32>
        %add3A_487 = arith.addi %mul3A_483, %mul3A_486 : vector<16xi32>
        %add3A_488 = arith.addi %add3A_487, %convert_element_type3A_479 : vector<16xi32>
        %jit3A_489 = arith.constant 1085952 : i32
        %broadcast_in_dim3A_490 = vector.broadcast %jit3A_489 : i32 to vector<16xi32>
        %select_n3A_491 = arith.select %and3A_477, %add3A_488, %broadcast_in_dim3A_490 : vector<16xi1>, vector<16xi32>
        %swap3A_492 = arith.constant 32 : index
        %swap3A_493 = tpu.vector_load %arg12[%swap3A_492] {strides = array<i32>} : memref<128xi32, #tpu.memory_space<vmem>>, vector<16xi32>,
        tpu.vector_store %arg12[%swap3A_492], %select_n3A_491 {strides = array<i32>} : memref<128xi32, #tpu.memory_space<vmem>>, vector<16xi32>,
        %mul3A_494 = arith.constant 3 : i32
        %mul3A_495 = vector.broadcast %mul3A_494 : i32 to vector<16xi32>
        %mul3A_496 = arith.muli %iota3A, %mul3A_495 : vector<16xi32>
        %add3A_497 = arith.constant 144 : i32
        %add3A_498 = vector.broadcast %add3A_497 : i32 to vector<16xi32>
        %add3A_499 = arith.addi %add3A_498, %mul3A_496 : vector<16xi32>
        %gather3A_500 = tpu.vector_load_idx %arg11[%add3A_499] : memref<1536xf32, #tpu.memory_space<vmem>>[vector<16xi32>], vector<16xf32>,
        %mul3A_501 = arith.constant 3 : i32
        %mul3A_502 = vector.broadcast %mul3A_501 : i32 to vector<16xi32>
        %mul3A_503 = arith.muli %iota3A, %mul3A_502 : vector<16xi32>
        %add3A_504 = arith.constant 144 : i32
        %add3A_505 = vector.broadcast %add3A_504 : i32 to vector<16xi32>
        %add3A_506 = arith.addi %add3A_505, %mul3A_503 : vector<16xi32>
        %add3A_507 = arith.constant 1 : i32
        %add3A_508 = vector.broadcast %add3A_507 : i32 to vector<16xi32>
        %add3A_509 = arith.addi %add3A_506, %add3A_508 : vector<16xi32>
        %gather3A_510 = tpu.vector_load_idx %arg11[%add3A_509] : memref<1536xf32, #tpu.memory_space<vmem>>[vector<16xi32>], vector<16xf32>,
        %mul3A_511 = arith.constant 3 : i32
        %mul3A_512 = vector.broadcast %mul3A_511 : i32 to vector<16xi32>
        %mul3A_513 = arith.muli %iota3A, %mul3A_512 : vector<16xi32>
        %add3A_514 = arith.constant 144 : i32
        %add3A_515 = vector.broadcast %add3A_514 : i32 to vector<16xi32>
        %add3A_516 = arith.addi %add3A_515, %mul3A_513 : vector<16xi32>
        %add3A_517 = arith.constant 2 : i32
        %add3A_518 = vector.broadcast %add3A_517 : i32 to vector<16xi32>
        %add3A_519 = arith.addi %add3A_516, %add3A_518 : vector<16xi32>
        %gather3A_520 = tpu.vector_load_idx %arg11[%add3A_519] : memref<1536xf32, #tpu.memory_space<vmem>>[vector<16xi32>], vector<16xf32>,
        %sub3A_521 = arith.subf %gather3A_500, %get3A_128 : vector<16xf32>
        %sub3A_522 = arith.subf %gather3A_510, %get3A_132 : vector<16xf32>
        %sub3A_523 = arith.subf %gather3A_520, %get3A_136 : vector<16xf32>
        %ge3A_524 = arith.constant 0.000000e+00 : f32
        %ge3A_525 = vector.broadcast %ge3A_524 : f32 to vector<16xf32>
        %ge3A_526 = arith.cmpf oge, %sub3A_521, %ge3A_525 : vector<16xf32>
        %lt3A_527 = arith.cmpf olt, %sub3A_521, %get3A_140 : vector<16xf32>
        %and3A_528 = arith.andi %ge3A_526, %lt3A_527 : vector<16xi1>
        %ge3A_529 = arith.constant 0.000000e+00 : f32
        %ge3A_530 = vector.broadcast %ge3A_529 : f32 to vector<16xf32>
        %ge3A_531 = arith.cmpf oge, %sub3A_522, %ge3A_530 : vector<16xf32>
        %and3A_532 = arith.andi %and3A_528, %ge3A_531 : vector<16xi1>
        %lt3A_533 = arith.cmpf olt, %sub3A_522, %get3A_144 : vector<16xf32>
        %and3A_534 = arith.andi %and3A_532, %lt3A_533 : vector<16xi1>
        %ge3A_535 = arith.constant 0.000000e+00 : f32
        %ge3A_536 = vector.broadcast %ge3A_535 : f32 to vector<16xf32>
        %ge3A_537 = arith.cmpf oge, %sub3A_523, %ge3A_536 : vector<16xf32>
        %and3A_538 = arith.andi %and3A_534, %ge3A_537 : vector<16xi1>
        %lt3A_539 = arith.cmpf olt, %sub3A_523, %get3A_148 : vector<16xf32>
        %and3A_540 = arith.andi %and3A_538, %lt3A_539 : vector<16xi1>
        %convert_element_type3A_541 = arith.fptosi %sub3A_521 : vector<16xf32> to vector<16xi32>
        %convert_element_type3A_542 = arith.fptosi %sub3A_522 : vector<16xf32> to vector<16xi32>
        %convert_element_type3A_543 = arith.fptosi %sub3A_523 : vector<16xf32> to vector<16xi32>
        %mul3A_544 = arith.constant 10752 : i32
        %mul3A_545 = vector.broadcast %mul3A_544 : i32 to vector<16xi32>
        %mul3A_546 = arith.muli %convert_element_type3A_543, %mul3A_545 : vector<16xi32>
        %mul3A_547 = arith.constant 104 : i32
        %mul3A_548 = vector.broadcast %mul3A_547 : i32 to vector<16xi32>
        %mul3A_549 = arith.muli %convert_element_type3A_541, %mul3A_548 : vector<16xi32>
        %add3A_550 = arith.addi %mul3A_546, %mul3A_549 : vector<16xi32>
        %add3A_551 = arith.addi %add3A_550, %convert_element_type3A_542 : vector<16xi32>
        %jit3A_552 = arith.constant 1085952 : i32
        %broadcast_in_dim3A_553 = vector.broadcast %jit3A_552 : i32 to vector<16xi32>
        %select_n3A_554 = arith.select %and3A_540, %add3A_551, %broadcast_in_dim3A_553 : vector<16xi1>, vector<16xi32>
        %swap3A_555 = arith.constant 48 : index
        %swap3A_556 = tpu.vector_load %arg12[%swap3A_555] {strides = array<i32>} : memref<128xi32, #tpu.memory_space<vmem>>, vector<16xi32>,
        tpu.vector_store %arg12[%swap3A_555], %select_n3A_554 {strides = array<i32>} : memref<128xi32, #tpu.memory_space<vmem>>, vector<16xi32>,
        %mul3A_557 = arith.constant 3 : i32
        %mul3A_558 = vector.broadcast %mul3A_557 : i32 to vector<16xi32>
        %mul3A_559 = arith.muli %iota3A, %mul3A_558 : vector<16xi32>
        %add3A_560 = arith.constant 192 : i32
        %add3A_561 = vector.broadcast %add3A_560 : i32 to vector<16xi32>
        %add3A_562 = arith.addi %add3A_561, %mul3A_559 : vector<16xi32>
        %gather3A_563 = tpu.vector_load_idx %arg11[%add3A_562] : memref<1536xf32, #tpu.memory_space<vmem>>[vector<16xi32>], vector<16xf32>,
        %mul3A_564 = arith.constant 3 : i32
        %mul3A_565 = vector.broadcast %mul3A_564 : i32 to vector<16xi32>
        %mul3A_566 = arith.muli %iota3A, %mul3A_565 : vector<16xi32>
        %add3A_567 = arith.constant 192 : i32
        %add3A_568 = vector.broadcast %add3A_567 : i32 to vector<16xi32>
        %add3A_569 = arith.addi %add3A_568, %mul3A_566 : vector<16xi32>
        %add3A_570 = arith.constant 1 : i32
        %add3A_571 = vector.broadcast %add3A_570 : i32 to vector<16xi32>
        %add3A_572 = arith.addi %add3A_569, %add3A_571 : vector<16xi32>
        %gather3A_573 = tpu.vector_load_idx %arg11[%add3A_572] : memref<1536xf32, #tpu.memory_space<vmem>>[vector<16xi32>], vector<16xf32>,
        %mul3A_574 = arith.constant 3 : i32
        %mul3A_575 = vector.broadcast %mul3A_574 : i32 to vector<16xi32>
        %mul3A_576 = arith.muli %iota3A, %mul3A_575 : vector<16xi32>
        %add3A_577 = arith.constant 192 : i32
        %add3A_578 = vector.broadcast %add3A_577 : i32 to vector<16xi32>
        %add3A_579 = arith.addi %add3A_578, %mul3A_576 : vector<16xi32>
        %add3A_580 = arith.constant 2 : i32
        %add3A_581 = vector.broadcast %add3A_580 : i32 to vector<16xi32>
        %add3A_582 = arith.addi %add3A_579, %add3A_581 : vector<16xi32>
        %gather3A_583 = tpu.vector_load_idx %arg11[%add3A_582] : memref<1536xf32, #tpu.memory_space<vmem>>[vector<16xi32>], vector<16xf32>,
        %sub3A_584 = arith.subf %gather3A_563, %get3A_128 : vector<16xf32>
        %sub3A_585 = arith.subf %gather3A_573, %get3A_132 : vector<16xf32>
        %sub3A_586 = arith.subf %gather3A_583, %get3A_136 : vector<16xf32>
        %ge3A_587 = arith.constant 0.000000e+00 : f32
        %ge3A_588 = vector.broadcast %ge3A_587 : f32 to vector<16xf32>
        %ge3A_589 = arith.cmpf oge, %sub3A_584, %ge3A_588 : vector<16xf32>
        %lt3A_590 = arith.cmpf olt, %sub3A_584, %get3A_140 : vector<16xf32>
        %and3A_591 = arith.andi %ge3A_589, %lt3A_590 : vector<16xi1>
        %ge3A_592 = arith.constant 0.000000e+00 : f32
        %ge3A_593 = vector.broadcast %ge3A_592 : f32 to vector<16xf32>
        %ge3A_594 = arith.cmpf oge, %sub3A_585, %ge3A_593 : vector<16xf32>
        %and3A_595 = arith.andi %and3A_591, %ge3A_594 : vector<16xi1>
        %lt3A_596 = arith.cmpf olt, %sub3A_585, %get3A_144 : vector<16xf32>
        %and3A_597 = arith.andi %and3A_595, %lt3A_596 : vector<16xi1>
        %ge3A_598 = arith.constant 0.000000e+00 : f32
        %ge3A_599 = vector.broadcast %ge3A_598 : f32 to vector<16xf32>
        %ge3A_600 = arith.cmpf oge, %sub3A_586, %ge3A_599 : vector<16xf32>
        %and3A_601 = arith.andi %and3A_597, %ge3A_600 : vector<16xi1>
        %lt3A_602 = arith.cmpf olt, %sub3A_586, %get3A_148 : vector<16xf32>
        %and3A_603 = arith.andi %and3A_601, %lt3A_602 : vector<16xi1>
        %convert_element_type3A_604 = arith.fptosi %sub3A_584 : vector<16xf32> to vector<16xi32>
        %convert_element_type3A_605 = arith.fptosi %sub3A_585 : vector<16xf32> to vector<16xi32>
        %convert_element_type3A_606 = arith.fptosi %sub3A_586 : vector<16xf32> to vector<16xi32>
        %mul3A_607 = arith.constant 10752 : i32
        %mul3A_608 = vector.broadcast %mul3A_607 : i32 to vector<16xi32>
        %mul3A_609 = arith.muli %convert_element_type3A_606, %mul3A_608 : vector<16xi32>
        %mul3A_610 = arith.constant 104 : i32
        %mul3A_611 = vector.broadcast %mul3A_610 : i32 to vector<16xi32>
        %mul3A_612 = arith.muli %convert_element_type3A_604, %mul3A_611 : vector<16xi32>
        %add3A_613 = arith.addi %mul3A_609, %mul3A_612 : vector<16xi32>
        %add3A_614 = arith.addi %add3A_613, %convert_element_type3A_605 : vector<16xi32>
        %jit3A_615 = arith.constant 1085952 : i32
        %broadcast_in_dim3A_616 = vector.broadcast %jit3A_615 : i32 to vector<16xi32>
        %select_n3A_617 = arith.select %and3A_603, %add3A_614, %broadcast_in_dim3A_616 : vector<16xi1>, vector<16xi32>
        %swap3A_618 = arith.constant 64 : index
        %swap3A_619 = tpu.vector_load %arg12[%swap3A_618] {strides = array<i32>} : memref<128xi32, #tpu.memory_space<vmem>>, vector<16xi32>,
        tpu.vector_store %arg12[%swap3A_618], %select_n3A_617 {strides = array<i32>} : memref<128xi32, #tpu.memory_space<vmem>>, vector<16xi32>,
        %mul3A_620 = arith.constant 3 : i32
        %mul3A_621 = vector.broadcast %mul3A_620 : i32 to vector<16xi32>
        %mul3A_622 = arith.muli %iota3A, %mul3A_621 : vector<16xi32>
        %add3A_623 = arith.constant 240 : i32
        %add3A_624 = vector.broadcast %add3A_623 : i32 to vector<16xi32>
        %add3A_625 = arith.addi %add3A_624, %mul3A_622 : vector<16xi32>
        %gather3A_626 = tpu.vector_load_idx %arg11[%add3A_625] : memref<1536xf32, #tpu.memory_space<vmem>>[vector<16xi32>], vector<16xf32>,
        %mul3A_627 = arith.constant 3 : i32
        %mul3A_628 = vector.broadcast %mul3A_627 : i32 to vector<16xi32>
        %mul3A_629 = arith.muli %iota3A, %mul3A_628 : vector<16xi32>
        %add3A_630 = arith.constant 240 : i32
        %add3A_631 = vector.broadcast %add3A_630 : i32 to vector<16xi32>
        %add3A_632 = arith.addi %add3A_631, %mul3A_629 : vector<16xi32>
        %add3A_633 = arith.constant 1 : i32
        %add3A_634 = vector.broadcast %add3A_633 : i32 to vector<16xi32>
        %add3A_635 = arith.addi %add3A_632, %add3A_634 : vector<16xi32>
        %gather3A_636 = tpu.vector_load_idx %arg11[%add3A_635] : memref<1536xf32, #tpu.memory_space<vmem>>[vector<16xi32>], vector<16xf32>,
        %mul3A_637 = arith.constant 3 : i32
        %mul3A_638 = vector.broadcast %mul3A_637 : i32 to vector<16xi32>
        %mul3A_639 = arith.muli %iota3A, %mul3A_638 : vector<16xi32>
        %add3A_640 = arith.constant 240 : i32
        %add3A_641 = vector.broadcast %add3A_640 : i32 to vector<16xi32>
        %add3A_642 = arith.addi %add3A_641, %mul3A_639 : vector<16xi32>
        %add3A_643 = arith.constant 2 : i32
        %add3A_644 = vector.broadcast %add3A_643 : i32 to vector<16xi32>
        %add3A_645 = arith.addi %add3A_642, %add3A_644 : vector<16xi32>
        %gather3A_646 = tpu.vector_load_idx %arg11[%add3A_645] : memref<1536xf32, #tpu.memory_space<vmem>>[vector<16xi32>], vector<16xf32>,
        %sub3A_647 = arith.subf %gather3A_626, %get3A_128 : vector<16xf32>
        %sub3A_648 = arith.subf %gather3A_636, %get3A_132 : vector<16xf32>
        %sub3A_649 = arith.subf %gather3A_646, %get3A_136 : vector<16xf32>
        %ge3A_650 = arith.constant 0.000000e+00 : f32
        %ge3A_651 = vector.broadcast %ge3A_650 : f32 to vector<16xf32>
        %ge3A_652 = arith.cmpf oge, %sub3A_647, %ge3A_651 : vector<16xf32>
        %lt3A_653 = arith.cmpf olt, %sub3A_647, %get3A_140 : vector<16xf32>
        %and3A_654 = arith.andi %ge3A_652, %lt3A_653 : vector<16xi1>
        %ge3A_655 = arith.constant 0.000000e+00 : f32
        %ge3A_656 = vector.broadcast %ge3A_655 : f32 to vector<16xf32>
        %ge3A_657 = arith.cmpf oge, %sub3A_648, %ge3A_656 : vector<16xf32>
        %and3A_658 = arith.andi %and3A_654, %ge3A_657 : vector<16xi1>
        %lt3A_659 = arith.cmpf olt, %sub3A_648, %get3A_144 : vector<16xf32>
        %and3A_660 = arith.andi %and3A_658, %lt3A_659 : vector<16xi1>
        %ge3A_661 = arith.constant 0.000000e+00 : f32
        %ge3A_662 = vector.broadcast %ge3A_661 : f32 to vector<16xf32>
        %ge3A_663 = arith.cmpf oge, %sub3A_649, %ge3A_662 : vector<16xf32>
        %and3A_664 = arith.andi %and3A_660, %ge3A_663 : vector<16xi1>
        %lt3A_665 = arith.cmpf olt, %sub3A_649, %get3A_148 : vector<16xf32>
        %and3A_666 = arith.andi %and3A_664, %lt3A_665 : vector<16xi1>
        %convert_element_type3A_667 = arith.fptosi %sub3A_647 : vector<16xf32> to vector<16xi32>
        %convert_element_type3A_668 = arith.fptosi %sub3A_648 : vector<16xf32> to vector<16xi32>
        %convert_element_type3A_669 = arith.fptosi %sub3A_649 : vector<16xf32> to vector<16xi32>
        %mul3A_670 = arith.constant 10752 : i32
        %mul3A_671 = vector.broadcast %mul3A_670 : i32 to vector<16xi32>
        %mul3A_672 = arith.muli %convert_element_type3A_669, %mul3A_671 : vector<16xi32>
        %mul3A_673 = arith.constant 104 : i32
        %mul3A_674 = vector.broadcast %mul3A_673 : i32 to vector<16xi32>
        %mul3A_675 = arith.muli %convert_element_type3A_667, %mul3A_674 : vector<16xi32>
        %add3A_676 = arith.addi %mul3A_672, %mul3A_675 : vector<16xi32>
        %add3A_677 = arith.addi %add3A_676, %convert_element_type3A_668 : vector<16xi32>
        %jit3A_678 = arith.constant 1085952 : i32
        %broadcast_in_dim3A_679 = vector.broadcast %jit3A_678 : i32 to vector<16xi32>
        %select_n3A_680 = arith.select %and3A_666, %add3A_677, %broadcast_in_dim3A_679 : vector<16xi1>, vector<16xi32>
        %swap3A_681 = arith.constant 80 : index
        %swap3A_682 = tpu.vector_load %arg12[%swap3A_681] {strides = array<i32>} : memref<128xi32, #tpu.memory_space<vmem>>, vector<16xi32>,
        tpu.vector_store %arg12[%swap3A_681], %select_n3A_680 {strides = array<i32>} : memref<128xi32, #tpu.memory_space<vmem>>, vector<16xi32>,
        %mul3A_683 = arith.constant 3 : i32
        %mul3A_684 = vector.broadcast %mul3A_683 : i32 to vector<16xi32>
        %mul3A_685 = arith.muli %iota3A, %mul3A_684 : vector<16xi32>
        %add3A_686 = arith.constant 288 : i32
        %add3A_687 = vector.broadcast %add3A_686 : i32 to vector<16xi32>
        %add3A_688 = arith.addi %add3A_687, %mul3A_685 : vector<16xi32>
        %gather3A_689 = tpu.vector_load_idx %arg11[%add3A_688] : memref<1536xf32, #tpu.memory_space<vmem>>[vector<16xi32>], vector<16xf32>,
        %mul3A_690 = arith.constant 3 : i32
        %mul3A_691 = vector.broadcast %mul3A_690 : i32 to vector<16xi32>
        %mul3A_692 = arith.muli %iota3A, %mul3A_691 : vector<16xi32>
        %add3A_693 = arith.constant 288 : i32
        %add3A_694 = vector.broadcast %add3A_693 : i32 to vector<16xi32>
        %add3A_695 = arith.addi %add3A_694, %mul3A_692 : vector<16xi32>
        %add3A_696 = arith.constant 1 : i32
        %add3A_697 = vector.broadcast %add3A_696 : i32 to vector<16xi32>
        %add3A_698 = arith.addi %add3A_695, %add3A_697 : vector<16xi32>
        %gather3A_699 = tpu.vector_load_idx %arg11[%add3A_698] : memref<1536xf32, #tpu.memory_space<vmem>>[vector<16xi32>], vector<16xf32>,
        %mul3A_700 = arith.constant 3 : i32
        %mul3A_701 = vector.broadcast %mul3A_700 : i32 to vector<16xi32>
        %mul3A_702 = arith.muli %iota3A, %mul3A_701 : vector<16xi32>
        %add3A_703 = arith.constant 288 : i32
        %add3A_704 = vector.broadcast %add3A_703 : i32 to vector<16xi32>
        %add3A_705 = arith.addi %add3A_704, %mul3A_702 : vector<16xi32>
        %add3A_706 = arith.constant 2 : i32
        %add3A_707 = vector.broadcast %add3A_706 : i32 to vector<16xi32>
        %add3A_708 = arith.addi %add3A_705, %add3A_707 : vector<16xi32>
        %gather3A_709 = tpu.vector_load_idx %arg11[%add3A_708] : memref<1536xf32, #tpu.memory_space<vmem>>[vector<16xi32>], vector<16xf32>,
        %sub3A_710 = arith.subf %gather3A_689, %get3A_128 : vector<16xf32>
        %sub3A_711 = arith.subf %gather3A_699, %get3A_132 : vector<16xf32>
        %sub3A_712 = arith.subf %gather3A_709, %get3A_136 : vector<16xf32>
        %ge3A_713 = arith.constant 0.000000e+00 : f32
        %ge3A_714 = vector.broadcast %ge3A_713 : f32 to vector<16xf32>
        %ge3A_715 = arith.cmpf oge, %sub3A_710, %ge3A_714 : vector<16xf32>
        %lt3A_716 = arith.cmpf olt, %sub3A_710, %get3A_140 : vector<16xf32>
        %and3A_717 = arith.andi %ge3A_715, %lt3A_716 : vector<16xi1>
        %ge3A_718 = arith.constant 0.000000e+00 : f32
        %ge3A_719 = vector.broadcast %ge3A_718 : f32 to vector<16xf32>
        %ge3A_720 = arith.cmpf oge, %sub3A_711, %ge3A_719 : vector<16xf32>
        %and3A_721 = arith.andi %and3A_717, %ge3A_720 : vector<16xi1>
        %lt3A_722 = arith.cmpf olt, %sub3A_711, %get3A_144 : vector<16xf32>
        %and3A_723 = arith.andi %and3A_721, %lt3A_722 : vector<16xi1>
        %ge3A_724 = arith.constant 0.000000e+00 : f32
        %ge3A_725 = vector.broadcast %ge3A_724 : f32 to vector<16xf32>
        %ge3A_726 = arith.cmpf oge, %sub3A_712, %ge3A_725 : vector<16xf32>
        %and3A_727 = arith.andi %and3A_723, %ge3A_726 : vector<16xi1>
        %lt3A_728 = arith.cmpf olt, %sub3A_712, %get3A_148 : vector<16xf32>
        %and3A_729 = arith.andi %and3A_727, %lt3A_728 : vector<16xi1>
        %convert_element_type3A_730 = arith.fptosi %sub3A_710 : vector<16xf32> to vector<16xi32>
        %convert_element_type3A_731 = arith.fptosi %sub3A_711 : vector<16xf32> to vector<16xi32>
        %convert_element_type3A_732 = arith.fptosi %sub3A_712 : vector<16xf32> to vector<16xi32>
        %mul3A_733 = arith.constant 10752 : i32
        %mul3A_734 = vector.broadcast %mul3A_733 : i32 to vector<16xi32>
        %mul3A_735 = arith.muli %convert_element_type3A_732, %mul3A_734 : vector<16xi32>
        %mul3A_736 = arith.constant 104 : i32
        %mul3A_737 = vector.broadcast %mul3A_736 : i32 to vector<16xi32>
        %mul3A_738 = arith.muli %convert_element_type3A_730, %mul3A_737 : vector<16xi32>
        %add3A_739 = arith.addi %mul3A_735, %mul3A_738 : vector<16xi32>
        %add3A_740 = arith.addi %add3A_739, %convert_element_type3A_731 : vector<16xi32>
        %jit3A_741 = arith.constant 1085952 : i32
        %broadcast_in_dim3A_742 = vector.broadcast %jit3A_741 : i32 to vector<16xi32>
        %select_n3A_743 = arith.select %and3A_729, %add3A_740, %broadcast_in_dim3A_742 : vector<16xi1>, vector<16xi32>
        %swap3A_744 = arith.constant 96 : index
        %swap3A_745 = tpu.vector_load %arg12[%swap3A_744] {strides = array<i32>} : memref<128xi32, #tpu.memory_space<vmem>>, vector<16xi32>,
        tpu.vector_store %arg12[%swap3A_744], %select_n3A_743 {strides = array<i32>} : memref<128xi32, #tpu.memory_space<vmem>>, vector<16xi32>,
        %mul3A_746 = arith.constant 3 : i32
        %mul3A_747 = vector.broadcast %mul3A_746 : i32 to vector<16xi32>
        %mul3A_748 = arith.muli %iota3A, %mul3A_747 : vector<16xi32>
        %add3A_749 = arith.constant 336 : i32
        %add3A_750 = vector.broadcast %add3A_749 : i32 to vector<16xi32>
        %add3A_751 = arith.addi %add3A_750, %mul3A_748 : vector<16xi32>
        %gather3A_752 = tpu.vector_load_idx %arg11[%add3A_751] : memref<1536xf32, #tpu.memory_space<vmem>>[vector<16xi32>], vector<16xf32>,
        %mul3A_753 = arith.constant 3 : i32
        %mul3A_754 = vector.broadcast %mul3A_753 : i32 to vector<16xi32>
        %mul3A_755 = arith.muli %iota3A, %mul3A_754 : vector<16xi32>
        %add3A_756 = arith.constant 336 : i32
        %add3A_757 = vector.broadcast %add3A_756 : i32 to vector<16xi32>
        %add3A_758 = arith.addi %add3A_757, %mul3A_755 : vector<16xi32>
        %add3A_759 = arith.constant 1 : i32
        %add3A_760 = vector.broadcast %add3A_759 : i32 to vector<16xi32>
        %add3A_761 = arith.addi %add3A_758, %add3A_760 : vector<16xi32>
        %gather3A_762 = tpu.vector_load_idx %arg11[%add3A_761] : memref<1536xf32, #tpu.memory_space<vmem>>[vector<16xi32>], vector<16xf32>,
        %mul3A_763 = arith.constant 3 : i32
        %mul3A_764 = vector.broadcast %mul3A_763 : i32 to vector<16xi32>
        %mul3A_765 = arith.muli %iota3A, %mul3A_764 : vector<16xi32>
        %add3A_766 = arith.constant 336 : i32
        %add3A_767 = vector.broadcast %add3A_766 : i32 to vector<16xi32>
        %add3A_768 = arith.addi %add3A_767, %mul3A_765 : vector<16xi32>
        %add3A_769 = arith.constant 2 : i32
        %add3A_770 = vector.broadcast %add3A_769 : i32 to vector<16xi32>
        %add3A_771 = arith.addi %add3A_768, %add3A_770 : vector<16xi32>
        %gather3A_772 = tpu.vector_load_idx %arg11[%add3A_771] : memref<1536xf32, #tpu.memory_space<vmem>>[vector<16xi32>], vector<16xf32>,
        %sub3A_773 = arith.subf %gather3A_752, %get3A_128 : vector<16xf32>
        %sub3A_774 = arith.subf %gather3A_762, %get3A_132 : vector<16xf32>
        %sub3A_775 = arith.subf %gather3A_772, %get3A_136 : vector<16xf32>
        %ge3A_776 = arith.constant 0.000000e+00 : f32
        %ge3A_777 = vector.broadcast %ge3A_776 : f32 to vector<16xf32>
        %ge3A_778 = arith.cmpf oge, %sub3A_773, %ge3A_777 : vector<16xf32>
        %lt3A_779 = arith.cmpf olt, %sub3A_773, %get3A_140 : vector<16xf32>
        %and3A_780 = arith.andi %ge3A_778, %lt3A_779 : vector<16xi1>
        %ge3A_781 = arith.constant 0.000000e+00 : f32
        %ge3A_782 = vector.broadcast %ge3A_781 : f32 to vector<16xf32>
        %ge3A_783 = arith.cmpf oge, %sub3A_774, %ge3A_782 : vector<16xf32>
        %and3A_784 = arith.andi %and3A_780, %ge3A_783 : vector<16xi1>
        %lt3A_785 = arith.cmpf olt, %sub3A_774, %get3A_144 : vector<16xf32>
        %and3A_786 = arith.andi %and3A_784, %lt3A_785 : vector<16xi1>
        %ge3A_787 = arith.constant 0.000000e+00 : f32
        %ge3A_788 = vector.broadcast %ge3A_787 : f32 to vector<16xf32>
        %ge3A_789 = arith.cmpf oge, %sub3A_775, %ge3A_788 : vector<16xf32>
        %and3A_790 = arith.andi %and3A_786, %ge3A_789 : vector<16xi1>
        %lt3A_791 = arith.cmpf olt, %sub3A_775, %get3A_148 : vector<16xf32>
        %and3A_792 = arith.andi %and3A_790, %lt3A_791 : vector<16xi1>
        %convert_element_type3A_793 = arith.fptosi %sub3A_773 : vector<16xf32> to vector<16xi32>
        %convert_element_type3A_794 = arith.fptosi %sub3A_774 : vector<16xf32> to vector<16xi32>
        %convert_element_type3A_795 = arith.fptosi %sub3A_775 : vector<16xf32> to vector<16xi32>
        %mul3A_796 = arith.constant 10752 : i32
        %mul3A_797 = vector.broadcast %mul3A_796 : i32 to vector<16xi32>
        %mul3A_798 = arith.muli %convert_element_type3A_795, %mul3A_797 : vector<16xi32>
        %mul3A_799 = arith.constant 104 : i32
        %mul3A_800 = vector.broadcast %mul3A_799 : i32 to vector<16xi32>
        %mul3A_801 = arith.muli %convert_element_type3A_793, %mul3A_800 : vector<16xi32>
        %add3A_802 = arith.addi %mul3A_798, %mul3A_801 : vector<16xi32>
        %add3A_803 = arith.addi %add3A_802, %convert_element_type3A_794 : vector<16xi32>
        %jit3A_804 = arith.constant 1085952 : i32
        %broadcast_in_dim3A_805 = vector.broadcast %jit3A_804 : i32 to vector<16xi32>
        %select_n3A_806 = arith.select %and3A_792, %add3A_803, %broadcast_in_dim3A_805 : vector<16xi1>, vector<16xi32>
        %swap3A_807 = arith.constant 112 : index
        %swap3A_808 = tpu.vector_load %arg12[%swap3A_807] {strides = array<i32>} : memref<128xi32, #tpu.memory_space<vmem>>, vector<16xi32>,
        tpu.vector_store %arg12[%swap3A_807], %select_n3A_806 {strides = array<i32>} : memref<128xi32, #tpu.memory_space<vmem>>, vector<16xi32>,
        %dma_start3A = arith.constant 0 : i32
        %dma_start3A_809 = tpu.memref_slice %arg20[%dma_start3A] : memref<1086080xf32, #tpu.memory_space<vmem_shared>> -> memref<1086080xf32, #tpu.memory_space<vmem_shared>>
        tpu.enqueue_indirect_dma source(%arg10 : memref<128xf32, #tpu.memory_space<vmem>>) target(%dma_start3A_809 : memref<1086080xf32, #tpu.memory_space<vmem_shared>>) offsets(%arg12 : memref<128xi32, #tpu.memory_space<vmem>>) semaphore(%arg19 : memref<!tpu.dma_semaphore, #tpu.memory_space<semaphore_mem>>)
        %mul3A_810 = arith.constant 3 : i32
        %mul3A_811 = vector.broadcast %mul3A_810 : i32 to vector<16xi32>
        %mul3A_812 = arith.muli %iota3A, %mul3A_811 : vector<16xi32>
        %add3A_813 = arith.constant 384 : i32
        %add3A_814 = vector.broadcast %add3A_813 : i32 to vector<16xi32>
        %add3A_815 = arith.addi %add3A_814, %mul3A_812 : vector<16xi32>
        %gather3A_816 = tpu.vector_load_idx %arg11[%add3A_815] : memref<1536xf32, #tpu.memory_space<vmem>>[vector<16xi32>], vector<16xf32>,
        %mul3A_817 = arith.constant 3 : i32
        %mul3A_818 = vector.broadcast %mul3A_817 : i32 to vector<16xi32>
        %mul3A_819 = arith.muli %iota3A, %mul3A_818 : vector<16xi32>
        %add3A_820 = arith.constant 384 : i32
        %add3A_821 = vector.broadcast %add3A_820 : i32 to vector<16xi32>
        %add3A_822 = arith.addi %add3A_821, %mul3A_819 : vector<16xi32>
        %add3A_823 = arith.constant 1 : i32
        %add3A_824 = vector.broadcast %add3A_823 : i32 to vector<16xi32>
        %add3A_825 = arith.addi %add3A_822, %add3A_824 : vector<16xi32>
        %gather3A_826 = tpu.vector_load_idx %arg11[%add3A_825] : memref<1536xf32, #tpu.memory_space<vmem>>[vector<16xi32>], vector<16xf32>,
        %mul3A_827 = arith.constant 3 : i32
        %mul3A_828 = vector.broadcast %mul3A_827 : i32 to vector<16xi32>
        %mul3A_829 = arith.muli %iota3A, %mul3A_828 : vector<16xi32>
        %add3A_830 = arith.constant 384 : i32
        %add3A_831 = vector.broadcast %add3A_830 : i32 to vector<16xi32>
        %add3A_832 = arith.addi %add3A_831, %mul3A_829 : vector<16xi32>
        %add3A_833 = arith.constant 2 : i32
        %add3A_834 = vector.broadcast %add3A_833 : i32 to vector<16xi32>
        %add3A_835 = arith.addi %add3A_832, %add3A_834 : vector<16xi32>
        %gather3A_836 = tpu.vector_load_idx %arg11[%add3A_835] : memref<1536xf32, #tpu.memory_space<vmem>>[vector<16xi32>], vector<16xf32>,
        %sub3A_837 = arith.subf %gather3A_816, %get3A_128 : vector<16xf32>
        %sub3A_838 = arith.subf %gather3A_826, %get3A_132 : vector<16xf32>
        %sub3A_839 = arith.subf %gather3A_836, %get3A_136 : vector<16xf32>
        %ge3A_840 = arith.constant 0.000000e+00 : f32
        %ge3A_841 = vector.broadcast %ge3A_840 : f32 to vector<16xf32>
        %ge3A_842 = arith.cmpf oge, %sub3A_837, %ge3A_841 : vector<16xf32>
        %lt3A_843 = arith.cmpf olt, %sub3A_837, %get3A_140 : vector<16xf32>
        %and3A_844 = arith.andi %ge3A_842, %lt3A_843 : vector<16xi1>
        %ge3A_845 = arith.constant 0.000000e+00 : f32
        %ge3A_846 = vector.broadcast %ge3A_845 : f32 to vector<16xf32>
        %ge3A_847 = arith.cmpf oge, %sub3A_838, %ge3A_846 : vector<16xf32>
        %and3A_848 = arith.andi %and3A_844, %ge3A_847 : vector<16xi1>
        %lt3A_849 = arith.cmpf olt, %sub3A_838, %get3A_144 : vector<16xf32>
        %and3A_850 = arith.andi %and3A_848, %lt3A_849 : vector<16xi1>
        %ge3A_851 = arith.constant 0.000000e+00 : f32
        %ge3A_852 = vector.broadcast %ge3A_851 : f32 to vector<16xf32>
        %ge3A_853 = arith.cmpf oge, %sub3A_839, %ge3A_852 : vector<16xf32>
        %and3A_854 = arith.andi %and3A_850, %ge3A_853 : vector<16xi1>
        %lt3A_855 = arith.cmpf olt, %sub3A_839, %get3A_148 : vector<16xf32>
        %and3A_856 = arith.andi %and3A_854, %lt3A_855 : vector<16xi1>
        %convert_element_type3A_857 = arith.fptosi %sub3A_837 : vector<16xf32> to vector<16xi32>
        %convert_element_type3A_858 = arith.fptosi %sub3A_838 : vector<16xf32> to vector<16xi32>
        %convert_element_type3A_859 = arith.fptosi %sub3A_839 : vector<16xf32> to vector<16xi32>
        %mul3A_860 = arith.constant 10752 : i32
        %mul3A_861 = vector.broadcast %mul3A_860 : i32 to vector<16xi32>
        %mul3A_862 = arith.muli %convert_element_type3A_859, %mul3A_861 : vector<16xi32>
        %mul3A_863 = arith.constant 104 : i32
        %mul3A_864 = vector.broadcast %mul3A_863 : i32 to vector<16xi32>
        %mul3A_865 = arith.muli %convert_element_type3A_857, %mul3A_864 : vector<16xi32>
        %add3A_866 = arith.addi %mul3A_862, %mul3A_865 : vector<16xi32>
        %add3A_867 = arith.addi %add3A_866, %convert_element_type3A_858 : vector<16xi32>
        %jit3A_868 = arith.constant 1085952 : i32
        %broadcast_in_dim3A_869 = vector.broadcast %jit3A_868 : i32 to vector<16xi32>
        %select_n3A_870 = arith.select %and3A_856, %add3A_867, %broadcast_in_dim3A_869 : vector<16xi1>, vector<16xi32>
        %swap3A_871 = arith.constant 0 : index
        %swap3A_872 = tpu.vector_load %arg13[%swap3A_871] {strides = array<i32>} : memref<128xi32, #tpu.memory_space<vmem>>, vector<16xi32>,
        tpu.vector_store %arg13[%swap3A_871], %select_n3A_870 {strides = array<i32>} : memref<128xi32, #tpu.memory_space<vmem>>, vector<16xi32>,
        %mul3A_873 = arith.constant 3 : i32
        %mul3A_874 = vector.broadcast %mul3A_873 : i32 to vector<16xi32>
        %mul3A_875 = arith.muli %iota3A, %mul3A_874 : vector<16xi32>
        %add3A_876 = arith.constant 432 : i32
        %add3A_877 = vector.broadcast %add3A_876 : i32 to vector<16xi32>
        %add3A_878 = arith.addi %add3A_877, %mul3A_875 : vector<16xi32>
        %gather3A_879 = tpu.vector_load_idx %arg11[%add3A_878] : memref<1536xf32, #tpu.memory_space<vmem>>[vector<16xi32>], vector<16xf32>,
        %mul3A_880 = arith.constant 3 : i32
        %mul3A_881 = vector.broadcast %mul3A_880 : i32 to vector<16xi32>
        %mul3A_882 = arith.muli %iota3A, %mul3A_881 : vector<16xi32>
        %add3A_883 = arith.constant 432 : i32
        %add3A_884 = vector.broadcast %add3A_883 : i32 to vector<16xi32>
        %add3A_885 = arith.addi %add3A_884, %mul3A_882 : vector<16xi32>
        %add3A_886 = arith.constant 1 : i32
        %add3A_887 = vector.broadcast %add3A_886 : i32 to vector<16xi32>
        %add3A_888 = arith.addi %add3A_885, %add3A_887 : vector<16xi32>
        %gather3A_889 = tpu.vector_load_idx %arg11[%add3A_888] : memref<1536xf32, #tpu.memory_space<vmem>>[vector<16xi32>], vector<16xf32>,
        %mul3A_890 = arith.constant 3 : i32
        %mul3A_891 = vector.broadcast %mul3A_890 : i32 to vector<16xi32>
        %mul3A_892 = arith.muli %iota3A, %mul3A_891 : vector<16xi32>
        %add3A_893 = arith.constant 432 : i32
        %add3A_894 = vector.broadcast %add3A_893 : i32 to vector<16xi32>
        %add3A_895 = arith.addi %add3A_894, %mul3A_892 : vector<16xi32>
        %add3A_896 = arith.constant 2 : i32
        %add3A_897 = vector.broadcast %add3A_896 : i32 to vector<16xi32>
        %add3A_898 = arith.addi %add3A_895, %add3A_897 : vector<16xi32>
        %gather3A_899 = tpu.vector_load_idx %arg11[%add3A_898] : memref<1536xf32, #tpu.memory_space<vmem>>[vector<16xi32>], vector<16xf32>,
        %sub3A_900 = arith.subf %gather3A_879, %get3A_128 : vector<16xf32>
        %sub3A_901 = arith.subf %gather3A_889, %get3A_132 : vector<16xf32>
        %sub3A_902 = arith.subf %gather3A_899, %get3A_136 : vector<16xf32>
        %ge3A_903 = arith.constant 0.000000e+00 : f32
        %ge3A_904 = vector.broadcast %ge3A_903 : f32 to vector<16xf32>
        %ge3A_905 = arith.cmpf oge, %sub3A_900, %ge3A_904 : vector<16xf32>
        %lt3A_906 = arith.cmpf olt, %sub3A_900, %get3A_140 : vector<16xf32>
        %and3A_907 = arith.andi %ge3A_905, %lt3A_906 : vector<16xi1>
        %ge3A_908 = arith.constant 0.000000e+00 : f32
        %ge3A_909 = vector.broadcast %ge3A_908 : f32 to vector<16xf32>
        %ge3A_910 = arith.cmpf oge, %sub3A_901, %ge3A_909 : vector<16xf32>
        %and3A_911 = arith.andi %and3A_907, %ge3A_910 : vector<16xi1>
        %lt3A_912 = arith.cmpf olt, %sub3A_901, %get3A_144 : vector<16xf32>
        %and3A_913 = arith.andi %and3A_911, %lt3A_912 : vector<16xi1>
        %ge3A_914 = arith.constant 0.000000e+00 : f32
        %ge3A_915 = vector.broadcast %ge3A_914 : f32 to vector<16xf32>
        %ge3A_916 = arith.cmpf oge, %sub3A_902, %ge3A_915 : vector<16xf32>
        %and3A_917 = arith.andi %and3A_913, %ge3A_916 : vector<16xi1>
        %lt3A_918 = arith.cmpf olt, %sub3A_902, %get3A_148 : vector<16xf32>
        %and3A_919 = arith.andi %and3A_917, %lt3A_918 : vector<16xi1>
        %convert_element_type3A_920 = arith.fptosi %sub3A_900 : vector<16xf32> to vector<16xi32>
        %convert_element_type3A_921 = arith.fptosi %sub3A_901 : vector<16xf32> to vector<16xi32>
        %convert_element_type3A_922 = arith.fptosi %sub3A_902 : vector<16xf32> to vector<16xi32>
        %mul3A_923 = arith.constant 10752 : i32
        %mul3A_924 = vector.broadcast %mul3A_923 : i32 to vector<16xi32>
        %mul3A_925 = arith.muli %convert_element_type3A_922, %mul3A_924 : vector<16xi32>
        %mul3A_926 = arith.constant 104 : i32
        %mul3A_927 = vector.broadcast %mul3A_926 : i32 to vector<16xi32>
        %mul3A_928 = arith.muli %convert_element_type3A_920, %mul3A_927 : vector<16xi32>
        %add3A_929 = arith.addi %mul3A_925, %mul3A_928 : vector<16xi32>
        %add3A_930 = arith.addi %add3A_929, %convert_element_type3A_921 : vector<16xi32>
        %jit3A_931 = arith.constant 1085952 : i32
        %broadcast_in_dim3A_932 = vector.broadcast %jit3A_931 : i32 to vector<16xi32>
        %select_n3A_933 = arith.select %and3A_919, %add3A_930, %broadcast_in_dim3A_932 : vector<16xi1>, vector<16xi32>
        %swap3A_934 = arith.constant 16 : index
        %swap3A_935 = tpu.vector_load %arg13[%swap3A_934] {strides = array<i32>} : memref<128xi32, #tpu.memory_space<vmem>>, vector<16xi32>,
        tpu.vector_store %arg13[%swap3A_934], %select_n3A_933 {strides = array<i32>} : memref<128xi32, #tpu.memory_space<vmem>>, vector<16xi32>,
        %mul3A_936 = arith.constant 3 : i32
        %mul3A_937 = vector.broadcast %mul3A_936 : i32 to vector<16xi32>
        %mul3A_938 = arith.muli %iota3A, %mul3A_937 : vector<16xi32>
        %add3A_939 = arith.constant 480 : i32
        %add3A_940 = vector.broadcast %add3A_939 : i32 to vector<16xi32>
        %add3A_941 = arith.addi %add3A_940, %mul3A_938 : vector<16xi32>
        %gather3A_942 = tpu.vector_load_idx %arg11[%add3A_941] : memref<1536xf32, #tpu.memory_space<vmem>>[vector<16xi32>], vector<16xf32>,
        %mul3A_943 = arith.constant 3 : i32
        %mul3A_944 = vector.broadcast %mul3A_943 : i32 to vector<16xi32>
        %mul3A_945 = arith.muli %iota3A, %mul3A_944 : vector<16xi32>
        %add3A_946 = arith.constant 480 : i32
        %add3A_947 = vector.broadcast %add3A_946 : i32 to vector<16xi32>
        %add3A_948 = arith.addi %add3A_947, %mul3A_945 : vector<16xi32>
        %add3A_949 = arith.constant 1 : i32
        %add3A_950 = vector.broadcast %add3A_949 : i32 to vector<16xi32>
        %add3A_951 = arith.addi %add3A_948, %add3A_950 : vector<16xi32>
        %gather3A_952 = tpu.vector_load_idx %arg11[%add3A_951] : memref<1536xf32, #tpu.memory_space<vmem>>[vector<16xi32>], vector<16xf32>,
        %mul3A_953 = arith.constant 3 : i32
        %mul3A_954 = vector.broadcast %mul3A_953 : i32 to vector<16xi32>
        %mul3A_955 = arith.muli %iota3A, %mul3A_954 : vector<16xi32>
        %add3A_956 = arith.constant 480 : i32
        %add3A_957 = vector.broadcast %add3A_956 : i32 to vector<16xi32>
        %add3A_958 = arith.addi %add3A_957, %mul3A_955 : vector<16xi32>
        %add3A_959 = arith.constant 2 : i32
        %add3A_960 = vector.broadcast %add3A_959 : i32 to vector<16xi32>
        %add3A_961 = arith.addi %add3A_958, %add3A_960 : vector<16xi32>
        %gather3A_962 = tpu.vector_load_idx %arg11[%add3A_961] : memref<1536xf32, #tpu.memory_space<vmem>>[vector<16xi32>], vector<16xf32>,
        %sub3A_963 = arith.subf %gather3A_942, %get3A_128 : vector<16xf32>
        %sub3A_964 = arith.subf %gather3A_952, %get3A_132 : vector<16xf32>
        %sub3A_965 = arith.subf %gather3A_962, %get3A_136 : vector<16xf32>
        %ge3A_966 = arith.constant 0.000000e+00 : f32
        %ge3A_967 = vector.broadcast %ge3A_966 : f32 to vector<16xf32>
        %ge3A_968 = arith.cmpf oge, %sub3A_963, %ge3A_967 : vector<16xf32>
        %lt3A_969 = arith.cmpf olt, %sub3A_963, %get3A_140 : vector<16xf32>
        %and3A_970 = arith.andi %ge3A_968, %lt3A_969 : vector<16xi1>
        %ge3A_971 = arith.constant 0.000000e+00 : f32
        %ge3A_972 = vector.broadcast %ge3A_971 : f32 to vector<16xf32>
        %ge3A_973 = arith.cmpf oge, %sub3A_964, %ge3A_972 : vector<16xf32>
        %and3A_974 = arith.andi %and3A_970, %ge3A_973 : vector<16xi1>
        %lt3A_975 = arith.cmpf olt, %sub3A_964, %get3A_144 : vector<16xf32>
        %and3A_976 = arith.andi %and3A_974, %lt3A_975 : vector<16xi1>
        %ge3A_977 = arith.constant 0.000000e+00 : f32
        %ge3A_978 = vector.broadcast %ge3A_977 : f32 to vector<16xf32>
        %ge3A_979 = arith.cmpf oge, %sub3A_965, %ge3A_978 : vector<16xf32>
        %and3A_980 = arith.andi %and3A_976, %ge3A_979 : vector<16xi1>
        %lt3A_981 = arith.cmpf olt, %sub3A_965, %get3A_148 : vector<16xf32>
        %and3A_982 = arith.andi %and3A_980, %lt3A_981 : vector<16xi1>
        %convert_element_type3A_983 = arith.fptosi %sub3A_963 : vector<16xf32> to vector<16xi32>
        %convert_element_type3A_984 = arith.fptosi %sub3A_964 : vector<16xf32> to vector<16xi32>
        %convert_element_type3A_985 = arith.fptosi %sub3A_965 : vector<16xf32> to vector<16xi32>
        %mul3A_986 = arith.constant 10752 : i32
        %mul3A_987 = vector.broadcast %mul3A_986 : i32 to vector<16xi32>
        %mul3A_988 = arith.muli %convert_element_type3A_985, %mul3A_987 : vector<16xi32>
        %mul3A_989 = arith.constant 104 : i32
        %mul3A_990 = vector.broadcast %mul3A_989 : i32 to vector<16xi32>
        %mul3A_991 = arith.muli %convert_element_type3A_983, %mul3A_990 : vector<16xi32>
        %add3A_992 = arith.addi %mul3A_988, %mul3A_991 : vector<16xi32>
        %add3A_993 = arith.addi %add3A_992, %convert_element_type3A_984 : vector<16xi32>
        %jit3A_994 = arith.constant 1085952 : i32
        %broadcast_in_dim3A_995 = vector.broadcast %jit3A_994 : i32 to vector<16xi32>
        %select_n3A_996 = arith.select %and3A_982, %add3A_993, %broadcast_in_dim3A_995 : vector<16xi1>, vector<16xi32>
        %swap3A_997 = arith.constant 32 : index
        %swap3A_998 = tpu.vector_load %arg13[%swap3A_997] {strides = array<i32>} : memref<128xi32, #tpu.memory_space<vmem>>, vector<16xi32>,
        tpu.vector_store %arg13[%swap3A_997], %select_n3A_996 {strides = array<i32>} : memref<128xi32, #tpu.memory_space<vmem>>, vector<16xi32>,
        %mul3A_999 = arith.constant 3 : i32
        %mul3A_1000 = vector.broadcast %mul3A_999 : i32 to vector<16xi32>
        %mul3A_1001 = arith.muli %iota3A, %mul3A_1000 : vector<16xi32>
        %add3A_1002 = arith.constant 528 : i32
        %add3A_1003 = vector.broadcast %add3A_1002 : i32 to vector<16xi32>
        %add3A_1004 = arith.addi %add3A_1003, %mul3A_1001 : vector<16xi32>
        %gather3A_1005 = tpu.vector_load_idx %arg11[%add3A_1004] : memref<1536xf32, #tpu.memory_space<vmem>>[vector<16xi32>], vector<16xf32>,
        %mul3A_1006 = arith.constant 3 : i32
        %mul3A_1007 = vector.broadcast %mul3A_1006 : i32 to vector<16xi32>
        %mul3A_1008 = arith.muli %iota3A, %mul3A_1007 : vector<16xi32>
        %add3A_1009 = arith.constant 528 : i32
        %add3A_1010 = vector.broadcast %add3A_1009 : i32 to vector<16xi32>
        %add3A_1011 = arith.addi %add3A_1010, %mul3A_1008 : vector<16xi32>
        %add3A_1012 = arith.constant 1 : i32
        %add3A_1013 = vector.broadcast %add3A_1012 : i32 to vector<16xi32>
        %add3A_1014 = arith.addi %add3A_1011, %add3A_1013 : vector<16xi32>
        %gather3A_1015 = tpu.vector_load_idx %arg11[%add3A_1014] : memref<1536xf32, #tpu.memory_space<vmem>>[vector<16xi32>], vector<16xf32>,
        %mul3A_1016 = arith.constant 3 : i32
        %mul3A_1017 = vector.broadcast %mul3A_1016 : i32 to vector<16xi32>
        %mul3A_1018 = arith.muli %iota3A, %mul3A_1017 : vector<16xi32>
        %add3A_1019 = arith.constant 528 : i32
        %add3A_1020 = vector.broadcast %add3A_1019 : i32 to vector<16xi32>
        %add3A_1021 = arith.addi %add3A_1020, %mul3A_1018 : vector<16xi32>
        %add3A_1022 = arith.constant 2 : i32
        %add3A_1023 = vector.broadcast %add3A_1022 : i32 to vector<16xi32>
        %add3A_1024 = arith.addi %add3A_1021, %add3A_1023 : vector<16xi32>
        %gather3A_1025 = tpu.vector_load_idx %arg11[%add3A_1024] : memref<1536xf32, #tpu.memory_space<vmem>>[vector<16xi32>], vector<16xf32>,
        %sub3A_1026 = arith.subf %gather3A_1005, %get3A_128 : vector<16xf32>
        %sub3A_1027 = arith.subf %gather3A_1015, %get3A_132 : vector<16xf32>
        %sub3A_1028 = arith.subf %gather3A_1025, %get3A_136 : vector<16xf32>
        %ge3A_1029 = arith.constant 0.000000e+00 : f32
        %ge3A_1030 = vector.broadcast %ge3A_1029 : f32 to vector<16xf32>
        %ge3A_1031 = arith.cmpf oge, %sub3A_1026, %ge3A_1030 : vector<16xf32>
        %lt3A_1032 = arith.cmpf olt, %sub3A_1026, %get3A_140 : vector<16xf32>
        %and3A_1033 = arith.andi %ge3A_1031, %lt3A_1032 : vector<16xi1>
        %ge3A_1034 = arith.constant 0.000000e+00 : f32
        %ge3A_1035 = vector.broadcast %ge3A_1034 : f32 to vector<16xf32>
        %ge3A_1036 = arith.cmpf oge, %sub3A_1027, %ge3A_1035 : vector<16xf32>
        %and3A_1037 = arith.andi %and3A_1033, %ge3A_1036 : vector<16xi1>
        %lt3A_1038 = arith.cmpf olt, %sub3A_1027, %get3A_144 : vector<16xf32>
        %and3A_1039 = arith.andi %and3A_1037, %lt3A_1038 : vector<16xi1>
        %ge3A_1040 = arith.constant 0.000000e+00 : f32
        %ge3A_1041 = vector.broadcast %ge3A_1040 : f32 to vector<16xf32>
        %ge3A_1042 = arith.cmpf oge, %sub3A_1028, %ge3A_1041 : vector<16xf32>
        %and3A_1043 = arith.andi %and3A_1039, %ge3A_1042 : vector<16xi1>
        %lt3A_1044 = arith.cmpf olt, %sub3A_1028, %get3A_148 : vector<16xf32>
        %and3A_1045 = arith.andi %and3A_1043, %lt3A_1044 : vector<16xi1>
        %convert_element_type3A_1046 = arith.fptosi %sub3A_1026 : vector<16xf32> to vector<16xi32>
        %convert_element_type3A_1047 = arith.fptosi %sub3A_1027 : vector<16xf32> to vector<16xi32>
        %convert_element_type3A_1048 = arith.fptosi %sub3A_1028 : vector<16xf32> to vector<16xi32>
        %mul3A_1049 = arith.constant 10752 : i32
        %mul3A_1050 = vector.broadcast %mul3A_1049 : i32 to vector<16xi32>
        %mul3A_1051 = arith.muli %convert_element_type3A_1048, %mul3A_1050 : vector<16xi32>
        %mul3A_1052 = arith.constant 104 : i32
        %mul3A_1053 = vector.broadcast %mul3A_1052 : i32 to vector<16xi32>
        %mul3A_1054 = arith.muli %convert_element_type3A_1046, %mul3A_1053 : vector<16xi32>
        %add3A_1055 = arith.addi %mul3A_1051, %mul3A_1054 : vector<16xi32>
        %add3A_1056 = arith.addi %add3A_1055, %convert_element_type3A_1047 : vector<16xi32>
        %jit3A_1057 = arith.constant 1085952 : i32
        %broadcast_in_dim3A_1058 = vector.broadcast %jit3A_1057 : i32 to vector<16xi32>
        %select_n3A_1059 = arith.select %and3A_1045, %add3A_1056, %broadcast_in_dim3A_1058 : vector<16xi1>, vector<16xi32>
        %swap3A_1060 = arith.constant 48 : index
        %swap3A_1061 = tpu.vector_load %arg13[%swap3A_1060] {strides = array<i32>} : memref<128xi32, #tpu.memory_space<vmem>>, vector<16xi32>,
        tpu.vector_store %arg13[%swap3A_1060], %select_n3A_1059 {strides = array<i32>} : memref<128xi32, #tpu.memory_space<vmem>>, vector<16xi32>,
        %mul3A_1062 = arith.constant 3 : i32
        %mul3A_1063 = vector.broadcast %mul3A_1062 : i32 to vector<16xi32>
        %mul3A_1064 = arith.muli %iota3A, %mul3A_1063 : vector<16xi32>
        %add3A_1065 = arith.constant 576 : i32
        %add3A_1066 = vector.broadcast %add3A_1065 : i32 to vector<16xi32>
        %add3A_1067 = arith.addi %add3A_1066, %mul3A_1064 : vector<16xi32>
        %gather3A_1068 = tpu.vector_load_idx %arg11[%add3A_1067] : memref<1536xf32, #tpu.memory_space<vmem>>[vector<16xi32>], vector<16xf32>,
        %mul3A_1069 = arith.constant 3 : i32
        %mul3A_1070 = vector.broadcast %mul3A_1069 : i32 to vector<16xi32>
        %mul3A_1071 = arith.muli %iota3A, %mul3A_1070 : vector<16xi32>
        %add3A_1072 = arith.constant 576 : i32
        %add3A_1073 = vector.broadcast %add3A_1072 : i32 to vector<16xi32>
        %add3A_1074 = arith.addi %add3A_1073, %mul3A_1071 : vector<16xi32>
        %add3A_1075 = arith.constant 1 : i32
        %add3A_1076 = vector.broadcast %add3A_1075 : i32 to vector<16xi32>
        %add3A_1077 = arith.addi %add3A_1074, %add3A_1076 : vector<16xi32>
        %gather3A_1078 = tpu.vector_load_idx %arg11[%add3A_1077] : memref<1536xf32, #tpu.memory_space<vmem>>[vector<16xi32>], vector<16xf32>,
        %mul3A_1079 = arith.constant 3 : i32
        %mul3A_1080 = vector.broadcast %mul3A_1079 : i32 to vector<16xi32>
        %mul3A_1081 = arith.muli %iota3A, %mul3A_1080 : vector<16xi32>
        %add3A_1082 = arith.constant 576 : i32
        %add3A_1083 = vector.broadcast %add3A_1082 : i32 to vector<16xi32>
        %add3A_1084 = arith.addi %add3A_1083, %mul3A_1081 : vector<16xi32>
        %add3A_1085 = arith.constant 2 : i32
        %add3A_1086 = vector.broadcast %add3A_1085 : i32 to vector<16xi32>
        %add3A_1087 = arith.addi %add3A_1084, %add3A_1086 : vector<16xi32>
        %gather3A_1088 = tpu.vector_load_idx %arg11[%add3A_1087] : memref<1536xf32, #tpu.memory_space<vmem>>[vector<16xi32>], vector<16xf32>,
        %sub3A_1089 = arith.subf %gather3A_1068, %get3A_128 : vector<16xf32>
        %sub3A_1090 = arith.subf %gather3A_1078, %get3A_132 : vector<16xf32>
        %sub3A_1091 = arith.subf %gather3A_1088, %get3A_136 : vector<16xf32>
        %ge3A_1092 = arith.constant 0.000000e+00 : f32
        %ge3A_1093 = vector.broadcast %ge3A_1092 : f32 to vector<16xf32>
        %ge3A_1094 = arith.cmpf oge, %sub3A_1089, %ge3A_1093 : vector<16xf32>
        %lt3A_1095 = arith.cmpf olt, %sub3A_1089, %get3A_140 : vector<16xf32>
        %and3A_1096 = arith.andi %ge3A_1094, %lt3A_1095 : vector<16xi1>
        %ge3A_1097 = arith.constant 0.000000e+00 : f32
        %ge3A_1098 = vector.broadcast %ge3A_1097 : f32 to vector<16xf32>
        %ge3A_1099 = arith.cmpf oge, %sub3A_1090, %ge3A_1098 : vector<16xf32>
        %and3A_1100 = arith.andi %and3A_1096, %ge3A_1099 : vector<16xi1>
        %lt3A_1101 = arith.cmpf olt, %sub3A_1090, %get3A_144 : vector<16xf32>
        %and3A_1102 = arith.andi %and3A_1100, %lt3A_1101 : vector<16xi1>
        %ge3A_1103 = arith.constant 0.000000e+00 : f32
        %ge3A_1104 = vector.broadcast %ge3A_1103 : f32 to vector<16xf32>
        %ge3A_1105 = arith.cmpf oge, %sub3A_1091, %ge3A_1104 : vector<16xf32>
        %and3A_1106 = arith.andi %and3A_1102, %ge3A_1105 : vector<16xi1>
        %lt3A_1107 = arith.cmpf olt, %sub3A_1091, %get3A_148 : vector<16xf32>
        %and3A_1108 = arith.andi %and3A_1106, %lt3A_1107 : vector<16xi1>
        %convert_element_type3A_1109 = arith.fptosi %sub3A_1089 : vector<16xf32> to vector<16xi32>
        %convert_element_type3A_1110 = arith.fptosi %sub3A_1090 : vector<16xf32> to vector<16xi32>
        %convert_element_type3A_1111 = arith.fptosi %sub3A_1091 : vector<16xf32> to vector<16xi32>
        %mul3A_1112 = arith.constant 10752 : i32
        %mul3A_1113 = vector.broadcast %mul3A_1112 : i32 to vector<16xi32>
        %mul3A_1114 = arith.muli %convert_element_type3A_1111, %mul3A_1113 : vector<16xi32>
        %mul3A_1115 = arith.constant 104 : i32
        %mul3A_1116 = vector.broadcast %mul3A_1115 : i32 to vector<16xi32>
        %mul3A_1117 = arith.muli %convert_element_type3A_1109, %mul3A_1116 : vector<16xi32>
        %add3A_1118 = arith.addi %mul3A_1114, %mul3A_1117 : vector<16xi32>
        %add3A_1119 = arith.addi %add3A_1118, %convert_element_type3A_1110 : vector<16xi32>
        %jit3A_1120 = arith.constant 1085952 : i32
        %broadcast_in_dim3A_1121 = vector.broadcast %jit3A_1120 : i32 to vector<16xi32>
        %select_n3A_1122 = arith.select %and3A_1108, %add3A_1119, %broadcast_in_dim3A_1121 : vector<16xi1>, vector<16xi32>
        %swap3A_1123 = arith.constant 64 : index
        %swap3A_1124 = tpu.vector_load %arg13[%swap3A_1123] {strides = array<i32>} : memref<128xi32, #tpu.memory_space<vmem>>, vector<16xi32>,
        tpu.vector_store %arg13[%swap3A_1123], %select_n3A_1122 {strides = array<i32>} : memref<128xi32, #tpu.memory_space<vmem>>, vector<16xi32>,
        %mul3A_1125 = arith.constant 3 : i32
        %mul3A_1126 = vector.broadcast %mul3A_1125 : i32 to vector<16xi32>
        %mul3A_1127 = arith.muli %iota3A, %mul3A_1126 : vector<16xi32>
        %add3A_1128 = arith.constant 624 : i32
        %add3A_1129 = vector.broadcast %add3A_1128 : i32 to vector<16xi32>
        %add3A_1130 = arith.addi %add3A_1129, %mul3A_1127 : vector<16xi32>
        %gather3A_1131 = tpu.vector_load_idx %arg11[%add3A_1130] : memref<1536xf32, #tpu.memory_space<vmem>>[vector<16xi32>], vector<16xf32>,
        %mul3A_1132 = arith.constant 3 : i32
        %mul3A_1133 = vector.broadcast %mul3A_1132 : i32 to vector<16xi32>
        %mul3A_1134 = arith.muli %iota3A, %mul3A_1133 : vector<16xi32>
        %add3A_1135 = arith.constant 624 : i32
        %add3A_1136 = vector.broadcast %add3A_1135 : i32 to vector<16xi32>
        %add3A_1137 = arith.addi %add3A_1136, %mul3A_1134 : vector<16xi32>
        %add3A_1138 = arith.constant 1 : i32
        %add3A_1139 = vector.broadcast %add3A_1138 : i32 to vector<16xi32>
        %add3A_1140 = arith.addi %add3A_1137, %add3A_1139 : vector<16xi32>
        %gather3A_1141 = tpu.vector_load_idx %arg11[%add3A_1140] : memref<1536xf32, #tpu.memory_space<vmem>>[vector<16xi32>], vector<16xf32>,
        %mul3A_1142 = arith.constant 3 : i32
        %mul3A_1143 = vector.broadcast %mul3A_1142 : i32 to vector<16xi32>
        %mul3A_1144 = arith.muli %iota3A, %mul3A_1143 : vector<16xi32>
        %add3A_1145 = arith.constant 624 : i32
        %add3A_1146 = vector.broadcast %add3A_1145 : i32 to vector<16xi32>
        %add3A_1147 = arith.addi %add3A_1146, %mul3A_1144 : vector<16xi32>
        %add3A_1148 = arith.constant 2 : i32
        %add3A_1149 = vector.broadcast %add3A_1148 : i32 to vector<16xi32>
        %add3A_1150 = arith.addi %add3A_1147, %add3A_1149 : vector<16xi32>
        %gather3A_1151 = tpu.vector_load_idx %arg11[%add3A_1150] : memref<1536xf32, #tpu.memory_space<vmem>>[vector<16xi32>], vector<16xf32>,
        %sub3A_1152 = arith.subf %gather3A_1131, %get3A_128 : vector<16xf32>
        %sub3A_1153 = arith.subf %gather3A_1141, %get3A_132 : vector<16xf32>
        %sub3A_1154 = arith.subf %gather3A_1151, %get3A_136 : vector<16xf32>
        %ge3A_1155 = arith.constant 0.000000e+00 : f32
        %ge3A_1156 = vector.broadcast %ge3A_1155 : f32 to vector<16xf32>
        %ge3A_1157 = arith.cmpf oge, %sub3A_1152, %ge3A_1156 : vector<16xf32>
        %lt3A_1158 = arith.cmpf olt, %sub3A_1152, %get3A_140 : vector<16xf32>
        %and3A_1159 = arith.andi %ge3A_1157, %lt3A_1158 : vector<16xi1>
        %ge3A_1160 = arith.constant 0.000000e+00 : f32
        %ge3A_1161 = vector.broadcast %ge3A_1160 : f32 to vector<16xf32>
        %ge3A_1162 = arith.cmpf oge, %sub3A_1153, %ge3A_1161 : vector<16xf32>
        %and3A_1163 = arith.andi %and3A_1159, %ge3A_1162 : vector<16xi1>
        %lt3A_1164 = arith.cmpf olt, %sub3A_1153, %get3A_144 : vector<16xf32>
        %and3A_1165 = arith.andi %and3A_1163, %lt3A_1164 : vector<16xi1>
        %ge3A_1166 = arith.constant 0.000000e+00 : f32
        %ge3A_1167 = vector.broadcast %ge3A_1166 : f32 to vector<16xf32>
        %ge3A_1168 = arith.cmpf oge, %sub3A_1154, %ge3A_1167 : vector<16xf32>
        %and3A_1169 = arith.andi %and3A_1165, %ge3A_1168 : vector<16xi1>
        %lt3A_1170 = arith.cmpf olt, %sub3A_1154, %get3A_148 : vector<16xf32>
        %and3A_1171 = arith.andi %and3A_1169, %lt3A_1170 : vector<16xi1>
        %convert_element_type3A_1172 = arith.fptosi %sub3A_1152 : vector<16xf32> to vector<16xi32>
        %convert_element_type3A_1173 = arith.fptosi %sub3A_1153 : vector<16xf32> to vector<16xi32>
        %convert_element_type3A_1174 = arith.fptosi %sub3A_1154 : vector<16xf32> to vector<16xi32>
        %mul3A_1175 = arith.constant 10752 : i32
        %mul3A_1176 = vector.broadcast %mul3A_1175 : i32 to vector<16xi32>
        %mul3A_1177 = arith.muli %convert_element_type3A_1174, %mul3A_1176 : vector<16xi32>
        %mul3A_1178 = arith.constant 104 : i32
        %mul3A_1179 = vector.broadcast %mul3A_1178 : i32 to vector<16xi32>
        %mul3A_1180 = arith.muli %convert_element_type3A_1172, %mul3A_1179 : vector<16xi32>
        %add3A_1181 = arith.addi %mul3A_1177, %mul3A_1180 : vector<16xi32>
        %add3A_1182 = arith.addi %add3A_1181, %convert_element_type3A_1173 : vector<16xi32>
        %jit3A_1183 = arith.constant 1085952 : i32
        %broadcast_in_dim3A_1184 = vector.broadcast %jit3A_1183 : i32 to vector<16xi32>
        %select_n3A_1185 = arith.select %and3A_1171, %add3A_1182, %broadcast_in_dim3A_1184 : vector<16xi1>, vector<16xi32>
        %swap3A_1186 = arith.constant 80 : index
        %swap3A_1187 = tpu.vector_load %arg13[%swap3A_1186] {strides = array<i32>} : memref<128xi32, #tpu.memory_space<vmem>>, vector<16xi32>,
        tpu.vector_store %arg13[%swap3A_1186], %select_n3A_1185 {strides = array<i32>} : memref<128xi32, #tpu.memory_space<vmem>>, vector<16xi32>,
        %mul3A_1188 = arith.constant 3 : i32
        %mul3A_1189 = vector.broadcast %mul3A_1188 : i32 to vector<16xi32>
        %mul3A_1190 = arith.muli %iota3A, %mul3A_1189 : vector<16xi32>
        %add3A_1191 = arith.constant 672 : i32
        %add3A_1192 = vector.broadcast %add3A_1191 : i32 to vector<16xi32>
        %add3A_1193 = arith.addi %add3A_1192, %mul3A_1190 : vector<16xi32>
        %gather3A_1194 = tpu.vector_load_idx %arg11[%add3A_1193] : memref<1536xf32, #tpu.memory_space<vmem>>[vector<16xi32>], vector<16xf32>,
        %mul3A_1195 = arith.constant 3 : i32
        %mul3A_1196 = vector.broadcast %mul3A_1195 : i32 to vector<16xi32>
        %mul3A_1197 = arith.muli %iota3A, %mul3A_1196 : vector<16xi32>
        %add3A_1198 = arith.constant 672 : i32
        %add3A_1199 = vector.broadcast %add3A_1198 : i32 to vector<16xi32>
        %add3A_1200 = arith.addi %add3A_1199, %mul3A_1197 : vector<16xi32>
        %add3A_1201 = arith.constant 1 : i32
        %add3A_1202 = vector.broadcast %add3A_1201 : i32 to vector<16xi32>
        %add3A_1203 = arith.addi %add3A_1200, %add3A_1202 : vector<16xi32>
        %gather3A_1204 = tpu.vector_load_idx %arg11[%add3A_1203] : memref<1536xf32, #tpu.memory_space<vmem>>[vector<16xi32>], vector<16xf32>,
        %mul3A_1205 = arith.constant 3 : i32
        %mul3A_1206 = vector.broadcast %mul3A_1205 : i32 to vector<16xi32>
        %mul3A_1207 = arith.muli %iota3A, %mul3A_1206 : vector<16xi32>
        %add3A_1208 = arith.constant 672 : i32
        %add3A_1209 = vector.broadcast %add3A_1208 : i32 to vector<16xi32>
        %add3A_1210 = arith.addi %add3A_1209, %mul3A_1207 : vector<16xi32>
        %add3A_1211 = arith.constant 2 : i32
        %add3A_1212 = vector.broadcast %add3A_1211 : i32 to vector<16xi32>
        %add3A_1213 = arith.addi %add3A_1210, %add3A_1212 : vector<16xi32>
        %gather3A_1214 = tpu.vector_load_idx %arg11[%add3A_1213] : memref<1536xf32, #tpu.memory_space<vmem>>[vector<16xi32>], vector<16xf32>,
        %sub3A_1215 = arith.subf %gather3A_1194, %get3A_128 : vector<16xf32>
        %sub3A_1216 = arith.subf %gather3A_1204, %get3A_132 : vector<16xf32>
        %sub3A_1217 = arith.subf %gather3A_1214, %get3A_136 : vector<16xf32>
        %ge3A_1218 = arith.constant 0.000000e+00 : f32
        %ge3A_1219 = vector.broadcast %ge3A_1218 : f32 to vector<16xf32>
        %ge3A_1220 = arith.cmpf oge, %sub3A_1215, %ge3A_1219 : vector<16xf32>
        %lt3A_1221 = arith.cmpf olt, %sub3A_1215, %get3A_140 : vector<16xf32>
        %and3A_1222 = arith.andi %ge3A_1220, %lt3A_1221 : vector<16xi1>
        %ge3A_1223 = arith.constant 0.000000e+00 : f32
        %ge3A_1224 = vector.broadcast %ge3A_1223 : f32 to vector<16xf32>
        %ge3A_1225 = arith.cmpf oge, %sub3A_1216, %ge3A_1224 : vector<16xf32>
        %and3A_1226 = arith.andi %and3A_1222, %ge3A_1225 : vector<16xi1>
        %lt3A_1227 = arith.cmpf olt, %sub3A_1216, %get3A_144 : vector<16xf32>
        %and3A_1228 = arith.andi %and3A_1226, %lt3A_1227 : vector<16xi1>
        %ge3A_1229 = arith.constant 0.000000e+00 : f32
        %ge3A_1230 = vector.broadcast %ge3A_1229 : f32 to vector<16xf32>
        %ge3A_1231 = arith.cmpf oge, %sub3A_1217, %ge3A_1230 : vector<16xf32>
        %and3A_1232 = arith.andi %and3A_1228, %ge3A_1231 : vector<16xi1>
        %lt3A_1233 = arith.cmpf olt, %sub3A_1217, %get3A_148 : vector<16xf32>
        %and3A_1234 = arith.andi %and3A_1232, %lt3A_1233 : vector<16xi1>
        %convert_element_type3A_1235 = arith.fptosi %sub3A_1215 : vector<16xf32> to vector<16xi32>
        %convert_element_type3A_1236 = arith.fptosi %sub3A_1216 : vector<16xf32> to vector<16xi32>
        %convert_element_type3A_1237 = arith.fptosi %sub3A_1217 : vector<16xf32> to vector<16xi32>
        %mul3A_1238 = arith.constant 10752 : i32
        %mul3A_1239 = vector.broadcast %mul3A_1238 : i32 to vector<16xi32>
        %mul3A_1240 = arith.muli %convert_element_type3A_1237, %mul3A_1239 : vector<16xi32>
        %mul3A_1241 = arith.constant 104 : i32
        %mul3A_1242 = vector.broadcast %mul3A_1241 : i32 to vector<16xi32>
        %mul3A_1243 = arith.muli %convert_element_type3A_1235, %mul3A_1242 : vector<16xi32>
        %add3A_1244 = arith.addi %mul3A_1240, %mul3A_1243 : vector<16xi32>
        %add3A_1245 = arith.addi %add3A_1244, %convert_element_type3A_1236 : vector<16xi32>
        %jit3A_1246 = arith.constant 1085952 : i32
        %broadcast_in_dim3A_1247 = vector.broadcast %jit3A_1246 : i32 to vector<16xi32>
        %select_n3A_1248 = arith.select %and3A_1234, %add3A_1245, %broadcast_in_dim3A_1247 : vector<16xi1>, vector<16xi32>
        %swap3A_1249 = arith.constant 96 : index
        %swap3A_1250 = tpu.vector_load %arg13[%swap3A_1249] {strides = array<i32>} : memref<128xi32, #tpu.memory_space<vmem>>, vector<16xi32>,
        tpu.vector_store %arg13[%swap3A_1249], %select_n3A_1248 {strides = array<i32>} : memref<128xi32, #tpu.memory_space<vmem>>, vector<16xi32>,
        %mul3A_1251 = arith.constant 3 : i32
        %mul3A_1252 = vector.broadcast %mul3A_1251 : i32 to vector<16xi32>
        %mul3A_1253 = arith.muli %iota3A, %mul3A_1252 : vector<16xi32>
        %add3A_1254 = arith.constant 720 : i32
        %add3A_1255 = vector.broadcast %add3A_1254 : i32 to vector<16xi32>
        %add3A_1256 = arith.addi %add3A_1255, %mul3A_1253 : vector<16xi32>
        %gather3A_1257 = tpu.vector_load_idx %arg11[%add3A_1256] : memref<1536xf32, #tpu.memory_space<vmem>>[vector<16xi32>], vector<16xf32>,
        %mul3A_1258 = arith.constant 3 : i32
        %mul3A_1259 = vector.broadcast %mul3A_1258 : i32 to vector<16xi32>
        %mul3A_1260 = arith.muli %iota3A, %mul3A_1259 : vector<16xi32>
        %add3A_1261 = arith.constant 720 : i32
        %add3A_1262 = vector.broadcast %add3A_1261 : i32 to vector<16xi32>
        %add3A_1263 = arith.addi %add3A_1262, %mul3A_1260 : vector<16xi32>
        %add3A_1264 = arith.constant 1 : i32
        %add3A_1265 = vector.broadcast %add3A_1264 : i32 to vector<16xi32>
        %add3A_1266 = arith.addi %add3A_1263, %add3A_1265 : vector<16xi32>
        %gather3A_1267 = tpu.vector_load_idx %arg11[%add3A_1266] : memref<1536xf32, #tpu.memory_space<vmem>>[vector<16xi32>], vector<16xf32>,
        %mul3A_1268 = arith.constant 3 : i32
        %mul3A_1269 = vector.broadcast %mul3A_1268 : i32 to vector<16xi32>
        %mul3A_1270 = arith.muli %iota3A, %mul3A_1269 : vector<16xi32>
        %add3A_1271 = arith.constant 720 : i32
        %add3A_1272 = vector.broadcast %add3A_1271 : i32 to vector<16xi32>
        %add3A_1273 = arith.addi %add3A_1272, %mul3A_1270 : vector<16xi32>
        %add3A_1274 = arith.constant 2 : i32
        %add3A_1275 = vector.broadcast %add3A_1274 : i32 to vector<16xi32>
        %add3A_1276 = arith.addi %add3A_1273, %add3A_1275 : vector<16xi32>
        %gather3A_1277 = tpu.vector_load_idx %arg11[%add3A_1276] : memref<1536xf32, #tpu.memory_space<vmem>>[vector<16xi32>], vector<16xf32>,
        %sub3A_1278 = arith.subf %gather3A_1257, %get3A_128 : vector<16xf32>
        %sub3A_1279 = arith.subf %gather3A_1267, %get3A_132 : vector<16xf32>
        %sub3A_1280 = arith.subf %gather3A_1277, %get3A_136 : vector<16xf32>
        %ge3A_1281 = arith.constant 0.000000e+00 : f32
        %ge3A_1282 = vector.broadcast %ge3A_1281 : f32 to vector<16xf32>
        %ge3A_1283 = arith.cmpf oge, %sub3A_1278, %ge3A_1282 : vector<16xf32>
        %lt3A_1284 = arith.cmpf olt, %sub3A_1278, %get3A_140 : vector<16xf32>
        %and3A_1285 = arith.andi %ge3A_1283, %lt3A_1284 : vector<16xi1>
        %ge3A_1286 = arith.constant 0.000000e+00 : f32
        %ge3A_1287 = vector.broadcast %ge3A_1286 : f32 to vector<16xf32>
        %ge3A_1288 = arith.cmpf oge, %sub3A_1279, %ge3A_1287 : vector<16xf32>
        %and3A_1289 = arith.andi %and3A_1285, %ge3A_1288 : vector<16xi1>
        %lt3A_1290 = arith.cmpf olt, %sub3A_1279, %get3A_144 : vector<16xf32>
        %and3A_1291 = arith.andi %and3A_1289, %lt3A_1290 : vector<16xi1>
        %ge3A_1292 = arith.constant 0.000000e+00 : f32
        %ge3A_1293 = vector.broadcast %ge3A_1292 : f32 to vector<16xf32>
        %ge3A_1294 = arith.cmpf oge, %sub3A_1280, %ge3A_1293 : vector<16xf32>
        %and3A_1295 = arith.andi %and3A_1291, %ge3A_1294 : vector<16xi1>
        %lt3A_1296 = arith.cmpf olt, %sub3A_1280, %get3A_148 : vector<16xf32>
        %and3A_1297 = arith.andi %and3A_1295, %lt3A_1296 : vector<16xi1>
        %convert_element_type3A_1298 = arith.fptosi %sub3A_1278 : vector<16xf32> to vector<16xi32>
        %convert_element_type3A_1299 = arith.fptosi %sub3A_1279 : vector<16xf32> to vector<16xi32>
        %convert_element_type3A_1300 = arith.fptosi %sub3A_1280 : vector<16xf32> to vector<16xi32>
        %mul3A_1301 = arith.constant 10752 : i32
        %mul3A_1302 = vector.broadcast %mul3A_1301 : i32 to vector<16xi32>
        %mul3A_1303 = arith.muli %convert_element_type3A_1300, %mul3A_1302 : vector<16xi32>
        %mul3A_1304 = arith.constant 104 : i32
        %mul3A_1305 = vector.broadcast %mul3A_1304 : i32 to vector<16xi32>
        %mul3A_1306 = arith.muli %convert_element_type3A_1298, %mul3A_1305 : vector<16xi32>
        %add3A_1307 = arith.addi %mul3A_1303, %mul3A_1306 : vector<16xi32>
        %add3A_1308 = arith.addi %add3A_1307, %convert_element_type3A_1299 : vector<16xi32>
        %jit3A_1309 = arith.constant 1085952 : i32
        %broadcast_in_dim3A_1310 = vector.broadcast %jit3A_1309 : i32 to vector<16xi32>
        %select_n3A_1311 = arith.select %and3A_1297, %add3A_1308, %broadcast_in_dim3A_1310 : vector<16xi1>, vector<16xi32>
        %swap3A_1312 = arith.constant 112 : index
        %swap3A_1313 = tpu.vector_load %arg13[%swap3A_1312] {strides = array<i32>} : memref<128xi32, #tpu.memory_space<vmem>>, vector<16xi32>,
        tpu.vector_store %arg13[%swap3A_1312], %select_n3A_1311 {strides = array<i32>} : memref<128xi32, #tpu.memory_space<vmem>>, vector<16xi32>,
        %dma_start3A_1314 = arith.constant 0 : i32
        %dma_start3A_1315 = tpu.memref_slice %arg20[%dma_start3A_1314] : memref<1086080xf32, #tpu.memory_space<vmem_shared>> -> memref<1086080xf32, #tpu.memory_space<vmem_shared>>
        tpu.enqueue_indirect_dma source(%arg10 : memref<128xf32, #tpu.memory_space<vmem>>) target(%dma_start3A_1315 : memref<1086080xf32, #tpu.memory_space<vmem_shared>>) offsets(%arg13 : memref<128xi32, #tpu.memory_space<vmem>>) semaphore(%arg19 : memref<!tpu.dma_semaphore, #tpu.memory_space<semaphore_mem>>)
        %mul3A_1316 = arith.constant 3 : i32
        %mul3A_1317 = vector.broadcast %mul3A_1316 : i32 to vector<16xi32>
        %mul3A_1318 = arith.muli %iota3A, %mul3A_1317 : vector<16xi32>
        %add3A_1319 = arith.constant 768 : i32
        %add3A_1320 = vector.broadcast %add3A_1319 : i32 to vector<16xi32>
        %add3A_1321 = arith.addi %add3A_1320, %mul3A_1318 : vector<16xi32>
        %gather3A_1322 = tpu.vector_load_idx %arg11[%add3A_1321] : memref<1536xf32, #tpu.memory_space<vmem>>[vector<16xi32>], vector<16xf32>,
        %mul3A_1323 = arith.constant 3 : i32
        %mul3A_1324 = vector.broadcast %mul3A_1323 : i32 to vector<16xi32>
        %mul3A_1325 = arith.muli %iota3A, %mul3A_1324 : vector<16xi32>
        %add3A_1326 = arith.constant 768 : i32
        %add3A_1327 = vector.broadcast %add3A_1326 : i32 to vector<16xi32>
        %add3A_1328 = arith.addi %add3A_1327, %mul3A_1325 : vector<16xi32>
        %add3A_1329 = arith.constant 1 : i32
        %add3A_1330 = vector.broadcast %add3A_1329 : i32 to vector<16xi32>
        %add3A_1331 = arith.addi %add3A_1328, %add3A_1330 : vector<16xi32>
        %gather3A_1332 = tpu.vector_load_idx %arg11[%add3A_1331] : memref<1536xf32, #tpu.memory_space<vmem>>[vector<16xi32>], vector<16xf32>,
        %mul3A_1333 = arith.constant 3 : i32
        %mul3A_1334 = vector.broadcast %mul3A_1333 : i32 to vector<16xi32>
        %mul3A_1335 = arith.muli %iota3A, %mul3A_1334 : vector<16xi32>
        %add3A_1336 = arith.constant 768 : i32
        %add3A_1337 = vector.broadcast %add3A_1336 : i32 to vector<16xi32>
        %add3A_1338 = arith.addi %add3A_1337, %mul3A_1335 : vector<16xi32>
        %add3A_1339 = arith.constant 2 : i32
        %add3A_1340 = vector.broadcast %add3A_1339 : i32 to vector<16xi32>
        %add3A_1341 = arith.addi %add3A_1338, %add3A_1340 : vector<16xi32>
        %gather3A_1342 = tpu.vector_load_idx %arg11[%add3A_1341] : memref<1536xf32, #tpu.memory_space<vmem>>[vector<16xi32>], vector<16xf32>,
        %sub3A_1343 = arith.subf %gather3A_1322, %get3A_128 : vector<16xf32>
        %sub3A_1344 = arith.subf %gather3A_1332, %get3A_132 : vector<16xf32>
        %sub3A_1345 = arith.subf %gather3A_1342, %get3A_136 : vector<16xf32>
        %ge3A_1346 = arith.constant 0.000000e+00 : f32
        %ge3A_1347 = vector.broadcast %ge3A_1346 : f32 to vector<16xf32>
        %ge3A_1348 = arith.cmpf oge, %sub3A_1343, %ge3A_1347 : vector<16xf32>
        %lt3A_1349 = arith.cmpf olt, %sub3A_1343, %get3A_140 : vector<16xf32>
        %and3A_1350 = arith.andi %ge3A_1348, %lt3A_1349 : vector<16xi1>
        %ge3A_1351 = arith.constant 0.000000e+00 : f32
        %ge3A_1352 = vector.broadcast %ge3A_1351 : f32 to vector<16xf32>
        %ge3A_1353 = arith.cmpf oge, %sub3A_1344, %ge3A_1352 : vector<16xf32>
        %and3A_1354 = arith.andi %and3A_1350, %ge3A_1353 : vector<16xi1>
        %lt3A_1355 = arith.cmpf olt, %sub3A_1344, %get3A_144 : vector<16xf32>
        %and3A_1356 = arith.andi %and3A_1354, %lt3A_1355 : vector<16xi1>
        %ge3A_1357 = arith.constant 0.000000e+00 : f32
        %ge3A_1358 = vector.broadcast %ge3A_1357 : f32 to vector<16xf32>
        %ge3A_1359 = arith.cmpf oge, %sub3A_1345, %ge3A_1358 : vector<16xf32>
        %and3A_1360 = arith.andi %and3A_1356, %ge3A_1359 : vector<16xi1>
        %lt3A_1361 = arith.cmpf olt, %sub3A_1345, %get3A_148 : vector<16xf32>
        %and3A_1362 = arith.andi %and3A_1360, %lt3A_1361 : vector<16xi1>
        %convert_element_type3A_1363 = arith.fptosi %sub3A_1343 : vector<16xf32> to vector<16xi32>
        %convert_element_type3A_1364 = arith.fptosi %sub3A_1344 : vector<16xf32> to vector<16xi32>
        %convert_element_type3A_1365 = arith.fptosi %sub3A_1345 : vector<16xf32> to vector<16xi32>
        %mul3A_1366 = arith.constant 10752 : i32
        %mul3A_1367 = vector.broadcast %mul3A_1366 : i32 to vector<16xi32>
        %mul3A_1368 = arith.muli %convert_element_type3A_1365, %mul3A_1367 : vector<16xi32>
        %mul3A_1369 = arith.constant 104 : i32
        %mul3A_1370 = vector.broadcast %mul3A_1369 : i32 to vector<16xi32>
        %mul3A_1371 = arith.muli %convert_element_type3A_1363, %mul3A_1370 : vector<16xi32>
        %add3A_1372 = arith.addi %mul3A_1368, %mul3A_1371 : vector<16xi32>
        %add3A_1373 = arith.addi %add3A_1372, %convert_element_type3A_1364 : vector<16xi32>
        %jit3A_1374 = arith.constant 1085952 : i32
        %broadcast_in_dim3A_1375 = vector.broadcast %jit3A_1374 : i32 to vector<16xi32>
        %select_n3A_1376 = arith.select %and3A_1362, %add3A_1373, %broadcast_in_dim3A_1375 : vector<16xi1>, vector<16xi32>
        %swap3A_1377 = arith.constant 0 : index
        %swap3A_1378 = tpu.vector_load %arg14[%swap3A_1377] {strides = array<i32>} : memref<128xi32, #tpu.memory_space<vmem>>, vector<16xi32>,
        tpu.vector_store %arg14[%swap3A_1377], %select_n3A_1376 {strides = array<i32>} : memref<128xi32, #tpu.memory_space<vmem>>, vector<16xi32>,
        %mul3A_1379 = arith.constant 3 : i32
        %mul3A_1380 = vector.broadcast %mul3A_1379 : i32 to vector<16xi32>
        %mul3A_1381 = arith.muli %iota3A, %mul3A_1380 : vector<16xi32>
        %add3A_1382 = arith.constant 816 : i32
        %add3A_1383 = vector.broadcast %add3A_1382 : i32 to vector<16xi32>
        %add3A_1384 = arith.addi %add3A_1383, %mul3A_1381 : vector<16xi32>
        %gather3A_1385 = tpu.vector_load_idx %arg11[%add3A_1384] : memref<1536xf32, #tpu.memory_space<vmem>>[vector<16xi32>], vector<16xf32>,
        %mul3A_1386 = arith.constant 3 : i32
        %mul3A_1387 = vector.broadcast %mul3A_1386 : i32 to vector<16xi32>
        %mul3A_1388 = arith.muli %iota3A, %mul3A_1387 : vector<16xi32>
        %add3A_1389 = arith.constant 816 : i32
        %add3A_1390 = vector.broadcast %add3A_1389 : i32 to vector<16xi32>
        %add3A_1391 = arith.addi %add3A_1390, %mul3A_1388 : vector<16xi32>
        %add3A_1392 = arith.constant 1 : i32
        %add3A_1393 = vector.broadcast %add3A_1392 : i32 to vector<16xi32>
        %add3A_1394 = arith.addi %add3A_1391, %add3A_1393 : vector<16xi32>
        %gather3A_1395 = tpu.vector_load_idx %arg11[%add3A_1394] : memref<1536xf32, #tpu.memory_space<vmem>>[vector<16xi32>], vector<16xf32>,
        %mul3A_1396 = arith.constant 3 : i32
        %mul3A_1397 = vector.broadcast %mul3A_1396 : i32 to vector<16xi32>
        %mul3A_1398 = arith.muli %iota3A, %mul3A_1397 : vector<16xi32>
        %add3A_1399 = arith.constant 816 : i32
        %add3A_1400 = vector.broadcast %add3A_1399 : i32 to vector<16xi32>
        %add3A_1401 = arith.addi %add3A_1400, %mul3A_1398 : vector<16xi32>
        %add3A_1402 = arith.constant 2 : i32
        %add3A_1403 = vector.broadcast %add3A_1402 : i32 to vector<16xi32>
        %add3A_1404 = arith.addi %add3A_1401, %add3A_1403 : vector<16xi32>
        %gather3A_1405 = tpu.vector_load_idx %arg11[%add3A_1404] : memref<1536xf32, #tpu.memory_space<vmem>>[vector<16xi32>], vector<16xf32>,
        %sub3A_1406 = arith.subf %gather3A_1385, %get3A_128 : vector<16xf32>
        %sub3A_1407 = arith.subf %gather3A_1395, %get3A_132 : vector<16xf32>
        %sub3A_1408 = arith.subf %gather3A_1405, %get3A_136 : vector<16xf32>
        %ge3A_1409 = arith.constant 0.000000e+00 : f32
        %ge3A_1410 = vector.broadcast %ge3A_1409 : f32 to vector<16xf32>
        %ge3A_1411 = arith.cmpf oge, %sub3A_1406, %ge3A_1410 : vector<16xf32>
        %lt3A_1412 = arith.cmpf olt, %sub3A_1406, %get3A_140 : vector<16xf32>
        %and3A_1413 = arith.andi %ge3A_1411, %lt3A_1412 : vector<16xi1>
        %ge3A_1414 = arith.constant 0.000000e+00 : f32
        %ge3A_1415 = vector.broadcast %ge3A_1414 : f32 to vector<16xf32>
        %ge3A_1416 = arith.cmpf oge, %sub3A_1407, %ge3A_1415 : vector<16xf32>
        %and3A_1417 = arith.andi %and3A_1413, %ge3A_1416 : vector<16xi1>
        %lt3A_1418 = arith.cmpf olt, %sub3A_1407, %get3A_144 : vector<16xf32>
        %and3A_1419 = arith.andi %and3A_1417, %lt3A_1418 : vector<16xi1>
        %ge3A_1420 = arith.constant 0.000000e+00 : f32
        %ge3A_1421 = vector.broadcast %ge3A_1420 : f32 to vector<16xf32>
        %ge3A_1422 = arith.cmpf oge, %sub3A_1408, %ge3A_1421 : vector<16xf32>
        %and3A_1423 = arith.andi %and3A_1419, %ge3A_1422 : vector<16xi1>
        %lt3A_1424 = arith.cmpf olt, %sub3A_1408, %get3A_148 : vector<16xf32>
        %and3A_1425 = arith.andi %and3A_1423, %lt3A_1424 : vector<16xi1>
        %convert_element_type3A_1426 = arith.fptosi %sub3A_1406 : vector<16xf32> to vector<16xi32>
        %convert_element_type3A_1427 = arith.fptosi %sub3A_1407 : vector<16xf32> to vector<16xi32>
        %convert_element_type3A_1428 = arith.fptosi %sub3A_1408 : vector<16xf32> to vector<16xi32>
        %mul3A_1429 = arith.constant 10752 : i32
        %mul3A_1430 = vector.broadcast %mul3A_1429 : i32 to vector<16xi32>
        %mul3A_1431 = arith.muli %convert_element_type3A_1428, %mul3A_1430 : vector<16xi32>
        %mul3A_1432 = arith.constant 104 : i32
        %mul3A_1433 = vector.broadcast %mul3A_1432 : i32 to vector<16xi32>
        %mul3A_1434 = arith.muli %convert_element_type3A_1426, %mul3A_1433 : vector<16xi32>
        %add3A_1435 = arith.addi %mul3A_1431, %mul3A_1434 : vector<16xi32>
        %add3A_1436 = arith.addi %add3A_1435, %convert_element_type3A_1427 : vector<16xi32>
        %jit3A_1437 = arith.constant 1085952 : i32
        %broadcast_in_dim3A_1438 = vector.broadcast %jit3A_1437 : i32 to vector<16xi32>
        %select_n3A_1439 = arith.select %and3A_1425, %add3A_1436, %broadcast_in_dim3A_1438 : vector<16xi1>, vector<16xi32>
        %swap3A_1440 = arith.constant 16 : index
        %swap3A_1441 = tpu.vector_load %arg14[%swap3A_1440] {strides = array<i32>} : memref<128xi32, #tpu.memory_space<vmem>>, vector<16xi32>,
        tpu.vector_store %arg14[%swap3A_1440], %select_n3A_1439 {strides = array<i32>} : memref<128xi32, #tpu.memory_space<vmem>>, vector<16xi32>,
        %mul3A_1442 = arith.constant 3 : i32
        %mul3A_1443 = vector.broadcast %mul3A_1442 : i32 to vector<16xi32>
        %mul3A_1444 = arith.muli %iota3A, %mul3A_1443 : vector<16xi32>
        %add3A_1445 = arith.constant 864 : i32
        %add3A_1446 = vector.broadcast %add3A_1445 : i32 to vector<16xi32>
        %add3A_1447 = arith.addi %add3A_1446, %mul3A_1444 : vector<16xi32>
        %gather3A_1448 = tpu.vector_load_idx %arg11[%add3A_1447] : memref<1536xf32, #tpu.memory_space<vmem>>[vector<16xi32>], vector<16xf32>,
        %mul3A_1449 = arith.constant 3 : i32
        %mul3A_1450 = vector.broadcast %mul3A_1449 : i32 to vector<16xi32>
        %mul3A_1451 = arith.muli %iota3A, %mul3A_1450 : vector<16xi32>
        %add3A_1452 = arith.constant 864 : i32
        %add3A_1453 = vector.broadcast %add3A_1452 : i32 to vector<16xi32>
        %add3A_1454 = arith.addi %add3A_1453, %mul3A_1451 : vector<16xi32>
        %add3A_1455 = arith.constant 1 : i32
        %add3A_1456 = vector.broadcast %add3A_1455 : i32 to vector<16xi32>
        %add3A_1457 = arith.addi %add3A_1454, %add3A_1456 : vector<16xi32>
        %gather3A_1458 = tpu.vector_load_idx %arg11[%add3A_1457] : memref<1536xf32, #tpu.memory_space<vmem>>[vector<16xi32>], vector<16xf32>,
        %mul3A_1459 = arith.constant 3 : i32
        %mul3A_1460 = vector.broadcast %mul3A_1459 : i32 to vector<16xi32>
        %mul3A_1461 = arith.muli %iota3A, %mul3A_1460 : vector<16xi32>
        %add3A_1462 = arith.constant 864 : i32
        %add3A_1463 = vector.broadcast %add3A_1462 : i32 to vector<16xi32>
        %add3A_1464 = arith.addi %add3A_1463, %mul3A_1461 : vector<16xi32>
        %add3A_1465 = arith.constant 2 : i32
        %add3A_1466 = vector.broadcast %add3A_1465 : i32 to vector<16xi32>
        %add3A_1467 = arith.addi %add3A_1464, %add3A_1466 : vector<16xi32>
        %gather3A_1468 = tpu.vector_load_idx %arg11[%add3A_1467] : memref<1536xf32, #tpu.memory_space<vmem>>[vector<16xi32>], vector<16xf32>,
        %sub3A_1469 = arith.subf %gather3A_1448, %get3A_128 : vector<16xf32>
        %sub3A_1470 = arith.subf %gather3A_1458, %get3A_132 : vector<16xf32>
        %sub3A_1471 = arith.subf %gather3A_1468, %get3A_136 : vector<16xf32>
        %ge3A_1472 = arith.constant 0.000000e+00 : f32
        %ge3A_1473 = vector.broadcast %ge3A_1472 : f32 to vector<16xf32>
        %ge3A_1474 = arith.cmpf oge, %sub3A_1469, %ge3A_1473 : vector<16xf32>
        %lt3A_1475 = arith.cmpf olt, %sub3A_1469, %get3A_140 : vector<16xf32>
        %and3A_1476 = arith.andi %ge3A_1474, %lt3A_1475 : vector<16xi1>
        %ge3A_1477 = arith.constant 0.000000e+00 : f32
        %ge3A_1478 = vector.broadcast %ge3A_1477 : f32 to vector<16xf32>
        %ge3A_1479 = arith.cmpf oge, %sub3A_1470, %ge3A_1478 : vector<16xf32>
        %and3A_1480 = arith.andi %and3A_1476, %ge3A_1479 : vector<16xi1>
        %lt3A_1481 = arith.cmpf olt, %sub3A_1470, %get3A_144 : vector<16xf32>
        %and3A_1482 = arith.andi %and3A_1480, %lt3A_1481 : vector<16xi1>
        %ge3A_1483 = arith.constant 0.000000e+00 : f32
        %ge3A_1484 = vector.broadcast %ge3A_1483 : f32 to vector<16xf32>
        %ge3A_1485 = arith.cmpf oge, %sub3A_1471, %ge3A_1484 : vector<16xf32>
        %and3A_1486 = arith.andi %and3A_1482, %ge3A_1485 : vector<16xi1>
        %lt3A_1487 = arith.cmpf olt, %sub3A_1471, %get3A_148 : vector<16xf32>
        %and3A_1488 = arith.andi %and3A_1486, %lt3A_1487 : vector<16xi1>
        %convert_element_type3A_1489 = arith.fptosi %sub3A_1469 : vector<16xf32> to vector<16xi32>
        %convert_element_type3A_1490 = arith.fptosi %sub3A_1470 : vector<16xf32> to vector<16xi32>
        %convert_element_type3A_1491 = arith.fptosi %sub3A_1471 : vector<16xf32> to vector<16xi32>
        %mul3A_1492 = arith.constant 10752 : i32
        %mul3A_1493 = vector.broadcast %mul3A_1492 : i32 to vector<16xi32>
        %mul3A_1494 = arith.muli %convert_element_type3A_1491, %mul3A_1493 : vector<16xi32>
        %mul3A_1495 = arith.constant 104 : i32
        %mul3A_1496 = vector.broadcast %mul3A_1495 : i32 to vector<16xi32>
        %mul3A_1497 = arith.muli %convert_element_type3A_1489, %mul3A_1496 : vector<16xi32>
        %add3A_1498 = arith.addi %mul3A_1494, %mul3A_1497 : vector<16xi32>
        %add3A_1499 = arith.addi %add3A_1498, %convert_element_type3A_1490 : vector<16xi32>
        %jit3A_1500 = arith.constant 1085952 : i32
        %broadcast_in_dim3A_1501 = vector.broadcast %jit3A_1500 : i32 to vector<16xi32>
        %select_n3A_1502 = arith.select %and3A_1488, %add3A_1499, %broadcast_in_dim3A_1501 : vector<16xi1>, vector<16xi32>
        %swap3A_1503 = arith.constant 32 : index
        %swap3A_1504 = tpu.vector_load %arg14[%swap3A_1503] {strides = array<i32>} : memref<128xi32, #tpu.memory_space<vmem>>, vector<16xi32>,
        tpu.vector_store %arg14[%swap3A_1503], %select_n3A_1502 {strides = array<i32>} : memref<128xi32, #tpu.memory_space<vmem>>, vector<16xi32>,
        %mul3A_1505 = arith.constant 3 : i32
        %mul3A_1506 = vector.broadcast %mul3A_1505 : i32 to vector<16xi32>
        %mul3A_1507 = arith.muli %iota3A, %mul3A_1506 : vector<16xi32>
        %add3A_1508 = arith.constant 912 : i32
        %add3A_1509 = vector.broadcast %add3A_1508 : i32 to vector<16xi32>
        %add3A_1510 = arith.addi %add3A_1509, %mul3A_1507 : vector<16xi32>
        %gather3A_1511 = tpu.vector_load_idx %arg11[%add3A_1510] : memref<1536xf32, #tpu.memory_space<vmem>>[vector<16xi32>], vector<16xf32>,
        %mul3A_1512 = arith.constant 3 : i32
        %mul3A_1513 = vector.broadcast %mul3A_1512 : i32 to vector<16xi32>
        %mul3A_1514 = arith.muli %iota3A, %mul3A_1513 : vector<16xi32>
        %add3A_1515 = arith.constant 912 : i32
        %add3A_1516 = vector.broadcast %add3A_1515 : i32 to vector<16xi32>
        %add3A_1517 = arith.addi %add3A_1516, %mul3A_1514 : vector<16xi32>
        %add3A_1518 = arith.constant 1 : i32
        %add3A_1519 = vector.broadcast %add3A_1518 : i32 to vector<16xi32>
        %add3A_1520 = arith.addi %add3A_1517, %add3A_1519 : vector<16xi32>
        %gather3A_1521 = tpu.vector_load_idx %arg11[%add3A_1520] : memref<1536xf32, #tpu.memory_space<vmem>>[vector<16xi32>], vector<16xf32>,
        %mul3A_1522 = arith.constant 3 : i32
        %mul3A_1523 = vector.broadcast %mul3A_1522 : i32 to vector<16xi32>
        %mul3A_1524 = arith.muli %iota3A, %mul3A_1523 : vector<16xi32>
        %add3A_1525 = arith.constant 912 : i32
        %add3A_1526 = vector.broadcast %add3A_1525 : i32 to vector<16xi32>
        %add3A_1527 = arith.addi %add3A_1526, %mul3A_1524 : vector<16xi32>
        %add3A_1528 = arith.constant 2 : i32
        %add3A_1529 = vector.broadcast %add3A_1528 : i32 to vector<16xi32>
        %add3A_1530 = arith.addi %add3A_1527, %add3A_1529 : vector<16xi32>
        %gather3A_1531 = tpu.vector_load_idx %arg11[%add3A_1530] : memref<1536xf32, #tpu.memory_space<vmem>>[vector<16xi32>], vector<16xf32>,
        %sub3A_1532 = arith.subf %gather3A_1511, %get3A_128 : vector<16xf32>
        %sub3A_1533 = arith.subf %gather3A_1521, %get3A_132 : vector<16xf32>
        %sub3A_1534 = arith.subf %gather3A_1531, %get3A_136 : vector<16xf32>
        %ge3A_1535 = arith.constant 0.000000e+00 : f32
        %ge3A_1536 = vector.broadcast %ge3A_1535 : f32 to vector<16xf32>
        %ge3A_1537 = arith.cmpf oge, %sub3A_1532, %ge3A_1536 : vector<16xf32>
        %lt3A_1538 = arith.cmpf olt, %sub3A_1532, %get3A_140 : vector<16xf32>
        %and3A_1539 = arith.andi %ge3A_1537, %lt3A_1538 : vector<16xi1>
        %ge3A_1540 = arith.constant 0.000000e+00 : f32
        %ge3A_1541 = vector.broadcast %ge3A_1540 : f32 to vector<16xf32>
        %ge3A_1542 = arith.cmpf oge, %sub3A_1533, %ge3A_1541 : vector<16xf32>
        %and3A_1543 = arith.andi %and3A_1539, %ge3A_1542 : vector<16xi1>
        %lt3A_1544 = arith.cmpf olt, %sub3A_1533, %get3A_144 : vector<16xf32>
        %and3A_1545 = arith.andi %and3A_1543, %lt3A_1544 : vector<16xi1>
        %ge3A_1546 = arith.constant 0.000000e+00 : f32
        %ge3A_1547 = vector.broadcast %ge3A_1546 : f32 to vector<16xf32>
        %ge3A_1548 = arith.cmpf oge, %sub3A_1534, %ge3A_1547 : vector<16xf32>
        %and3A_1549 = arith.andi %and3A_1545, %ge3A_1548 : vector<16xi1>
        %lt3A_1550 = arith.cmpf olt, %sub3A_1534, %get3A_148 : vector<16xf32>
        %and3A_1551 = arith.andi %and3A_1549, %lt3A_1550 : vector<16xi1>
        %convert_element_type3A_1552 = arith.fptosi %sub3A_1532 : vector<16xf32> to vector<16xi32>
        %convert_element_type3A_1553 = arith.fptosi %sub3A_1533 : vector<16xf32> to vector<16xi32>
        %convert_element_type3A_1554 = arith.fptosi %sub3A_1534 : vector<16xf32> to vector<16xi32>
        %mul3A_1555 = arith.constant 10752 : i32
        %mul3A_1556 = vector.broadcast %mul3A_1555 : i32 to vector<16xi32>
        %mul3A_1557 = arith.muli %convert_element_type3A_1554, %mul3A_1556 : vector<16xi32>
        %mul3A_1558 = arith.constant 104 : i32
        %mul3A_1559 = vector.broadcast %mul3A_1558 : i32 to vector<16xi32>
        %mul3A_1560 = arith.muli %convert_element_type3A_1552, %mul3A_1559 : vector<16xi32>
        %add3A_1561 = arith.addi %mul3A_1557, %mul3A_1560 : vector<16xi32>
        %add3A_1562 = arith.addi %add3A_1561, %convert_element_type3A_1553 : vector<16xi32>
        %jit3A_1563 = arith.constant 1085952 : i32
        %broadcast_in_dim3A_1564 = vector.broadcast %jit3A_1563 : i32 to vector<16xi32>
        %select_n3A_1565 = arith.select %and3A_1551, %add3A_1562, %broadcast_in_dim3A_1564 : vector<16xi1>, vector<16xi32>
        %swap3A_1566 = arith.constant 48 : index
        %swap3A_1567 = tpu.vector_load %arg14[%swap3A_1566] {strides = array<i32>} : memref<128xi32, #tpu.memory_space<vmem>>, vector<16xi32>,
        tpu.vector_store %arg14[%swap3A_1566], %select_n3A_1565 {strides = array<i32>} : memref<128xi32, #tpu.memory_space<vmem>>, vector<16xi32>,
        %mul3A_1568 = arith.constant 3 : i32
        %mul3A_1569 = vector.broadcast %mul3A_1568 : i32 to vector<16xi32>
        %mul3A_1570 = arith.muli %iota3A, %mul3A_1569 : vector<16xi32>
        %add3A_1571 = arith.constant 960 : i32
        %add3A_1572 = vector.broadcast %add3A_1571 : i32 to vector<16xi32>
        %add3A_1573 = arith.addi %add3A_1572, %mul3A_1570 : vector<16xi32>
        %gather3A_1574 = tpu.vector_load_idx %arg11[%add3A_1573] : memref<1536xf32, #tpu.memory_space<vmem>>[vector<16xi32>], vector<16xf32>,
        %mul3A_1575 = arith.constant 3 : i32
        %mul3A_1576 = vector.broadcast %mul3A_1575 : i32 to vector<16xi32>
        %mul3A_1577 = arith.muli %iota3A, %mul3A_1576 : vector<16xi32>
        %add3A_1578 = arith.constant 960 : i32
        %add3A_1579 = vector.broadcast %add3A_1578 : i32 to vector<16xi32>
        %add3A_1580 = arith.addi %add3A_1579, %mul3A_1577 : vector<16xi32>
        %add3A_1581 = arith.constant 1 : i32
        %add3A_1582 = vector.broadcast %add3A_1581 : i32 to vector<16xi32>
        %add3A_1583 = arith.addi %add3A_1580, %add3A_1582 : vector<16xi32>
        %gather3A_1584 = tpu.vector_load_idx %arg11[%add3A_1583] : memref<1536xf32, #tpu.memory_space<vmem>>[vector<16xi32>], vector<16xf32>,
        %mul3A_1585 = arith.constant 3 : i32
        %mul3A_1586 = vector.broadcast %mul3A_1585 : i32 to vector<16xi32>
        %mul3A_1587 = arith.muli %iota3A, %mul3A_1586 : vector<16xi32>
        %add3A_1588 = arith.constant 960 : i32
        %add3A_1589 = vector.broadcast %add3A_1588 : i32 to vector<16xi32>
        %add3A_1590 = arith.addi %add3A_1589, %mul3A_1587 : vector<16xi32>
        %add3A_1591 = arith.constant 2 : i32
        %add3A_1592 = vector.broadcast %add3A_1591 : i32 to vector<16xi32>
        %add3A_1593 = arith.addi %add3A_1590, %add3A_1592 : vector<16xi32>
        %gather3A_1594 = tpu.vector_load_idx %arg11[%add3A_1593] : memref<1536xf32, #tpu.memory_space<vmem>>[vector<16xi32>], vector<16xf32>,
        %sub3A_1595 = arith.subf %gather3A_1574, %get3A_128 : vector<16xf32>
        %sub3A_1596 = arith.subf %gather3A_1584, %get3A_132 : vector<16xf32>
        %sub3A_1597 = arith.subf %gather3A_1594, %get3A_136 : vector<16xf32>
        %ge3A_1598 = arith.constant 0.000000e+00 : f32
        %ge3A_1599 = vector.broadcast %ge3A_1598 : f32 to vector<16xf32>
        %ge3A_1600 = arith.cmpf oge, %sub3A_1595, %ge3A_1599 : vector<16xf32>
        %lt3A_1601 = arith.cmpf olt, %sub3A_1595, %get3A_140 : vector<16xf32>
        %and3A_1602 = arith.andi %ge3A_1600, %lt3A_1601 : vector<16xi1>
        %ge3A_1603 = arith.constant 0.000000e+00 : f32
        %ge3A_1604 = vector.broadcast %ge3A_1603 : f32 to vector<16xf32>
        %ge3A_1605 = arith.cmpf oge, %sub3A_1596, %ge3A_1604 : vector<16xf32>
        %and3A_1606 = arith.andi %and3A_1602, %ge3A_1605 : vector<16xi1>
        %lt3A_1607 = arith.cmpf olt, %sub3A_1596, %get3A_144 : vector<16xf32>
        %and3A_1608 = arith.andi %and3A_1606, %lt3A_1607 : vector<16xi1>
        %ge3A_1609 = arith.constant 0.000000e+00 : f32
        %ge3A_1610 = vector.broadcast %ge3A_1609 : f32 to vector<16xf32>
        %ge3A_1611 = arith.cmpf oge, %sub3A_1597, %ge3A_1610 : vector<16xf32>
        %and3A_1612 = arith.andi %and3A_1608, %ge3A_1611 : vector<16xi1>
        %lt3A_1613 = arith.cmpf olt, %sub3A_1597, %get3A_148 : vector<16xf32>
        %and3A_1614 = arith.andi %and3A_1612, %lt3A_1613 : vector<16xi1>
        %convert_element_type3A_1615 = arith.fptosi %sub3A_1595 : vector<16xf32> to vector<16xi32>
        %convert_element_type3A_1616 = arith.fptosi %sub3A_1596 : vector<16xf32> to vector<16xi32>
        %convert_element_type3A_1617 = arith.fptosi %sub3A_1597 : vector<16xf32> to vector<16xi32>
        %mul3A_1618 = arith.constant 10752 : i32
        %mul3A_1619 = vector.broadcast %mul3A_1618 : i32 to vector<16xi32>
        %mul3A_1620 = arith.muli %convert_element_type3A_1617, %mul3A_1619 : vector<16xi32>
        %mul3A_1621 = arith.constant 104 : i32
        %mul3A_1622 = vector.broadcast %mul3A_1621 : i32 to vector<16xi32>
        %mul3A_1623 = arith.muli %convert_element_type3A_1615, %mul3A_1622 : vector<16xi32>
        %add3A_1624 = arith.addi %mul3A_1620, %mul3A_1623 : vector<16xi32>
        %add3A_1625 = arith.addi %add3A_1624, %convert_element_type3A_1616 : vector<16xi32>
        %jit3A_1626 = arith.constant 1085952 : i32
        %broadcast_in_dim3A_1627 = vector.broadcast %jit3A_1626 : i32 to vector<16xi32>
        %select_n3A_1628 = arith.select %and3A_1614, %add3A_1625, %broadcast_in_dim3A_1627 : vector<16xi1>, vector<16xi32>
        %swap3A_1629 = arith.constant 64 : index
        %swap3A_1630 = tpu.vector_load %arg14[%swap3A_1629] {strides = array<i32>} : memref<128xi32, #tpu.memory_space<vmem>>, vector<16xi32>,
        tpu.vector_store %arg14[%swap3A_1629], %select_n3A_1628 {strides = array<i32>} : memref<128xi32, #tpu.memory_space<vmem>>, vector<16xi32>,
        %mul3A_1631 = arith.constant 3 : i32
        %mul3A_1632 = vector.broadcast %mul3A_1631 : i32 to vector<16xi32>
        %mul3A_1633 = arith.muli %iota3A, %mul3A_1632 : vector<16xi32>
        %add3A_1634 = arith.constant 1008 : i32
        %add3A_1635 = vector.broadcast %add3A_1634 : i32 to vector<16xi32>
        %add3A_1636 = arith.addi %add3A_1635, %mul3A_1633 : vector<16xi32>
        %gather3A_1637 = tpu.vector_load_idx %arg11[%add3A_1636] : memref<1536xf32, #tpu.memory_space<vmem>>[vector<16xi32>], vector<16xf32>,
        %mul3A_1638 = arith.constant 3 : i32
        %mul3A_1639 = vector.broadcast %mul3A_1638 : i32 to vector<16xi32>
        %mul3A_1640 = arith.muli %iota3A, %mul3A_1639 : vector<16xi32>
        %add3A_1641 = arith.constant 1008 : i32
        %add3A_1642 = vector.broadcast %add3A_1641 : i32 to vector<16xi32>
        %add3A_1643 = arith.addi %add3A_1642, %mul3A_1640 : vector<16xi32>
        %add3A_1644 = arith.constant 1 : i32
        %add3A_1645 = vector.broadcast %add3A_1644 : i32 to vector<16xi32>
        %add3A_1646 = arith.addi %add3A_1643, %add3A_1645 : vector<16xi32>
        %gather3A_1647 = tpu.vector_load_idx %arg11[%add3A_1646] : memref<1536xf32, #tpu.memory_space<vmem>>[vector<16xi32>], vector<16xf32>,
        %mul3A_1648 = arith.constant 3 : i32
        %mul3A_1649 = vector.broadcast %mul3A_1648 : i32 to vector<16xi32>
        %mul3A_1650 = arith.muli %iota3A, %mul3A_1649 : vector<16xi32>
        %add3A_1651 = arith.constant 1008 : i32
        %add3A_1652 = vector.broadcast %add3A_1651 : i32 to vector<16xi32>
        %add3A_1653 = arith.addi %add3A_1652, %mul3A_1650 : vector<16xi32>
        %add3A_1654 = arith.constant 2 : i32
        %add3A_1655 = vector.broadcast %add3A_1654 : i32 to vector<16xi32>
        %add3A_1656 = arith.addi %add3A_1653, %add3A_1655 : vector<16xi32>
        %gather3A_1657 = tpu.vector_load_idx %arg11[%add3A_1656] : memref<1536xf32, #tpu.memory_space<vmem>>[vector<16xi32>], vector<16xf32>,
        %sub3A_1658 = arith.subf %gather3A_1637, %get3A_128 : vector<16xf32>
        %sub3A_1659 = arith.subf %gather3A_1647, %get3A_132 : vector<16xf32>
        %sub3A_1660 = arith.subf %gather3A_1657, %get3A_136 : vector<16xf32>
        %ge3A_1661 = arith.constant 0.000000e+00 : f32
        %ge3A_1662 = vector.broadcast %ge3A_1661 : f32 to vector<16xf32>
        %ge3A_1663 = arith.cmpf oge, %sub3A_1658, %ge3A_1662 : vector<16xf32>
        %lt3A_1664 = arith.cmpf olt, %sub3A_1658, %get3A_140 : vector<16xf32>
        %and3A_1665 = arith.andi %ge3A_1663, %lt3A_1664 : vector<16xi1>
        %ge3A_1666 = arith.constant 0.000000e+00 : f32
        %ge3A_1667 = vector.broadcast %ge3A_1666 : f32 to vector<16xf32>
        %ge3A_1668 = arith.cmpf oge, %sub3A_1659, %ge3A_1667 : vector<16xf32>
        %and3A_1669 = arith.andi %and3A_1665, %ge3A_1668 : vector<16xi1>
        %lt3A_1670 = arith.cmpf olt, %sub3A_1659, %get3A_144 : vector<16xf32>
        %and3A_1671 = arith.andi %and3A_1669, %lt3A_1670 : vector<16xi1>
        %ge3A_1672 = arith.constant 0.000000e+00 : f32
        %ge3A_1673 = vector.broadcast %ge3A_1672 : f32 to vector<16xf32>
        %ge3A_1674 = arith.cmpf oge, %sub3A_1660, %ge3A_1673 : vector<16xf32>
        %and3A_1675 = arith.andi %and3A_1671, %ge3A_1674 : vector<16xi1>
        %lt3A_1676 = arith.cmpf olt, %sub3A_1660, %get3A_148 : vector<16xf32>
        %and3A_1677 = arith.andi %and3A_1675, %lt3A_1676 : vector<16xi1>
        %convert_element_type3A_1678 = arith.fptosi %sub3A_1658 : vector<16xf32> to vector<16xi32>
        %convert_element_type3A_1679 = arith.fptosi %sub3A_1659 : vector<16xf32> to vector<16xi32>
        %convert_element_type3A_1680 = arith.fptosi %sub3A_1660 : vector<16xf32> to vector<16xi32>
        %mul3A_1681 = arith.constant 10752 : i32
        %mul3A_1682 = vector.broadcast %mul3A_1681 : i32 to vector<16xi32>
        %mul3A_1683 = arith.muli %convert_element_type3A_1680, %mul3A_1682 : vector<16xi32>
        %mul3A_1684 = arith.constant 104 : i32
        %mul3A_1685 = vector.broadcast %mul3A_1684 : i32 to vector<16xi32>
        %mul3A_1686 = arith.muli %convert_element_type3A_1678, %mul3A_1685 : vector<16xi32>
        %add3A_1687 = arith.addi %mul3A_1683, %mul3A_1686 : vector<16xi32>
        %add3A_1688 = arith.addi %add3A_1687, %convert_element_type3A_1679 : vector<16xi32>
        %jit3A_1689 = arith.constant 1085952 : i32
        %broadcast_in_dim3A_1690 = vector.broadcast %jit3A_1689 : i32 to vector<16xi32>
        %select_n3A_1691 = arith.select %and3A_1677, %add3A_1688, %broadcast_in_dim3A_1690 : vector<16xi1>, vector<16xi32>
        %swap3A_1692 = arith.constant 80 : index
        %swap3A_1693 = tpu.vector_load %arg14[%swap3A_1692] {strides = array<i32>} : memref<128xi32, #tpu.memory_space<vmem>>, vector<16xi32>,
        tpu.vector_store %arg14[%swap3A_1692], %select_n3A_1691 {strides = array<i32>} : memref<128xi32, #tpu.memory_space<vmem>>, vector<16xi32>,
        %mul3A_1694 = arith.constant 3 : i32
        %mul3A_1695 = vector.broadcast %mul3A_1694 : i32 to vector<16xi32>
        %mul3A_1696 = arith.muli %iota3A, %mul3A_1695 : vector<16xi32>
        %add3A_1697 = arith.constant 1056 : i32
        %add3A_1698 = vector.broadcast %add3A_1697 : i32 to vector<16xi32>
        %add3A_1699 = arith.addi %add3A_1698, %mul3A_1696 : vector<16xi32>
        %gather3A_1700 = tpu.vector_load_idx %arg11[%add3A_1699] : memref<1536xf32, #tpu.memory_space<vmem>>[vector<16xi32>], vector<16xf32>,
        %mul3A_1701 = arith.constant 3 : i32
        %mul3A_1702 = vector.broadcast %mul3A_1701 : i32 to vector<16xi32>
        %mul3A_1703 = arith.muli %iota3A, %mul3A_1702 : vector<16xi32>
        %add3A_1704 = arith.constant 1056 : i32
        %add3A_1705 = vector.broadcast %add3A_1704 : i32 to vector<16xi32>
        %add3A_1706 = arith.addi %add3A_1705, %mul3A_1703 : vector<16xi32>
        %add3A_1707 = arith.constant 1 : i32
        %add3A_1708 = vector.broadcast %add3A_1707 : i32 to vector<16xi32>
        %add3A_1709 = arith.addi %add3A_1706, %add3A_1708 : vector<16xi32>
        %gather3A_1710 = tpu.vector_load_idx %arg11[%add3A_1709] : memref<1536xf32, #tpu.memory_space<vmem>>[vector<16xi32>], vector<16xf32>,
        %mul3A_1711 = arith.constant 3 : i32
        %mul3A_1712 = vector.broadcast %mul3A_1711 : i32 to vector<16xi32>
        %mul3A_1713 = arith.muli %iota3A, %mul3A_1712 : vector<16xi32>
        %add3A_1714 = arith.constant 1056 : i32
        %add3A_1715 = vector.broadcast %add3A_1714 : i32 to vector<16xi32>
        %add3A_1716 = arith.addi %add3A_1715, %mul3A_1713 : vector<16xi32>
        %add3A_1717 = arith.constant 2 : i32
        %add3A_1718 = vector.broadcast %add3A_1717 : i32 to vector<16xi32>
        %add3A_1719 = arith.addi %add3A_1716, %add3A_1718 : vector<16xi32>
        %gather3A_1720 = tpu.vector_load_idx %arg11[%add3A_1719] : memref<1536xf32, #tpu.memory_space<vmem>>[vector<16xi32>], vector<16xf32>,
        %sub3A_1721 = arith.subf %gather3A_1700, %get3A_128 : vector<16xf32>
        %sub3A_1722 = arith.subf %gather3A_1710, %get3A_132 : vector<16xf32>
        %sub3A_1723 = arith.subf %gather3A_1720, %get3A_136 : vector<16xf32>
        %ge3A_1724 = arith.constant 0.000000e+00 : f32
        %ge3A_1725 = vector.broadcast %ge3A_1724 : f32 to vector<16xf32>
        %ge3A_1726 = arith.cmpf oge, %sub3A_1721, %ge3A_1725 : vector<16xf32>
        %lt3A_1727 = arith.cmpf olt, %sub3A_1721, %get3A_140 : vector<16xf32>
        %and3A_1728 = arith.andi %ge3A_1726, %lt3A_1727 : vector<16xi1>
        %ge3A_1729 = arith.constant 0.000000e+00 : f32
        %ge3A_1730 = vector.broadcast %ge3A_1729 : f32 to vector<16xf32>
        %ge3A_1731 = arith.cmpf oge, %sub3A_1722, %ge3A_1730 : vector<16xf32>
        %and3A_1732 = arith.andi %and3A_1728, %ge3A_1731 : vector<16xi1>
        %lt3A_1733 = arith.cmpf olt, %sub3A_1722, %get3A_144 : vector<16xf32>
        %and3A_1734 = arith.andi %and3A_1732, %lt3A_1733 : vector<16xi1>
        %ge3A_1735 = arith.constant 0.000000e+00 : f32
        %ge3A_1736 = vector.broadcast %ge3A_1735 : f32 to vector<16xf32>
        %ge3A_1737 = arith.cmpf oge, %sub3A_1723, %ge3A_1736 : vector<16xf32>
        %and3A_1738 = arith.andi %and3A_1734, %ge3A_1737 : vector<16xi1>
        %lt3A_1739 = arith.cmpf olt, %sub3A_1723, %get3A_148 : vector<16xf32>
        %and3A_1740 = arith.andi %and3A_1738, %lt3A_1739 : vector<16xi1>
        %convert_element_type3A_1741 = arith.fptosi %sub3A_1721 : vector<16xf32> to vector<16xi32>
        %convert_element_type3A_1742 = arith.fptosi %sub3A_1722 : vector<16xf32> to vector<16xi32>
        %convert_element_type3A_1743 = arith.fptosi %sub3A_1723 : vector<16xf32> to vector<16xi32>
        %mul3A_1744 = arith.constant 10752 : i32
        %mul3A_1745 = vector.broadcast %mul3A_1744 : i32 to vector<16xi32>
        %mul3A_1746 = arith.muli %convert_element_type3A_1743, %mul3A_1745 : vector<16xi32>
        %mul3A_1747 = arith.constant 104 : i32
        %mul3A_1748 = vector.broadcast %mul3A_1747 : i32 to vector<16xi32>
        %mul3A_1749 = arith.muli %convert_element_type3A_1741, %mul3A_1748 : vector<16xi32>
        %add3A_1750 = arith.addi %mul3A_1746, %mul3A_1749 : vector<16xi32>
        %add3A_1751 = arith.addi %add3A_1750, %convert_element_type3A_1742 : vector<16xi32>
        %jit3A_1752 = arith.constant 1085952 : i32
        %broadcast_in_dim3A_1753 = vector.broadcast %jit3A_1752 : i32 to vector<16xi32>
        %select_n3A_1754 = arith.select %and3A_1740, %add3A_1751, %broadcast_in_dim3A_1753 : vector<16xi1>, vector<16xi32>
        %swap3A_1755 = arith.constant 96 : index
        %swap3A_1756 = tpu.vector_load %arg14[%swap3A_1755] {strides = array<i32>} : memref<128xi32, #tpu.memory_space<vmem>>, vector<16xi32>,
        tpu.vector_store %arg14[%swap3A_1755], %select_n3A_1754 {strides = array<i32>} : memref<128xi32, #tpu.memory_space<vmem>>, vector<16xi32>,
        %mul3A_1757 = arith.constant 3 : i32
        %mul3A_1758 = vector.broadcast %mul3A_1757 : i32 to vector<16xi32>
        %mul3A_1759 = arith.muli %iota3A, %mul3A_1758 : vector<16xi32>
        %add3A_1760 = arith.constant 1104 : i32
        %add3A_1761 = vector.broadcast %add3A_1760 : i32 to vector<16xi32>
        %add3A_1762 = arith.addi %add3A_1761, %mul3A_1759 : vector<16xi32>
        %gather3A_1763 = tpu.vector_load_idx %arg11[%add3A_1762] : memref<1536xf32, #tpu.memory_space<vmem>>[vector<16xi32>], vector<16xf32>,
        %mul3A_1764 = arith.constant 3 : i32
        %mul3A_1765 = vector.broadcast %mul3A_1764 : i32 to vector<16xi32>
        %mul3A_1766 = arith.muli %iota3A, %mul3A_1765 : vector<16xi32>
        %add3A_1767 = arith.constant 1104 : i32
        %add3A_1768 = vector.broadcast %add3A_1767 : i32 to vector<16xi32>
        %add3A_1769 = arith.addi %add3A_1768, %mul3A_1766 : vector<16xi32>
        %add3A_1770 = arith.constant 1 : i32
        %add3A_1771 = vector.broadcast %add3A_1770 : i32 to vector<16xi32>
        %add3A_1772 = arith.addi %add3A_1769, %add3A_1771 : vector<16xi32>
        %gather3A_1773 = tpu.vector_load_idx %arg11[%add3A_1772] : memref<1536xf32, #tpu.memory_space<vmem>>[vector<16xi32>], vector<16xf32>,
        %mul3A_1774 = arith.constant 3 : i32
        %mul3A_1775 = vector.broadcast %mul3A_1774 : i32 to vector<16xi32>
        %mul3A_1776 = arith.muli %iota3A, %mul3A_1775 : vector<16xi32>
        %add3A_1777 = arith.constant 1104 : i32
        %add3A_1778 = vector.broadcast %add3A_1777 : i32 to vector<16xi32>
        %add3A_1779 = arith.addi %add3A_1778, %mul3A_1776 : vector<16xi32>
        %add3A_1780 = arith.constant 2 : i32
        %add3A_1781 = vector.broadcast %add3A_1780 : i32 to vector<16xi32>
        %add3A_1782 = arith.addi %add3A_1779, %add3A_1781 : vector<16xi32>
        %gather3A_1783 = tpu.vector_load_idx %arg11[%add3A_1782] : memref<1536xf32, #tpu.memory_space<vmem>>[vector<16xi32>], vector<16xf32>,
        %sub3A_1784 = arith.subf %gather3A_1763, %get3A_128 : vector<16xf32>
        %sub3A_1785 = arith.subf %gather3A_1773, %get3A_132 : vector<16xf32>
        %sub3A_1786 = arith.subf %gather3A_1783, %get3A_136 : vector<16xf32>
        %ge3A_1787 = arith.constant 0.000000e+00 : f32
        %ge3A_1788 = vector.broadcast %ge3A_1787 : f32 to vector<16xf32>
        %ge3A_1789 = arith.cmpf oge, %sub3A_1784, %ge3A_1788 : vector<16xf32>
        %lt3A_1790 = arith.cmpf olt, %sub3A_1784, %get3A_140 : vector<16xf32>
        %and3A_1791 = arith.andi %ge3A_1789, %lt3A_1790 : vector<16xi1>
        %ge3A_1792 = arith.constant 0.000000e+00 : f32
        %ge3A_1793 = vector.broadcast %ge3A_1792 : f32 to vector<16xf32>
        %ge3A_1794 = arith.cmpf oge, %sub3A_1785, %ge3A_1793 : vector<16xf32>
        %and3A_1795 = arith.andi %and3A_1791, %ge3A_1794 : vector<16xi1>
        %lt3A_1796 = arith.cmpf olt, %sub3A_1785, %get3A_144 : vector<16xf32>
        %and3A_1797 = arith.andi %and3A_1795, %lt3A_1796 : vector<16xi1>
        %ge3A_1798 = arith.constant 0.000000e+00 : f32
        %ge3A_1799 = vector.broadcast %ge3A_1798 : f32 to vector<16xf32>
        %ge3A_1800 = arith.cmpf oge, %sub3A_1786, %ge3A_1799 : vector<16xf32>
        %and3A_1801 = arith.andi %and3A_1797, %ge3A_1800 : vector<16xi1>
        %lt3A_1802 = arith.cmpf olt, %sub3A_1786, %get3A_148 : vector<16xf32>
        %and3A_1803 = arith.andi %and3A_1801, %lt3A_1802 : vector<16xi1>
        %convert_element_type3A_1804 = arith.fptosi %sub3A_1784 : vector<16xf32> to vector<16xi32>
        %convert_element_type3A_1805 = arith.fptosi %sub3A_1785 : vector<16xf32> to vector<16xi32>
        %convert_element_type3A_1806 = arith.fptosi %sub3A_1786 : vector<16xf32> to vector<16xi32>
        %mul3A_1807 = arith.constant 10752 : i32
        %mul3A_1808 = vector.broadcast %mul3A_1807 : i32 to vector<16xi32>
        %mul3A_1809 = arith.muli %convert_element_type3A_1806, %mul3A_1808 : vector<16xi32>
        %mul3A_1810 = arith.constant 104 : i32
        %mul3A_1811 = vector.broadcast %mul3A_1810 : i32 to vector<16xi32>
        %mul3A_1812 = arith.muli %convert_element_type3A_1804, %mul3A_1811 : vector<16xi32>
        %add3A_1813 = arith.addi %mul3A_1809, %mul3A_1812 : vector<16xi32>
        %add3A_1814 = arith.addi %add3A_1813, %convert_element_type3A_1805 : vector<16xi32>
        %jit3A_1815 = arith.constant 1085952 : i32
        %broadcast_in_dim3A_1816 = vector.broadcast %jit3A_1815 : i32 to vector<16xi32>
        %select_n3A_1817 = arith.select %and3A_1803, %add3A_1814, %broadcast_in_dim3A_1816 : vector<16xi1>, vector<16xi32>
        %swap3A_1818 = arith.constant 112 : index
        %swap3A_1819 = tpu.vector_load %arg14[%swap3A_1818] {strides = array<i32>} : memref<128xi32, #tpu.memory_space<vmem>>, vector<16xi32>,
        tpu.vector_store %arg14[%swap3A_1818], %select_n3A_1817 {strides = array<i32>} : memref<128xi32, #tpu.memory_space<vmem>>, vector<16xi32>,
        %dma_start3A_1820 = arith.constant 0 : i32
        %dma_start3A_1821 = tpu.memref_slice %arg20[%dma_start3A_1820] : memref<1086080xf32, #tpu.memory_space<vmem_shared>> -> memref<1086080xf32, #tpu.memory_space<vmem_shared>>
        tpu.enqueue_indirect_dma source(%arg10 : memref<128xf32, #tpu.memory_space<vmem>>) target(%dma_start3A_1821 : memref<1086080xf32, #tpu.memory_space<vmem_shared>>) offsets(%arg14 : memref<128xi32, #tpu.memory_space<vmem>>) semaphore(%arg19 : memref<!tpu.dma_semaphore, #tpu.memory_space<semaphore_mem>>)
        %mul3A_1822 = arith.constant 3 : i32
        %mul3A_1823 = vector.broadcast %mul3A_1822 : i32 to vector<16xi32>
        %mul3A_1824 = arith.muli %iota3A, %mul3A_1823 : vector<16xi32>
        %add3A_1825 = arith.constant 1152 : i32
        %add3A_1826 = vector.broadcast %add3A_1825 : i32 to vector<16xi32>
        %add3A_1827 = arith.addi %add3A_1826, %mul3A_1824 : vector<16xi32>
        %gather3A_1828 = tpu.vector_load_idx %arg11[%add3A_1827] : memref<1536xf32, #tpu.memory_space<vmem>>[vector<16xi32>], vector<16xf32>,
        %mul3A_1829 = arith.constant 3 : i32
        %mul3A_1830 = vector.broadcast %mul3A_1829 : i32 to vector<16xi32>
        %mul3A_1831 = arith.muli %iota3A, %mul3A_1830 : vector<16xi32>
        %add3A_1832 = arith.constant 1152 : i32
        %add3A_1833 = vector.broadcast %add3A_1832 : i32 to vector<16xi32>
        %add3A_1834 = arith.addi %add3A_1833, %mul3A_1831 : vector<16xi32>
        %add3A_1835 = arith.constant 1 : i32
        %add3A_1836 = vector.broadcast %add3A_1835 : i32 to vector<16xi32>
        %add3A_1837 = arith.addi %add3A_1834, %add3A_1836 : vector<16xi32>
        %gather3A_1838 = tpu.vector_load_idx %arg11[%add3A_1837] : memref<1536xf32, #tpu.memory_space<vmem>>[vector<16xi32>], vector<16xf32>,
        %mul3A_1839 = arith.constant 3 : i32
        %mul3A_1840 = vector.broadcast %mul3A_1839 : i32 to vector<16xi32>
        %mul3A_1841 = arith.muli %iota3A, %mul3A_1840 : vector<16xi32>
        %add3A_1842 = arith.constant 1152 : i32
        %add3A_1843 = vector.broadcast %add3A_1842 : i32 to vector<16xi32>
        %add3A_1844 = arith.addi %add3A_1843, %mul3A_1841 : vector<16xi32>
        %add3A_1845 = arith.constant 2 : i32
        %add3A_1846 = vector.broadcast %add3A_1845 : i32 to vector<16xi32>
        %add3A_1847 = arith.addi %add3A_1844, %add3A_1846 : vector<16xi32>
        %gather3A_1848 = tpu.vector_load_idx %arg11[%add3A_1847] : memref<1536xf32, #tpu.memory_space<vmem>>[vector<16xi32>], vector<16xf32>,
        %sub3A_1849 = arith.subf %gather3A_1828, %get3A_128 : vector<16xf32>
        %sub3A_1850 = arith.subf %gather3A_1838, %get3A_132 : vector<16xf32>
        %sub3A_1851 = arith.subf %gather3A_1848, %get3A_136 : vector<16xf32>
        %ge3A_1852 = arith.constant 0.000000e+00 : f32
        %ge3A_1853 = vector.broadcast %ge3A_1852 : f32 to vector<16xf32>
        %ge3A_1854 = arith.cmpf oge, %sub3A_1849, %ge3A_1853 : vector<16xf32>
        %lt3A_1855 = arith.cmpf olt, %sub3A_1849, %get3A_140 : vector<16xf32>
        %and3A_1856 = arith.andi %ge3A_1854, %lt3A_1855 : vector<16xi1>
        %ge3A_1857 = arith.constant 0.000000e+00 : f32
        %ge3A_1858 = vector.broadcast %ge3A_1857 : f32 to vector<16xf32>
        %ge3A_1859 = arith.cmpf oge, %sub3A_1850, %ge3A_1858 : vector<16xf32>
        %and3A_1860 = arith.andi %and3A_1856, %ge3A_1859 : vector<16xi1>
        %lt3A_1861 = arith.cmpf olt, %sub3A_1850, %get3A_144 : vector<16xf32>
        %and3A_1862 = arith.andi %and3A_1860, %lt3A_1861 : vector<16xi1>
        %ge3A_1863 = arith.constant 0.000000e+00 : f32
        %ge3A_1864 = vector.broadcast %ge3A_1863 : f32 to vector<16xf32>
        %ge3A_1865 = arith.cmpf oge, %sub3A_1851, %ge3A_1864 : vector<16xf32>
        %and3A_1866 = arith.andi %and3A_1862, %ge3A_1865 : vector<16xi1>
        %lt3A_1867 = arith.cmpf olt, %sub3A_1851, %get3A_148 : vector<16xf32>
        %and3A_1868 = arith.andi %and3A_1866, %lt3A_1867 : vector<16xi1>
        %convert_element_type3A_1869 = arith.fptosi %sub3A_1849 : vector<16xf32> to vector<16xi32>
        %convert_element_type3A_1870 = arith.fptosi %sub3A_1850 : vector<16xf32> to vector<16xi32>
        %convert_element_type3A_1871 = arith.fptosi %sub3A_1851 : vector<16xf32> to vector<16xi32>
        %mul3A_1872 = arith.constant 10752 : i32
        %mul3A_1873 = vector.broadcast %mul3A_1872 : i32 to vector<16xi32>
        %mul3A_1874 = arith.muli %convert_element_type3A_1871, %mul3A_1873 : vector<16xi32>
        %mul3A_1875 = arith.constant 104 : i32
        %mul3A_1876 = vector.broadcast %mul3A_1875 : i32 to vector<16xi32>
        %mul3A_1877 = arith.muli %convert_element_type3A_1869, %mul3A_1876 : vector<16xi32>
        %add3A_1878 = arith.addi %mul3A_1874, %mul3A_1877 : vector<16xi32>
        %add3A_1879 = arith.addi %add3A_1878, %convert_element_type3A_1870 : vector<16xi32>
        %jit3A_1880 = arith.constant 1085952 : i32
        %broadcast_in_dim3A_1881 = vector.broadcast %jit3A_1880 : i32 to vector<16xi32>
        %select_n3A_1882 = arith.select %and3A_1868, %add3A_1879, %broadcast_in_dim3A_1881 : vector<16xi1>, vector<16xi32>
        %swap3A_1883 = arith.constant 0 : index
        %swap3A_1884 = tpu.vector_load %arg15[%swap3A_1883] {strides = array<i32>} : memref<128xi32, #tpu.memory_space<vmem>>, vector<16xi32>,
        tpu.vector_store %arg15[%swap3A_1883], %select_n3A_1882 {strides = array<i32>} : memref<128xi32, #tpu.memory_space<vmem>>, vector<16xi32>,
        %mul3A_1885 = arith.constant 3 : i32
        %mul3A_1886 = vector.broadcast %mul3A_1885 : i32 to vector<16xi32>
        %mul3A_1887 = arith.muli %iota3A, %mul3A_1886 : vector<16xi32>
        %add3A_1888 = arith.constant 1200 : i32
        %add3A_1889 = vector.broadcast %add3A_1888 : i32 to vector<16xi32>
        %add3A_1890 = arith.addi %add3A_1889, %mul3A_1887 : vector<16xi32>
        %gather3A_1891 = tpu.vector_load_idx %arg11[%add3A_1890] : memref<1536xf32, #tpu.memory_space<vmem>>[vector<16xi32>], vector<16xf32>,
        %mul3A_1892 = arith.constant 3 : i32
        %mul3A_1893 = vector.broadcast %mul3A_1892 : i32 to vector<16xi32>
        %mul3A_1894 = arith.muli %iota3A, %mul3A_1893 : vector<16xi32>
        %add3A_1895 = arith.constant 1200 : i32
        %add3A_1896 = vector.broadcast %add3A_1895 : i32 to vector<16xi32>
        %add3A_1897 = arith.addi %add3A_1896, %mul3A_1894 : vector<16xi32>
        %add3A_1898 = arith.constant 1 : i32
        %add3A_1899 = vector.broadcast %add3A_1898 : i32 to vector<16xi32>
        %add3A_1900 = arith.addi %add3A_1897, %add3A_1899 : vector<16xi32>
        %gather3A_1901 = tpu.vector_load_idx %arg11[%add3A_1900] : memref<1536xf32, #tpu.memory_space<vmem>>[vector<16xi32>], vector<16xf32>,
        %mul3A_1902 = arith.constant 3 : i32
        %mul3A_1903 = vector.broadcast %mul3A_1902 : i32 to vector<16xi32>
        %mul3A_1904 = arith.muli %iota3A, %mul3A_1903 : vector<16xi32>
        %add3A_1905 = arith.constant 1200 : i32
        %add3A_1906 = vector.broadcast %add3A_1905 : i32 to vector<16xi32>
        %add3A_1907 = arith.addi %add3A_1906, %mul3A_1904 : vector<16xi32>
        %add3A_1908 = arith.constant 2 : i32
        %add3A_1909 = vector.broadcast %add3A_1908 : i32 to vector<16xi32>
        %add3A_1910 = arith.addi %add3A_1907, %add3A_1909 : vector<16xi32>
        %gather3A_1911 = tpu.vector_load_idx %arg11[%add3A_1910] : memref<1536xf32, #tpu.memory_space<vmem>>[vector<16xi32>], vector<16xf32>,
        %sub3A_1912 = arith.subf %gather3A_1891, %get3A_128 : vector<16xf32>
        %sub3A_1913 = arith.subf %gather3A_1901, %get3A_132 : vector<16xf32>
        %sub3A_1914 = arith.subf %gather3A_1911, %get3A_136 : vector<16xf32>
        %ge3A_1915 = arith.constant 0.000000e+00 : f32
        %ge3A_1916 = vector.broadcast %ge3A_1915 : f32 to vector<16xf32>
        %ge3A_1917 = arith.cmpf oge, %sub3A_1912, %ge3A_1916 : vector<16xf32>
        %lt3A_1918 = arith.cmpf olt, %sub3A_1912, %get3A_140 : vector<16xf32>
        %and3A_1919 = arith.andi %ge3A_1917, %lt3A_1918 : vector<16xi1>
        %ge3A_1920 = arith.constant 0.000000e+00 : f32
        %ge3A_1921 = vector.broadcast %ge3A_1920 : f32 to vector<16xf32>
        %ge3A_1922 = arith.cmpf oge, %sub3A_1913, %ge3A_1921 : vector<16xf32>
        %and3A_1923 = arith.andi %and3A_1919, %ge3A_1922 : vector<16xi1>
        %lt3A_1924 = arith.cmpf olt, %sub3A_1913, %get3A_144 : vector<16xf32>
        %and3A_1925 = arith.andi %and3A_1923, %lt3A_1924 : vector<16xi1>
        %ge3A_1926 = arith.constant 0.000000e+00 : f32
        %ge3A_1927 = vector.broadcast %ge3A_1926 : f32 to vector<16xf32>
        %ge3A_1928 = arith.cmpf oge, %sub3A_1914, %ge3A_1927 : vector<16xf32>
        %and3A_1929 = arith.andi %and3A_1925, %ge3A_1928 : vector<16xi1>
        %lt3A_1930 = arith.cmpf olt, %sub3A_1914, %get3A_148 : vector<16xf32>
        %and3A_1931 = arith.andi %and3A_1929, %lt3A_1930 : vector<16xi1>
        %convert_element_type3A_1932 = arith.fptosi %sub3A_1912 : vector<16xf32> to vector<16xi32>
        %convert_element_type3A_1933 = arith.fptosi %sub3A_1913 : vector<16xf32> to vector<16xi32>
        %convert_element_type3A_1934 = arith.fptosi %sub3A_1914 : vector<16xf32> to vector<16xi32>
        %mul3A_1935 = arith.constant 10752 : i32
        %mul3A_1936 = vector.broadcast %mul3A_1935 : i32 to vector<16xi32>
        %mul3A_1937 = arith.muli %convert_element_type3A_1934, %mul3A_1936 : vector<16xi32>
        %mul3A_1938 = arith.constant 104 : i32
        %mul3A_1939 = vector.broadcast %mul3A_1938 : i32 to vector<16xi32>
        %mul3A_1940 = arith.muli %convert_element_type3A_1932, %mul3A_1939 : vector<16xi32>
        %add3A_1941 = arith.addi %mul3A_1937, %mul3A_1940 : vector<16xi32>
        %add3A_1942 = arith.addi %add3A_1941, %convert_element_type3A_1933 : vector<16xi32>
        %jit3A_1943 = arith.constant 1085952 : i32
        %broadcast_in_dim3A_1944 = vector.broadcast %jit3A_1943 : i32 to vector<16xi32>
        %select_n3A_1945 = arith.select %and3A_1931, %add3A_1942, %broadcast_in_dim3A_1944 : vector<16xi1>, vector<16xi32>
        %swap3A_1946 = arith.constant 16 : index
        %swap3A_1947 = tpu.vector_load %arg15[%swap3A_1946] {strides = array<i32>} : memref<128xi32, #tpu.memory_space<vmem>>, vector<16xi32>,
        tpu.vector_store %arg15[%swap3A_1946], %select_n3A_1945 {strides = array<i32>} : memref<128xi32, #tpu.memory_space<vmem>>, vector<16xi32>,
        %mul3A_1948 = arith.constant 3 : i32
        %mul3A_1949 = vector.broadcast %mul3A_1948 : i32 to vector<16xi32>
        %mul3A_1950 = arith.muli %iota3A, %mul3A_1949 : vector<16xi32>
        %add3A_1951 = arith.constant 1248 : i32
        %add3A_1952 = vector.broadcast %add3A_1951 : i32 to vector<16xi32>
        %add3A_1953 = arith.addi %add3A_1952, %mul3A_1950 : vector<16xi32>
        %gather3A_1954 = tpu.vector_load_idx %arg11[%add3A_1953] : memref<1536xf32, #tpu.memory_space<vmem>>[vector<16xi32>], vector<16xf32>,
        %mul3A_1955 = arith.constant 3 : i32
        %mul3A_1956 = vector.broadcast %mul3A_1955 : i32 to vector<16xi32>
        %mul3A_1957 = arith.muli %iota3A, %mul3A_1956 : vector<16xi32>
        %add3A_1958 = arith.constant 1248 : i32
        %add3A_1959 = vector.broadcast %add3A_1958 : i32 to vector<16xi32>
        %add3A_1960 = arith.addi %add3A_1959, %mul3A_1957 : vector<16xi32>
        %add3A_1961 = arith.constant 1 : i32
        %add3A_1962 = vector.broadcast %add3A_1961 : i32 to vector<16xi32>
        %add3A_1963 = arith.addi %add3A_1960, %add3A_1962 : vector<16xi32>
        %gather3A_1964 = tpu.vector_load_idx %arg11[%add3A_1963] : memref<1536xf32, #tpu.memory_space<vmem>>[vector<16xi32>], vector<16xf32>,
        %mul3A_1965 = arith.constant 3 : i32
        %mul3A_1966 = vector.broadcast %mul3A_1965 : i32 to vector<16xi32>
        %mul3A_1967 = arith.muli %iota3A, %mul3A_1966 : vector<16xi32>
        %add3A_1968 = arith.constant 1248 : i32
        %add3A_1969 = vector.broadcast %add3A_1968 : i32 to vector<16xi32>
        %add3A_1970 = arith.addi %add3A_1969, %mul3A_1967 : vector<16xi32>
        %add3A_1971 = arith.constant 2 : i32
        %add3A_1972 = vector.broadcast %add3A_1971 : i32 to vector<16xi32>
        %add3A_1973 = arith.addi %add3A_1970, %add3A_1972 : vector<16xi32>
        %gather3A_1974 = tpu.vector_load_idx %arg11[%add3A_1973] : memref<1536xf32, #tpu.memory_space<vmem>>[vector<16xi32>], vector<16xf32>,
        %sub3A_1975 = arith.subf %gather3A_1954, %get3A_128 : vector<16xf32>
        %sub3A_1976 = arith.subf %gather3A_1964, %get3A_132 : vector<16xf32>
        %sub3A_1977 = arith.subf %gather3A_1974, %get3A_136 : vector<16xf32>
        %ge3A_1978 = arith.constant 0.000000e+00 : f32
        %ge3A_1979 = vector.broadcast %ge3A_1978 : f32 to vector<16xf32>
        %ge3A_1980 = arith.cmpf oge, %sub3A_1975, %ge3A_1979 : vector<16xf32>
        %lt3A_1981 = arith.cmpf olt, %sub3A_1975, %get3A_140 : vector<16xf32>
        %and3A_1982 = arith.andi %ge3A_1980, %lt3A_1981 : vector<16xi1>
        %ge3A_1983 = arith.constant 0.000000e+00 : f32
        %ge3A_1984 = vector.broadcast %ge3A_1983 : f32 to vector<16xf32>
        %ge3A_1985 = arith.cmpf oge, %sub3A_1976, %ge3A_1984 : vector<16xf32>
        %and3A_1986 = arith.andi %and3A_1982, %ge3A_1985 : vector<16xi1>
        %lt3A_1987 = arith.cmpf olt, %sub3A_1976, %get3A_144 : vector<16xf32>
        %and3A_1988 = arith.andi %and3A_1986, %lt3A_1987 : vector<16xi1>
        %ge3A_1989 = arith.constant 0.000000e+00 : f32
        %ge3A_1990 = vector.broadcast %ge3A_1989 : f32 to vector<16xf32>
        %ge3A_1991 = arith.cmpf oge, %sub3A_1977, %ge3A_1990 : vector<16xf32>
        %and3A_1992 = arith.andi %and3A_1988, %ge3A_1991 : vector<16xi1>
        %lt3A_1993 = arith.cmpf olt, %sub3A_1977, %get3A_148 : vector<16xf32>
        %and3A_1994 = arith.andi %and3A_1992, %lt3A_1993 : vector<16xi1>
        %convert_element_type3A_1995 = arith.fptosi %sub3A_1975 : vector<16xf32> to vector<16xi32>
        %convert_element_type3A_1996 = arith.fptosi %sub3A_1976 : vector<16xf32> to vector<16xi32>
        %convert_element_type3A_1997 = arith.fptosi %sub3A_1977 : vector<16xf32> to vector<16xi32>
        %mul3A_1998 = arith.constant 10752 : i32
        %mul3A_1999 = vector.broadcast %mul3A_1998 : i32 to vector<16xi32>
        %mul3A_2000 = arith.muli %convert_element_type3A_1997, %mul3A_1999 : vector<16xi32>
        %mul3A_2001 = arith.constant 104 : i32
        %mul3A_2002 = vector.broadcast %mul3A_2001 : i32 to vector<16xi32>
        %mul3A_2003 = arith.muli %convert_element_type3A_1995, %mul3A_2002 : vector<16xi32>
        %add3A_2004 = arith.addi %mul3A_2000, %mul3A_2003 : vector<16xi32>
        %add3A_2005 = arith.addi %add3A_2004, %convert_element_type3A_1996 : vector<16xi32>
        %jit3A_2006 = arith.constant 1085952 : i32
        %broadcast_in_dim3A_2007 = vector.broadcast %jit3A_2006 : i32 to vector<16xi32>
        %select_n3A_2008 = arith.select %and3A_1994, %add3A_2005, %broadcast_in_dim3A_2007 : vector<16xi1>, vector<16xi32>
        %swap3A_2009 = arith.constant 32 : index
        %swap3A_2010 = tpu.vector_load %arg15[%swap3A_2009] {strides = array<i32>} : memref<128xi32, #tpu.memory_space<vmem>>, vector<16xi32>,
        tpu.vector_store %arg15[%swap3A_2009], %select_n3A_2008 {strides = array<i32>} : memref<128xi32, #tpu.memory_space<vmem>>, vector<16xi32>,
        %mul3A_2011 = arith.constant 3 : i32
        %mul3A_2012 = vector.broadcast %mul3A_2011 : i32 to vector<16xi32>
        %mul3A_2013 = arith.muli %iota3A, %mul3A_2012 : vector<16xi32>
        %add3A_2014 = arith.constant 1296 : i32
        %add3A_2015 = vector.broadcast %add3A_2014 : i32 to vector<16xi32>
        %add3A_2016 = arith.addi %add3A_2015, %mul3A_2013 : vector<16xi32>
        %gather3A_2017 = tpu.vector_load_idx %arg11[%add3A_2016] : memref<1536xf32, #tpu.memory_space<vmem>>[vector<16xi32>], vector<16xf32>,
        %mul3A_2018 = arith.constant 3 : i32
        %mul3A_2019 = vector.broadcast %mul3A_2018 : i32 to vector<16xi32>
        %mul3A_2020 = arith.muli %iota3A, %mul3A_2019 : vector<16xi32>
        %add3A_2021 = arith.constant 1296 : i32
        %add3A_2022 = vector.broadcast %add3A_2021 : i32 to vector<16xi32>
        %add3A_2023 = arith.addi %add3A_2022, %mul3A_2020 : vector<16xi32>
        %add3A_2024 = arith.constant 1 : i32
        %add3A_2025 = vector.broadcast %add3A_2024 : i32 to vector<16xi32>
        %add3A_2026 = arith.addi %add3A_2023, %add3A_2025 : vector<16xi32>
        %gather3A_2027 = tpu.vector_load_idx %arg11[%add3A_2026] : memref<1536xf32, #tpu.memory_space<vmem>>[vector<16xi32>], vector<16xf32>,
        %mul3A_2028 = arith.constant 3 : i32
        %mul3A_2029 = vector.broadcast %mul3A_2028 : i32 to vector<16xi32>
        %mul3A_2030 = arith.muli %iota3A, %mul3A_2029 : vector<16xi32>
        %add3A_2031 = arith.constant 1296 : i32
        %add3A_2032 = vector.broadcast %add3A_2031 : i32 to vector<16xi32>
        %add3A_2033 = arith.addi %add3A_2032, %mul3A_2030 : vector<16xi32>
        %add3A_2034 = arith.constant 2 : i32
        %add3A_2035 = vector.broadcast %add3A_2034 : i32 to vector<16xi32>
        %add3A_2036 = arith.addi %add3A_2033, %add3A_2035 : vector<16xi32>
        %gather3A_2037 = tpu.vector_load_idx %arg11[%add3A_2036] : memref<1536xf32, #tpu.memory_space<vmem>>[vector<16xi32>], vector<16xf32>,
        %sub3A_2038 = arith.subf %gather3A_2017, %get3A_128 : vector<16xf32>
        %sub3A_2039 = arith.subf %gather3A_2027, %get3A_132 : vector<16xf32>
        %sub3A_2040 = arith.subf %gather3A_2037, %get3A_136 : vector<16xf32>
        %ge3A_2041 = arith.constant 0.000000e+00 : f32
        %ge3A_2042 = vector.broadcast %ge3A_2041 : f32 to vector<16xf32>
        %ge3A_2043 = arith.cmpf oge, %sub3A_2038, %ge3A_2042 : vector<16xf32>
        %lt3A_2044 = arith.cmpf olt, %sub3A_2038, %get3A_140 : vector<16xf32>
        %and3A_2045 = arith.andi %ge3A_2043, %lt3A_2044 : vector<16xi1>
        %ge3A_2046 = arith.constant 0.000000e+00 : f32
        %ge3A_2047 = vector.broadcast %ge3A_2046 : f32 to vector<16xf32>
        %ge3A_2048 = arith.cmpf oge, %sub3A_2039, %ge3A_2047 : vector<16xf32>
        %and3A_2049 = arith.andi %and3A_2045, %ge3A_2048 : vector<16xi1>
        %lt3A_2050 = arith.cmpf olt, %sub3A_2039, %get3A_144 : vector<16xf32>
        %and3A_2051 = arith.andi %and3A_2049, %lt3A_2050 : vector<16xi1>
        %ge3A_2052 = arith.constant 0.000000e+00 : f32
        %ge3A_2053 = vector.broadcast %ge3A_2052 : f32 to vector<16xf32>
        %ge3A_2054 = arith.cmpf oge, %sub3A_2040, %ge3A_2053 : vector<16xf32>
        %and3A_2055 = arith.andi %and3A_2051, %ge3A_2054 : vector<16xi1>
        %lt3A_2056 = arith.cmpf olt, %sub3A_2040, %get3A_148 : vector<16xf32>
        %and3A_2057 = arith.andi %and3A_2055, %lt3A_2056 : vector<16xi1>
        %convert_element_type3A_2058 = arith.fptosi %sub3A_2038 : vector<16xf32> to vector<16xi32>
        %convert_element_type3A_2059 = arith.fptosi %sub3A_2039 : vector<16xf32> to vector<16xi32>
        %convert_element_type3A_2060 = arith.fptosi %sub3A_2040 : vector<16xf32> to vector<16xi32>
        %mul3A_2061 = arith.constant 10752 : i32
        %mul3A_2062 = vector.broadcast %mul3A_2061 : i32 to vector<16xi32>
        %mul3A_2063 = arith.muli %convert_element_type3A_2060, %mul3A_2062 : vector<16xi32>
        %mul3A_2064 = arith.constant 104 : i32
        %mul3A_2065 = vector.broadcast %mul3A_2064 : i32 to vector<16xi32>
        %mul3A_2066 = arith.muli %convert_element_type3A_2058, %mul3A_2065 : vector<16xi32>
        %add3A_2067 = arith.addi %mul3A_2063, %mul3A_2066 : vector<16xi32>
        %add3A_2068 = arith.addi %add3A_2067, %convert_element_type3A_2059 : vector<16xi32>
        %jit3A_2069 = arith.constant 1085952 : i32
        %broadcast_in_dim3A_2070 = vector.broadcast %jit3A_2069 : i32 to vector<16xi32>
        %select_n3A_2071 = arith.select %and3A_2057, %add3A_2068, %broadcast_in_dim3A_2070 : vector<16xi1>, vector<16xi32>
        %swap3A_2072 = arith.constant 48 : index
        %swap3A_2073 = tpu.vector_load %arg15[%swap3A_2072] {strides = array<i32>} : memref<128xi32, #tpu.memory_space<vmem>>, vector<16xi32>,
        tpu.vector_store %arg15[%swap3A_2072], %select_n3A_2071 {strides = array<i32>} : memref<128xi32, #tpu.memory_space<vmem>>, vector<16xi32>,
        %mul3A_2074 = arith.constant 3 : i32
        %mul3A_2075 = vector.broadcast %mul3A_2074 : i32 to vector<16xi32>
        %mul3A_2076 = arith.muli %iota3A, %mul3A_2075 : vector<16xi32>
        %add3A_2077 = arith.constant 1344 : i32
        %add3A_2078 = vector.broadcast %add3A_2077 : i32 to vector<16xi32>
        %add3A_2079 = arith.addi %add3A_2078, %mul3A_2076 : vector<16xi32>
        %gather3A_2080 = tpu.vector_load_idx %arg11[%add3A_2079] : memref<1536xf32, #tpu.memory_space<vmem>>[vector<16xi32>], vector<16xf32>,
        %mul3A_2081 = arith.constant 3 : i32
        %mul3A_2082 = vector.broadcast %mul3A_2081 : i32 to vector<16xi32>
        %mul3A_2083 = arith.muli %iota3A, %mul3A_2082 : vector<16xi32>
        %add3A_2084 = arith.constant 1344 : i32
        %add3A_2085 = vector.broadcast %add3A_2084 : i32 to vector<16xi32>
        %add3A_2086 = arith.addi %add3A_2085, %mul3A_2083 : vector<16xi32>
        %add3A_2087 = arith.constant 1 : i32
        %add3A_2088 = vector.broadcast %add3A_2087 : i32 to vector<16xi32>
        %add3A_2089 = arith.addi %add3A_2086, %add3A_2088 : vector<16xi32>
        %gather3A_2090 = tpu.vector_load_idx %arg11[%add3A_2089] : memref<1536xf32, #tpu.memory_space<vmem>>[vector<16xi32>], vector<16xf32>,
        %mul3A_2091 = arith.constant 3 : i32
        %mul3A_2092 = vector.broadcast %mul3A_2091 : i32 to vector<16xi32>
        %mul3A_2093 = arith.muli %iota3A, %mul3A_2092 : vector<16xi32>
        %add3A_2094 = arith.constant 1344 : i32
        %add3A_2095 = vector.broadcast %add3A_2094 : i32 to vector<16xi32>
        %add3A_2096 = arith.addi %add3A_2095, %mul3A_2093 : vector<16xi32>
        %add3A_2097 = arith.constant 2 : i32
        %add3A_2098 = vector.broadcast %add3A_2097 : i32 to vector<16xi32>
        %add3A_2099 = arith.addi %add3A_2096, %add3A_2098 : vector<16xi32>
        %gather3A_2100 = tpu.vector_load_idx %arg11[%add3A_2099] : memref<1536xf32, #tpu.memory_space<vmem>>[vector<16xi32>], vector<16xf32>,
        %sub3A_2101 = arith.subf %gather3A_2080, %get3A_128 : vector<16xf32>
        %sub3A_2102 = arith.subf %gather3A_2090, %get3A_132 : vector<16xf32>
        %sub3A_2103 = arith.subf %gather3A_2100, %get3A_136 : vector<16xf32>
        %ge3A_2104 = arith.constant 0.000000e+00 : f32
        %ge3A_2105 = vector.broadcast %ge3A_2104 : f32 to vector<16xf32>
        %ge3A_2106 = arith.cmpf oge, %sub3A_2101, %ge3A_2105 : vector<16xf32>
        %lt3A_2107 = arith.cmpf olt, %sub3A_2101, %get3A_140 : vector<16xf32>
        %and3A_2108 = arith.andi %ge3A_2106, %lt3A_2107 : vector<16xi1>
        %ge3A_2109 = arith.constant 0.000000e+00 : f32
        %ge3A_2110 = vector.broadcast %ge3A_2109 : f32 to vector<16xf32>
        %ge3A_2111 = arith.cmpf oge, %sub3A_2102, %ge3A_2110 : vector<16xf32>
        %and3A_2112 = arith.andi %and3A_2108, %ge3A_2111 : vector<16xi1>
        %lt3A_2113 = arith.cmpf olt, %sub3A_2102, %get3A_144 : vector<16xf32>
        %and3A_2114 = arith.andi %and3A_2112, %lt3A_2113 : vector<16xi1>
        %ge3A_2115 = arith.constant 0.000000e+00 : f32
        %ge3A_2116 = vector.broadcast %ge3A_2115 : f32 to vector<16xf32>
        %ge3A_2117 = arith.cmpf oge, %sub3A_2103, %ge3A_2116 : vector<16xf32>
        %and3A_2118 = arith.andi %and3A_2114, %ge3A_2117 : vector<16xi1>
        %lt3A_2119 = arith.cmpf olt, %sub3A_2103, %get3A_148 : vector<16xf32>
        %and3A_2120 = arith.andi %and3A_2118, %lt3A_2119 : vector<16xi1>
        %convert_element_type3A_2121 = arith.fptosi %sub3A_2101 : vector<16xf32> to vector<16xi32>
        %convert_element_type3A_2122 = arith.fptosi %sub3A_2102 : vector<16xf32> to vector<16xi32>
        %convert_element_type3A_2123 = arith.fptosi %sub3A_2103 : vector<16xf32> to vector<16xi32>
        %mul3A_2124 = arith.constant 10752 : i32
        %mul3A_2125 = vector.broadcast %mul3A_2124 : i32 to vector<16xi32>
        %mul3A_2126 = arith.muli %convert_element_type3A_2123, %mul3A_2125 : vector<16xi32>
        %mul3A_2127 = arith.constant 104 : i32
        %mul3A_2128 = vector.broadcast %mul3A_2127 : i32 to vector<16xi32>
        %mul3A_2129 = arith.muli %convert_element_type3A_2121, %mul3A_2128 : vector<16xi32>
        %add3A_2130 = arith.addi %mul3A_2126, %mul3A_2129 : vector<16xi32>
        %add3A_2131 = arith.addi %add3A_2130, %convert_element_type3A_2122 : vector<16xi32>
        %jit3A_2132 = arith.constant 1085952 : i32
        %broadcast_in_dim3A_2133 = vector.broadcast %jit3A_2132 : i32 to vector<16xi32>
        %select_n3A_2134 = arith.select %and3A_2120, %add3A_2131, %broadcast_in_dim3A_2133 : vector<16xi1>, vector<16xi32>
        %swap3A_2135 = arith.constant 64 : index
        %swap3A_2136 = tpu.vector_load %arg15[%swap3A_2135] {strides = array<i32>} : memref<128xi32, #tpu.memory_space<vmem>>, vector<16xi32>,
        tpu.vector_store %arg15[%swap3A_2135], %select_n3A_2134 {strides = array<i32>} : memref<128xi32, #tpu.memory_space<vmem>>, vector<16xi32>,
        %mul3A_2137 = arith.constant 3 : i32
        %mul3A_2138 = vector.broadcast %mul3A_2137 : i32 to vector<16xi32>
        %mul3A_2139 = arith.muli %iota3A, %mul3A_2138 : vector<16xi32>
        %add3A_2140 = arith.constant 1392 : i32
        %add3A_2141 = vector.broadcast %add3A_2140 : i32 to vector<16xi32>
        %add3A_2142 = arith.addi %add3A_2141, %mul3A_2139 : vector<16xi32>
        %gather3A_2143 = tpu.vector_load_idx %arg11[%add3A_2142] : memref<1536xf32, #tpu.memory_space<vmem>>[vector<16xi32>], vector<16xf32>,
        %mul3A_2144 = arith.constant 3 : i32
        %mul3A_2145 = vector.broadcast %mul3A_2144 : i32 to vector<16xi32>
        %mul3A_2146 = arith.muli %iota3A, %mul3A_2145 : vector<16xi32>
        %add3A_2147 = arith.constant 1392 : i32
        %add3A_2148 = vector.broadcast %add3A_2147 : i32 to vector<16xi32>
        %add3A_2149 = arith.addi %add3A_2148, %mul3A_2146 : vector<16xi32>
        %add3A_2150 = arith.constant 1 : i32
        %add3A_2151 = vector.broadcast %add3A_2150 : i32 to vector<16xi32>
        %add3A_2152 = arith.addi %add3A_2149, %add3A_2151 : vector<16xi32>
        %gather3A_2153 = tpu.vector_load_idx %arg11[%add3A_2152] : memref<1536xf32, #tpu.memory_space<vmem>>[vector<16xi32>], vector<16xf32>,
        %mul3A_2154 = arith.constant 3 : i32
        %mul3A_2155 = vector.broadcast %mul3A_2154 : i32 to vector<16xi32>
        %mul3A_2156 = arith.muli %iota3A, %mul3A_2155 : vector<16xi32>
        %add3A_2157 = arith.constant 1392 : i32
        %add3A_2158 = vector.broadcast %add3A_2157 : i32 to vector<16xi32>
        %add3A_2159 = arith.addi %add3A_2158, %mul3A_2156 : vector<16xi32>
        %add3A_2160 = arith.constant 2 : i32
        %add3A_2161 = vector.broadcast %add3A_2160 : i32 to vector<16xi32>
        %add3A_2162 = arith.addi %add3A_2159, %add3A_2161 : vector<16xi32>
        %gather3A_2163 = tpu.vector_load_idx %arg11[%add3A_2162] : memref<1536xf32, #tpu.memory_space<vmem>>[vector<16xi32>], vector<16xf32>,
        %sub3A_2164 = arith.subf %gather3A_2143, %get3A_128 : vector<16xf32>
        %sub3A_2165 = arith.subf %gather3A_2153, %get3A_132 : vector<16xf32>
        %sub3A_2166 = arith.subf %gather3A_2163, %get3A_136 : vector<16xf32>
        %ge3A_2167 = arith.constant 0.000000e+00 : f32
        %ge3A_2168 = vector.broadcast %ge3A_2167 : f32 to vector<16xf32>
        %ge3A_2169 = arith.cmpf oge, %sub3A_2164, %ge3A_2168 : vector<16xf32>
        %lt3A_2170 = arith.cmpf olt, %sub3A_2164, %get3A_140 : vector<16xf32>
        %and3A_2171 = arith.andi %ge3A_2169, %lt3A_2170 : vector<16xi1>
        %ge3A_2172 = arith.constant 0.000000e+00 : f32
        %ge3A_2173 = vector.broadcast %ge3A_2172 : f32 to vector<16xf32>
        %ge3A_2174 = arith.cmpf oge, %sub3A_2165, %ge3A_2173 : vector<16xf32>
        %and3A_2175 = arith.andi %and3A_2171, %ge3A_2174 : vector<16xi1>
        %lt3A_2176 = arith.cmpf olt, %sub3A_2165, %get3A_144 : vector<16xf32>
        %and3A_2177 = arith.andi %and3A_2175, %lt3A_2176 : vector<16xi1>
        %ge3A_2178 = arith.constant 0.000000e+00 : f32
        %ge3A_2179 = vector.broadcast %ge3A_2178 : f32 to vector<16xf32>
        %ge3A_2180 = arith.cmpf oge, %sub3A_2166, %ge3A_2179 : vector<16xf32>
        %and3A_2181 = arith.andi %and3A_2177, %ge3A_2180 : vector<16xi1>
        %lt3A_2182 = arith.cmpf olt, %sub3A_2166, %get3A_148 : vector<16xf32>
        %and3A_2183 = arith.andi %and3A_2181, %lt3A_2182 : vector<16xi1>
        %convert_element_type3A_2184 = arith.fptosi %sub3A_2164 : vector<16xf32> to vector<16xi32>
        %convert_element_type3A_2185 = arith.fptosi %sub3A_2165 : vector<16xf32> to vector<16xi32>
        %convert_element_type3A_2186 = arith.fptosi %sub3A_2166 : vector<16xf32> to vector<16xi32>
        %mul3A_2187 = arith.constant 10752 : i32
        %mul3A_2188 = vector.broadcast %mul3A_2187 : i32 to vector<16xi32>
        %mul3A_2189 = arith.muli %convert_element_type3A_2186, %mul3A_2188 : vector<16xi32>
        %mul3A_2190 = arith.constant 104 : i32
        %mul3A_2191 = vector.broadcast %mul3A_2190 : i32 to vector<16xi32>
        %mul3A_2192 = arith.muli %convert_element_type3A_2184, %mul3A_2191 : vector<16xi32>
        %add3A_2193 = arith.addi %mul3A_2189, %mul3A_2192 : vector<16xi32>
        %add3A_2194 = arith.addi %add3A_2193, %convert_element_type3A_2185 : vector<16xi32>
        %jit3A_2195 = arith.constant 1085952 : i32
        %broadcast_in_dim3A_2196 = vector.broadcast %jit3A_2195 : i32 to vector<16xi32>
        %select_n3A_2197 = arith.select %and3A_2183, %add3A_2194, %broadcast_in_dim3A_2196 : vector<16xi1>, vector<16xi32>
        %swap3A_2198 = arith.constant 80 : index
        %swap3A_2199 = tpu.vector_load %arg15[%swap3A_2198] {strides = array<i32>} : memref<128xi32, #tpu.memory_space<vmem>>, vector<16xi32>,
        tpu.vector_store %arg15[%swap3A_2198], %select_n3A_2197 {strides = array<i32>} : memref<128xi32, #tpu.memory_space<vmem>>, vector<16xi32>,
        %mul3A_2200 = arith.constant 3 : i32
        %mul3A_2201 = vector.broadcast %mul3A_2200 : i32 to vector<16xi32>
        %mul3A_2202 = arith.muli %iota3A, %mul3A_2201 : vector<16xi32>
        %add3A_2203 = arith.constant 1440 : i32
        %add3A_2204 = vector.broadcast %add3A_2203 : i32 to vector<16xi32>
        %add3A_2205 = arith.addi %add3A_2204, %mul3A_2202 : vector<16xi32>
        %gather3A_2206 = tpu.vector_load_idx %arg11[%add3A_2205] : memref<1536xf32, #tpu.memory_space<vmem>>[vector<16xi32>], vector<16xf32>,
        %mul3A_2207 = arith.constant 3 : i32
        %mul3A_2208 = vector.broadcast %mul3A_2207 : i32 to vector<16xi32>
        %mul3A_2209 = arith.muli %iota3A, %mul3A_2208 : vector<16xi32>
        %add3A_2210 = arith.constant 1440 : i32
        %add3A_2211 = vector.broadcast %add3A_2210 : i32 to vector<16xi32>
        %add3A_2212 = arith.addi %add3A_2211, %mul3A_2209 : vector<16xi32>
        %add3A_2213 = arith.constant 1 : i32
        %add3A_2214 = vector.broadcast %add3A_2213 : i32 to vector<16xi32>
        %add3A_2215 = arith.addi %add3A_2212, %add3A_2214 : vector<16xi32>
        %gather3A_2216 = tpu.vector_load_idx %arg11[%add3A_2215] : memref<1536xf32, #tpu.memory_space<vmem>>[vector<16xi32>], vector<16xf32>,
        %mul3A_2217 = arith.constant 3 : i32
        %mul3A_2218 = vector.broadcast %mul3A_2217 : i32 to vector<16xi32>
        %mul3A_2219 = arith.muli %iota3A, %mul3A_2218 : vector<16xi32>
        %add3A_2220 = arith.constant 1440 : i32
        %add3A_2221 = vector.broadcast %add3A_2220 : i32 to vector<16xi32>
        %add3A_2222 = arith.addi %add3A_2221, %mul3A_2219 : vector<16xi32>
        %add3A_2223 = arith.constant 2 : i32
        %add3A_2224 = vector.broadcast %add3A_2223 : i32 to vector<16xi32>
        %add3A_2225 = arith.addi %add3A_2222, %add3A_2224 : vector<16xi32>
        %gather3A_2226 = tpu.vector_load_idx %arg11[%add3A_2225] : memref<1536xf32, #tpu.memory_space<vmem>>[vector<16xi32>], vector<16xf32>,
        %sub3A_2227 = arith.subf %gather3A_2206, %get3A_128 : vector<16xf32>
        %sub3A_2228 = arith.subf %gather3A_2216, %get3A_132 : vector<16xf32>
        %sub3A_2229 = arith.subf %gather3A_2226, %get3A_136 : vector<16xf32>
        %ge3A_2230 = arith.constant 0.000000e+00 : f32
        %ge3A_2231 = vector.broadcast %ge3A_2230 : f32 to vector<16xf32>
        %ge3A_2232 = arith.cmpf oge, %sub3A_2227, %ge3A_2231 : vector<16xf32>
        %lt3A_2233 = arith.cmpf olt, %sub3A_2227, %get3A_140 : vector<16xf32>
        %and3A_2234 = arith.andi %ge3A_2232, %lt3A_2233 : vector<16xi1>
        %ge3A_2235 = arith.constant 0.000000e+00 : f32
        %ge3A_2236 = vector.broadcast %ge3A_2235 : f32 to vector<16xf32>
        %ge3A_2237 = arith.cmpf oge, %sub3A_2228, %ge3A_2236 : vector<16xf32>
        %and3A_2238 = arith.andi %and3A_2234, %ge3A_2237 : vector<16xi1>
        %lt3A_2239 = arith.cmpf olt, %sub3A_2228, %get3A_144 : vector<16xf32>
        %and3A_2240 = arith.andi %and3A_2238, %lt3A_2239 : vector<16xi1>
        %ge3A_2241 = arith.constant 0.000000e+00 : f32
        %ge3A_2242 = vector.broadcast %ge3A_2241 : f32 to vector<16xf32>
        %ge3A_2243 = arith.cmpf oge, %sub3A_2229, %ge3A_2242 : vector<16xf32>
        %and3A_2244 = arith.andi %and3A_2240, %ge3A_2243 : vector<16xi1>
        %lt3A_2245 = arith.cmpf olt, %sub3A_2229, %get3A_148 : vector<16xf32>
        %and3A_2246 = arith.andi %and3A_2244, %lt3A_2245 : vector<16xi1>
        %convert_element_type3A_2247 = arith.fptosi %sub3A_2227 : vector<16xf32> to vector<16xi32>
        %convert_element_type3A_2248 = arith.fptosi %sub3A_2228 : vector<16xf32> to vector<16xi32>
        %convert_element_type3A_2249 = arith.fptosi %sub3A_2229 : vector<16xf32> to vector<16xi32>
        %mul3A_2250 = arith.constant 10752 : i32
        %mul3A_2251 = vector.broadcast %mul3A_2250 : i32 to vector<16xi32>
        %mul3A_2252 = arith.muli %convert_element_type3A_2249, %mul3A_2251 : vector<16xi32>
        %mul3A_2253 = arith.constant 104 : i32
        %mul3A_2254 = vector.broadcast %mul3A_2253 : i32 to vector<16xi32>
        %mul3A_2255 = arith.muli %convert_element_type3A_2247, %mul3A_2254 : vector<16xi32>
        %add3A_2256 = arith.addi %mul3A_2252, %mul3A_2255 : vector<16xi32>
        %add3A_2257 = arith.addi %add3A_2256, %convert_element_type3A_2248 : vector<16xi32>
        %jit3A_2258 = arith.constant 1085952 : i32
        %broadcast_in_dim3A_2259 = vector.broadcast %jit3A_2258 : i32 to vector<16xi32>
        %select_n3A_2260 = arith.select %and3A_2246, %add3A_2257, %broadcast_in_dim3A_2259 : vector<16xi1>, vector<16xi32>
        %swap3A_2261 = arith.constant 96 : index
        %swap3A_2262 = tpu.vector_load %arg15[%swap3A_2261] {strides = array<i32>} : memref<128xi32, #tpu.memory_space<vmem>>, vector<16xi32>,
        tpu.vector_store %arg15[%swap3A_2261], %select_n3A_2260 {strides = array<i32>} : memref<128xi32, #tpu.memory_space<vmem>>, vector<16xi32>,
        %mul3A_2263 = arith.constant 3 : i32
        %mul3A_2264 = vector.broadcast %mul3A_2263 : i32 to vector<16xi32>
        %mul3A_2265 = arith.muli %iota3A, %mul3A_2264 : vector<16xi32>
        %add3A_2266 = arith.constant 1488 : i32
        %add3A_2267 = vector.broadcast %add3A_2266 : i32 to vector<16xi32>
        %add3A_2268 = arith.addi %add3A_2267, %mul3A_2265 : vector<16xi32>
        %gather3A_2269 = tpu.vector_load_idx %arg11[%add3A_2268] : memref<1536xf32, #tpu.memory_space<vmem>>[vector<16xi32>], vector<16xf32>,
        %mul3A_2270 = arith.constant 3 : i32
        %mul3A_2271 = vector.broadcast %mul3A_2270 : i32 to vector<16xi32>
        %mul3A_2272 = arith.muli %iota3A, %mul3A_2271 : vector<16xi32>
        %add3A_2273 = arith.constant 1488 : i32
        %add3A_2274 = vector.broadcast %add3A_2273 : i32 to vector<16xi32>
        %add3A_2275 = arith.addi %add3A_2274, %mul3A_2272 : vector<16xi32>
        %add3A_2276 = arith.constant 1 : i32
        %add3A_2277 = vector.broadcast %add3A_2276 : i32 to vector<16xi32>
        %add3A_2278 = arith.addi %add3A_2275, %add3A_2277 : vector<16xi32>
        %gather3A_2279 = tpu.vector_load_idx %arg11[%add3A_2278] : memref<1536xf32, #tpu.memory_space<vmem>>[vector<16xi32>], vector<16xf32>,
        %mul3A_2280 = arith.constant 3 : i32
        %mul3A_2281 = vector.broadcast %mul3A_2280 : i32 to vector<16xi32>
        %mul3A_2282 = arith.muli %iota3A, %mul3A_2281 : vector<16xi32>
        %add3A_2283 = arith.constant 1488 : i32
        %add3A_2284 = vector.broadcast %add3A_2283 : i32 to vector<16xi32>
        %add3A_2285 = arith.addi %add3A_2284, %mul3A_2282 : vector<16xi32>
        %add3A_2286 = arith.constant 2 : i32
        %add3A_2287 = vector.broadcast %add3A_2286 : i32 to vector<16xi32>
        %add3A_2288 = arith.addi %add3A_2285, %add3A_2287 : vector<16xi32>
        %gather3A_2289 = tpu.vector_load_idx %arg11[%add3A_2288] : memref<1536xf32, #tpu.memory_space<vmem>>[vector<16xi32>], vector<16xf32>,
        %sub3A_2290 = arith.subf %gather3A_2269, %get3A_128 : vector<16xf32>
        %sub3A_2291 = arith.subf %gather3A_2279, %get3A_132 : vector<16xf32>
        %sub3A_2292 = arith.subf %gather3A_2289, %get3A_136 : vector<16xf32>
        %ge3A_2293 = arith.constant 0.000000e+00 : f32
        %ge3A_2294 = vector.broadcast %ge3A_2293 : f32 to vector<16xf32>
        %ge3A_2295 = arith.cmpf oge, %sub3A_2290, %ge3A_2294 : vector<16xf32>
        %lt3A_2296 = arith.cmpf olt, %sub3A_2290, %get3A_140 : vector<16xf32>
        %and3A_2297 = arith.andi %ge3A_2295, %lt3A_2296 : vector<16xi1>
        %ge3A_2298 = arith.constant 0.000000e+00 : f32
        %ge3A_2299 = vector.broadcast %ge3A_2298 : f32 to vector<16xf32>
        %ge3A_2300 = arith.cmpf oge, %sub3A_2291, %ge3A_2299 : vector<16xf32>
        %and3A_2301 = arith.andi %and3A_2297, %ge3A_2300 : vector<16xi1>
        %lt3A_2302 = arith.cmpf olt, %sub3A_2291, %get3A_144 : vector<16xf32>
        %and3A_2303 = arith.andi %and3A_2301, %lt3A_2302 : vector<16xi1>
        %ge3A_2304 = arith.constant 0.000000e+00 : f32
        %ge3A_2305 = vector.broadcast %ge3A_2304 : f32 to vector<16xf32>
        %ge3A_2306 = arith.cmpf oge, %sub3A_2292, %ge3A_2305 : vector<16xf32>
        %and3A_2307 = arith.andi %and3A_2303, %ge3A_2306 : vector<16xi1>
        %lt3A_2308 = arith.cmpf olt, %sub3A_2292, %get3A_148 : vector<16xf32>
        %and3A_2309 = arith.andi %and3A_2307, %lt3A_2308 : vector<16xi1>
        %convert_element_type3A_2310 = arith.fptosi %sub3A_2290 : vector<16xf32> to vector<16xi32>
        %convert_element_type3A_2311 = arith.fptosi %sub3A_2291 : vector<16xf32> to vector<16xi32>
        %convert_element_type3A_2312 = arith.fptosi %sub3A_2292 : vector<16xf32> to vector<16xi32>
        %mul3A_2313 = arith.constant 10752 : i32
        %mul3A_2314 = vector.broadcast %mul3A_2313 : i32 to vector<16xi32>
        %mul3A_2315 = arith.muli %convert_element_type3A_2312, %mul3A_2314 : vector<16xi32>
        %mul3A_2316 = arith.constant 104 : i32
        %mul3A_2317 = vector.broadcast %mul3A_2316 : i32 to vector<16xi32>
        %mul3A_2318 = arith.muli %convert_element_type3A_2310, %mul3A_2317 : vector<16xi32>
        %add3A_2319 = arith.addi %mul3A_2315, %mul3A_2318 : vector<16xi32>
        %add3A_2320 = arith.addi %add3A_2319, %convert_element_type3A_2311 : vector<16xi32>
        %jit3A_2321 = arith.constant 1085952 : i32
        %broadcast_in_dim3A_2322 = vector.broadcast %jit3A_2321 : i32 to vector<16xi32>
        %select_n3A_2323 = arith.select %and3A_2309, %add3A_2320, %broadcast_in_dim3A_2322 : vector<16xi1>, vector<16xi32>
        %swap3A_2324 = arith.constant 112 : index
        %swap3A_2325 = tpu.vector_load %arg15[%swap3A_2324] {strides = array<i32>} : memref<128xi32, #tpu.memory_space<vmem>>, vector<16xi32>,
        tpu.vector_store %arg15[%swap3A_2324], %select_n3A_2323 {strides = array<i32>} : memref<128xi32, #tpu.memory_space<vmem>>, vector<16xi32>,
        %dma_start3A_2326 = arith.constant 0 : i32
        %dma_start3A_2327 = tpu.memref_slice %arg20[%dma_start3A_2326] : memref<1086080xf32, #tpu.memory_space<vmem_shared>> -> memref<1086080xf32, #tpu.memory_space<vmem_shared>>
        tpu.enqueue_indirect_dma source(%arg10 : memref<128xf32, #tpu.memory_space<vmem>>) target(%dma_start3A_2327 : memref<1086080xf32, #tpu.memory_space<vmem_shared>>) offsets(%arg15 : memref<128xi32, #tpu.memory_space<vmem>>) semaphore(%arg19 : memref<!tpu.dma_semaphore, #tpu.memory_space<semaphore_mem>>)
        %dma_wait3A = arith.constant 0 : i32
        %dma_wait3A_2328 = tpu.memref_slice %arg20[%dma_wait3A] : memref<1086080xf32, #tpu.memory_space<vmem_shared>> -> memref<1086080xf32, #tpu.memory_space<vmem_shared>>
        tpu.wait_indirect_dma semaphore(%arg19 : memref<!tpu.dma_semaphore, #tpu.memory_space<semaphore_mem>>) src(%arg10 : memref<128xf32, #tpu.memory_space<vmem>>) dst(%dma_wait3A_2328 : memref<1086080xf32, #tpu.memory_space<vmem_shared>>)
        %dma_wait3A_2329 = arith.constant 0 : i32
        %dma_wait3A_2330 = tpu.memref_slice %arg20[%dma_wait3A_2329] : memref<1086080xf32, #tpu.memory_space<vmem_shared>> -> memref<1086080xf32, #tpu.memory_space<vmem_shared>>
        tpu.wait_indirect_dma semaphore(%arg19 : memref<!tpu.dma_semaphore, #tpu.memory_space<semaphore_mem>>) src(%arg10 : memref<128xf32, #tpu.memory_space<vmem>>) dst(%dma_wait3A_2330 : memref<1086080xf32, #tpu.memory_space<vmem_shared>>)
        %dma_wait3A_2331 = arith.constant 0 : i32
        %dma_wait3A_2332 = tpu.memref_slice %arg20[%dma_wait3A_2331] : memref<1086080xf32, #tpu.memory_space<vmem_shared>> -> memref<1086080xf32, #tpu.memory_space<vmem_shared>>
        tpu.wait_indirect_dma semaphore(%arg19 : memref<!tpu.dma_semaphore, #tpu.memory_space<semaphore_mem>>) src(%arg10 : memref<128xf32, #tpu.memory_space<vmem>>) dst(%dma_wait3A_2332 : memref<1086080xf32, #tpu.memory_space<vmem_shared>>)
        %dma_wait3A_2333 = arith.constant 0 : i32
        %dma_wait3A_2334 = tpu.memref_slice %arg20[%dma_wait3A_2333] : memref<1086080xf32, #tpu.memory_space<vmem_shared>> -> memref<1086080xf32, #tpu.memory_space<vmem_shared>>
        tpu.wait_indirect_dma semaphore(%arg19 : memref<!tpu.dma_semaphore, #tpu.memory_space<semaphore_mem>>) src(%arg10 : memref<128xf32, #tpu.memory_space<vmem>>) dst(%dma_wait3A_2334 : memref<1086080xf32, #tpu.memory_space<vmem_shared>>)
        %scan3A_2335 = arith.constant 0 : i32
        scf.yield %scan3A_2335 : i32
      }
      %scan3A_257 = arith.constant 25 : i32
      %barrier3A_258 = arith.constant 0 : index
      tpu.barrier barrier_id(%barrier3A_258)
      %scan3A_259 = arith.constant 0 : i32
      %scan3A_260 = arith.constant 0 : i32
      %scan3A_261 = arith.constant 4 : i32
      %scan3A_262 = arith.addi %scan3A_260, %scan3A_261 : i32
      %scan3A_263 = arith.constant 1 : i32
      %scan3A_264 = scf.for %scan3A_296 = %scan3A_260 to %scan3A_262 step %scan3A_263 iter_args(%scan3A_297 = %scan3A_259) -> (i32)  : i32 {
        %mul3A_298 = arith.constant 32 : i32
        %mul3A_299 = arith.muli %mul3A_298, %scan3A_296 : i32
        %sub3A_300 = arith.constant 101 : i32
        %sub3A_301 = arith.subi %sub3A_300, %mul3A_299 : i32
        %min3A = arith.constant 32 : i32
        %min3A_302 = arith.minsi %min3A, %sub3A_301 : i32
        %while3A = arith.constant 0 : i32
        %while3A_303 = arith.constant 0 : i32
        %while3A_304 = arith.subi %min3A_302, %while3A : i32
        %while3A_305 = arith.addi %while3A, %while3A_304 : i32
        %while3A_306 = arith.constant 1 : i32
        %while3A_307 = arith.divsi %while3A_304, %while3A_306 : i32
        %while3A_308 = arith.muli %while3A_307, %while3A_306 : i32
        %while3A_309 = arith.addi %while3A, %while3A_308 : i32
        %while3A_310 = arith.constant 1 : i32
        %while3A_311 = scf.for %while3A_320 = %while3A to %while3A_309 step %while3A_310 iter_args(%while3A_321 = %while3A_303) -> (i32)  : i32 {
          %mul3A_322 = arith.constant 32 : i32
          %mul3A_323 = arith.muli %mul3A_322, %scan3A_296 : i32
          %add3A_324 = arith.addi %mul3A_323, %while3A_320 : i32
          %mul3A_325 = arith.constant 10752 : i32
          %mul3A_326 = arith.muli %add3A_324, %mul3A_325 : i32
          %mul3A_327 = arith.constant 672 : i32
          %mul3A_328 = arith.muli %arg1, %mul3A_327 : i32
          %add3A_329 = arith.addi %mul3A_326, %mul3A_328 : i32
          "tpu.region"() ({
            %run_scoped3A = tpu.sem_alloc : memref<!tpu.dma_semaphore, #tpu.memory_space<semaphore_mem>>
            %dma_start3A = arith.constant 0 : i32
            %dma_start3A_1045 = tpu.memref_slice %arg7[%dma_start3A] : memref<2688xf32, #tpu.memory_space<vmem>> -> memref<672xf32, #tpu.memory_space<vmem>>
            %dma_start3A_1046 = tpu.memref_slice %arg20[%add3A_329] : memref<1086080xf32, #tpu.memory_space<vmem_shared>> -> memref<672xf32, #tpu.memory_space<vmem_shared>>
            %dma_start3A_1047 = arith.constant 0 : i32
            %dma_start3A_1048 = tpu.memref_slice %arg7[%dma_start3A_1047] : memref<2688xf32, #tpu.memory_space<vmem>> -> memref<672xf32, #tpu.memory_space<vmem>>
            %dma_start3A_1049 = tpu.memref_slice %arg20[%add3A_329] : memref<1086080xf32, #tpu.memory_space<vmem_shared>> -> memref<672xf32, #tpu.memory_space<vmem_shared>>
            tpu.enqueue_dma source(%dma_start3A_1049 : memref<672xf32, #tpu.memory_space<vmem_shared>>) target(%dma_start3A_1048 : memref<672xf32, #tpu.memory_space<vmem>>) target_semaphore(%run_scoped3A : memref<!tpu.dma_semaphore, #tpu.memory_space<semaphore_mem>>)
            %dma_wait3A = arith.constant 0 : i32
            %dma_wait3A_1050 = tpu.memref_slice %arg7[%dma_wait3A] : memref<2688xf32, #tpu.memory_space<vmem>> -> memref<672xf32, #tpu.memory_space<vmem>>
            %dma_wait3A_1051 = tpu.memref_slice %arg20[%add3A_329] : memref<1086080xf32, #tpu.memory_space<vmem_shared>> -> memref<672xf32, #tpu.memory_space<vmem_shared>>
            %dma_wait3A_1052 = arith.constant 0 : i32
            %dma_wait3A_1053 = tpu.memref_slice %arg7[%dma_wait3A_1052] : memref<2688xf32, #tpu.memory_space<vmem>> -> memref<672xf32, #tpu.memory_space<vmem>>
            %dma_wait3A_1054 = tpu.memref_slice %arg20[%add3A_329] : memref<1086080xf32, #tpu.memory_space<vmem_shared>> -> memref<672xf32, #tpu.memory_space<vmem_shared>>
            tpu.wait_dma2 semaphore(%run_scoped3A : memref<!tpu.dma_semaphore, #tpu.memory_space<semaphore_mem>>) src(%dma_wait3A_1054 : memref<672xf32, #tpu.memory_space<vmem_shared>>) dst(%dma_wait3A_1053 : memref<672xf32, #tpu.memory_space<vmem>>)
            tpu.yield
          }) : () -> ()
          %broadcast_in_dim3A = vector.broadcast %while3A_320 : i32 to vector<16xi32>
          %broadcast_in_dim3A_330 = arith.constant 1 : i32
          %broadcast_in_dim3A_331 = vector.broadcast %broadcast_in_dim3A_330 : i32 to vector<16xi32>
          %shift_left3A = arith.shli %broadcast_in_dim3A_331, %broadcast_in_dim3A : vector<16xi32>
          %get3A_332 = arith.constant 0 : index
          %get3A_333 = tpu.vector_load %arg7[%get3A_332] {strides = array<i32>} : memref<2688xf32, #tpu.memory_space<vmem>>, vector<16xf32>,
          %ne3A_334 = arith.constant 0.000000e+00 : f32
          %ne3A_335 = vector.broadcast %ne3A_334 : f32 to vector<16xf32>
          %ne3A_336 = arith.cmpf one, %get3A_333, %ne3A_335 : vector<16xf32>
          %jit3A_337 = arith.constant 0 : i32
          %broadcast_in_dim3A_338 = vector.broadcast %jit3A_337 : i32 to vector<16xi32>
          %select_n3A_339 = arith.select %ne3A_336, %shift_left3A, %broadcast_in_dim3A_338 : vector<16xi1>, vector<16xi32>
          %get3A_340 = arith.constant 0 : index
          %get3A_341 = tpu.vector_load %arg8[%get3A_340] {strides = array<i32>} : memref<672xi32, #tpu.memory_space<vmem>>, vector<16xi32>,
          %eq3A_342 = arith.constant 0 : i32
          %eq3A_343 = vector.broadcast %eq3A_342 : i32 to vector<16xi32>
          %eq3A_344 = arith.cmpi eq, %broadcast_in_dim3A, %eq3A_343 : vector<16xi32>
          %or3A = arith.ori %get3A_341, %select_n3A_339 : vector<16xi32>
          %select_n3A_345 = arith.select %eq3A_344, %select_n3A_339, %or3A : vector<16xi1>, vector<16xi32>
          %swap3A = arith.constant 0 : index
          %swap3A_346 = tpu.vector_load %arg8[%swap3A] {strides = array<i32>} : memref<672xi32, #tpu.memory_space<vmem>>, vector<16xi32>,
          tpu.vector_store %arg8[%swap3A], %select_n3A_345 {strides = array<i32>} : memref<672xi32, #tpu.memory_space<vmem>>, vector<16xi32>,
          %get3A_347 = arith.constant 16 : index
          %get3A_348 = tpu.vector_load %arg7[%get3A_347] {strides = array<i32>} : memref<2688xf32, #tpu.memory_space<vmem>>, vector<16xf32>,
          %ne3A_349 = arith.constant 0.000000e+00 : f32
          %ne3A_350 = vector.broadcast %ne3A_349 : f32 to vector<16xf32>
          %ne3A_351 = arith.cmpf one, %get3A_348, %ne3A_350 : vector<16xf32>
          %jit3A_352 = arith.constant 0 : i32
          %broadcast_in_dim3A_353 = vector.broadcast %jit3A_352 : i32 to vector<16xi32>
          %select_n3A_354 = arith.select %ne3A_351, %shift_left3A, %broadcast_in_dim3A_353 : vector<16xi1>, vector<16xi32>
          %get3A_355 = arith.constant 16 : index
          %get3A_356 = tpu.vector_load %arg8[%get3A_355] {strides = array<i32>} : memref<672xi32, #tpu.memory_space<vmem>>, vector<16xi32>,
          %eq3A_357 = arith.constant 0 : i32
          %eq3A_358 = vector.broadcast %eq3A_357 : i32 to vector<16xi32>
          %eq3A_359 = arith.cmpi eq, %broadcast_in_dim3A, %eq3A_358 : vector<16xi32>
          %or3A_360 = arith.ori %get3A_356, %select_n3A_354 : vector<16xi32>
          %select_n3A_361 = arith.select %eq3A_359, %select_n3A_354, %or3A_360 : vector<16xi1>, vector<16xi32>
          %swap3A_362 = arith.constant 16 : index
          %swap3A_363 = tpu.vector_load %arg8[%swap3A_362] {strides = array<i32>} : memref<672xi32, #tpu.memory_space<vmem>>, vector<16xi32>,
          tpu.vector_store %arg8[%swap3A_362], %select_n3A_361 {strides = array<i32>} : memref<672xi32, #tpu.memory_space<vmem>>, vector<16xi32>,
          %get3A_364 = arith.constant 32 : index
          %get3A_365 = tpu.vector_load %arg7[%get3A_364] {strides = array<i32>} : memref<2688xf32, #tpu.memory_space<vmem>>, vector<16xf32>,
          %ne3A_366 = arith.constant 0.000000e+00 : f32
          %ne3A_367 = vector.broadcast %ne3A_366 : f32 to vector<16xf32>
          %ne3A_368 = arith.cmpf one, %get3A_365, %ne3A_367 : vector<16xf32>
          %jit3A_369 = arith.constant 0 : i32
          %broadcast_in_dim3A_370 = vector.broadcast %jit3A_369 : i32 to vector<16xi32>
          %select_n3A_371 = arith.select %ne3A_368, %shift_left3A, %broadcast_in_dim3A_370 : vector<16xi1>, vector<16xi32>
          %get3A_372 = arith.constant 32 : index
          %get3A_373 = tpu.vector_load %arg8[%get3A_372] {strides = array<i32>} : memref<672xi32, #tpu.memory_space<vmem>>, vector<16xi32>,
          %eq3A_374 = arith.constant 0 : i32
          %eq3A_375 = vector.broadcast %eq3A_374 : i32 to vector<16xi32>
          %eq3A_376 = arith.cmpi eq, %broadcast_in_dim3A, %eq3A_375 : vector<16xi32>
          %or3A_377 = arith.ori %get3A_373, %select_n3A_371 : vector<16xi32>
          %select_n3A_378 = arith.select %eq3A_376, %select_n3A_371, %or3A_377 : vector<16xi1>, vector<16xi32>
          %swap3A_379 = arith.constant 32 : index
          %swap3A_380 = tpu.vector_load %arg8[%swap3A_379] {strides = array<i32>} : memref<672xi32, #tpu.memory_space<vmem>>, vector<16xi32>,
          tpu.vector_store %arg8[%swap3A_379], %select_n3A_378 {strides = array<i32>} : memref<672xi32, #tpu.memory_space<vmem>>, vector<16xi32>,
          %get3A_381 = arith.constant 48 : index
          %get3A_382 = tpu.vector_load %arg7[%get3A_381] {strides = array<i32>} : memref<2688xf32, #tpu.memory_space<vmem>>, vector<16xf32>,
          %ne3A_383 = arith.constant 0.000000e+00 : f32
          %ne3A_384 = vector.broadcast %ne3A_383 : f32 to vector<16xf32>
          %ne3A_385 = arith.cmpf one, %get3A_382, %ne3A_384 : vector<16xf32>
          %jit3A_386 = arith.constant 0 : i32
          %broadcast_in_dim3A_387 = vector.broadcast %jit3A_386 : i32 to vector<16xi32>
          %select_n3A_388 = arith.select %ne3A_385, %shift_left3A, %broadcast_in_dim3A_387 : vector<16xi1>, vector<16xi32>
          %get3A_389 = arith.constant 48 : index
          %get3A_390 = tpu.vector_load %arg8[%get3A_389] {strides = array<i32>} : memref<672xi32, #tpu.memory_space<vmem>>, vector<16xi32>,
          %eq3A_391 = arith.constant 0 : i32
          %eq3A_392 = vector.broadcast %eq3A_391 : i32 to vector<16xi32>
          %eq3A_393 = arith.cmpi eq, %broadcast_in_dim3A, %eq3A_392 : vector<16xi32>
          %or3A_394 = arith.ori %get3A_390, %select_n3A_388 : vector<16xi32>
          %select_n3A_395 = arith.select %eq3A_393, %select_n3A_388, %or3A_394 : vector<16xi1>, vector<16xi32>
          %swap3A_396 = arith.constant 48 : index
          %swap3A_397 = tpu.vector_load %arg8[%swap3A_396] {strides = array<i32>} : memref<672xi32, #tpu.memory_space<vmem>>, vector<16xi32>,
          tpu.vector_store %arg8[%swap3A_396], %select_n3A_395 {strides = array<i32>} : memref<672xi32, #tpu.memory_space<vmem>>, vector<16xi32>,
          %get3A_398 = arith.constant 64 : index
          %get3A_399 = tpu.vector_load %arg7[%get3A_398] {strides = array<i32>} : memref<2688xf32, #tpu.memory_space<vmem>>, vector<16xf32>,
          %ne3A_400 = arith.constant 0.000000e+00 : f32
          %ne3A_401 = vector.broadcast %ne3A_400 : f32 to vector<16xf32>
          %ne3A_402 = arith.cmpf one, %get3A_399, %ne3A_401 : vector<16xf32>
          %jit3A_403 = arith.constant 0 : i32
          %broadcast_in_dim3A_404 = vector.broadcast %jit3A_403 : i32 to vector<16xi32>
          %select_n3A_405 = arith.select %ne3A_402, %shift_left3A, %broadcast_in_dim3A_404 : vector<16xi1>, vector<16xi32>
          %get3A_406 = arith.constant 64 : index
          %get3A_407 = tpu.vector_load %arg8[%get3A_406] {strides = array<i32>} : memref<672xi32, #tpu.memory_space<vmem>>, vector<16xi32>,
          %eq3A_408 = arith.constant 0 : i32
          %eq3A_409 = vector.broadcast %eq3A_408 : i32 to vector<16xi32>
          %eq3A_410 = arith.cmpi eq, %broadcast_in_dim3A, %eq3A_409 : vector<16xi32>
          %or3A_411 = arith.ori %get3A_407, %select_n3A_405 : vector<16xi32>
          %select_n3A_412 = arith.select %eq3A_410, %select_n3A_405, %or3A_411 : vector<16xi1>, vector<16xi32>
          %swap3A_413 = arith.constant 64 : index
          %swap3A_414 = tpu.vector_load %arg8[%swap3A_413] {strides = array<i32>} : memref<672xi32, #tpu.memory_space<vmem>>, vector<16xi32>,
          tpu.vector_store %arg8[%swap3A_413], %select_n3A_412 {strides = array<i32>} : memref<672xi32, #tpu.memory_space<vmem>>, vector<16xi32>,
          %get3A_415 = arith.constant 80 : index
          %get3A_416 = tpu.vector_load %arg7[%get3A_415] {strides = array<i32>} : memref<2688xf32, #tpu.memory_space<vmem>>, vector<16xf32>,
          %ne3A_417 = arith.constant 0.000000e+00 : f32
          %ne3A_418 = vector.broadcast %ne3A_417 : f32 to vector<16xf32>
          %ne3A_419 = arith.cmpf one, %get3A_416, %ne3A_418 : vector<16xf32>
          %jit3A_420 = arith.constant 0 : i32
          %broadcast_in_dim3A_421 = vector.broadcast %jit3A_420 : i32 to vector<16xi32>
          %select_n3A_422 = arith.select %ne3A_419, %shift_left3A, %broadcast_in_dim3A_421 : vector<16xi1>, vector<16xi32>
          %get3A_423 = arith.constant 80 : index
          %get3A_424 = tpu.vector_load %arg8[%get3A_423] {strides = array<i32>} : memref<672xi32, #tpu.memory_space<vmem>>, vector<16xi32>,
          %eq3A_425 = arith.constant 0 : i32
          %eq3A_426 = vector.broadcast %eq3A_425 : i32 to vector<16xi32>
          %eq3A_427 = arith.cmpi eq, %broadcast_in_dim3A, %eq3A_426 : vector<16xi32>
          %or3A_428 = arith.ori %get3A_424, %select_n3A_422 : vector<16xi32>
          %select_n3A_429 = arith.select %eq3A_427, %select_n3A_422, %or3A_428 : vector<16xi1>, vector<16xi32>
          %swap3A_430 = arith.constant 80 : index
          %swap3A_431 = tpu.vector_load %arg8[%swap3A_430] {strides = array<i32>} : memref<672xi32, #tpu.memory_space<vmem>>, vector<16xi32>,
          tpu.vector_store %arg8[%swap3A_430], %select_n3A_429 {strides = array<i32>} : memref<672xi32, #tpu.memory_space<vmem>>, vector<16xi32>,
          %get3A_432 = arith.constant 96 : index
          %get3A_433 = tpu.vector_load %arg7[%get3A_432] {strides = array<i32>} : memref<2688xf32, #tpu.memory_space<vmem>>, vector<16xf32>,
          %ne3A_434 = arith.constant 0.000000e+00 : f32
          %ne3A_435 = vector.broadcast %ne3A_434 : f32 to vector<16xf32>
          %ne3A_436 = arith.cmpf one, %get3A_433, %ne3A_435 : vector<16xf32>
          %jit3A_437 = arith.constant 0 : i32
          %broadcast_in_dim3A_438 = vector.broadcast %jit3A_437 : i32 to vector<16xi32>
          %select_n3A_439 = arith.select %ne3A_436, %shift_left3A, %broadcast_in_dim3A_438 : vector<16xi1>, vector<16xi32>
          %get3A_440 = arith.constant 96 : index
          %get3A_441 = tpu.vector_load %arg8[%get3A_440] {strides = array<i32>} : memref<672xi32, #tpu.memory_space<vmem>>, vector<16xi32>,
          %eq3A_442 = arith.constant 0 : i32
          %eq3A_443 = vector.broadcast %eq3A_442 : i32 to vector<16xi32>
          %eq3A_444 = arith.cmpi eq, %broadcast_in_dim3A, %eq3A_443 : vector<16xi32>
          %or3A_445 = arith.ori %get3A_441, %select_n3A_439 : vector<16xi32>
          %select_n3A_446 = arith.select %eq3A_444, %select_n3A_439, %or3A_445 : vector<16xi1>, vector<16xi32>
          %swap3A_447 = arith.constant 96 : index
          %swap3A_448 = tpu.vector_load %arg8[%swap3A_447] {strides = array<i32>} : memref<672xi32, #tpu.memory_space<vmem>>, vector<16xi32>,
          tpu.vector_store %arg8[%swap3A_447], %select_n3A_446 {strides = array<i32>} : memref<672xi32, #tpu.memory_space<vmem>>, vector<16xi32>,
          %get3A_449 = arith.constant 112 : index
          %get3A_450 = tpu.vector_load %arg7[%get3A_449] {strides = array<i32>} : memref<2688xf32, #tpu.memory_space<vmem>>, vector<16xf32>,
          %ne3A_451 = arith.constant 0.000000e+00 : f32
          %ne3A_452 = vector.broadcast %ne3A_451 : f32 to vector<16xf32>
          %ne3A_453 = arith.cmpf one, %get3A_450, %ne3A_452 : vector<16xf32>
          %jit3A_454 = arith.constant 0 : i32
          %broadcast_in_dim3A_455 = vector.broadcast %jit3A_454 : i32 to vector<16xi32>
          %select_n3A_456 = arith.select %ne3A_453, %shift_left3A, %broadcast_in_dim3A_455 : vector<16xi1>, vector<16xi32>
          %get3A_457 = arith.constant 112 : index
          %get3A_458 = tpu.vector_load %arg8[%get3A_457] {strides = array<i32>} : memref<672xi32, #tpu.memory_space<vmem>>, vector<16xi32>,
          %eq3A_459 = arith.constant 0 : i32
          %eq3A_460 = vector.broadcast %eq3A_459 : i32 to vector<16xi32>
          %eq3A_461 = arith.cmpi eq, %broadcast_in_dim3A, %eq3A_460 : vector<16xi32>
          %or3A_462 = arith.ori %get3A_458, %select_n3A_456 : vector<16xi32>
          %select_n3A_463 = arith.select %eq3A_461, %select_n3A_456, %or3A_462 : vector<16xi1>, vector<16xi32>
          %swap3A_464 = arith.constant 112 : index
          %swap3A_465 = tpu.vector_load %arg8[%swap3A_464] {strides = array<i32>} : memref<672xi32, #tpu.memory_space<vmem>>, vector<16xi32>,
          tpu.vector_store %arg8[%swap3A_464], %select_n3A_463 {strides = array<i32>} : memref<672xi32, #tpu.memory_space<vmem>>, vector<16xi32>,
          %get3A_466 = arith.constant 128 : index
          %get3A_467 = tpu.vector_load %arg7[%get3A_466] {strides = array<i32>} : memref<2688xf32, #tpu.memory_space<vmem>>, vector<16xf32>,
          %ne3A_468 = arith.constant 0.000000e+00 : f32
          %ne3A_469 = vector.broadcast %ne3A_468 : f32 to vector<16xf32>
          %ne3A_470 = arith.cmpf one, %get3A_467, %ne3A_469 : vector<16xf32>
          %jit3A_471 = arith.constant 0 : i32
          %broadcast_in_dim3A_472 = vector.broadcast %jit3A_471 : i32 to vector<16xi32>
          %select_n3A_473 = arith.select %ne3A_470, %shift_left3A, %broadcast_in_dim3A_472 : vector<16xi1>, vector<16xi32>
          %get3A_474 = arith.constant 128 : index
          %get3A_475 = tpu.vector_load %arg8[%get3A_474] {strides = array<i32>} : memref<672xi32, #tpu.memory_space<vmem>>, vector<16xi32>,
          %eq3A_476 = arith.constant 0 : i32
          %eq3A_477 = vector.broadcast %eq3A_476 : i32 to vector<16xi32>
          %eq3A_478 = arith.cmpi eq, %broadcast_in_dim3A, %eq3A_477 : vector<16xi32>
          %or3A_479 = arith.ori %get3A_475, %select_n3A_473 : vector<16xi32>
          %select_n3A_480 = arith.select %eq3A_478, %select_n3A_473, %or3A_479 : vector<16xi1>, vector<16xi32>
          %swap3A_481 = arith.constant 128 : index
          %swap3A_482 = tpu.vector_load %arg8[%swap3A_481] {strides = array<i32>} : memref<672xi32, #tpu.memory_space<vmem>>, vector<16xi32>,
          tpu.vector_store %arg8[%swap3A_481], %select_n3A_480 {strides = array<i32>} : memref<672xi32, #tpu.memory_space<vmem>>, vector<16xi32>,
          %get3A_483 = arith.constant 144 : index
          %get3A_484 = tpu.vector_load %arg7[%get3A_483] {strides = array<i32>} : memref<2688xf32, #tpu.memory_space<vmem>>, vector<16xf32>,
          %ne3A_485 = arith.constant 0.000000e+00 : f32
          %ne3A_486 = vector.broadcast %ne3A_485 : f32 to vector<16xf32>
          %ne3A_487 = arith.cmpf one, %get3A_484, %ne3A_486 : vector<16xf32>
          %jit3A_488 = arith.constant 0 : i32
          %broadcast_in_dim3A_489 = vector.broadcast %jit3A_488 : i32 to vector<16xi32>
          %select_n3A_490 = arith.select %ne3A_487, %shift_left3A, %broadcast_in_dim3A_489 : vector<16xi1>, vector<16xi32>
          %get3A_491 = arith.constant 144 : index
          %get3A_492 = tpu.vector_load %arg8[%get3A_491] {strides = array<i32>} : memref<672xi32, #tpu.memory_space<vmem>>, vector<16xi32>,
          %eq3A_493 = arith.constant 0 : i32
          %eq3A_494 = vector.broadcast %eq3A_493 : i32 to vector<16xi32>
          %eq3A_495 = arith.cmpi eq, %broadcast_in_dim3A, %eq3A_494 : vector<16xi32>
          %or3A_496 = arith.ori %get3A_492, %select_n3A_490 : vector<16xi32>
          %select_n3A_497 = arith.select %eq3A_495, %select_n3A_490, %or3A_496 : vector<16xi1>, vector<16xi32>
          %swap3A_498 = arith.constant 144 : index
          %swap3A_499 = tpu.vector_load %arg8[%swap3A_498] {strides = array<i32>} : memref<672xi32, #tpu.memory_space<vmem>>, vector<16xi32>,
          tpu.vector_store %arg8[%swap3A_498], %select_n3A_497 {strides = array<i32>} : memref<672xi32, #tpu.memory_space<vmem>>, vector<16xi32>,
          %get3A_500 = arith.constant 160 : index
          %get3A_501 = tpu.vector_load %arg7[%get3A_500] {strides = array<i32>} : memref<2688xf32, #tpu.memory_space<vmem>>, vector<16xf32>,
          %ne3A_502 = arith.constant 0.000000e+00 : f32
          %ne3A_503 = vector.broadcast %ne3A_502 : f32 to vector<16xf32>
          %ne3A_504 = arith.cmpf one, %get3A_501, %ne3A_503 : vector<16xf32>
          %jit3A_505 = arith.constant 0 : i32
          %broadcast_in_dim3A_506 = vector.broadcast %jit3A_505 : i32 to vector<16xi32>
          %select_n3A_507 = arith.select %ne3A_504, %shift_left3A, %broadcast_in_dim3A_506 : vector<16xi1>, vector<16xi32>
          %get3A_508 = arith.constant 160 : index
          %get3A_509 = tpu.vector_load %arg8[%get3A_508] {strides = array<i32>} : memref<672xi32, #tpu.memory_space<vmem>>, vector<16xi32>,
          %eq3A_510 = arith.constant 0 : i32
          %eq3A_511 = vector.broadcast %eq3A_510 : i32 to vector<16xi32>
          %eq3A_512 = arith.cmpi eq, %broadcast_in_dim3A, %eq3A_511 : vector<16xi32>
          %or3A_513 = arith.ori %get3A_509, %select_n3A_507 : vector<16xi32>
          %select_n3A_514 = arith.select %eq3A_512, %select_n3A_507, %or3A_513 : vector<16xi1>, vector<16xi32>
          %swap3A_515 = arith.constant 160 : index
          %swap3A_516 = tpu.vector_load %arg8[%swap3A_515] {strides = array<i32>} : memref<672xi32, #tpu.memory_space<vmem>>, vector<16xi32>,
          tpu.vector_store %arg8[%swap3A_515], %select_n3A_514 {strides = array<i32>} : memref<672xi32, #tpu.memory_space<vmem>>, vector<16xi32>,
          %get3A_517 = arith.constant 176 : index
          %get3A_518 = tpu.vector_load %arg7[%get3A_517] {strides = array<i32>} : memref<2688xf32, #tpu.memory_space<vmem>>, vector<16xf32>,
          %ne3A_519 = arith.constant 0.000000e+00 : f32
          %ne3A_520 = vector.broadcast %ne3A_519 : f32 to vector<16xf32>
          %ne3A_521 = arith.cmpf one, %get3A_518, %ne3A_520 : vector<16xf32>
          %jit3A_522 = arith.constant 0 : i32
          %broadcast_in_dim3A_523 = vector.broadcast %jit3A_522 : i32 to vector<16xi32>
          %select_n3A_524 = arith.select %ne3A_521, %shift_left3A, %broadcast_in_dim3A_523 : vector<16xi1>, vector<16xi32>
          %get3A_525 = arith.constant 176 : index
          %get3A_526 = tpu.vector_load %arg8[%get3A_525] {strides = array<i32>} : memref<672xi32, #tpu.memory_space<vmem>>, vector<16xi32>,
          %eq3A_527 = arith.constant 0 : i32
          %eq3A_528 = vector.broadcast %eq3A_527 : i32 to vector<16xi32>
          %eq3A_529 = arith.cmpi eq, %broadcast_in_dim3A, %eq3A_528 : vector<16xi32>
          %or3A_530 = arith.ori %get3A_526, %select_n3A_524 : vector<16xi32>
          %select_n3A_531 = arith.select %eq3A_529, %select_n3A_524, %or3A_530 : vector<16xi1>, vector<16xi32>
          %swap3A_532 = arith.constant 176 : index
          %swap3A_533 = tpu.vector_load %arg8[%swap3A_532] {strides = array<i32>} : memref<672xi32, #tpu.memory_space<vmem>>, vector<16xi32>,
          tpu.vector_store %arg8[%swap3A_532], %select_n3A_531 {strides = array<i32>} : memref<672xi32, #tpu.memory_space<vmem>>, vector<16xi32>,
          %get3A_534 = arith.constant 192 : index
          %get3A_535 = tpu.vector_load %arg7[%get3A_534] {strides = array<i32>} : memref<2688xf32, #tpu.memory_space<vmem>>, vector<16xf32>,
          %ne3A_536 = arith.constant 0.000000e+00 : f32
          %ne3A_537 = vector.broadcast %ne3A_536 : f32 to vector<16xf32>
          %ne3A_538 = arith.cmpf one, %get3A_535, %ne3A_537 : vector<16xf32>
          %jit3A_539 = arith.constant 0 : i32
          %broadcast_in_dim3A_540 = vector.broadcast %jit3A_539 : i32 to vector<16xi32>
          %select_n3A_541 = arith.select %ne3A_538, %shift_left3A, %broadcast_in_dim3A_540 : vector<16xi1>, vector<16xi32>
          %get3A_542 = arith.constant 192 : index
          %get3A_543 = tpu.vector_load %arg8[%get3A_542] {strides = array<i32>} : memref<672xi32, #tpu.memory_space<vmem>>, vector<16xi32>,
          %eq3A_544 = arith.constant 0 : i32
          %eq3A_545 = vector.broadcast %eq3A_544 : i32 to vector<16xi32>
          %eq3A_546 = arith.cmpi eq, %broadcast_in_dim3A, %eq3A_545 : vector<16xi32>
          %or3A_547 = arith.ori %get3A_543, %select_n3A_541 : vector<16xi32>
          %select_n3A_548 = arith.select %eq3A_546, %select_n3A_541, %or3A_547 : vector<16xi1>, vector<16xi32>
          %swap3A_549 = arith.constant 192 : index
          %swap3A_550 = tpu.vector_load %arg8[%swap3A_549] {strides = array<i32>} : memref<672xi32, #tpu.memory_space<vmem>>, vector<16xi32>,
          tpu.vector_store %arg8[%swap3A_549], %select_n3A_548 {strides = array<i32>} : memref<672xi32, #tpu.memory_space<vmem>>, vector<16xi32>,
          %get3A_551 = arith.constant 208 : index
          %get3A_552 = tpu.vector_load %arg7[%get3A_551] {strides = array<i32>} : memref<2688xf32, #tpu.memory_space<vmem>>, vector<16xf32>,
          %ne3A_553 = arith.constant 0.000000e+00 : f32
          %ne3A_554 = vector.broadcast %ne3A_553 : f32 to vector<16xf32>
          %ne3A_555 = arith.cmpf one, %get3A_552, %ne3A_554 : vector<16xf32>
          %jit3A_556 = arith.constant 0 : i32
          %broadcast_in_dim3A_557 = vector.broadcast %jit3A_556 : i32 to vector<16xi32>
          %select_n3A_558 = arith.select %ne3A_555, %shift_left3A, %broadcast_in_dim3A_557 : vector<16xi1>, vector<16xi32>
          %get3A_559 = arith.constant 208 : index
          %get3A_560 = tpu.vector_load %arg8[%get3A_559] {strides = array<i32>} : memref<672xi32, #tpu.memory_space<vmem>>, vector<16xi32>,
          %eq3A_561 = arith.constant 0 : i32
          %eq3A_562 = vector.broadcast %eq3A_561 : i32 to vector<16xi32>
          %eq3A_563 = arith.cmpi eq, %broadcast_in_dim3A, %eq3A_562 : vector<16xi32>
          %or3A_564 = arith.ori %get3A_560, %select_n3A_558 : vector<16xi32>
          %select_n3A_565 = arith.select %eq3A_563, %select_n3A_558, %or3A_564 : vector<16xi1>, vector<16xi32>
          %swap3A_566 = arith.constant 208 : index
          %swap3A_567 = tpu.vector_load %arg8[%swap3A_566] {strides = array<i32>} : memref<672xi32, #tpu.memory_space<vmem>>, vector<16xi32>,
          tpu.vector_store %arg8[%swap3A_566], %select_n3A_565 {strides = array<i32>} : memref<672xi32, #tpu.memory_space<vmem>>, vector<16xi32>,
          %get3A_568 = arith.constant 224 : index
          %get3A_569 = tpu.vector_load %arg7[%get3A_568] {strides = array<i32>} : memref<2688xf32, #tpu.memory_space<vmem>>, vector<16xf32>,
          %ne3A_570 = arith.constant 0.000000e+00 : f32
          %ne3A_571 = vector.broadcast %ne3A_570 : f32 to vector<16xf32>
          %ne3A_572 = arith.cmpf one, %get3A_569, %ne3A_571 : vector<16xf32>
          %jit3A_573 = arith.constant 0 : i32
          %broadcast_in_dim3A_574 = vector.broadcast %jit3A_573 : i32 to vector<16xi32>
          %select_n3A_575 = arith.select %ne3A_572, %shift_left3A, %broadcast_in_dim3A_574 : vector<16xi1>, vector<16xi32>
          %get3A_576 = arith.constant 224 : index
          %get3A_577 = tpu.vector_load %arg8[%get3A_576] {strides = array<i32>} : memref<672xi32, #tpu.memory_space<vmem>>, vector<16xi32>,
          %eq3A_578 = arith.constant 0 : i32
          %eq3A_579 = vector.broadcast %eq3A_578 : i32 to vector<16xi32>
          %eq3A_580 = arith.cmpi eq, %broadcast_in_dim3A, %eq3A_579 : vector<16xi32>
          %or3A_581 = arith.ori %get3A_577, %select_n3A_575 : vector<16xi32>
          %select_n3A_582 = arith.select %eq3A_580, %select_n3A_575, %or3A_581 : vector<16xi1>, vector<16xi32>
          %swap3A_583 = arith.constant 224 : index
          %swap3A_584 = tpu.vector_load %arg8[%swap3A_583] {strides = array<i32>} : memref<672xi32, #tpu.memory_space<vmem>>, vector<16xi32>,
          tpu.vector_store %arg8[%swap3A_583], %select_n3A_582 {strides = array<i32>} : memref<672xi32, #tpu.memory_space<vmem>>, vector<16xi32>,
          %get3A_585 = arith.constant 240 : index
          %get3A_586 = tpu.vector_load %arg7[%get3A_585] {strides = array<i32>} : memref<2688xf32, #tpu.memory_space<vmem>>, vector<16xf32>,
          %ne3A_587 = arith.constant 0.000000e+00 : f32
          %ne3A_588 = vector.broadcast %ne3A_587 : f32 to vector<16xf32>
          %ne3A_589 = arith.cmpf one, %get3A_586, %ne3A_588 : vector<16xf32>
          %jit3A_590 = arith.constant 0 : i32
          %broadcast_in_dim3A_591 = vector.broadcast %jit3A_590 : i32 to vector<16xi32>
          %select_n3A_592 = arith.select %ne3A_589, %shift_left3A, %broadcast_in_dim3A_591 : vector<16xi1>, vector<16xi32>
          %get3A_593 = arith.constant 240 : index
          %get3A_594 = tpu.vector_load %arg8[%get3A_593] {strides = array<i32>} : memref<672xi32, #tpu.memory_space<vmem>>, vector<16xi32>,
          %eq3A_595 = arith.constant 0 : i32
          %eq3A_596 = vector.broadcast %eq3A_595 : i32 to vector<16xi32>
          %eq3A_597 = arith.cmpi eq, %broadcast_in_dim3A, %eq3A_596 : vector<16xi32>
          %or3A_598 = arith.ori %get3A_594, %select_n3A_592 : vector<16xi32>
          %select_n3A_599 = arith.select %eq3A_597, %select_n3A_592, %or3A_598 : vector<16xi1>, vector<16xi32>
          %swap3A_600 = arith.constant 240 : index
          %swap3A_601 = tpu.vector_load %arg8[%swap3A_600] {strides = array<i32>} : memref<672xi32, #tpu.memory_space<vmem>>, vector<16xi32>,
          tpu.vector_store %arg8[%swap3A_600], %select_n3A_599 {strides = array<i32>} : memref<672xi32, #tpu.memory_space<vmem>>, vector<16xi32>,
          %get3A_602 = arith.constant 256 : index
          %get3A_603 = tpu.vector_load %arg7[%get3A_602] {strides = array<i32>} : memref<2688xf32, #tpu.memory_space<vmem>>, vector<16xf32>,
          %ne3A_604 = arith.constant 0.000000e+00 : f32
          %ne3A_605 = vector.broadcast %ne3A_604 : f32 to vector<16xf32>
          %ne3A_606 = arith.cmpf one, %get3A_603, %ne3A_605 : vector<16xf32>
          %jit3A_607 = arith.constant 0 : i32
          %broadcast_in_dim3A_608 = vector.broadcast %jit3A_607 : i32 to vector<16xi32>
          %select_n3A_609 = arith.select %ne3A_606, %shift_left3A, %broadcast_in_dim3A_608 : vector<16xi1>, vector<16xi32>
          %get3A_610 = arith.constant 256 : index
          %get3A_611 = tpu.vector_load %arg8[%get3A_610] {strides = array<i32>} : memref<672xi32, #tpu.memory_space<vmem>>, vector<16xi32>,
          %eq3A_612 = arith.constant 0 : i32
          %eq3A_613 = vector.broadcast %eq3A_612 : i32 to vector<16xi32>
          %eq3A_614 = arith.cmpi eq, %broadcast_in_dim3A, %eq3A_613 : vector<16xi32>
          %or3A_615 = arith.ori %get3A_611, %select_n3A_609 : vector<16xi32>
          %select_n3A_616 = arith.select %eq3A_614, %select_n3A_609, %or3A_615 : vector<16xi1>, vector<16xi32>
          %swap3A_617 = arith.constant 256 : index
          %swap3A_618 = tpu.vector_load %arg8[%swap3A_617] {strides = array<i32>} : memref<672xi32, #tpu.memory_space<vmem>>, vector<16xi32>,
          tpu.vector_store %arg8[%swap3A_617], %select_n3A_616 {strides = array<i32>} : memref<672xi32, #tpu.memory_space<vmem>>, vector<16xi32>,
          %get3A_619 = arith.constant 272 : index
          %get3A_620 = tpu.vector_load %arg7[%get3A_619] {strides = array<i32>} : memref<2688xf32, #tpu.memory_space<vmem>>, vector<16xf32>,
          %ne3A_621 = arith.constant 0.000000e+00 : f32
          %ne3A_622 = vector.broadcast %ne3A_621 : f32 to vector<16xf32>
          %ne3A_623 = arith.cmpf one, %get3A_620, %ne3A_622 : vector<16xf32>
          %jit3A_624 = arith.constant 0 : i32
          %broadcast_in_dim3A_625 = vector.broadcast %jit3A_624 : i32 to vector<16xi32>
          %select_n3A_626 = arith.select %ne3A_623, %shift_left3A, %broadcast_in_dim3A_625 : vector<16xi1>, vector<16xi32>
          %get3A_627 = arith.constant 272 : index
          %get3A_628 = tpu.vector_load %arg8[%get3A_627] {strides = array<i32>} : memref<672xi32, #tpu.memory_space<vmem>>, vector<16xi32>,
          %eq3A_629 = arith.constant 0 : i32
          %eq3A_630 = vector.broadcast %eq3A_629 : i32 to vector<16xi32>
          %eq3A_631 = arith.cmpi eq, %broadcast_in_dim3A, %eq3A_630 : vector<16xi32>
          %or3A_632 = arith.ori %get3A_628, %select_n3A_626 : vector<16xi32>
          %select_n3A_633 = arith.select %eq3A_631, %select_n3A_626, %or3A_632 : vector<16xi1>, vector<16xi32>
          %swap3A_634 = arith.constant 272 : index
          %swap3A_635 = tpu.vector_load %arg8[%swap3A_634] {strides = array<i32>} : memref<672xi32, #tpu.memory_space<vmem>>, vector<16xi32>,
          tpu.vector_store %arg8[%swap3A_634], %select_n3A_633 {strides = array<i32>} : memref<672xi32, #tpu.memory_space<vmem>>, vector<16xi32>,
          %get3A_636 = arith.constant 288 : index
          %get3A_637 = tpu.vector_load %arg7[%get3A_636] {strides = array<i32>} : memref<2688xf32, #tpu.memory_space<vmem>>, vector<16xf32>,
          %ne3A_638 = arith.constant 0.000000e+00 : f32
          %ne3A_639 = vector.broadcast %ne3A_638 : f32 to vector<16xf32>
          %ne3A_640 = arith.cmpf one, %get3A_637, %ne3A_639 : vector<16xf32>
          %jit3A_641 = arith.constant 0 : i32
          %broadcast_in_dim3A_642 = vector.broadcast %jit3A_641 : i32 to vector<16xi32>
          %select_n3A_643 = arith.select %ne3A_640, %shift_left3A, %broadcast_in_dim3A_642 : vector<16xi1>, vector<16xi32>
          %get3A_644 = arith.constant 288 : index
          %get3A_645 = tpu.vector_load %arg8[%get3A_644] {strides = array<i32>} : memref<672xi32, #tpu.memory_space<vmem>>, vector<16xi32>,
          %eq3A_646 = arith.constant 0 : i32
          %eq3A_647 = vector.broadcast %eq3A_646 : i32 to vector<16xi32>
          %eq3A_648 = arith.cmpi eq, %broadcast_in_dim3A, %eq3A_647 : vector<16xi32>
          %or3A_649 = arith.ori %get3A_645, %select_n3A_643 : vector<16xi32>
          %select_n3A_650 = arith.select %eq3A_648, %select_n3A_643, %or3A_649 : vector<16xi1>, vector<16xi32>
          %swap3A_651 = arith.constant 288 : index
          %swap3A_652 = tpu.vector_load %arg8[%swap3A_651] {strides = array<i32>} : memref<672xi32, #tpu.memory_space<vmem>>, vector<16xi32>,
          tpu.vector_store %arg8[%swap3A_651], %select_n3A_650 {strides = array<i32>} : memref<672xi32, #tpu.memory_space<vmem>>, vector<16xi32>,
          %get3A_653 = arith.constant 304 : index
          %get3A_654 = tpu.vector_load %arg7[%get3A_653] {strides = array<i32>} : memref<2688xf32, #tpu.memory_space<vmem>>, vector<16xf32>,
          %ne3A_655 = arith.constant 0.000000e+00 : f32
          %ne3A_656 = vector.broadcast %ne3A_655 : f32 to vector<16xf32>
          %ne3A_657 = arith.cmpf one, %get3A_654, %ne3A_656 : vector<16xf32>
          %jit3A_658 = arith.constant 0 : i32
          %broadcast_in_dim3A_659 = vector.broadcast %jit3A_658 : i32 to vector<16xi32>
          %select_n3A_660 = arith.select %ne3A_657, %shift_left3A, %broadcast_in_dim3A_659 : vector<16xi1>, vector<16xi32>
          %get3A_661 = arith.constant 304 : index
          %get3A_662 = tpu.vector_load %arg8[%get3A_661] {strides = array<i32>} : memref<672xi32, #tpu.memory_space<vmem>>, vector<16xi32>,
          %eq3A_663 = arith.constant 0 : i32
          %eq3A_664 = vector.broadcast %eq3A_663 : i32 to vector<16xi32>
          %eq3A_665 = arith.cmpi eq, %broadcast_in_dim3A, %eq3A_664 : vector<16xi32>
          %or3A_666 = arith.ori %get3A_662, %select_n3A_660 : vector<16xi32>
          %select_n3A_667 = arith.select %eq3A_665, %select_n3A_660, %or3A_666 : vector<16xi1>, vector<16xi32>
          %swap3A_668 = arith.constant 304 : index
          %swap3A_669 = tpu.vector_load %arg8[%swap3A_668] {strides = array<i32>} : memref<672xi32, #tpu.memory_space<vmem>>, vector<16xi32>,
          tpu.vector_store %arg8[%swap3A_668], %select_n3A_667 {strides = array<i32>} : memref<672xi32, #tpu.memory_space<vmem>>, vector<16xi32>,
          %get3A_670 = arith.constant 320 : index
          %get3A_671 = tpu.vector_load %arg7[%get3A_670] {strides = array<i32>} : memref<2688xf32, #tpu.memory_space<vmem>>, vector<16xf32>,
          %ne3A_672 = arith.constant 0.000000e+00 : f32
          %ne3A_673 = vector.broadcast %ne3A_672 : f32 to vector<16xf32>
          %ne3A_674 = arith.cmpf one, %get3A_671, %ne3A_673 : vector<16xf32>
          %jit3A_675 = arith.constant 0 : i32
          %broadcast_in_dim3A_676 = vector.broadcast %jit3A_675 : i32 to vector<16xi32>
          %select_n3A_677 = arith.select %ne3A_674, %shift_left3A, %broadcast_in_dim3A_676 : vector<16xi1>, vector<16xi32>
          %get3A_678 = arith.constant 320 : index
          %get3A_679 = tpu.vector_load %arg8[%get3A_678] {strides = array<i32>} : memref<672xi32, #tpu.memory_space<vmem>>, vector<16xi32>,
          %eq3A_680 = arith.constant 0 : i32
          %eq3A_681 = vector.broadcast %eq3A_680 : i32 to vector<16xi32>
          %eq3A_682 = arith.cmpi eq, %broadcast_in_dim3A, %eq3A_681 : vector<16xi32>
          %or3A_683 = arith.ori %get3A_679, %select_n3A_677 : vector<16xi32>
          %select_n3A_684 = arith.select %eq3A_682, %select_n3A_677, %or3A_683 : vector<16xi1>, vector<16xi32>
          %swap3A_685 = arith.constant 320 : index
          %swap3A_686 = tpu.vector_load %arg8[%swap3A_685] {strides = array<i32>} : memref<672xi32, #tpu.memory_space<vmem>>, vector<16xi32>,
          tpu.vector_store %arg8[%swap3A_685], %select_n3A_684 {strides = array<i32>} : memref<672xi32, #tpu.memory_space<vmem>>, vector<16xi32>,
          %get3A_687 = arith.constant 336 : index
          %get3A_688 = tpu.vector_load %arg7[%get3A_687] {strides = array<i32>} : memref<2688xf32, #tpu.memory_space<vmem>>, vector<16xf32>,
          %ne3A_689 = arith.constant 0.000000e+00 : f32
          %ne3A_690 = vector.broadcast %ne3A_689 : f32 to vector<16xf32>
          %ne3A_691 = arith.cmpf one, %get3A_688, %ne3A_690 : vector<16xf32>
          %jit3A_692 = arith.constant 0 : i32
          %broadcast_in_dim3A_693 = vector.broadcast %jit3A_692 : i32 to vector<16xi32>
          %select_n3A_694 = arith.select %ne3A_691, %shift_left3A, %broadcast_in_dim3A_693 : vector<16xi1>, vector<16xi32>
          %get3A_695 = arith.constant 336 : index
          %get3A_696 = tpu.vector_load %arg8[%get3A_695] {strides = array<i32>} : memref<672xi32, #tpu.memory_space<vmem>>, vector<16xi32>,
          %eq3A_697 = arith.constant 0 : i32
          %eq3A_698 = vector.broadcast %eq3A_697 : i32 to vector<16xi32>
          %eq3A_699 = arith.cmpi eq, %broadcast_in_dim3A, %eq3A_698 : vector<16xi32>
          %or3A_700 = arith.ori %get3A_696, %select_n3A_694 : vector<16xi32>
          %select_n3A_701 = arith.select %eq3A_699, %select_n3A_694, %or3A_700 : vector<16xi1>, vector<16xi32>
          %swap3A_702 = arith.constant 336 : index
          %swap3A_703 = tpu.vector_load %arg8[%swap3A_702] {strides = array<i32>} : memref<672xi32, #tpu.memory_space<vmem>>, vector<16xi32>,
          tpu.vector_store %arg8[%swap3A_702], %select_n3A_701 {strides = array<i32>} : memref<672xi32, #tpu.memory_space<vmem>>, vector<16xi32>,
          %get3A_704 = arith.constant 352 : index
          %get3A_705 = tpu.vector_load %arg7[%get3A_704] {strides = array<i32>} : memref<2688xf32, #tpu.memory_space<vmem>>, vector<16xf32>,
          %ne3A_706 = arith.constant 0.000000e+00 : f32
          %ne3A_707 = vector.broadcast %ne3A_706 : f32 to vector<16xf32>
          %ne3A_708 = arith.cmpf one, %get3A_705, %ne3A_707 : vector<16xf32>
          %jit3A_709 = arith.constant 0 : i32
          %broadcast_in_dim3A_710 = vector.broadcast %jit3A_709 : i32 to vector<16xi32>
          %select_n3A_711 = arith.select %ne3A_708, %shift_left3A, %broadcast_in_dim3A_710 : vector<16xi1>, vector<16xi32>
          %get3A_712 = arith.constant 352 : index
          %get3A_713 = tpu.vector_load %arg8[%get3A_712] {strides = array<i32>} : memref<672xi32, #tpu.memory_space<vmem>>, vector<16xi32>,
          %eq3A_714 = arith.constant 0 : i32
          %eq3A_715 = vector.broadcast %eq3A_714 : i32 to vector<16xi32>
          %eq3A_716 = arith.cmpi eq, %broadcast_in_dim3A, %eq3A_715 : vector<16xi32>
          %or3A_717 = arith.ori %get3A_713, %select_n3A_711 : vector<16xi32>
          %select_n3A_718 = arith.select %eq3A_716, %select_n3A_711, %or3A_717 : vector<16xi1>, vector<16xi32>
          %swap3A_719 = arith.constant 352 : index
          %swap3A_720 = tpu.vector_load %arg8[%swap3A_719] {strides = array<i32>} : memref<672xi32, #tpu.memory_space<vmem>>, vector<16xi32>,
          tpu.vector_store %arg8[%swap3A_719], %select_n3A_718 {strides = array<i32>} : memref<672xi32, #tpu.memory_space<vmem>>, vector<16xi32>,
          %get3A_721 = arith.constant 368 : index
          %get3A_722 = tpu.vector_load %arg7[%get3A_721] {strides = array<i32>} : memref<2688xf32, #tpu.memory_space<vmem>>, vector<16xf32>,
          %ne3A_723 = arith.constant 0.000000e+00 : f32
          %ne3A_724 = vector.broadcast %ne3A_723 : f32 to vector<16xf32>
          %ne3A_725 = arith.cmpf one, %get3A_722, %ne3A_724 : vector<16xf32>
          %jit3A_726 = arith.constant 0 : i32
          %broadcast_in_dim3A_727 = vector.broadcast %jit3A_726 : i32 to vector<16xi32>
          %select_n3A_728 = arith.select %ne3A_725, %shift_left3A, %broadcast_in_dim3A_727 : vector<16xi1>, vector<16xi32>
          %get3A_729 = arith.constant 368 : index
          %get3A_730 = tpu.vector_load %arg8[%get3A_729] {strides = array<i32>} : memref<672xi32, #tpu.memory_space<vmem>>, vector<16xi32>,
          %eq3A_731 = arith.constant 0 : i32
          %eq3A_732 = vector.broadcast %eq3A_731 : i32 to vector<16xi32>
          %eq3A_733 = arith.cmpi eq, %broadcast_in_dim3A, %eq3A_732 : vector<16xi32>
          %or3A_734 = arith.ori %get3A_730, %select_n3A_728 : vector<16xi32>
          %select_n3A_735 = arith.select %eq3A_733, %select_n3A_728, %or3A_734 : vector<16xi1>, vector<16xi32>
          %swap3A_736 = arith.constant 368 : index
          %swap3A_737 = tpu.vector_load %arg8[%swap3A_736] {strides = array<i32>} : memref<672xi32, #tpu.memory_space<vmem>>, vector<16xi32>,
          tpu.vector_store %arg8[%swap3A_736], %select_n3A_735 {strides = array<i32>} : memref<672xi32, #tpu.memory_space<vmem>>, vector<16xi32>,
          %get3A_738 = arith.constant 384 : index
          %get3A_739 = tpu.vector_load %arg7[%get3A_738] {strides = array<i32>} : memref<2688xf32, #tpu.memory_space<vmem>>, vector<16xf32>,
          %ne3A_740 = arith.constant 0.000000e+00 : f32
          %ne3A_741 = vector.broadcast %ne3A_740 : f32 to vector<16xf32>
          %ne3A_742 = arith.cmpf one, %get3A_739, %ne3A_741 : vector<16xf32>
          %jit3A_743 = arith.constant 0 : i32
          %broadcast_in_dim3A_744 = vector.broadcast %jit3A_743 : i32 to vector<16xi32>
          %select_n3A_745 = arith.select %ne3A_742, %shift_left3A, %broadcast_in_dim3A_744 : vector<16xi1>, vector<16xi32>
          %get3A_746 = arith.constant 384 : index
          %get3A_747 = tpu.vector_load %arg8[%get3A_746] {strides = array<i32>} : memref<672xi32, #tpu.memory_space<vmem>>, vector<16xi32>,
          %eq3A_748 = arith.constant 0 : i32
          %eq3A_749 = vector.broadcast %eq3A_748 : i32 to vector<16xi32>
          %eq3A_750 = arith.cmpi eq, %broadcast_in_dim3A, %eq3A_749 : vector<16xi32>
          %or3A_751 = arith.ori %get3A_747, %select_n3A_745 : vector<16xi32>
          %select_n3A_752 = arith.select %eq3A_750, %select_n3A_745, %or3A_751 : vector<16xi1>, vector<16xi32>
          %swap3A_753 = arith.constant 384 : index
          %swap3A_754 = tpu.vector_load %arg8[%swap3A_753] {strides = array<i32>} : memref<672xi32, #tpu.memory_space<vmem>>, vector<16xi32>,
          tpu.vector_store %arg8[%swap3A_753], %select_n3A_752 {strides = array<i32>} : memref<672xi32, #tpu.memory_space<vmem>>, vector<16xi32>,
          %get3A_755 = arith.constant 400 : index
          %get3A_756 = tpu.vector_load %arg7[%get3A_755] {strides = array<i32>} : memref<2688xf32, #tpu.memory_space<vmem>>, vector<16xf32>,
          %ne3A_757 = arith.constant 0.000000e+00 : f32
          %ne3A_758 = vector.broadcast %ne3A_757 : f32 to vector<16xf32>
          %ne3A_759 = arith.cmpf one, %get3A_756, %ne3A_758 : vector<16xf32>
          %jit3A_760 = arith.constant 0 : i32
          %broadcast_in_dim3A_761 = vector.broadcast %jit3A_760 : i32 to vector<16xi32>
          %select_n3A_762 = arith.select %ne3A_759, %shift_left3A, %broadcast_in_dim3A_761 : vector<16xi1>, vector<16xi32>
          %get3A_763 = arith.constant 400 : index
          %get3A_764 = tpu.vector_load %arg8[%get3A_763] {strides = array<i32>} : memref<672xi32, #tpu.memory_space<vmem>>, vector<16xi32>,
          %eq3A_765 = arith.constant 0 : i32
          %eq3A_766 = vector.broadcast %eq3A_765 : i32 to vector<16xi32>
          %eq3A_767 = arith.cmpi eq, %broadcast_in_dim3A, %eq3A_766 : vector<16xi32>
          %or3A_768 = arith.ori %get3A_764, %select_n3A_762 : vector<16xi32>
          %select_n3A_769 = arith.select %eq3A_767, %select_n3A_762, %or3A_768 : vector<16xi1>, vector<16xi32>
          %swap3A_770 = arith.constant 400 : index
          %swap3A_771 = tpu.vector_load %arg8[%swap3A_770] {strides = array<i32>} : memref<672xi32, #tpu.memory_space<vmem>>, vector<16xi32>,
          tpu.vector_store %arg8[%swap3A_770], %select_n3A_769 {strides = array<i32>} : memref<672xi32, #tpu.memory_space<vmem>>, vector<16xi32>,
          %get3A_772 = arith.constant 416 : index
          %get3A_773 = tpu.vector_load %arg7[%get3A_772] {strides = array<i32>} : memref<2688xf32, #tpu.memory_space<vmem>>, vector<16xf32>,
          %ne3A_774 = arith.constant 0.000000e+00 : f32
          %ne3A_775 = vector.broadcast %ne3A_774 : f32 to vector<16xf32>
          %ne3A_776 = arith.cmpf one, %get3A_773, %ne3A_775 : vector<16xf32>
          %jit3A_777 = arith.constant 0 : i32
          %broadcast_in_dim3A_778 = vector.broadcast %jit3A_777 : i32 to vector<16xi32>
          %select_n3A_779 = arith.select %ne3A_776, %shift_left3A, %broadcast_in_dim3A_778 : vector<16xi1>, vector<16xi32>
          %get3A_780 = arith.constant 416 : index
          %get3A_781 = tpu.vector_load %arg8[%get3A_780] {strides = array<i32>} : memref<672xi32, #tpu.memory_space<vmem>>, vector<16xi32>,
          %eq3A_782 = arith.constant 0 : i32
          %eq3A_783 = vector.broadcast %eq3A_782 : i32 to vector<16xi32>
          %eq3A_784 = arith.cmpi eq, %broadcast_in_dim3A, %eq3A_783 : vector<16xi32>
          %or3A_785 = arith.ori %get3A_781, %select_n3A_779 : vector<16xi32>
          %select_n3A_786 = arith.select %eq3A_784, %select_n3A_779, %or3A_785 : vector<16xi1>, vector<16xi32>
          %swap3A_787 = arith.constant 416 : index
          %swap3A_788 = tpu.vector_load %arg8[%swap3A_787] {strides = array<i32>} : memref<672xi32, #tpu.memory_space<vmem>>, vector<16xi32>,
          tpu.vector_store %arg8[%swap3A_787], %select_n3A_786 {strides = array<i32>} : memref<672xi32, #tpu.memory_space<vmem>>, vector<16xi32>,
          %get3A_789 = arith.constant 432 : index
          %get3A_790 = tpu.vector_load %arg7[%get3A_789] {strides = array<i32>} : memref<2688xf32, #tpu.memory_space<vmem>>, vector<16xf32>,
          %ne3A_791 = arith.constant 0.000000e+00 : f32
          %ne3A_792 = vector.broadcast %ne3A_791 : f32 to vector<16xf32>
          %ne3A_793 = arith.cmpf one, %get3A_790, %ne3A_792 : vector<16xf32>
          %jit3A_794 = arith.constant 0 : i32
          %broadcast_in_dim3A_795 = vector.broadcast %jit3A_794 : i32 to vector<16xi32>
          %select_n3A_796 = arith.select %ne3A_793, %shift_left3A, %broadcast_in_dim3A_795 : vector<16xi1>, vector<16xi32>
          %get3A_797 = arith.constant 432 : index
          %get3A_798 = tpu.vector_load %arg8[%get3A_797] {strides = array<i32>} : memref<672xi32, #tpu.memory_space<vmem>>, vector<16xi32>,
          %eq3A_799 = arith.constant 0 : i32
          %eq3A_800 = vector.broadcast %eq3A_799 : i32 to vector<16xi32>
          %eq3A_801 = arith.cmpi eq, %broadcast_in_dim3A, %eq3A_800 : vector<16xi32>
          %or3A_802 = arith.ori %get3A_798, %select_n3A_796 : vector<16xi32>
          %select_n3A_803 = arith.select %eq3A_801, %select_n3A_796, %or3A_802 : vector<16xi1>, vector<16xi32>
          %swap3A_804 = arith.constant 432 : index
          %swap3A_805 = tpu.vector_load %arg8[%swap3A_804] {strides = array<i32>} : memref<672xi32, #tpu.memory_space<vmem>>, vector<16xi32>,
          tpu.vector_store %arg8[%swap3A_804], %select_n3A_803 {strides = array<i32>} : memref<672xi32, #tpu.memory_space<vmem>>, vector<16xi32>,
          %get3A_806 = arith.constant 448 : index
          %get3A_807 = tpu.vector_load %arg7[%get3A_806] {strides = array<i32>} : memref<2688xf32, #tpu.memory_space<vmem>>, vector<16xf32>,
          %ne3A_808 = arith.constant 0.000000e+00 : f32
          %ne3A_809 = vector.broadcast %ne3A_808 : f32 to vector<16xf32>
          %ne3A_810 = arith.cmpf one, %get3A_807, %ne3A_809 : vector<16xf32>
          %jit3A_811 = arith.constant 0 : i32
          %broadcast_in_dim3A_812 = vector.broadcast %jit3A_811 : i32 to vector<16xi32>
          %select_n3A_813 = arith.select %ne3A_810, %shift_left3A, %broadcast_in_dim3A_812 : vector<16xi1>, vector<16xi32>
          %get3A_814 = arith.constant 448 : index
          %get3A_815 = tpu.vector_load %arg8[%get3A_814] {strides = array<i32>} : memref<672xi32, #tpu.memory_space<vmem>>, vector<16xi32>,
          %eq3A_816 = arith.constant 0 : i32
          %eq3A_817 = vector.broadcast %eq3A_816 : i32 to vector<16xi32>
          %eq3A_818 = arith.cmpi eq, %broadcast_in_dim3A, %eq3A_817 : vector<16xi32>
          %or3A_819 = arith.ori %get3A_815, %select_n3A_813 : vector<16xi32>
          %select_n3A_820 = arith.select %eq3A_818, %select_n3A_813, %or3A_819 : vector<16xi1>, vector<16xi32>
          %swap3A_821 = arith.constant 448 : index
          %swap3A_822 = tpu.vector_load %arg8[%swap3A_821] {strides = array<i32>} : memref<672xi32, #tpu.memory_space<vmem>>, vector<16xi32>,
          tpu.vector_store %arg8[%swap3A_821], %select_n3A_820 {strides = array<i32>} : memref<672xi32, #tpu.memory_space<vmem>>, vector<16xi32>,
          %get3A_823 = arith.constant 464 : index
          %get3A_824 = tpu.vector_load %arg7[%get3A_823] {strides = array<i32>} : memref<2688xf32, #tpu.memory_space<vmem>>, vector<16xf32>,
          %ne3A_825 = arith.constant 0.000000e+00 : f32
          %ne3A_826 = vector.broadcast %ne3A_825 : f32 to vector<16xf32>
          %ne3A_827 = arith.cmpf one, %get3A_824, %ne3A_826 : vector<16xf32>
          %jit3A_828 = arith.constant 0 : i32
          %broadcast_in_dim3A_829 = vector.broadcast %jit3A_828 : i32 to vector<16xi32>
          %select_n3A_830 = arith.select %ne3A_827, %shift_left3A, %broadcast_in_dim3A_829 : vector<16xi1>, vector<16xi32>
          %get3A_831 = arith.constant 464 : index
          %get3A_832 = tpu.vector_load %arg8[%get3A_831] {strides = array<i32>} : memref<672xi32, #tpu.memory_space<vmem>>, vector<16xi32>,
          %eq3A_833 = arith.constant 0 : i32
          %eq3A_834 = vector.broadcast %eq3A_833 : i32 to vector<16xi32>
          %eq3A_835 = arith.cmpi eq, %broadcast_in_dim3A, %eq3A_834 : vector<16xi32>
          %or3A_836 = arith.ori %get3A_832, %select_n3A_830 : vector<16xi32>
          %select_n3A_837 = arith.select %eq3A_835, %select_n3A_830, %or3A_836 : vector<16xi1>, vector<16xi32>
          %swap3A_838 = arith.constant 464 : index
          %swap3A_839 = tpu.vector_load %arg8[%swap3A_838] {strides = array<i32>} : memref<672xi32, #tpu.memory_space<vmem>>, vector<16xi32>,
          tpu.vector_store %arg8[%swap3A_838], %select_n3A_837 {strides = array<i32>} : memref<672xi32, #tpu.memory_space<vmem>>, vector<16xi32>,
          %get3A_840 = arith.constant 480 : index
          %get3A_841 = tpu.vector_load %arg7[%get3A_840] {strides = array<i32>} : memref<2688xf32, #tpu.memory_space<vmem>>, vector<16xf32>,
          %ne3A_842 = arith.constant 0.000000e+00 : f32
          %ne3A_843 = vector.broadcast %ne3A_842 : f32 to vector<16xf32>
          %ne3A_844 = arith.cmpf one, %get3A_841, %ne3A_843 : vector<16xf32>
          %jit3A_845 = arith.constant 0 : i32
          %broadcast_in_dim3A_846 = vector.broadcast %jit3A_845 : i32 to vector<16xi32>
          %select_n3A_847 = arith.select %ne3A_844, %shift_left3A, %broadcast_in_dim3A_846 : vector<16xi1>, vector<16xi32>
          %get3A_848 = arith.constant 480 : index
          %get3A_849 = tpu.vector_load %arg8[%get3A_848] {strides = array<i32>} : memref<672xi32, #tpu.memory_space<vmem>>, vector<16xi32>,
          %eq3A_850 = arith.constant 0 : i32
          %eq3A_851 = vector.broadcast %eq3A_850 : i32 to vector<16xi32>
          %eq3A_852 = arith.cmpi eq, %broadcast_in_dim3A, %eq3A_851 : vector<16xi32>
          %or3A_853 = arith.ori %get3A_849, %select_n3A_847 : vector<16xi32>
          %select_n3A_854 = arith.select %eq3A_852, %select_n3A_847, %or3A_853 : vector<16xi1>, vector<16xi32>
          %swap3A_855 = arith.constant 480 : index
          %swap3A_856 = tpu.vector_load %arg8[%swap3A_855] {strides = array<i32>} : memref<672xi32, #tpu.memory_space<vmem>>, vector<16xi32>,
          tpu.vector_store %arg8[%swap3A_855], %select_n3A_854 {strides = array<i32>} : memref<672xi32, #tpu.memory_space<vmem>>, vector<16xi32>,
          %get3A_857 = arith.constant 496 : index
          %get3A_858 = tpu.vector_load %arg7[%get3A_857] {strides = array<i32>} : memref<2688xf32, #tpu.memory_space<vmem>>, vector<16xf32>,
          %ne3A_859 = arith.constant 0.000000e+00 : f32
          %ne3A_860 = vector.broadcast %ne3A_859 : f32 to vector<16xf32>
          %ne3A_861 = arith.cmpf one, %get3A_858, %ne3A_860 : vector<16xf32>
          %jit3A_862 = arith.constant 0 : i32
          %broadcast_in_dim3A_863 = vector.broadcast %jit3A_862 : i32 to vector<16xi32>
          %select_n3A_864 = arith.select %ne3A_861, %shift_left3A, %broadcast_in_dim3A_863 : vector<16xi1>, vector<16xi32>
          %get3A_865 = arith.constant 496 : index
          %get3A_866 = tpu.vector_load %arg8[%get3A_865] {strides = array<i32>} : memref<672xi32, #tpu.memory_space<vmem>>, vector<16xi32>,
          %eq3A_867 = arith.constant 0 : i32
          %eq3A_868 = vector.broadcast %eq3A_867 : i32 to vector<16xi32>
          %eq3A_869 = arith.cmpi eq, %broadcast_in_dim3A, %eq3A_868 : vector<16xi32>
          %or3A_870 = arith.ori %get3A_866, %select_n3A_864 : vector<16xi32>
          %select_n3A_871 = arith.select %eq3A_869, %select_n3A_864, %or3A_870 : vector<16xi1>, vector<16xi32>
          %swap3A_872 = arith.constant 496 : index
          %swap3A_873 = tpu.vector_load %arg8[%swap3A_872] {strides = array<i32>} : memref<672xi32, #tpu.memory_space<vmem>>, vector<16xi32>,
          tpu.vector_store %arg8[%swap3A_872], %select_n3A_871 {strides = array<i32>} : memref<672xi32, #tpu.memory_space<vmem>>, vector<16xi32>,
          %get3A_874 = arith.constant 512 : index
          %get3A_875 = tpu.vector_load %arg7[%get3A_874] {strides = array<i32>} : memref<2688xf32, #tpu.memory_space<vmem>>, vector<16xf32>,
          %ne3A_876 = arith.constant 0.000000e+00 : f32
          %ne3A_877 = vector.broadcast %ne3A_876 : f32 to vector<16xf32>
          %ne3A_878 = arith.cmpf one, %get3A_875, %ne3A_877 : vector<16xf32>
          %jit3A_879 = arith.constant 0 : i32
          %broadcast_in_dim3A_880 = vector.broadcast %jit3A_879 : i32 to vector<16xi32>
          %select_n3A_881 = arith.select %ne3A_878, %shift_left3A, %broadcast_in_dim3A_880 : vector<16xi1>, vector<16xi32>
          %get3A_882 = arith.constant 512 : index
          %get3A_883 = tpu.vector_load %arg8[%get3A_882] {strides = array<i32>} : memref<672xi32, #tpu.memory_space<vmem>>, vector<16xi32>,
          %eq3A_884 = arith.constant 0 : i32
          %eq3A_885 = vector.broadcast %eq3A_884 : i32 to vector<16xi32>
          %eq3A_886 = arith.cmpi eq, %broadcast_in_dim3A, %eq3A_885 : vector<16xi32>
          %or3A_887 = arith.ori %get3A_883, %select_n3A_881 : vector<16xi32>
          %select_n3A_888 = arith.select %eq3A_886, %select_n3A_881, %or3A_887 : vector<16xi1>, vector<16xi32>
          %swap3A_889 = arith.constant 512 : index
          %swap3A_890 = tpu.vector_load %arg8[%swap3A_889] {strides = array<i32>} : memref<672xi32, #tpu.memory_space<vmem>>, vector<16xi32>,
          tpu.vector_store %arg8[%swap3A_889], %select_n3A_888 {strides = array<i32>} : memref<672xi32, #tpu.memory_space<vmem>>, vector<16xi32>,
          %get3A_891 = arith.constant 528 : index
          %get3A_892 = tpu.vector_load %arg7[%get3A_891] {strides = array<i32>} : memref<2688xf32, #tpu.memory_space<vmem>>, vector<16xf32>,
          %ne3A_893 = arith.constant 0.000000e+00 : f32
          %ne3A_894 = vector.broadcast %ne3A_893 : f32 to vector<16xf32>
          %ne3A_895 = arith.cmpf one, %get3A_892, %ne3A_894 : vector<16xf32>
          %jit3A_896 = arith.constant 0 : i32
          %broadcast_in_dim3A_897 = vector.broadcast %jit3A_896 : i32 to vector<16xi32>
          %select_n3A_898 = arith.select %ne3A_895, %shift_left3A, %broadcast_in_dim3A_897 : vector<16xi1>, vector<16xi32>
          %get3A_899 = arith.constant 528 : index
          %get3A_900 = tpu.vector_load %arg8[%get3A_899] {strides = array<i32>} : memref<672xi32, #tpu.memory_space<vmem>>, vector<16xi32>,
          %eq3A_901 = arith.constant 0 : i32
          %eq3A_902 = vector.broadcast %eq3A_901 : i32 to vector<16xi32>
          %eq3A_903 = arith.cmpi eq, %broadcast_in_dim3A, %eq3A_902 : vector<16xi32>
          %or3A_904 = arith.ori %get3A_900, %select_n3A_898 : vector<16xi32>
          %select_n3A_905 = arith.select %eq3A_903, %select_n3A_898, %or3A_904 : vector<16xi1>, vector<16xi32>
          %swap3A_906 = arith.constant 528 : index
          %swap3A_907 = tpu.vector_load %arg8[%swap3A_906] {strides = array<i32>} : memref<672xi32, #tpu.memory_space<vmem>>, vector<16xi32>,
          tpu.vector_store %arg8[%swap3A_906], %select_n3A_905 {strides = array<i32>} : memref<672xi32, #tpu.memory_space<vmem>>, vector<16xi32>,
          %get3A_908 = arith.constant 544 : index
          %get3A_909 = tpu.vector_load %arg7[%get3A_908] {strides = array<i32>} : memref<2688xf32, #tpu.memory_space<vmem>>, vector<16xf32>,
          %ne3A_910 = arith.constant 0.000000e+00 : f32
          %ne3A_911 = vector.broadcast %ne3A_910 : f32 to vector<16xf32>
          %ne3A_912 = arith.cmpf one, %get3A_909, %ne3A_911 : vector<16xf32>
          %jit3A_913 = arith.constant 0 : i32
          %broadcast_in_dim3A_914 = vector.broadcast %jit3A_913 : i32 to vector<16xi32>
          %select_n3A_915 = arith.select %ne3A_912, %shift_left3A, %broadcast_in_dim3A_914 : vector<16xi1>, vector<16xi32>
          %get3A_916 = arith.constant 544 : index
          %get3A_917 = tpu.vector_load %arg8[%get3A_916] {strides = array<i32>} : memref<672xi32, #tpu.memory_space<vmem>>, vector<16xi32>,
          %eq3A_918 = arith.constant 0 : i32
          %eq3A_919 = vector.broadcast %eq3A_918 : i32 to vector<16xi32>
          %eq3A_920 = arith.cmpi eq, %broadcast_in_dim3A, %eq3A_919 : vector<16xi32>
          %or3A_921 = arith.ori %get3A_917, %select_n3A_915 : vector<16xi32>
          %select_n3A_922 = arith.select %eq3A_920, %select_n3A_915, %or3A_921 : vector<16xi1>, vector<16xi32>
          %swap3A_923 = arith.constant 544 : index
          %swap3A_924 = tpu.vector_load %arg8[%swap3A_923] {strides = array<i32>} : memref<672xi32, #tpu.memory_space<vmem>>, vector<16xi32>,
          tpu.vector_store %arg8[%swap3A_923], %select_n3A_922 {strides = array<i32>} : memref<672xi32, #tpu.memory_space<vmem>>, vector<16xi32>,
          %get3A_925 = arith.constant 560 : index
          %get3A_926 = tpu.vector_load %arg7[%get3A_925] {strides = array<i32>} : memref<2688xf32, #tpu.memory_space<vmem>>, vector<16xf32>,
          %ne3A_927 = arith.constant 0.000000e+00 : f32
          %ne3A_928 = vector.broadcast %ne3A_927 : f32 to vector<16xf32>
          %ne3A_929 = arith.cmpf one, %get3A_926, %ne3A_928 : vector<16xf32>
          %jit3A_930 = arith.constant 0 : i32
          %broadcast_in_dim3A_931 = vector.broadcast %jit3A_930 : i32 to vector<16xi32>
          %select_n3A_932 = arith.select %ne3A_929, %shift_left3A, %broadcast_in_dim3A_931 : vector<16xi1>, vector<16xi32>
          %get3A_933 = arith.constant 560 : index
          %get3A_934 = tpu.vector_load %arg8[%get3A_933] {strides = array<i32>} : memref<672xi32, #tpu.memory_space<vmem>>, vector<16xi32>,
          %eq3A_935 = arith.constant 0 : i32
          %eq3A_936 = vector.broadcast %eq3A_935 : i32 to vector<16xi32>
          %eq3A_937 = arith.cmpi eq, %broadcast_in_dim3A, %eq3A_936 : vector<16xi32>
          %or3A_938 = arith.ori %get3A_934, %select_n3A_932 : vector<16xi32>
          %select_n3A_939 = arith.select %eq3A_937, %select_n3A_932, %or3A_938 : vector<16xi1>, vector<16xi32>
          %swap3A_940 = arith.constant 560 : index
          %swap3A_941 = tpu.vector_load %arg8[%swap3A_940] {strides = array<i32>} : memref<672xi32, #tpu.memory_space<vmem>>, vector<16xi32>,
          tpu.vector_store %arg8[%swap3A_940], %select_n3A_939 {strides = array<i32>} : memref<672xi32, #tpu.memory_space<vmem>>, vector<16xi32>,
          %get3A_942 = arith.constant 576 : index
          %get3A_943 = tpu.vector_load %arg7[%get3A_942] {strides = array<i32>} : memref<2688xf32, #tpu.memory_space<vmem>>, vector<16xf32>,
          %ne3A_944 = arith.constant 0.000000e+00 : f32
          %ne3A_945 = vector.broadcast %ne3A_944 : f32 to vector<16xf32>
          %ne3A_946 = arith.cmpf one, %get3A_943, %ne3A_945 : vector<16xf32>
          %jit3A_947 = arith.constant 0 : i32
          %broadcast_in_dim3A_948 = vector.broadcast %jit3A_947 : i32 to vector<16xi32>
          %select_n3A_949 = arith.select %ne3A_946, %shift_left3A, %broadcast_in_dim3A_948 : vector<16xi1>, vector<16xi32>
          %get3A_950 = arith.constant 576 : index
          %get3A_951 = tpu.vector_load %arg8[%get3A_950] {strides = array<i32>} : memref<672xi32, #tpu.memory_space<vmem>>, vector<16xi32>,
          %eq3A_952 = arith.constant 0 : i32
          %eq3A_953 = vector.broadcast %eq3A_952 : i32 to vector<16xi32>
          %eq3A_954 = arith.cmpi eq, %broadcast_in_dim3A, %eq3A_953 : vector<16xi32>
          %or3A_955 = arith.ori %get3A_951, %select_n3A_949 : vector<16xi32>
          %select_n3A_956 = arith.select %eq3A_954, %select_n3A_949, %or3A_955 : vector<16xi1>, vector<16xi32>
          %swap3A_957 = arith.constant 576 : index
          %swap3A_958 = tpu.vector_load %arg8[%swap3A_957] {strides = array<i32>} : memref<672xi32, #tpu.memory_space<vmem>>, vector<16xi32>,
          tpu.vector_store %arg8[%swap3A_957], %select_n3A_956 {strides = array<i32>} : memref<672xi32, #tpu.memory_space<vmem>>, vector<16xi32>,
          %get3A_959 = arith.constant 592 : index
          %get3A_960 = tpu.vector_load %arg7[%get3A_959] {strides = array<i32>} : memref<2688xf32, #tpu.memory_space<vmem>>, vector<16xf32>,
          %ne3A_961 = arith.constant 0.000000e+00 : f32
          %ne3A_962 = vector.broadcast %ne3A_961 : f32 to vector<16xf32>
          %ne3A_963 = arith.cmpf one, %get3A_960, %ne3A_962 : vector<16xf32>
          %jit3A_964 = arith.constant 0 : i32
          %broadcast_in_dim3A_965 = vector.broadcast %jit3A_964 : i32 to vector<16xi32>
          %select_n3A_966 = arith.select %ne3A_963, %shift_left3A, %broadcast_in_dim3A_965 : vector<16xi1>, vector<16xi32>
          %get3A_967 = arith.constant 592 : index
          %get3A_968 = tpu.vector_load %arg8[%get3A_967] {strides = array<i32>} : memref<672xi32, #tpu.memory_space<vmem>>, vector<16xi32>,
          %eq3A_969 = arith.constant 0 : i32
          %eq3A_970 = vector.broadcast %eq3A_969 : i32 to vector<16xi32>
          %eq3A_971 = arith.cmpi eq, %broadcast_in_dim3A, %eq3A_970 : vector<16xi32>
          %or3A_972 = arith.ori %get3A_968, %select_n3A_966 : vector<16xi32>
          %select_n3A_973 = arith.select %eq3A_971, %select_n3A_966, %or3A_972 : vector<16xi1>, vector<16xi32>
          %swap3A_974 = arith.constant 592 : index
          %swap3A_975 = tpu.vector_load %arg8[%swap3A_974] {strides = array<i32>} : memref<672xi32, #tpu.memory_space<vmem>>, vector<16xi32>,
          tpu.vector_store %arg8[%swap3A_974], %select_n3A_973 {strides = array<i32>} : memref<672xi32, #tpu.memory_space<vmem>>, vector<16xi32>,
          %get3A_976 = arith.constant 608 : index
          %get3A_977 = tpu.vector_load %arg7[%get3A_976] {strides = array<i32>} : memref<2688xf32, #tpu.memory_space<vmem>>, vector<16xf32>,
          %ne3A_978 = arith.constant 0.000000e+00 : f32
          %ne3A_979 = vector.broadcast %ne3A_978 : f32 to vector<16xf32>
          %ne3A_980 = arith.cmpf one, %get3A_977, %ne3A_979 : vector<16xf32>
          %jit3A_981 = arith.constant 0 : i32
          %broadcast_in_dim3A_982 = vector.broadcast %jit3A_981 : i32 to vector<16xi32>
          %select_n3A_983 = arith.select %ne3A_980, %shift_left3A, %broadcast_in_dim3A_982 : vector<16xi1>, vector<16xi32>
          %get3A_984 = arith.constant 608 : index
          %get3A_985 = tpu.vector_load %arg8[%get3A_984] {strides = array<i32>} : memref<672xi32, #tpu.memory_space<vmem>>, vector<16xi32>,
          %eq3A_986 = arith.constant 0 : i32
          %eq3A_987 = vector.broadcast %eq3A_986 : i32 to vector<16xi32>
          %eq3A_988 = arith.cmpi eq, %broadcast_in_dim3A, %eq3A_987 : vector<16xi32>
          %or3A_989 = arith.ori %get3A_985, %select_n3A_983 : vector<16xi32>
          %select_n3A_990 = arith.select %eq3A_988, %select_n3A_983, %or3A_989 : vector<16xi1>, vector<16xi32>
          %swap3A_991 = arith.constant 608 : index
          %swap3A_992 = tpu.vector_load %arg8[%swap3A_991] {strides = array<i32>} : memref<672xi32, #tpu.memory_space<vmem>>, vector<16xi32>,
          tpu.vector_store %arg8[%swap3A_991], %select_n3A_990 {strides = array<i32>} : memref<672xi32, #tpu.memory_space<vmem>>, vector<16xi32>,
          %get3A_993 = arith.constant 624 : index
          %get3A_994 = tpu.vector_load %arg7[%get3A_993] {strides = array<i32>} : memref<2688xf32, #tpu.memory_space<vmem>>, vector<16xf32>,
          %ne3A_995 = arith.constant 0.000000e+00 : f32
          %ne3A_996 = vector.broadcast %ne3A_995 : f32 to vector<16xf32>
          %ne3A_997 = arith.cmpf one, %get3A_994, %ne3A_996 : vector<16xf32>
          %jit3A_998 = arith.constant 0 : i32
          %broadcast_in_dim3A_999 = vector.broadcast %jit3A_998 : i32 to vector<16xi32>
          %select_n3A_1000 = arith.select %ne3A_997, %shift_left3A, %broadcast_in_dim3A_999 : vector<16xi1>, vector<16xi32>
          %get3A_1001 = arith.constant 624 : index
          %get3A_1002 = tpu.vector_load %arg8[%get3A_1001] {strides = array<i32>} : memref<672xi32, #tpu.memory_space<vmem>>, vector<16xi32>,
          %eq3A_1003 = arith.constant 0 : i32
          %eq3A_1004 = vector.broadcast %eq3A_1003 : i32 to vector<16xi32>
          %eq3A_1005 = arith.cmpi eq, %broadcast_in_dim3A, %eq3A_1004 : vector<16xi32>
          %or3A_1006 = arith.ori %get3A_1002, %select_n3A_1000 : vector<16xi32>
          %select_n3A_1007 = arith.select %eq3A_1005, %select_n3A_1000, %or3A_1006 : vector<16xi1>, vector<16xi32>
          %swap3A_1008 = arith.constant 624 : index
          %swap3A_1009 = tpu.vector_load %arg8[%swap3A_1008] {strides = array<i32>} : memref<672xi32, #tpu.memory_space<vmem>>, vector<16xi32>,
          tpu.vector_store %arg8[%swap3A_1008], %select_n3A_1007 {strides = array<i32>} : memref<672xi32, #tpu.memory_space<vmem>>, vector<16xi32>,
          %get3A_1010 = arith.constant 640 : index
          %get3A_1011 = tpu.vector_load %arg7[%get3A_1010] {strides = array<i32>} : memref<2688xf32, #tpu.memory_space<vmem>>, vector<16xf32>,
          %ne3A_1012 = arith.constant 0.000000e+00 : f32
          %ne3A_1013 = vector.broadcast %ne3A_1012 : f32 to vector<16xf32>
          %ne3A_1014 = arith.cmpf one, %get3A_1011, %ne3A_1013 : vector<16xf32>
          %jit3A_1015 = arith.constant 0 : i32
          %broadcast_in_dim3A_1016 = vector.broadcast %jit3A_1015 : i32 to vector<16xi32>
          %select_n3A_1017 = arith.select %ne3A_1014, %shift_left3A, %broadcast_in_dim3A_1016 : vector<16xi1>, vector<16xi32>
          %get3A_1018 = arith.constant 640 : index
          %get3A_1019 = tpu.vector_load %arg8[%get3A_1018] {strides = array<i32>} : memref<672xi32, #tpu.memory_space<vmem>>, vector<16xi32>,
          %eq3A_1020 = arith.constant 0 : i32
          %eq3A_1021 = vector.broadcast %eq3A_1020 : i32 to vector<16xi32>
          %eq3A_1022 = arith.cmpi eq, %broadcast_in_dim3A, %eq3A_1021 : vector<16xi32>
          %or3A_1023 = arith.ori %get3A_1019, %select_n3A_1017 : vector<16xi32>
          %select_n3A_1024 = arith.select %eq3A_1022, %select_n3A_1017, %or3A_1023 : vector<16xi1>, vector<16xi32>
          %swap3A_1025 = arith.constant 640 : index
          %swap3A_1026 = tpu.vector_load %arg8[%swap3A_1025] {strides = array<i32>} : memref<672xi32, #tpu.memory_space<vmem>>, vector<16xi32>,
          tpu.vector_store %arg8[%swap3A_1025], %select_n3A_1024 {strides = array<i32>} : memref<672xi32, #tpu.memory_space<vmem>>, vector<16xi32>,
          %get3A_1027 = arith.constant 656 : index
          %get3A_1028 = tpu.vector_load %arg7[%get3A_1027] {strides = array<i32>} : memref<2688xf32, #tpu.memory_space<vmem>>, vector<16xf32>,
          %ne3A_1029 = arith.constant 0.000000e+00 : f32
          %ne3A_1030 = vector.broadcast %ne3A_1029 : f32 to vector<16xf32>
          %ne3A_1031 = arith.cmpf one, %get3A_1028, %ne3A_1030 : vector<16xf32>
          %jit3A_1032 = arith.constant 0 : i32
          %broadcast_in_dim3A_1033 = vector.broadcast %jit3A_1032 : i32 to vector<16xi32>
          %select_n3A_1034 = arith.select %ne3A_1031, %shift_left3A, %broadcast_in_dim3A_1033 : vector<16xi1>, vector<16xi32>
          %get3A_1035 = arith.constant 656 : index
          %get3A_1036 = tpu.vector_load %arg8[%get3A_1035] {strides = array<i32>} : memref<672xi32, #tpu.memory_space<vmem>>, vector<16xi32>,
          %eq3A_1037 = arith.constant 0 : i32
          %eq3A_1038 = vector.broadcast %eq3A_1037 : i32 to vector<16xi32>
          %eq3A_1039 = arith.cmpi eq, %broadcast_in_dim3A, %eq3A_1038 : vector<16xi32>
          %or3A_1040 = arith.ori %get3A_1036, %select_n3A_1034 : vector<16xi32>
          %select_n3A_1041 = arith.select %eq3A_1039, %select_n3A_1034, %or3A_1040 : vector<16xi1>, vector<16xi32>
          %swap3A_1042 = arith.constant 656 : index
          %swap3A_1043 = tpu.vector_load %arg8[%swap3A_1042] {strides = array<i32>} : memref<672xi32, #tpu.memory_space<vmem>>, vector<16xi32>,
          tpu.vector_store %arg8[%swap3A_1042], %select_n3A_1041 {strides = array<i32>} : memref<672xi32, #tpu.memory_space<vmem>>, vector<16xi32>,
          %while3A_1044 = arith.constant 0 : i32
          scf.yield %while3A_1044 : i32
        }
        %while3A_312 = arith.constant 1 : i32
        %while3A_313 = scf.for %while3A_320 = %while3A_309 to %while3A_305 step %while3A_312 iter_args(%while3A_321 = %while3A_311) -> (i32)  : i32 {
          %mul3A_322 = arith.constant 32 : i32
          %mul3A_323 = arith.muli %mul3A_322, %scan3A_296 : i32
          %add3A_324 = arith.addi %mul3A_323, %while3A_320 : i32
          %mul3A_325 = arith.constant 10752 : i32
          %mul3A_326 = arith.muli %add3A_324, %mul3A_325 : i32
          %mul3A_327 = arith.constant 672 : i32
          %mul3A_328 = arith.muli %arg1, %mul3A_327 : i32
          %add3A_329 = arith.addi %mul3A_326, %mul3A_328 : i32
          "tpu.region"() ({
            %run_scoped3A = tpu.sem_alloc : memref<!tpu.dma_semaphore, #tpu.memory_space<semaphore_mem>>
            %dma_start3A = arith.constant 0 : i32
            %dma_start3A_1045 = tpu.memref_slice %arg7[%dma_start3A] : memref<2688xf32, #tpu.memory_space<vmem>> -> memref<672xf32, #tpu.memory_space<vmem>>
            %dma_start3A_1046 = tpu.memref_slice %arg20[%add3A_329] : memref<1086080xf32, #tpu.memory_space<vmem_shared>> -> memref<672xf32, #tpu.memory_space<vmem_shared>>
            %dma_start3A_1047 = arith.constant 0 : i32
            %dma_start3A_1048 = tpu.memref_slice %arg7[%dma_start3A_1047] : memref<2688xf32, #tpu.memory_space<vmem>> -> memref<672xf32, #tpu.memory_space<vmem>>
            %dma_start3A_1049 = tpu.memref_slice %arg20[%add3A_329] : memref<1086080xf32, #tpu.memory_space<vmem_shared>> -> memref<672xf32, #tpu.memory_space<vmem_shared>>
            tpu.enqueue_dma source(%dma_start3A_1049 : memref<672xf32, #tpu.memory_space<vmem_shared>>) target(%dma_start3A_1048 : memref<672xf32, #tpu.memory_space<vmem>>) target_semaphore(%run_scoped3A : memref<!tpu.dma_semaphore, #tpu.memory_space<semaphore_mem>>)
            %dma_wait3A = arith.constant 0 : i32
            %dma_wait3A_1050 = tpu.memref_slice %arg7[%dma_wait3A] : memref<2688xf32, #tpu.memory_space<vmem>> -> memref<672xf32, #tpu.memory_space<vmem>>
            %dma_wait3A_1051 = tpu.memref_slice %arg20[%add3A_329] : memref<1086080xf32, #tpu.memory_space<vmem_shared>> -> memref<672xf32, #tpu.memory_space<vmem_shared>>
            %dma_wait3A_1052 = arith.constant 0 : i32
            %dma_wait3A_1053 = tpu.memref_slice %arg7[%dma_wait3A_1052] : memref<2688xf32, #tpu.memory_space<vmem>> -> memref<672xf32, #tpu.memory_space<vmem>>
            %dma_wait3A_1054 = tpu.memref_slice %arg20[%add3A_329] : memref<1086080xf32, #tpu.memory_space<vmem_shared>> -> memref<672xf32, #tpu.memory_space<vmem_shared>>
            tpu.wait_dma2 semaphore(%run_scoped3A : memref<!tpu.dma_semaphore, #tpu.memory_space<semaphore_mem>>) src(%dma_wait3A_1054 : memref<672xf32, #tpu.memory_space<vmem_shared>>) dst(%dma_wait3A_1053 : memref<672xf32, #tpu.memory_space<vmem>>)
            tpu.yield
          }) : () -> ()
          %broadcast_in_dim3A = vector.broadcast %while3A_320 : i32 to vector<16xi32>
          %broadcast_in_dim3A_330 = arith.constant 1 : i32
          %broadcast_in_dim3A_331 = vector.broadcast %broadcast_in_dim3A_330 : i32 to vector<16xi32>
          %shift_left3A = arith.shli %broadcast_in_dim3A_331, %broadcast_in_dim3A : vector<16xi32>
          %get3A_332 = arith.constant 0 : index
          %get3A_333 = tpu.vector_load %arg7[%get3A_332] {strides = array<i32>} : memref<2688xf32, #tpu.memory_space<vmem>>, vector<16xf32>,
          %ne3A_334 = arith.constant 0.000000e+00 : f32
          %ne3A_335 = vector.broadcast %ne3A_334 : f32 to vector<16xf32>
          %ne3A_336 = arith.cmpf one, %get3A_333, %ne3A_335 : vector<16xf32>
          %jit3A_337 = arith.constant 0 : i32
          %broadcast_in_dim3A_338 = vector.broadcast %jit3A_337 : i32 to vector<16xi32>
          %select_n3A_339 = arith.select %ne3A_336, %shift_left3A, %broadcast_in_dim3A_338 : vector<16xi1>, vector<16xi32>
          %get3A_340 = arith.constant 0 : index
          %get3A_341 = tpu.vector_load %arg8[%get3A_340] {strides = array<i32>} : memref<672xi32, #tpu.memory_space<vmem>>, vector<16xi32>,
          %eq3A_342 = arith.constant 0 : i32
          %eq3A_343 = vector.broadcast %eq3A_342 : i32 to vector<16xi32>
          %eq3A_344 = arith.cmpi eq, %broadcast_in_dim3A, %eq3A_343 : vector<16xi32>
          %or3A = arith.ori %get3A_341, %select_n3A_339 : vector<16xi32>
          %select_n3A_345 = arith.select %eq3A_344, %select_n3A_339, %or3A : vector<16xi1>, vector<16xi32>
          %swap3A = arith.constant 0 : index
          %swap3A_346 = tpu.vector_load %arg8[%swap3A] {strides = array<i32>} : memref<672xi32, #tpu.memory_space<vmem>>, vector<16xi32>,
          tpu.vector_store %arg8[%swap3A], %select_n3A_345 {strides = array<i32>} : memref<672xi32, #tpu.memory_space<vmem>>, vector<16xi32>,
          %get3A_347 = arith.constant 16 : index
          %get3A_348 = tpu.vector_load %arg7[%get3A_347] {strides = array<i32>} : memref<2688xf32, #tpu.memory_space<vmem>>, vector<16xf32>,
          %ne3A_349 = arith.constant 0.000000e+00 : f32
          %ne3A_350 = vector.broadcast %ne3A_349 : f32 to vector<16xf32>
          %ne3A_351 = arith.cmpf one, %get3A_348, %ne3A_350 : vector<16xf32>
          %jit3A_352 = arith.constant 0 : i32
          %broadcast_in_dim3A_353 = vector.broadcast %jit3A_352 : i32 to vector<16xi32>
          %select_n3A_354 = arith.select %ne3A_351, %shift_left3A, %broadcast_in_dim3A_353 : vector<16xi1>, vector<16xi32>
          %get3A_355 = arith.constant 16 : index
          %get3A_356 = tpu.vector_load %arg8[%get3A_355] {strides = array<i32>} : memref<672xi32, #tpu.memory_space<vmem>>, vector<16xi32>,
          %eq3A_357 = arith.constant 0 : i32
          %eq3A_358 = vector.broadcast %eq3A_357 : i32 to vector<16xi32>
          %eq3A_359 = arith.cmpi eq, %broadcast_in_dim3A, %eq3A_358 : vector<16xi32>
          %or3A_360 = arith.ori %get3A_356, %select_n3A_354 : vector<16xi32>
          %select_n3A_361 = arith.select %eq3A_359, %select_n3A_354, %or3A_360 : vector<16xi1>, vector<16xi32>
          %swap3A_362 = arith.constant 16 : index
          %swap3A_363 = tpu.vector_load %arg8[%swap3A_362] {strides = array<i32>} : memref<672xi32, #tpu.memory_space<vmem>>, vector<16xi32>,
          tpu.vector_store %arg8[%swap3A_362], %select_n3A_361 {strides = array<i32>} : memref<672xi32, #tpu.memory_space<vmem>>, vector<16xi32>,
          %get3A_364 = arith.constant 32 : index
          %get3A_365 = tpu.vector_load %arg7[%get3A_364] {strides = array<i32>} : memref<2688xf32, #tpu.memory_space<vmem>>, vector<16xf32>,
          %ne3A_366 = arith.constant 0.000000e+00 : f32
          %ne3A_367 = vector.broadcast %ne3A_366 : f32 to vector<16xf32>
          %ne3A_368 = arith.cmpf one, %get3A_365, %ne3A_367 : vector<16xf32>
          %jit3A_369 = arith.constant 0 : i32
          %broadcast_in_dim3A_370 = vector.broadcast %jit3A_369 : i32 to vector<16xi32>
          %select_n3A_371 = arith.select %ne3A_368, %shift_left3A, %broadcast_in_dim3A_370 : vector<16xi1>, vector<16xi32>
          %get3A_372 = arith.constant 32 : index
          %get3A_373 = tpu.vector_load %arg8[%get3A_372] {strides = array<i32>} : memref<672xi32, #tpu.memory_space<vmem>>, vector<16xi32>,
          %eq3A_374 = arith.constant 0 : i32
          %eq3A_375 = vector.broadcast %eq3A_374 : i32 to vector<16xi32>
          %eq3A_376 = arith.cmpi eq, %broadcast_in_dim3A, %eq3A_375 : vector<16xi32>
          %or3A_377 = arith.ori %get3A_373, %select_n3A_371 : vector<16xi32>
          %select_n3A_378 = arith.select %eq3A_376, %select_n3A_371, %or3A_377 : vector<16xi1>, vector<16xi32>
          %swap3A_379 = arith.constant 32 : index
          %swap3A_380 = tpu.vector_load %arg8[%swap3A_379] {strides = array<i32>} : memref<672xi32, #tpu.memory_space<vmem>>, vector<16xi32>,
          tpu.vector_store %arg8[%swap3A_379], %select_n3A_378 {strides = array<i32>} : memref<672xi32, #tpu.memory_space<vmem>>, vector<16xi32>,
          %get3A_381 = arith.constant 48 : index
          %get3A_382 = tpu.vector_load %arg7[%get3A_381] {strides = array<i32>} : memref<2688xf32, #tpu.memory_space<vmem>>, vector<16xf32>,
          %ne3A_383 = arith.constant 0.000000e+00 : f32
          %ne3A_384 = vector.broadcast %ne3A_383 : f32 to vector<16xf32>
          %ne3A_385 = arith.cmpf one, %get3A_382, %ne3A_384 : vector<16xf32>
          %jit3A_386 = arith.constant 0 : i32
          %broadcast_in_dim3A_387 = vector.broadcast %jit3A_386 : i32 to vector<16xi32>
          %select_n3A_388 = arith.select %ne3A_385, %shift_left3A, %broadcast_in_dim3A_387 : vector<16xi1>, vector<16xi32>
          %get3A_389 = arith.constant 48 : index
          %get3A_390 = tpu.vector_load %arg8[%get3A_389] {strides = array<i32>} : memref<672xi32, #tpu.memory_space<vmem>>, vector<16xi32>,
          %eq3A_391 = arith.constant 0 : i32
          %eq3A_392 = vector.broadcast %eq3A_391 : i32 to vector<16xi32>
          %eq3A_393 = arith.cmpi eq, %broadcast_in_dim3A, %eq3A_392 : vector<16xi32>
          %or3A_394 = arith.ori %get3A_390, %select_n3A_388 : vector<16xi32>
          %select_n3A_395 = arith.select %eq3A_393, %select_n3A_388, %or3A_394 : vector<16xi1>, vector<16xi32>
          %swap3A_396 = arith.constant 48 : index
          %swap3A_397 = tpu.vector_load %arg8[%swap3A_396] {strides = array<i32>} : memref<672xi32, #tpu.memory_space<vmem>>, vector<16xi32>,
          tpu.vector_store %arg8[%swap3A_396], %select_n3A_395 {strides = array<i32>} : memref<672xi32, #tpu.memory_space<vmem>>, vector<16xi32>,
          %get3A_398 = arith.constant 64 : index
          %get3A_399 = tpu.vector_load %arg7[%get3A_398] {strides = array<i32>} : memref<2688xf32, #tpu.memory_space<vmem>>, vector<16xf32>,
          %ne3A_400 = arith.constant 0.000000e+00 : f32
          %ne3A_401 = vector.broadcast %ne3A_400 : f32 to vector<16xf32>
          %ne3A_402 = arith.cmpf one, %get3A_399, %ne3A_401 : vector<16xf32>
          %jit3A_403 = arith.constant 0 : i32
          %broadcast_in_dim3A_404 = vector.broadcast %jit3A_403 : i32 to vector<16xi32>
          %select_n3A_405 = arith.select %ne3A_402, %shift_left3A, %broadcast_in_dim3A_404 : vector<16xi1>, vector<16xi32>
          %get3A_406 = arith.constant 64 : index
          %get3A_407 = tpu.vector_load %arg8[%get3A_406] {strides = array<i32>} : memref<672xi32, #tpu.memory_space<vmem>>, vector<16xi32>,
          %eq3A_408 = arith.constant 0 : i32
          %eq3A_409 = vector.broadcast %eq3A_408 : i32 to vector<16xi32>
          %eq3A_410 = arith.cmpi eq, %broadcast_in_dim3A, %eq3A_409 : vector<16xi32>
          %or3A_411 = arith.ori %get3A_407, %select_n3A_405 : vector<16xi32>
          %select_n3A_412 = arith.select %eq3A_410, %select_n3A_405, %or3A_411 : vector<16xi1>, vector<16xi32>
          %swap3A_413 = arith.constant 64 : index
          %swap3A_414 = tpu.vector_load %arg8[%swap3A_413] {strides = array<i32>} : memref<672xi32, #tpu.memory_space<vmem>>, vector<16xi32>,
          tpu.vector_store %arg8[%swap3A_413], %select_n3A_412 {strides = array<i32>} : memref<672xi32, #tpu.memory_space<vmem>>, vector<16xi32>,
          %get3A_415 = arith.constant 80 : index
          %get3A_416 = tpu.vector_load %arg7[%get3A_415] {strides = array<i32>} : memref<2688xf32, #tpu.memory_space<vmem>>, vector<16xf32>,
          %ne3A_417 = arith.constant 0.000000e+00 : f32
          %ne3A_418 = vector.broadcast %ne3A_417 : f32 to vector<16xf32>
          %ne3A_419 = arith.cmpf one, %get3A_416, %ne3A_418 : vector<16xf32>
          %jit3A_420 = arith.constant 0 : i32
          %broadcast_in_dim3A_421 = vector.broadcast %jit3A_420 : i32 to vector<16xi32>
          %select_n3A_422 = arith.select %ne3A_419, %shift_left3A, %broadcast_in_dim3A_421 : vector<16xi1>, vector<16xi32>
          %get3A_423 = arith.constant 80 : index
          %get3A_424 = tpu.vector_load %arg8[%get3A_423] {strides = array<i32>} : memref<672xi32, #tpu.memory_space<vmem>>, vector<16xi32>,
          %eq3A_425 = arith.constant 0 : i32
          %eq3A_426 = vector.broadcast %eq3A_425 : i32 to vector<16xi32>
          %eq3A_427 = arith.cmpi eq, %broadcast_in_dim3A, %eq3A_426 : vector<16xi32>
          %or3A_428 = arith.ori %get3A_424, %select_n3A_422 : vector<16xi32>
          %select_n3A_429 = arith.select %eq3A_427, %select_n3A_422, %or3A_428 : vector<16xi1>, vector<16xi32>
          %swap3A_430 = arith.constant 80 : index
          %swap3A_431 = tpu.vector_load %arg8[%swap3A_430] {strides = array<i32>} : memref<672xi32, #tpu.memory_space<vmem>>, vector<16xi32>,
          tpu.vector_store %arg8[%swap3A_430], %select_n3A_429 {strides = array<i32>} : memref<672xi32, #tpu.memory_space<vmem>>, vector<16xi32>,
          %get3A_432 = arith.constant 96 : index
          %get3A_433 = tpu.vector_load %arg7[%get3A_432] {strides = array<i32>} : memref<2688xf32, #tpu.memory_space<vmem>>, vector<16xf32>,
          %ne3A_434 = arith.constant 0.000000e+00 : f32
          %ne3A_435 = vector.broadcast %ne3A_434 : f32 to vector<16xf32>
          %ne3A_436 = arith.cmpf one, %get3A_433, %ne3A_435 : vector<16xf32>
          %jit3A_437 = arith.constant 0 : i32
          %broadcast_in_dim3A_438 = vector.broadcast %jit3A_437 : i32 to vector<16xi32>
          %select_n3A_439 = arith.select %ne3A_436, %shift_left3A, %broadcast_in_dim3A_438 : vector<16xi1>, vector<16xi32>
          %get3A_440 = arith.constant 96 : index
          %get3A_441 = tpu.vector_load %arg8[%get3A_440] {strides = array<i32>} : memref<672xi32, #tpu.memory_space<vmem>>, vector<16xi32>,
          %eq3A_442 = arith.constant 0 : i32
          %eq3A_443 = vector.broadcast %eq3A_442 : i32 to vector<16xi32>
          %eq3A_444 = arith.cmpi eq, %broadcast_in_dim3A, %eq3A_443 : vector<16xi32>
          %or3A_445 = arith.ori %get3A_441, %select_n3A_439 : vector<16xi32>
          %select_n3A_446 = arith.select %eq3A_444, %select_n3A_439, %or3A_445 : vector<16xi1>, vector<16xi32>
          %swap3A_447 = arith.constant 96 : index
          %swap3A_448 = tpu.vector_load %arg8[%swap3A_447] {strides = array<i32>} : memref<672xi32, #tpu.memory_space<vmem>>, vector<16xi32>,
          tpu.vector_store %arg8[%swap3A_447], %select_n3A_446 {strides = array<i32>} : memref<672xi32, #tpu.memory_space<vmem>>, vector<16xi32>,
          %get3A_449 = arith.constant 112 : index
          %get3A_450 = tpu.vector_load %arg7[%get3A_449] {strides = array<i32>} : memref<2688xf32, #tpu.memory_space<vmem>>, vector<16xf32>,
          %ne3A_451 = arith.constant 0.000000e+00 : f32
          %ne3A_452 = vector.broadcast %ne3A_451 : f32 to vector<16xf32>
          %ne3A_453 = arith.cmpf one, %get3A_450, %ne3A_452 : vector<16xf32>
          %jit3A_454 = arith.constant 0 : i32
          %broadcast_in_dim3A_455 = vector.broadcast %jit3A_454 : i32 to vector<16xi32>
          %select_n3A_456 = arith.select %ne3A_453, %shift_left3A, %broadcast_in_dim3A_455 : vector<16xi1>, vector<16xi32>
          %get3A_457 = arith.constant 112 : index
          %get3A_458 = tpu.vector_load %arg8[%get3A_457] {strides = array<i32>} : memref<672xi32, #tpu.memory_space<vmem>>, vector<16xi32>,
          %eq3A_459 = arith.constant 0 : i32
          %eq3A_460 = vector.broadcast %eq3A_459 : i32 to vector<16xi32>
          %eq3A_461 = arith.cmpi eq, %broadcast_in_dim3A, %eq3A_460 : vector<16xi32>
          %or3A_462 = arith.ori %get3A_458, %select_n3A_456 : vector<16xi32>
          %select_n3A_463 = arith.select %eq3A_461, %select_n3A_456, %or3A_462 : vector<16xi1>, vector<16xi32>
          %swap3A_464 = arith.constant 112 : index
          %swap3A_465 = tpu.vector_load %arg8[%swap3A_464] {strides = array<i32>} : memref<672xi32, #tpu.memory_space<vmem>>, vector<16xi32>,
          tpu.vector_store %arg8[%swap3A_464], %select_n3A_463 {strides = array<i32>} : memref<672xi32, #tpu.memory_space<vmem>>, vector<16xi32>,
          %get3A_466 = arith.constant 128 : index
          %get3A_467 = tpu.vector_load %arg7[%get3A_466] {strides = array<i32>} : memref<2688xf32, #tpu.memory_space<vmem>>, vector<16xf32>,
          %ne3A_468 = arith.constant 0.000000e+00 : f32
          %ne3A_469 = vector.broadcast %ne3A_468 : f32 to vector<16xf32>
          %ne3A_470 = arith.cmpf one, %get3A_467, %ne3A_469 : vector<16xf32>
          %jit3A_471 = arith.constant 0 : i32
          %broadcast_in_dim3A_472 = vector.broadcast %jit3A_471 : i32 to vector<16xi32>
          %select_n3A_473 = arith.select %ne3A_470, %shift_left3A, %broadcast_in_dim3A_472 : vector<16xi1>, vector<16xi32>
          %get3A_474 = arith.constant 128 : index
          %get3A_475 = tpu.vector_load %arg8[%get3A_474] {strides = array<i32>} : memref<672xi32, #tpu.memory_space<vmem>>, vector<16xi32>,
          %eq3A_476 = arith.constant 0 : i32
          %eq3A_477 = vector.broadcast %eq3A_476 : i32 to vector<16xi32>
          %eq3A_478 = arith.cmpi eq, %broadcast_in_dim3A, %eq3A_477 : vector<16xi32>
          %or3A_479 = arith.ori %get3A_475, %select_n3A_473 : vector<16xi32>
          %select_n3A_480 = arith.select %eq3A_478, %select_n3A_473, %or3A_479 : vector<16xi1>, vector<16xi32>
          %swap3A_481 = arith.constant 128 : index
          %swap3A_482 = tpu.vector_load %arg8[%swap3A_481] {strides = array<i32>} : memref<672xi32, #tpu.memory_space<vmem>>, vector<16xi32>,
          tpu.vector_store %arg8[%swap3A_481], %select_n3A_480 {strides = array<i32>} : memref<672xi32, #tpu.memory_space<vmem>>, vector<16xi32>,
          %get3A_483 = arith.constant 144 : index
          %get3A_484 = tpu.vector_load %arg7[%get3A_483] {strides = array<i32>} : memref<2688xf32, #tpu.memory_space<vmem>>, vector<16xf32>,
          %ne3A_485 = arith.constant 0.000000e+00 : f32
          %ne3A_486 = vector.broadcast %ne3A_485 : f32 to vector<16xf32>
          %ne3A_487 = arith.cmpf one, %get3A_484, %ne3A_486 : vector<16xf32>
          %jit3A_488 = arith.constant 0 : i32
          %broadcast_in_dim3A_489 = vector.broadcast %jit3A_488 : i32 to vector<16xi32>
          %select_n3A_490 = arith.select %ne3A_487, %shift_left3A, %broadcast_in_dim3A_489 : vector<16xi1>, vector<16xi32>
          %get3A_491 = arith.constant 144 : index
          %get3A_492 = tpu.vector_load %arg8[%get3A_491] {strides = array<i32>} : memref<672xi32, #tpu.memory_space<vmem>>, vector<16xi32>,
          %eq3A_493 = arith.constant 0 : i32
          %eq3A_494 = vector.broadcast %eq3A_493 : i32 to vector<16xi32>
          %eq3A_495 = arith.cmpi eq, %broadcast_in_dim3A, %eq3A_494 : vector<16xi32>
          %or3A_496 = arith.ori %get3A_492, %select_n3A_490 : vector<16xi32>
          %select_n3A_497 = arith.select %eq3A_495, %select_n3A_490, %or3A_496 : vector<16xi1>, vector<16xi32>
          %swap3A_498 = arith.constant 144 : index
          %swap3A_499 = tpu.vector_load %arg8[%swap3A_498] {strides = array<i32>} : memref<672xi32, #tpu.memory_space<vmem>>, vector<16xi32>,
          tpu.vector_store %arg8[%swap3A_498], %select_n3A_497 {strides = array<i32>} : memref<672xi32, #tpu.memory_space<vmem>>, vector<16xi32>,
          %get3A_500 = arith.constant 160 : index
          %get3A_501 = tpu.vector_load %arg7[%get3A_500] {strides = array<i32>} : memref<2688xf32, #tpu.memory_space<vmem>>, vector<16xf32>,
          %ne3A_502 = arith.constant 0.000000e+00 : f32
          %ne3A_503 = vector.broadcast %ne3A_502 : f32 to vector<16xf32>
          %ne3A_504 = arith.cmpf one, %get3A_501, %ne3A_503 : vector<16xf32>
          %jit3A_505 = arith.constant 0 : i32
          %broadcast_in_dim3A_506 = vector.broadcast %jit3A_505 : i32 to vector<16xi32>
          %select_n3A_507 = arith.select %ne3A_504, %shift_left3A, %broadcast_in_dim3A_506 : vector<16xi1>, vector<16xi32>
          %get3A_508 = arith.constant 160 : index
          %get3A_509 = tpu.vector_load %arg8[%get3A_508] {strides = array<i32>} : memref<672xi32, #tpu.memory_space<vmem>>, vector<16xi32>,
          %eq3A_510 = arith.constant 0 : i32
          %eq3A_511 = vector.broadcast %eq3A_510 : i32 to vector<16xi32>
          %eq3A_512 = arith.cmpi eq, %broadcast_in_dim3A, %eq3A_511 : vector<16xi32>
          %or3A_513 = arith.ori %get3A_509, %select_n3A_507 : vector<16xi32>
          %select_n3A_514 = arith.select %eq3A_512, %select_n3A_507, %or3A_513 : vector<16xi1>, vector<16xi32>
          %swap3A_515 = arith.constant 160 : index
          %swap3A_516 = tpu.vector_load %arg8[%swap3A_515] {strides = array<i32>} : memref<672xi32, #tpu.memory_space<vmem>>, vector<16xi32>,
          tpu.vector_store %arg8[%swap3A_515], %select_n3A_514 {strides = array<i32>} : memref<672xi32, #tpu.memory_space<vmem>>, vector<16xi32>,
          %get3A_517 = arith.constant 176 : index
          %get3A_518 = tpu.vector_load %arg7[%get3A_517] {strides = array<i32>} : memref<2688xf32, #tpu.memory_space<vmem>>, vector<16xf32>,
          %ne3A_519 = arith.constant 0.000000e+00 : f32
          %ne3A_520 = vector.broadcast %ne3A_519 : f32 to vector<16xf32>
          %ne3A_521 = arith.cmpf one, %get3A_518, %ne3A_520 : vector<16xf32>
          %jit3A_522 = arith.constant 0 : i32
          %broadcast_in_dim3A_523 = vector.broadcast %jit3A_522 : i32 to vector<16xi32>
          %select_n3A_524 = arith.select %ne3A_521, %shift_left3A, %broadcast_in_dim3A_523 : vector<16xi1>, vector<16xi32>
          %get3A_525 = arith.constant 176 : index
          %get3A_526 = tpu.vector_load %arg8[%get3A_525] {strides = array<i32>} : memref<672xi32, #tpu.memory_space<vmem>>, vector<16xi32>,
          %eq3A_527 = arith.constant 0 : i32
          %eq3A_528 = vector.broadcast %eq3A_527 : i32 to vector<16xi32>
          %eq3A_529 = arith.cmpi eq, %broadcast_in_dim3A, %eq3A_528 : vector<16xi32>
          %or3A_530 = arith.ori %get3A_526, %select_n3A_524 : vector<16xi32>
          %select_n3A_531 = arith.select %eq3A_529, %select_n3A_524, %or3A_530 : vector<16xi1>, vector<16xi32>
          %swap3A_532 = arith.constant 176 : index
          %swap3A_533 = tpu.vector_load %arg8[%swap3A_532] {strides = array<i32>} : memref<672xi32, #tpu.memory_space<vmem>>, vector<16xi32>,
          tpu.vector_store %arg8[%swap3A_532], %select_n3A_531 {strides = array<i32>} : memref<672xi32, #tpu.memory_space<vmem>>, vector<16xi32>,
          %get3A_534 = arith.constant 192 : index
          %get3A_535 = tpu.vector_load %arg7[%get3A_534] {strides = array<i32>} : memref<2688xf32, #tpu.memory_space<vmem>>, vector<16xf32>,
          %ne3A_536 = arith.constant 0.000000e+00 : f32
          %ne3A_537 = vector.broadcast %ne3A_536 : f32 to vector<16xf32>
          %ne3A_538 = arith.cmpf one, %get3A_535, %ne3A_537 : vector<16xf32>
          %jit3A_539 = arith.constant 0 : i32
          %broadcast_in_dim3A_540 = vector.broadcast %jit3A_539 : i32 to vector<16xi32>
          %select_n3A_541 = arith.select %ne3A_538, %shift_left3A, %broadcast_in_dim3A_540 : vector<16xi1>, vector<16xi32>
          %get3A_542 = arith.constant 192 : index
          %get3A_543 = tpu.vector_load %arg8[%get3A_542] {strides = array<i32>} : memref<672xi32, #tpu.memory_space<vmem>>, vector<16xi32>,
          %eq3A_544 = arith.constant 0 : i32
          %eq3A_545 = vector.broadcast %eq3A_544 : i32 to vector<16xi32>
          %eq3A_546 = arith.cmpi eq, %broadcast_in_dim3A, %eq3A_545 : vector<16xi32>
          %or3A_547 = arith.ori %get3A_543, %select_n3A_541 : vector<16xi32>
          %select_n3A_548 = arith.select %eq3A_546, %select_n3A_541, %or3A_547 : vector<16xi1>, vector<16xi32>
          %swap3A_549 = arith.constant 192 : index
          %swap3A_550 = tpu.vector_load %arg8[%swap3A_549] {strides = array<i32>} : memref<672xi32, #tpu.memory_space<vmem>>, vector<16xi32>,
          tpu.vector_store %arg8[%swap3A_549], %select_n3A_548 {strides = array<i32>} : memref<672xi32, #tpu.memory_space<vmem>>, vector<16xi32>,
          %get3A_551 = arith.constant 208 : index
          %get3A_552 = tpu.vector_load %arg7[%get3A_551] {strides = array<i32>} : memref<2688xf32, #tpu.memory_space<vmem>>, vector<16xf32>,
          %ne3A_553 = arith.constant 0.000000e+00 : f32
          %ne3A_554 = vector.broadcast %ne3A_553 : f32 to vector<16xf32>
          %ne3A_555 = arith.cmpf one, %get3A_552, %ne3A_554 : vector<16xf32>
          %jit3A_556 = arith.constant 0 : i32
          %broadcast_in_dim3A_557 = vector.broadcast %jit3A_556 : i32 to vector<16xi32>
          %select_n3A_558 = arith.select %ne3A_555, %shift_left3A, %broadcast_in_dim3A_557 : vector<16xi1>, vector<16xi32>
          %get3A_559 = arith.constant 208 : index
          %get3A_560 = tpu.vector_load %arg8[%get3A_559] {strides = array<i32>} : memref<672xi32, #tpu.memory_space<vmem>>, vector<16xi32>,
          %eq3A_561 = arith.constant 0 : i32
          %eq3A_562 = vector.broadcast %eq3A_561 : i32 to vector<16xi32>
          %eq3A_563 = arith.cmpi eq, %broadcast_in_dim3A, %eq3A_562 : vector<16xi32>
          %or3A_564 = arith.ori %get3A_560, %select_n3A_558 : vector<16xi32>
          %select_n3A_565 = arith.select %eq3A_563, %select_n3A_558, %or3A_564 : vector<16xi1>, vector<16xi32>
          %swap3A_566 = arith.constant 208 : index
          %swap3A_567 = tpu.vector_load %arg8[%swap3A_566] {strides = array<i32>} : memref<672xi32, #tpu.memory_space<vmem>>, vector<16xi32>,
          tpu.vector_store %arg8[%swap3A_566], %select_n3A_565 {strides = array<i32>} : memref<672xi32, #tpu.memory_space<vmem>>, vector<16xi32>,
          %get3A_568 = arith.constant 224 : index
          %get3A_569 = tpu.vector_load %arg7[%get3A_568] {strides = array<i32>} : memref<2688xf32, #tpu.memory_space<vmem>>, vector<16xf32>,
          %ne3A_570 = arith.constant 0.000000e+00 : f32
          %ne3A_571 = vector.broadcast %ne3A_570 : f32 to vector<16xf32>
          %ne3A_572 = arith.cmpf one, %get3A_569, %ne3A_571 : vector<16xf32>
          %jit3A_573 = arith.constant 0 : i32
          %broadcast_in_dim3A_574 = vector.broadcast %jit3A_573 : i32 to vector<16xi32>
          %select_n3A_575 = arith.select %ne3A_572, %shift_left3A, %broadcast_in_dim3A_574 : vector<16xi1>, vector<16xi32>
          %get3A_576 = arith.constant 224 : index
          %get3A_577 = tpu.vector_load %arg8[%get3A_576] {strides = array<i32>} : memref<672xi32, #tpu.memory_space<vmem>>, vector<16xi32>,
          %eq3A_578 = arith.constant 0 : i32
          %eq3A_579 = vector.broadcast %eq3A_578 : i32 to vector<16xi32>
          %eq3A_580 = arith.cmpi eq, %broadcast_in_dim3A, %eq3A_579 : vector<16xi32>
          %or3A_581 = arith.ori %get3A_577, %select_n3A_575 : vector<16xi32>
          %select_n3A_582 = arith.select %eq3A_580, %select_n3A_575, %or3A_581 : vector<16xi1>, vector<16xi32>
          %swap3A_583 = arith.constant 224 : index
          %swap3A_584 = tpu.vector_load %arg8[%swap3A_583] {strides = array<i32>} : memref<672xi32, #tpu.memory_space<vmem>>, vector<16xi32>,
          tpu.vector_store %arg8[%swap3A_583], %select_n3A_582 {strides = array<i32>} : memref<672xi32, #tpu.memory_space<vmem>>, vector<16xi32>,
          %get3A_585 = arith.constant 240 : index
          %get3A_586 = tpu.vector_load %arg7[%get3A_585] {strides = array<i32>} : memref<2688xf32, #tpu.memory_space<vmem>>, vector<16xf32>,
          %ne3A_587 = arith.constant 0.000000e+00 : f32
          %ne3A_588 = vector.broadcast %ne3A_587 : f32 to vector<16xf32>
          %ne3A_589 = arith.cmpf one, %get3A_586, %ne3A_588 : vector<16xf32>
          %jit3A_590 = arith.constant 0 : i32
          %broadcast_in_dim3A_591 = vector.broadcast %jit3A_590 : i32 to vector<16xi32>
          %select_n3A_592 = arith.select %ne3A_589, %shift_left3A, %broadcast_in_dim3A_591 : vector<16xi1>, vector<16xi32>
          %get3A_593 = arith.constant 240 : index
          %get3A_594 = tpu.vector_load %arg8[%get3A_593] {strides = array<i32>} : memref<672xi32, #tpu.memory_space<vmem>>, vector<16xi32>,
          %eq3A_595 = arith.constant 0 : i32
          %eq3A_596 = vector.broadcast %eq3A_595 : i32 to vector<16xi32>
          %eq3A_597 = arith.cmpi eq, %broadcast_in_dim3A, %eq3A_596 : vector<16xi32>
          %or3A_598 = arith.ori %get3A_594, %select_n3A_592 : vector<16xi32>
          %select_n3A_599 = arith.select %eq3A_597, %select_n3A_592, %or3A_598 : vector<16xi1>, vector<16xi32>
          %swap3A_600 = arith.constant 240 : index
          %swap3A_601 = tpu.vector_load %arg8[%swap3A_600] {strides = array<i32>} : memref<672xi32, #tpu.memory_space<vmem>>, vector<16xi32>,
          tpu.vector_store %arg8[%swap3A_600], %select_n3A_599 {strides = array<i32>} : memref<672xi32, #tpu.memory_space<vmem>>, vector<16xi32>,
          %get3A_602 = arith.constant 256 : index
          %get3A_603 = tpu.vector_load %arg7[%get3A_602] {strides = array<i32>} : memref<2688xf32, #tpu.memory_space<vmem>>, vector<16xf32>,
          %ne3A_604 = arith.constant 0.000000e+00 : f32
          %ne3A_605 = vector.broadcast %ne3A_604 : f32 to vector<16xf32>
          %ne3A_606 = arith.cmpf one, %get3A_603, %ne3A_605 : vector<16xf32>
          %jit3A_607 = arith.constant 0 : i32
          %broadcast_in_dim3A_608 = vector.broadcast %jit3A_607 : i32 to vector<16xi32>
          %select_n3A_609 = arith.select %ne3A_606, %shift_left3A, %broadcast_in_dim3A_608 : vector<16xi1>, vector<16xi32>
          %get3A_610 = arith.constant 256 : index
          %get3A_611 = tpu.vector_load %arg8[%get3A_610] {strides = array<i32>} : memref<672xi32, #tpu.memory_space<vmem>>, vector<16xi32>,
          %eq3A_612 = arith.constant 0 : i32
          %eq3A_613 = vector.broadcast %eq3A_612 : i32 to vector<16xi32>
          %eq3A_614 = arith.cmpi eq, %broadcast_in_dim3A, %eq3A_613 : vector<16xi32>
          %or3A_615 = arith.ori %get3A_611, %select_n3A_609 : vector<16xi32>
          %select_n3A_616 = arith.select %eq3A_614, %select_n3A_609, %or3A_615 : vector<16xi1>, vector<16xi32>
          %swap3A_617 = arith.constant 256 : index
          %swap3A_618 = tpu.vector_load %arg8[%swap3A_617] {strides = array<i32>} : memref<672xi32, #tpu.memory_space<vmem>>, vector<16xi32>,
          tpu.vector_store %arg8[%swap3A_617], %select_n3A_616 {strides = array<i32>} : memref<672xi32, #tpu.memory_space<vmem>>, vector<16xi32>,
          %get3A_619 = arith.constant 272 : index
          %get3A_620 = tpu.vector_load %arg7[%get3A_619] {strides = array<i32>} : memref<2688xf32, #tpu.memory_space<vmem>>, vector<16xf32>,
          %ne3A_621 = arith.constant 0.000000e+00 : f32
          %ne3A_622 = vector.broadcast %ne3A_621 : f32 to vector<16xf32>
          %ne3A_623 = arith.cmpf one, %get3A_620, %ne3A_622 : vector<16xf32>
          %jit3A_624 = arith.constant 0 : i32
          %broadcast_in_dim3A_625 = vector.broadcast %jit3A_624 : i32 to vector<16xi32>
          %select_n3A_626 = arith.select %ne3A_623, %shift_left3A, %broadcast_in_dim3A_625 : vector<16xi1>, vector<16xi32>
          %get3A_627 = arith.constant 272 : index
          %get3A_628 = tpu.vector_load %arg8[%get3A_627] {strides = array<i32>} : memref<672xi32, #tpu.memory_space<vmem>>, vector<16xi32>,
          %eq3A_629 = arith.constant 0 : i32
          %eq3A_630 = vector.broadcast %eq3A_629 : i32 to vector<16xi32>
          %eq3A_631 = arith.cmpi eq, %broadcast_in_dim3A, %eq3A_630 : vector<16xi32>
          %or3A_632 = arith.ori %get3A_628, %select_n3A_626 : vector<16xi32>
          %select_n3A_633 = arith.select %eq3A_631, %select_n3A_626, %or3A_632 : vector<16xi1>, vector<16xi32>
          %swap3A_634 = arith.constant 272 : index
          %swap3A_635 = tpu.vector_load %arg8[%swap3A_634] {strides = array<i32>} : memref<672xi32, #tpu.memory_space<vmem>>, vector<16xi32>,
          tpu.vector_store %arg8[%swap3A_634], %select_n3A_633 {strides = array<i32>} : memref<672xi32, #tpu.memory_space<vmem>>, vector<16xi32>,
          %get3A_636 = arith.constant 288 : index
          %get3A_637 = tpu.vector_load %arg7[%get3A_636] {strides = array<i32>} : memref<2688xf32, #tpu.memory_space<vmem>>, vector<16xf32>,
          %ne3A_638 = arith.constant 0.000000e+00 : f32
          %ne3A_639 = vector.broadcast %ne3A_638 : f32 to vector<16xf32>
          %ne3A_640 = arith.cmpf one, %get3A_637, %ne3A_639 : vector<16xf32>
          %jit3A_641 = arith.constant 0 : i32
          %broadcast_in_dim3A_642 = vector.broadcast %jit3A_641 : i32 to vector<16xi32>
          %select_n3A_643 = arith.select %ne3A_640, %shift_left3A, %broadcast_in_dim3A_642 : vector<16xi1>, vector<16xi32>
          %get3A_644 = arith.constant 288 : index
          %get3A_645 = tpu.vector_load %arg8[%get3A_644] {strides = array<i32>} : memref<672xi32, #tpu.memory_space<vmem>>, vector<16xi32>,
          %eq3A_646 = arith.constant 0 : i32
          %eq3A_647 = vector.broadcast %eq3A_646 : i32 to vector<16xi32>
          %eq3A_648 = arith.cmpi eq, %broadcast_in_dim3A, %eq3A_647 : vector<16xi32>
          %or3A_649 = arith.ori %get3A_645, %select_n3A_643 : vector<16xi32>
          %select_n3A_650 = arith.select %eq3A_648, %select_n3A_643, %or3A_649 : vector<16xi1>, vector<16xi32>
          %swap3A_651 = arith.constant 288 : index
          %swap3A_652 = tpu.vector_load %arg8[%swap3A_651] {strides = array<i32>} : memref<672xi32, #tpu.memory_space<vmem>>, vector<16xi32>,
          tpu.vector_store %arg8[%swap3A_651], %select_n3A_650 {strides = array<i32>} : memref<672xi32, #tpu.memory_space<vmem>>, vector<16xi32>,
          %get3A_653 = arith.constant 304 : index
          %get3A_654 = tpu.vector_load %arg7[%get3A_653] {strides = array<i32>} : memref<2688xf32, #tpu.memory_space<vmem>>, vector<16xf32>,
          %ne3A_655 = arith.constant 0.000000e+00 : f32
          %ne3A_656 = vector.broadcast %ne3A_655 : f32 to vector<16xf32>
          %ne3A_657 = arith.cmpf one, %get3A_654, %ne3A_656 : vector<16xf32>
          %jit3A_658 = arith.constant 0 : i32
          %broadcast_in_dim3A_659 = vector.broadcast %jit3A_658 : i32 to vector<16xi32>
          %select_n3A_660 = arith.select %ne3A_657, %shift_left3A, %broadcast_in_dim3A_659 : vector<16xi1>, vector<16xi32>
          %get3A_661 = arith.constant 304 : index
          %get3A_662 = tpu.vector_load %arg8[%get3A_661] {strides = array<i32>} : memref<672xi32, #tpu.memory_space<vmem>>, vector<16xi32>,
          %eq3A_663 = arith.constant 0 : i32
          %eq3A_664 = vector.broadcast %eq3A_663 : i32 to vector<16xi32>
          %eq3A_665 = arith.cmpi eq, %broadcast_in_dim3A, %eq3A_664 : vector<16xi32>
          %or3A_666 = arith.ori %get3A_662, %select_n3A_660 : vector<16xi32>
          %select_n3A_667 = arith.select %eq3A_665, %select_n3A_660, %or3A_666 : vector<16xi1>, vector<16xi32>
          %swap3A_668 = arith.constant 304 : index
          %swap3A_669 = tpu.vector_load %arg8[%swap3A_668] {strides = array<i32>} : memref<672xi32, #tpu.memory_space<vmem>>, vector<16xi32>,
          tpu.vector_store %arg8[%swap3A_668], %select_n3A_667 {strides = array<i32>} : memref<672xi32, #tpu.memory_space<vmem>>, vector<16xi32>,
          %get3A_670 = arith.constant 320 : index
          %get3A_671 = tpu.vector_load %arg7[%get3A_670] {strides = array<i32>} : memref<2688xf32, #tpu.memory_space<vmem>>, vector<16xf32>,
          %ne3A_672 = arith.constant 0.000000e+00 : f32
          %ne3A_673 = vector.broadcast %ne3A_672 : f32 to vector<16xf32>
          %ne3A_674 = arith.cmpf one, %get3A_671, %ne3A_673 : vector<16xf32>
          %jit3A_675 = arith.constant 0 : i32
          %broadcast_in_dim3A_676 = vector.broadcast %jit3A_675 : i32 to vector<16xi32>
          %select_n3A_677 = arith.select %ne3A_674, %shift_left3A, %broadcast_in_dim3A_676 : vector<16xi1>, vector<16xi32>
          %get3A_678 = arith.constant 320 : index
          %get3A_679 = tpu.vector_load %arg8[%get3A_678] {strides = array<i32>} : memref<672xi32, #tpu.memory_space<vmem>>, vector<16xi32>,
          %eq3A_680 = arith.constant 0 : i32
          %eq3A_681 = vector.broadcast %eq3A_680 : i32 to vector<16xi32>
          %eq3A_682 = arith.cmpi eq, %broadcast_in_dim3A, %eq3A_681 : vector<16xi32>
          %or3A_683 = arith.ori %get3A_679, %select_n3A_677 : vector<16xi32>
          %select_n3A_684 = arith.select %eq3A_682, %select_n3A_677, %or3A_683 : vector<16xi1>, vector<16xi32>
          %swap3A_685 = arith.constant 320 : index
          %swap3A_686 = tpu.vector_load %arg8[%swap3A_685] {strides = array<i32>} : memref<672xi32, #tpu.memory_space<vmem>>, vector<16xi32>,
          tpu.vector_store %arg8[%swap3A_685], %select_n3A_684 {strides = array<i32>} : memref<672xi32, #tpu.memory_space<vmem>>, vector<16xi32>,
          %get3A_687 = arith.constant 336 : index
          %get3A_688 = tpu.vector_load %arg7[%get3A_687] {strides = array<i32>} : memref<2688xf32, #tpu.memory_space<vmem>>, vector<16xf32>,
          %ne3A_689 = arith.constant 0.000000e+00 : f32
          %ne3A_690 = vector.broadcast %ne3A_689 : f32 to vector<16xf32>
          %ne3A_691 = arith.cmpf one, %get3A_688, %ne3A_690 : vector<16xf32>
          %jit3A_692 = arith.constant 0 : i32
          %broadcast_in_dim3A_693 = vector.broadcast %jit3A_692 : i32 to vector<16xi32>
          %select_n3A_694 = arith.select %ne3A_691, %shift_left3A, %broadcast_in_dim3A_693 : vector<16xi1>, vector<16xi32>
          %get3A_695 = arith.constant 336 : index
          %get3A_696 = tpu.vector_load %arg8[%get3A_695] {strides = array<i32>} : memref<672xi32, #tpu.memory_space<vmem>>, vector<16xi32>,
          %eq3A_697 = arith.constant 0 : i32
          %eq3A_698 = vector.broadcast %eq3A_697 : i32 to vector<16xi32>
          %eq3A_699 = arith.cmpi eq, %broadcast_in_dim3A, %eq3A_698 : vector<16xi32>
          %or3A_700 = arith.ori %get3A_696, %select_n3A_694 : vector<16xi32>
          %select_n3A_701 = arith.select %eq3A_699, %select_n3A_694, %or3A_700 : vector<16xi1>, vector<16xi32>
          %swap3A_702 = arith.constant 336 : index
          %swap3A_703 = tpu.vector_load %arg8[%swap3A_702] {strides = array<i32>} : memref<672xi32, #tpu.memory_space<vmem>>, vector<16xi32>,
          tpu.vector_store %arg8[%swap3A_702], %select_n3A_701 {strides = array<i32>} : memref<672xi32, #tpu.memory_space<vmem>>, vector<16xi32>,
          %get3A_704 = arith.constant 352 : index
          %get3A_705 = tpu.vector_load %arg7[%get3A_704] {strides = array<i32>} : memref<2688xf32, #tpu.memory_space<vmem>>, vector<16xf32>,
          %ne3A_706 = arith.constant 0.000000e+00 : f32
          %ne3A_707 = vector.broadcast %ne3A_706 : f32 to vector<16xf32>
          %ne3A_708 = arith.cmpf one, %get3A_705, %ne3A_707 : vector<16xf32>
          %jit3A_709 = arith.constant 0 : i32
          %broadcast_in_dim3A_710 = vector.broadcast %jit3A_709 : i32 to vector<16xi32>
          %select_n3A_711 = arith.select %ne3A_708, %shift_left3A, %broadcast_in_dim3A_710 : vector<16xi1>, vector<16xi32>
          %get3A_712 = arith.constant 352 : index
          %get3A_713 = tpu.vector_load %arg8[%get3A_712] {strides = array<i32>} : memref<672xi32, #tpu.memory_space<vmem>>, vector<16xi32>,
          %eq3A_714 = arith.constant 0 : i32
          %eq3A_715 = vector.broadcast %eq3A_714 : i32 to vector<16xi32>
          %eq3A_716 = arith.cmpi eq, %broadcast_in_dim3A, %eq3A_715 : vector<16xi32>
          %or3A_717 = arith.ori %get3A_713, %select_n3A_711 : vector<16xi32>
          %select_n3A_718 = arith.select %eq3A_716, %select_n3A_711, %or3A_717 : vector<16xi1>, vector<16xi32>
          %swap3A_719 = arith.constant 352 : index
          %swap3A_720 = tpu.vector_load %arg8[%swap3A_719] {strides = array<i32>} : memref<672xi32, #tpu.memory_space<vmem>>, vector<16xi32>,
          tpu.vector_store %arg8[%swap3A_719], %select_n3A_718 {strides = array<i32>} : memref<672xi32, #tpu.memory_space<vmem>>, vector<16xi32>,
          %get3A_721 = arith.constant 368 : index
          %get3A_722 = tpu.vector_load %arg7[%get3A_721] {strides = array<i32>} : memref<2688xf32, #tpu.memory_space<vmem>>, vector<16xf32>,
          %ne3A_723 = arith.constant 0.000000e+00 : f32
          %ne3A_724 = vector.broadcast %ne3A_723 : f32 to vector<16xf32>
          %ne3A_725 = arith.cmpf one, %get3A_722, %ne3A_724 : vector<16xf32>
          %jit3A_726 = arith.constant 0 : i32
          %broadcast_in_dim3A_727 = vector.broadcast %jit3A_726 : i32 to vector<16xi32>
          %select_n3A_728 = arith.select %ne3A_725, %shift_left3A, %broadcast_in_dim3A_727 : vector<16xi1>, vector<16xi32>
          %get3A_729 = arith.constant 368 : index
          %get3A_730 = tpu.vector_load %arg8[%get3A_729] {strides = array<i32>} : memref<672xi32, #tpu.memory_space<vmem>>, vector<16xi32>,
          %eq3A_731 = arith.constant 0 : i32
          %eq3A_732 = vector.broadcast %eq3A_731 : i32 to vector<16xi32>
          %eq3A_733 = arith.cmpi eq, %broadcast_in_dim3A, %eq3A_732 : vector<16xi32>
          %or3A_734 = arith.ori %get3A_730, %select_n3A_728 : vector<16xi32>
          %select_n3A_735 = arith.select %eq3A_733, %select_n3A_728, %or3A_734 : vector<16xi1>, vector<16xi32>
          %swap3A_736 = arith.constant 368 : index
          %swap3A_737 = tpu.vector_load %arg8[%swap3A_736] {strides = array<i32>} : memref<672xi32, #tpu.memory_space<vmem>>, vector<16xi32>,
          tpu.vector_store %arg8[%swap3A_736], %select_n3A_735 {strides = array<i32>} : memref<672xi32, #tpu.memory_space<vmem>>, vector<16xi32>,
          %get3A_738 = arith.constant 384 : index
          %get3A_739 = tpu.vector_load %arg7[%get3A_738] {strides = array<i32>} : memref<2688xf32, #tpu.memory_space<vmem>>, vector<16xf32>,
          %ne3A_740 = arith.constant 0.000000e+00 : f32
          %ne3A_741 = vector.broadcast %ne3A_740 : f32 to vector<16xf32>
          %ne3A_742 = arith.cmpf one, %get3A_739, %ne3A_741 : vector<16xf32>
          %jit3A_743 = arith.constant 0 : i32
          %broadcast_in_dim3A_744 = vector.broadcast %jit3A_743 : i32 to vector<16xi32>
          %select_n3A_745 = arith.select %ne3A_742, %shift_left3A, %broadcast_in_dim3A_744 : vector<16xi1>, vector<16xi32>
          %get3A_746 = arith.constant 384 : index
          %get3A_747 = tpu.vector_load %arg8[%get3A_746] {strides = array<i32>} : memref<672xi32, #tpu.memory_space<vmem>>, vector<16xi32>,
          %eq3A_748 = arith.constant 0 : i32
          %eq3A_749 = vector.broadcast %eq3A_748 : i32 to vector<16xi32>
          %eq3A_750 = arith.cmpi eq, %broadcast_in_dim3A, %eq3A_749 : vector<16xi32>
          %or3A_751 = arith.ori %get3A_747, %select_n3A_745 : vector<16xi32>
          %select_n3A_752 = arith.select %eq3A_750, %select_n3A_745, %or3A_751 : vector<16xi1>, vector<16xi32>
          %swap3A_753 = arith.constant 384 : index
          %swap3A_754 = tpu.vector_load %arg8[%swap3A_753] {strides = array<i32>} : memref<672xi32, #tpu.memory_space<vmem>>, vector<16xi32>,
          tpu.vector_store %arg8[%swap3A_753], %select_n3A_752 {strides = array<i32>} : memref<672xi32, #tpu.memory_space<vmem>>, vector<16xi32>,
          %get3A_755 = arith.constant 400 : index
          %get3A_756 = tpu.vector_load %arg7[%get3A_755] {strides = array<i32>} : memref<2688xf32, #tpu.memory_space<vmem>>, vector<16xf32>,
          %ne3A_757 = arith.constant 0.000000e+00 : f32
          %ne3A_758 = vector.broadcast %ne3A_757 : f32 to vector<16xf32>
          %ne3A_759 = arith.cmpf one, %get3A_756, %ne3A_758 : vector<16xf32>
          %jit3A_760 = arith.constant 0 : i32
          %broadcast_in_dim3A_761 = vector.broadcast %jit3A_760 : i32 to vector<16xi32>
          %select_n3A_762 = arith.select %ne3A_759, %shift_left3A, %broadcast_in_dim3A_761 : vector<16xi1>, vector<16xi32>
          %get3A_763 = arith.constant 400 : index
          %get3A_764 = tpu.vector_load %arg8[%get3A_763] {strides = array<i32>} : memref<672xi32, #tpu.memory_space<vmem>>, vector<16xi32>,
          %eq3A_765 = arith.constant 0 : i32
          %eq3A_766 = vector.broadcast %eq3A_765 : i32 to vector<16xi32>
          %eq3A_767 = arith.cmpi eq, %broadcast_in_dim3A, %eq3A_766 : vector<16xi32>
          %or3A_768 = arith.ori %get3A_764, %select_n3A_762 : vector<16xi32>
          %select_n3A_769 = arith.select %eq3A_767, %select_n3A_762, %or3A_768 : vector<16xi1>, vector<16xi32>
          %swap3A_770 = arith.constant 400 : index
          %swap3A_771 = tpu.vector_load %arg8[%swap3A_770] {strides = array<i32>} : memref<672xi32, #tpu.memory_space<vmem>>, vector<16xi32>,
          tpu.vector_store %arg8[%swap3A_770], %select_n3A_769 {strides = array<i32>} : memref<672xi32, #tpu.memory_space<vmem>>, vector<16xi32>,
          %get3A_772 = arith.constant 416 : index
          %get3A_773 = tpu.vector_load %arg7[%get3A_772] {strides = array<i32>} : memref<2688xf32, #tpu.memory_space<vmem>>, vector<16xf32>,
          %ne3A_774 = arith.constant 0.000000e+00 : f32
          %ne3A_775 = vector.broadcast %ne3A_774 : f32 to vector<16xf32>
          %ne3A_776 = arith.cmpf one, %get3A_773, %ne3A_775 : vector<16xf32>
          %jit3A_777 = arith.constant 0 : i32
          %broadcast_in_dim3A_778 = vector.broadcast %jit3A_777 : i32 to vector<16xi32>
          %select_n3A_779 = arith.select %ne3A_776, %shift_left3A, %broadcast_in_dim3A_778 : vector<16xi1>, vector<16xi32>
          %get3A_780 = arith.constant 416 : index
          %get3A_781 = tpu.vector_load %arg8[%get3A_780] {strides = array<i32>} : memref<672xi32, #tpu.memory_space<vmem>>, vector<16xi32>,
          %eq3A_782 = arith.constant 0 : i32
          %eq3A_783 = vector.broadcast %eq3A_782 : i32 to vector<16xi32>
          %eq3A_784 = arith.cmpi eq, %broadcast_in_dim3A, %eq3A_783 : vector<16xi32>
          %or3A_785 = arith.ori %get3A_781, %select_n3A_779 : vector<16xi32>
          %select_n3A_786 = arith.select %eq3A_784, %select_n3A_779, %or3A_785 : vector<16xi1>, vector<16xi32>
          %swap3A_787 = arith.constant 416 : index
          %swap3A_788 = tpu.vector_load %arg8[%swap3A_787] {strides = array<i32>} : memref<672xi32, #tpu.memory_space<vmem>>, vector<16xi32>,
          tpu.vector_store %arg8[%swap3A_787], %select_n3A_786 {strides = array<i32>} : memref<672xi32, #tpu.memory_space<vmem>>, vector<16xi32>,
          %get3A_789 = arith.constant 432 : index
          %get3A_790 = tpu.vector_load %arg7[%get3A_789] {strides = array<i32>} : memref<2688xf32, #tpu.memory_space<vmem>>, vector<16xf32>,
          %ne3A_791 = arith.constant 0.000000e+00 : f32
          %ne3A_792 = vector.broadcast %ne3A_791 : f32 to vector<16xf32>
          %ne3A_793 = arith.cmpf one, %get3A_790, %ne3A_792 : vector<16xf32>
          %jit3A_794 = arith.constant 0 : i32
          %broadcast_in_dim3A_795 = vector.broadcast %jit3A_794 : i32 to vector<16xi32>
          %select_n3A_796 = arith.select %ne3A_793, %shift_left3A, %broadcast_in_dim3A_795 : vector<16xi1>, vector<16xi32>
          %get3A_797 = arith.constant 432 : index
          %get3A_798 = tpu.vector_load %arg8[%get3A_797] {strides = array<i32>} : memref<672xi32, #tpu.memory_space<vmem>>, vector<16xi32>,
          %eq3A_799 = arith.constant 0 : i32
          %eq3A_800 = vector.broadcast %eq3A_799 : i32 to vector<16xi32>
          %eq3A_801 = arith.cmpi eq, %broadcast_in_dim3A, %eq3A_800 : vector<16xi32>
          %or3A_802 = arith.ori %get3A_798, %select_n3A_796 : vector<16xi32>
          %select_n3A_803 = arith.select %eq3A_801, %select_n3A_796, %or3A_802 : vector<16xi1>, vector<16xi32>
          %swap3A_804 = arith.constant 432 : index
          %swap3A_805 = tpu.vector_load %arg8[%swap3A_804] {strides = array<i32>} : memref<672xi32, #tpu.memory_space<vmem>>, vector<16xi32>,
          tpu.vector_store %arg8[%swap3A_804], %select_n3A_803 {strides = array<i32>} : memref<672xi32, #tpu.memory_space<vmem>>, vector<16xi32>,
          %get3A_806 = arith.constant 448 : index
          %get3A_807 = tpu.vector_load %arg7[%get3A_806] {strides = array<i32>} : memref<2688xf32, #tpu.memory_space<vmem>>, vector<16xf32>,
          %ne3A_808 = arith.constant 0.000000e+00 : f32
          %ne3A_809 = vector.broadcast %ne3A_808 : f32 to vector<16xf32>
          %ne3A_810 = arith.cmpf one, %get3A_807, %ne3A_809 : vector<16xf32>
          %jit3A_811 = arith.constant 0 : i32
          %broadcast_in_dim3A_812 = vector.broadcast %jit3A_811 : i32 to vector<16xi32>
          %select_n3A_813 = arith.select %ne3A_810, %shift_left3A, %broadcast_in_dim3A_812 : vector<16xi1>, vector<16xi32>
          %get3A_814 = arith.constant 448 : index
          %get3A_815 = tpu.vector_load %arg8[%get3A_814] {strides = array<i32>} : memref<672xi32, #tpu.memory_space<vmem>>, vector<16xi32>,
          %eq3A_816 = arith.constant 0 : i32
          %eq3A_817 = vector.broadcast %eq3A_816 : i32 to vector<16xi32>
          %eq3A_818 = arith.cmpi eq, %broadcast_in_dim3A, %eq3A_817 : vector<16xi32>
          %or3A_819 = arith.ori %get3A_815, %select_n3A_813 : vector<16xi32>
          %select_n3A_820 = arith.select %eq3A_818, %select_n3A_813, %or3A_819 : vector<16xi1>, vector<16xi32>
          %swap3A_821 = arith.constant 448 : index
          %swap3A_822 = tpu.vector_load %arg8[%swap3A_821] {strides = array<i32>} : memref<672xi32, #tpu.memory_space<vmem>>, vector<16xi32>,
          tpu.vector_store %arg8[%swap3A_821], %select_n3A_820 {strides = array<i32>} : memref<672xi32, #tpu.memory_space<vmem>>, vector<16xi32>,
          %get3A_823 = arith.constant 464 : index
          %get3A_824 = tpu.vector_load %arg7[%get3A_823] {strides = array<i32>} : memref<2688xf32, #tpu.memory_space<vmem>>, vector<16xf32>,
          %ne3A_825 = arith.constant 0.000000e+00 : f32
          %ne3A_826 = vector.broadcast %ne3A_825 : f32 to vector<16xf32>
          %ne3A_827 = arith.cmpf one, %get3A_824, %ne3A_826 : vector<16xf32>
          %jit3A_828 = arith.constant 0 : i32
          %broadcast_in_dim3A_829 = vector.broadcast %jit3A_828 : i32 to vector<16xi32>
          %select_n3A_830 = arith.select %ne3A_827, %shift_left3A, %broadcast_in_dim3A_829 : vector<16xi1>, vector<16xi32>
          %get3A_831 = arith.constant 464 : index
          %get3A_832 = tpu.vector_load %arg8[%get3A_831] {strides = array<i32>} : memref<672xi32, #tpu.memory_space<vmem>>, vector<16xi32>,
          %eq3A_833 = arith.constant 0 : i32
          %eq3A_834 = vector.broadcast %eq3A_833 : i32 to vector<16xi32>
          %eq3A_835 = arith.cmpi eq, %broadcast_in_dim3A, %eq3A_834 : vector<16xi32>
          %or3A_836 = arith.ori %get3A_832, %select_n3A_830 : vector<16xi32>
          %select_n3A_837 = arith.select %eq3A_835, %select_n3A_830, %or3A_836 : vector<16xi1>, vector<16xi32>
          %swap3A_838 = arith.constant 464 : index
          %swap3A_839 = tpu.vector_load %arg8[%swap3A_838] {strides = array<i32>} : memref<672xi32, #tpu.memory_space<vmem>>, vector<16xi32>,
          tpu.vector_store %arg8[%swap3A_838], %select_n3A_837 {strides = array<i32>} : memref<672xi32, #tpu.memory_space<vmem>>, vector<16xi32>,
          %get3A_840 = arith.constant 480 : index
          %get3A_841 = tpu.vector_load %arg7[%get3A_840] {strides = array<i32>} : memref<2688xf32, #tpu.memory_space<vmem>>, vector<16xf32>,
          %ne3A_842 = arith.constant 0.000000e+00 : f32
          %ne3A_843 = vector.broadcast %ne3A_842 : f32 to vector<16xf32>
          %ne3A_844 = arith.cmpf one, %get3A_841, %ne3A_843 : vector<16xf32>
          %jit3A_845 = arith.constant 0 : i32
          %broadcast_in_dim3A_846 = vector.broadcast %jit3A_845 : i32 to vector<16xi32>
          %select_n3A_847 = arith.select %ne3A_844, %shift_left3A, %broadcast_in_dim3A_846 : vector<16xi1>, vector<16xi32>
          %get3A_848 = arith.constant 480 : index
          %get3A_849 = tpu.vector_load %arg8[%get3A_848] {strides = array<i32>} : memref<672xi32, #tpu.memory_space<vmem>>, vector<16xi32>,
          %eq3A_850 = arith.constant 0 : i32
          %eq3A_851 = vector.broadcast %eq3A_850 : i32 to vector<16xi32>
          %eq3A_852 = arith.cmpi eq, %broadcast_in_dim3A, %eq3A_851 : vector<16xi32>
          %or3A_853 = arith.ori %get3A_849, %select_n3A_847 : vector<16xi32>
          %select_n3A_854 = arith.select %eq3A_852, %select_n3A_847, %or3A_853 : vector<16xi1>, vector<16xi32>
          %swap3A_855 = arith.constant 480 : index
          %swap3A_856 = tpu.vector_load %arg8[%swap3A_855] {strides = array<i32>} : memref<672xi32, #tpu.memory_space<vmem>>, vector<16xi32>,
          tpu.vector_store %arg8[%swap3A_855], %select_n3A_854 {strides = array<i32>} : memref<672xi32, #tpu.memory_space<vmem>>, vector<16xi32>,
          %get3A_857 = arith.constant 496 : index
          %get3A_858 = tpu.vector_load %arg7[%get3A_857] {strides = array<i32>} : memref<2688xf32, #tpu.memory_space<vmem>>, vector<16xf32>,
          %ne3A_859 = arith.constant 0.000000e+00 : f32
          %ne3A_860 = vector.broadcast %ne3A_859 : f32 to vector<16xf32>
          %ne3A_861 = arith.cmpf one, %get3A_858, %ne3A_860 : vector<16xf32>
          %jit3A_862 = arith.constant 0 : i32
          %broadcast_in_dim3A_863 = vector.broadcast %jit3A_862 : i32 to vector<16xi32>
          %select_n3A_864 = arith.select %ne3A_861, %shift_left3A, %broadcast_in_dim3A_863 : vector<16xi1>, vector<16xi32>
          %get3A_865 = arith.constant 496 : index
          %get3A_866 = tpu.vector_load %arg8[%get3A_865] {strides = array<i32>} : memref<672xi32, #tpu.memory_space<vmem>>, vector<16xi32>,
          %eq3A_867 = arith.constant 0 : i32
          %eq3A_868 = vector.broadcast %eq3A_867 : i32 to vector<16xi32>
          %eq3A_869 = arith.cmpi eq, %broadcast_in_dim3A, %eq3A_868 : vector<16xi32>
          %or3A_870 = arith.ori %get3A_866, %select_n3A_864 : vector<16xi32>
          %select_n3A_871 = arith.select %eq3A_869, %select_n3A_864, %or3A_870 : vector<16xi1>, vector<16xi32>
          %swap3A_872 = arith.constant 496 : index
          %swap3A_873 = tpu.vector_load %arg8[%swap3A_872] {strides = array<i32>} : memref<672xi32, #tpu.memory_space<vmem>>, vector<16xi32>,
          tpu.vector_store %arg8[%swap3A_872], %select_n3A_871 {strides = array<i32>} : memref<672xi32, #tpu.memory_space<vmem>>, vector<16xi32>,
          %get3A_874 = arith.constant 512 : index
          %get3A_875 = tpu.vector_load %arg7[%get3A_874] {strides = array<i32>} : memref<2688xf32, #tpu.memory_space<vmem>>, vector<16xf32>,
          %ne3A_876 = arith.constant 0.000000e+00 : f32
          %ne3A_877 = vector.broadcast %ne3A_876 : f32 to vector<16xf32>
          %ne3A_878 = arith.cmpf one, %get3A_875, %ne3A_877 : vector<16xf32>
          %jit3A_879 = arith.constant 0 : i32
          %broadcast_in_dim3A_880 = vector.broadcast %jit3A_879 : i32 to vector<16xi32>
          %select_n3A_881 = arith.select %ne3A_878, %shift_left3A, %broadcast_in_dim3A_880 : vector<16xi1>, vector<16xi32>
          %get3A_882 = arith.constant 512 : index
          %get3A_883 = tpu.vector_load %arg8[%get3A_882] {strides = array<i32>} : memref<672xi32, #tpu.memory_space<vmem>>, vector<16xi32>,
          %eq3A_884 = arith.constant 0 : i32
          %eq3A_885 = vector.broadcast %eq3A_884 : i32 to vector<16xi32>
          %eq3A_886 = arith.cmpi eq, %broadcast_in_dim3A, %eq3A_885 : vector<16xi32>
          %or3A_887 = arith.ori %get3A_883, %select_n3A_881 : vector<16xi32>
          %select_n3A_888 = arith.select %eq3A_886, %select_n3A_881, %or3A_887 : vector<16xi1>, vector<16xi32>
          %swap3A_889 = arith.constant 512 : index
          %swap3A_890 = tpu.vector_load %arg8[%swap3A_889] {strides = array<i32>} : memref<672xi32, #tpu.memory_space<vmem>>, vector<16xi32>,
          tpu.vector_store %arg8[%swap3A_889], %select_n3A_888 {strides = array<i32>} : memref<672xi32, #tpu.memory_space<vmem>>, vector<16xi32>,
          %get3A_891 = arith.constant 528 : index
          %get3A_892 = tpu.vector_load %arg7[%get3A_891] {strides = array<i32>} : memref<2688xf32, #tpu.memory_space<vmem>>, vector<16xf32>,
          %ne3A_893 = arith.constant 0.000000e+00 : f32
          %ne3A_894 = vector.broadcast %ne3A_893 : f32 to vector<16xf32>
          %ne3A_895 = arith.cmpf one, %get3A_892, %ne3A_894 : vector<16xf32>
          %jit3A_896 = arith.constant 0 : i32
          %broadcast_in_dim3A_897 = vector.broadcast %jit3A_896 : i32 to vector<16xi32>
          %select_n3A_898 = arith.select %ne3A_895, %shift_left3A, %broadcast_in_dim3A_897 : vector<16xi1>, vector<16xi32>
          %get3A_899 = arith.constant 528 : index
          %get3A_900 = tpu.vector_load %arg8[%get3A_899] {strides = array<i32>} : memref<672xi32, #tpu.memory_space<vmem>>, vector<16xi32>,
          %eq3A_901 = arith.constant 0 : i32
          %eq3A_902 = vector.broadcast %eq3A_901 : i32 to vector<16xi32>
          %eq3A_903 = arith.cmpi eq, %broadcast_in_dim3A, %eq3A_902 : vector<16xi32>
          %or3A_904 = arith.ori %get3A_900, %select_n3A_898 : vector<16xi32>
          %select_n3A_905 = arith.select %eq3A_903, %select_n3A_898, %or3A_904 : vector<16xi1>, vector<16xi32>
          %swap3A_906 = arith.constant 528 : index
          %swap3A_907 = tpu.vector_load %arg8[%swap3A_906] {strides = array<i32>} : memref<672xi32, #tpu.memory_space<vmem>>, vector<16xi32>,
          tpu.vector_store %arg8[%swap3A_906], %select_n3A_905 {strides = array<i32>} : memref<672xi32, #tpu.memory_space<vmem>>, vector<16xi32>,
          %get3A_908 = arith.constant 544 : index
          %get3A_909 = tpu.vector_load %arg7[%get3A_908] {strides = array<i32>} : memref<2688xf32, #tpu.memory_space<vmem>>, vector<16xf32>,
          %ne3A_910 = arith.constant 0.000000e+00 : f32
          %ne3A_911 = vector.broadcast %ne3A_910 : f32 to vector<16xf32>
          %ne3A_912 = arith.cmpf one, %get3A_909, %ne3A_911 : vector<16xf32>
          %jit3A_913 = arith.constant 0 : i32
          %broadcast_in_dim3A_914 = vector.broadcast %jit3A_913 : i32 to vector<16xi32>
          %select_n3A_915 = arith.select %ne3A_912, %shift_left3A, %broadcast_in_dim3A_914 : vector<16xi1>, vector<16xi32>
          %get3A_916 = arith.constant 544 : index
          %get3A_917 = tpu.vector_load %arg8[%get3A_916] {strides = array<i32>} : memref<672xi32, #tpu.memory_space<vmem>>, vector<16xi32>,
          %eq3A_918 = arith.constant 0 : i32
          %eq3A_919 = vector.broadcast %eq3A_918 : i32 to vector<16xi32>
          %eq3A_920 = arith.cmpi eq, %broadcast_in_dim3A, %eq3A_919 : vector<16xi32>
          %or3A_921 = arith.ori %get3A_917, %select_n3A_915 : vector<16xi32>
          %select_n3A_922 = arith.select %eq3A_920, %select_n3A_915, %or3A_921 : vector<16xi1>, vector<16xi32>
          %swap3A_923 = arith.constant 544 : index
          %swap3A_924 = tpu.vector_load %arg8[%swap3A_923] {strides = array<i32>} : memref<672xi32, #tpu.memory_space<vmem>>, vector<16xi32>,
          tpu.vector_store %arg8[%swap3A_923], %select_n3A_922 {strides = array<i32>} : memref<672xi32, #tpu.memory_space<vmem>>, vector<16xi32>,
          %get3A_925 = arith.constant 560 : index
          %get3A_926 = tpu.vector_load %arg7[%get3A_925] {strides = array<i32>} : memref<2688xf32, #tpu.memory_space<vmem>>, vector<16xf32>,
          %ne3A_927 = arith.constant 0.000000e+00 : f32
          %ne3A_928 = vector.broadcast %ne3A_927 : f32 to vector<16xf32>
          %ne3A_929 = arith.cmpf one, %get3A_926, %ne3A_928 : vector<16xf32>
          %jit3A_930 = arith.constant 0 : i32
          %broadcast_in_dim3A_931 = vector.broadcast %jit3A_930 : i32 to vector<16xi32>
          %select_n3A_932 = arith.select %ne3A_929, %shift_left3A, %broadcast_in_dim3A_931 : vector<16xi1>, vector<16xi32>
          %get3A_933 = arith.constant 560 : index
          %get3A_934 = tpu.vector_load %arg8[%get3A_933] {strides = array<i32>} : memref<672xi32, #tpu.memory_space<vmem>>, vector<16xi32>,
          %eq3A_935 = arith.constant 0 : i32
          %eq3A_936 = vector.broadcast %eq3A_935 : i32 to vector<16xi32>
          %eq3A_937 = arith.cmpi eq, %broadcast_in_dim3A, %eq3A_936 : vector<16xi32>
          %or3A_938 = arith.ori %get3A_934, %select_n3A_932 : vector<16xi32>
          %select_n3A_939 = arith.select %eq3A_937, %select_n3A_932, %or3A_938 : vector<16xi1>, vector<16xi32>
          %swap3A_940 = arith.constant 560 : index
          %swap3A_941 = tpu.vector_load %arg8[%swap3A_940] {strides = array<i32>} : memref<672xi32, #tpu.memory_space<vmem>>, vector<16xi32>,
          tpu.vector_store %arg8[%swap3A_940], %select_n3A_939 {strides = array<i32>} : memref<672xi32, #tpu.memory_space<vmem>>, vector<16xi32>,
          %get3A_942 = arith.constant 576 : index
          %get3A_943 = tpu.vector_load %arg7[%get3A_942] {strides = array<i32>} : memref<2688xf32, #tpu.memory_space<vmem>>, vector<16xf32>,
          %ne3A_944 = arith.constant 0.000000e+00 : f32
          %ne3A_945 = vector.broadcast %ne3A_944 : f32 to vector<16xf32>
          %ne3A_946 = arith.cmpf one, %get3A_943, %ne3A_945 : vector<16xf32>
          %jit3A_947 = arith.constant 0 : i32
          %broadcast_in_dim3A_948 = vector.broadcast %jit3A_947 : i32 to vector<16xi32>
          %select_n3A_949 = arith.select %ne3A_946, %shift_left3A, %broadcast_in_dim3A_948 : vector<16xi1>, vector<16xi32>
          %get3A_950 = arith.constant 576 : index
          %get3A_951 = tpu.vector_load %arg8[%get3A_950] {strides = array<i32>} : memref<672xi32, #tpu.memory_space<vmem>>, vector<16xi32>,
          %eq3A_952 = arith.constant 0 : i32
          %eq3A_953 = vector.broadcast %eq3A_952 : i32 to vector<16xi32>
          %eq3A_954 = arith.cmpi eq, %broadcast_in_dim3A, %eq3A_953 : vector<16xi32>
          %or3A_955 = arith.ori %get3A_951, %select_n3A_949 : vector<16xi32>
          %select_n3A_956 = arith.select %eq3A_954, %select_n3A_949, %or3A_955 : vector<16xi1>, vector<16xi32>
          %swap3A_957 = arith.constant 576 : index
          %swap3A_958 = tpu.vector_load %arg8[%swap3A_957] {strides = array<i32>} : memref<672xi32, #tpu.memory_space<vmem>>, vector<16xi32>,
          tpu.vector_store %arg8[%swap3A_957], %select_n3A_956 {strides = array<i32>} : memref<672xi32, #tpu.memory_space<vmem>>, vector<16xi32>,
          %get3A_959 = arith.constant 592 : index
          %get3A_960 = tpu.vector_load %arg7[%get3A_959] {strides = array<i32>} : memref<2688xf32, #tpu.memory_space<vmem>>, vector<16xf32>,
          %ne3A_961 = arith.constant 0.000000e+00 : f32
          %ne3A_962 = vector.broadcast %ne3A_961 : f32 to vector<16xf32>
          %ne3A_963 = arith.cmpf one, %get3A_960, %ne3A_962 : vector<16xf32>
          %jit3A_964 = arith.constant 0 : i32
          %broadcast_in_dim3A_965 = vector.broadcast %jit3A_964 : i32 to vector<16xi32>
          %select_n3A_966 = arith.select %ne3A_963, %shift_left3A, %broadcast_in_dim3A_965 : vector<16xi1>, vector<16xi32>
          %get3A_967 = arith.constant 592 : index
          %get3A_968 = tpu.vector_load %arg8[%get3A_967] {strides = array<i32>} : memref<672xi32, #tpu.memory_space<vmem>>, vector<16xi32>,
          %eq3A_969 = arith.constant 0 : i32
          %eq3A_970 = vector.broadcast %eq3A_969 : i32 to vector<16xi32>
          %eq3A_971 = arith.cmpi eq, %broadcast_in_dim3A, %eq3A_970 : vector<16xi32>
          %or3A_972 = arith.ori %get3A_968, %select_n3A_966 : vector<16xi32>
          %select_n3A_973 = arith.select %eq3A_971, %select_n3A_966, %or3A_972 : vector<16xi1>, vector<16xi32>
          %swap3A_974 = arith.constant 592 : index
          %swap3A_975 = tpu.vector_load %arg8[%swap3A_974] {strides = array<i32>} : memref<672xi32, #tpu.memory_space<vmem>>, vector<16xi32>,
          tpu.vector_store %arg8[%swap3A_974], %select_n3A_973 {strides = array<i32>} : memref<672xi32, #tpu.memory_space<vmem>>, vector<16xi32>,
          %get3A_976 = arith.constant 608 : index
          %get3A_977 = tpu.vector_load %arg7[%get3A_976] {strides = array<i32>} : memref<2688xf32, #tpu.memory_space<vmem>>, vector<16xf32>,
          %ne3A_978 = arith.constant 0.000000e+00 : f32
          %ne3A_979 = vector.broadcast %ne3A_978 : f32 to vector<16xf32>
          %ne3A_980 = arith.cmpf one, %get3A_977, %ne3A_979 : vector<16xf32>
          %jit3A_981 = arith.constant 0 : i32
          %broadcast_in_dim3A_982 = vector.broadcast %jit3A_981 : i32 to vector<16xi32>
          %select_n3A_983 = arith.select %ne3A_980, %shift_left3A, %broadcast_in_dim3A_982 : vector<16xi1>, vector<16xi32>
          %get3A_984 = arith.constant 608 : index
          %get3A_985 = tpu.vector_load %arg8[%get3A_984] {strides = array<i32>} : memref<672xi32, #tpu.memory_space<vmem>>, vector<16xi32>,
          %eq3A_986 = arith.constant 0 : i32
          %eq3A_987 = vector.broadcast %eq3A_986 : i32 to vector<16xi32>
          %eq3A_988 = arith.cmpi eq, %broadcast_in_dim3A, %eq3A_987 : vector<16xi32>
          %or3A_989 = arith.ori %get3A_985, %select_n3A_983 : vector<16xi32>
          %select_n3A_990 = arith.select %eq3A_988, %select_n3A_983, %or3A_989 : vector<16xi1>, vector<16xi32>
          %swap3A_991 = arith.constant 608 : index
          %swap3A_992 = tpu.vector_load %arg8[%swap3A_991] {strides = array<i32>} : memref<672xi32, #tpu.memory_space<vmem>>, vector<16xi32>,
          tpu.vector_store %arg8[%swap3A_991], %select_n3A_990 {strides = array<i32>} : memref<672xi32, #tpu.memory_space<vmem>>, vector<16xi32>,
          %get3A_993 = arith.constant 624 : index
          %get3A_994 = tpu.vector_load %arg7[%get3A_993] {strides = array<i32>} : memref<2688xf32, #tpu.memory_space<vmem>>, vector<16xf32>,
          %ne3A_995 = arith.constant 0.000000e+00 : f32
          %ne3A_996 = vector.broadcast %ne3A_995 : f32 to vector<16xf32>
          %ne3A_997 = arith.cmpf one, %get3A_994, %ne3A_996 : vector<16xf32>
          %jit3A_998 = arith.constant 0 : i32
          %broadcast_in_dim3A_999 = vector.broadcast %jit3A_998 : i32 to vector<16xi32>
          %select_n3A_1000 = arith.select %ne3A_997, %shift_left3A, %broadcast_in_dim3A_999 : vector<16xi1>, vector<16xi32>
          %get3A_1001 = arith.constant 624 : index
          %get3A_1002 = tpu.vector_load %arg8[%get3A_1001] {strides = array<i32>} : memref<672xi32, #tpu.memory_space<vmem>>, vector<16xi32>,
          %eq3A_1003 = arith.constant 0 : i32
          %eq3A_1004 = vector.broadcast %eq3A_1003 : i32 to vector<16xi32>
          %eq3A_1005 = arith.cmpi eq, %broadcast_in_dim3A, %eq3A_1004 : vector<16xi32>
          %or3A_1006 = arith.ori %get3A_1002, %select_n3A_1000 : vector<16xi32>
          %select_n3A_1007 = arith.select %eq3A_1005, %select_n3A_1000, %or3A_1006 : vector<16xi1>, vector<16xi32>
          %swap3A_1008 = arith.constant 624 : index
          %swap3A_1009 = tpu.vector_load %arg8[%swap3A_1008] {strides = array<i32>} : memref<672xi32, #tpu.memory_space<vmem>>, vector<16xi32>,
          tpu.vector_store %arg8[%swap3A_1008], %select_n3A_1007 {strides = array<i32>} : memref<672xi32, #tpu.memory_space<vmem>>, vector<16xi32>,
          %get3A_1010 = arith.constant 640 : index
          %get3A_1011 = tpu.vector_load %arg7[%get3A_1010] {strides = array<i32>} : memref<2688xf32, #tpu.memory_space<vmem>>, vector<16xf32>,
          %ne3A_1012 = arith.constant 0.000000e+00 : f32
          %ne3A_1013 = vector.broadcast %ne3A_1012 : f32 to vector<16xf32>
          %ne3A_1014 = arith.cmpf one, %get3A_1011, %ne3A_1013 : vector<16xf32>
          %jit3A_1015 = arith.constant 0 : i32
          %broadcast_in_dim3A_1016 = vector.broadcast %jit3A_1015 : i32 to vector<16xi32>
          %select_n3A_1017 = arith.select %ne3A_1014, %shift_left3A, %broadcast_in_dim3A_1016 : vector<16xi1>, vector<16xi32>
          %get3A_1018 = arith.constant 640 : index
          %get3A_1019 = tpu.vector_load %arg8[%get3A_1018] {strides = array<i32>} : memref<672xi32, #tpu.memory_space<vmem>>, vector<16xi32>,
          %eq3A_1020 = arith.constant 0 : i32
          %eq3A_1021 = vector.broadcast %eq3A_1020 : i32 to vector<16xi32>
          %eq3A_1022 = arith.cmpi eq, %broadcast_in_dim3A, %eq3A_1021 : vector<16xi32>
          %or3A_1023 = arith.ori %get3A_1019, %select_n3A_1017 : vector<16xi32>
          %select_n3A_1024 = arith.select %eq3A_1022, %select_n3A_1017, %or3A_1023 : vector<16xi1>, vector<16xi32>
          %swap3A_1025 = arith.constant 640 : index
          %swap3A_1026 = tpu.vector_load %arg8[%swap3A_1025] {strides = array<i32>} : memref<672xi32, #tpu.memory_space<vmem>>, vector<16xi32>,
          tpu.vector_store %arg8[%swap3A_1025], %select_n3A_1024 {strides = array<i32>} : memref<672xi32, #tpu.memory_space<vmem>>, vector<16xi32>,
          %get3A_1027 = arith.constant 656 : index
          %get3A_1028 = tpu.vector_load %arg7[%get3A_1027] {strides = array<i32>} : memref<2688xf32, #tpu.memory_space<vmem>>, vector<16xf32>,
          %ne3A_1029 = arith.constant 0.000000e+00 : f32
          %ne3A_1030 = vector.broadcast %ne3A_1029 : f32 to vector<16xf32>
          %ne3A_1031 = arith.cmpf one, %get3A_1028, %ne3A_1030 : vector<16xf32>
          %jit3A_1032 = arith.constant 0 : i32
          %broadcast_in_dim3A_1033 = vector.broadcast %jit3A_1032 : i32 to vector<16xi32>
          %select_n3A_1034 = arith.select %ne3A_1031, %shift_left3A, %broadcast_in_dim3A_1033 : vector<16xi1>, vector<16xi32>
          %get3A_1035 = arith.constant 656 : index
          %get3A_1036 = tpu.vector_load %arg8[%get3A_1035] {strides = array<i32>} : memref<672xi32, #tpu.memory_space<vmem>>, vector<16xi32>,
          %eq3A_1037 = arith.constant 0 : i32
          %eq3A_1038 = vector.broadcast %eq3A_1037 : i32 to vector<16xi32>
          %eq3A_1039 = arith.cmpi eq, %broadcast_in_dim3A, %eq3A_1038 : vector<16xi32>
          %or3A_1040 = arith.ori %get3A_1036, %select_n3A_1034 : vector<16xi32>
          %select_n3A_1041 = arith.select %eq3A_1039, %select_n3A_1034, %or3A_1040 : vector<16xi1>, vector<16xi32>
          %swap3A_1042 = arith.constant 656 : index
          %swap3A_1043 = tpu.vector_load %arg8[%swap3A_1042] {strides = array<i32>} : memref<672xi32, #tpu.memory_space<vmem>>, vector<16xi32>,
          tpu.vector_store %arg8[%swap3A_1042], %select_n3A_1041 {strides = array<i32>} : memref<672xi32, #tpu.memory_space<vmem>>, vector<16xi32>,
          %while3A_1044 = arith.constant 0 : i32
          scf.yield %while3A_1044 : i32
        }
        %mul3A_314 = arith.constant 10752 : i32
        %mul3A_315 = arith.muli %scan3A_296, %mul3A_314 : i32
        %mul3A_316 = arith.constant 672 : i32
        %mul3A_317 = arith.muli %arg1, %mul3A_316 : i32
        %add3A_318 = arith.addi %mul3A_315, %mul3A_317 : i32
        "tpu.region"() ({
          %run_scoped3A = tpu.sem_alloc : memref<!tpu.dma_semaphore, #tpu.memory_space<semaphore_mem>>
          %dma_start3A = tpu.memref_slice %arg21[%add3A_318] : memref<43008xi32, #tpu.memory_space<vmem_shared>> -> memref<672xi32, #tpu.memory_space<vmem_shared>>
          %dma_start3A_320 = tpu.memref_slice %arg21[%add3A_318] : memref<43008xi32, #tpu.memory_space<vmem_shared>> -> memref<672xi32, #tpu.memory_space<vmem_shared>>
          tpu.enqueue_dma source(%arg8 : memref<672xi32, #tpu.memory_space<vmem>>) target(%dma_start3A_320 : memref<672xi32, #tpu.memory_space<vmem_shared>>) target_semaphore(%run_scoped3A : memref<!tpu.dma_semaphore, #tpu.memory_space<semaphore_mem>>)
          %dma_wait3A = tpu.memref_slice %arg21[%add3A_318] : memref<43008xi32, #tpu.memory_space<vmem_shared>> -> memref<672xi32, #tpu.memory_space<vmem_shared>>
          %dma_wait3A_321 = tpu.memref_slice %arg21[%add3A_318] : memref<43008xi32, #tpu.memory_space<vmem_shared>> -> memref<672xi32, #tpu.memory_space<vmem_shared>>
          tpu.wait_dma2 semaphore(%run_scoped3A : memref<!tpu.dma_semaphore, #tpu.memory_space<semaphore_mem>>) src(%arg8 : memref<672xi32, #tpu.memory_space<vmem>>) dst(%dma_wait3A_321 : memref<672xi32, #tpu.memory_space<vmem_shared>>)
          tpu.yield
        }) : () -> ()
        %scan3A_319 = arith.constant 0 : i32
        scf.yield %scan3A_319 : i32
      }
      %scan3A_265 = arith.constant 4 : i32
      %barrier3A_266 = arith.constant 0 : index
      tpu.barrier barrier_id(%barrier3A_266)
      %jit3A_267 = arith.constant 4 : i32
      %div3A_268 = arith.divsi %arg1, %jit3A_267 : i32
      %sign3A_269 = arith.constant 0 : i32
      %sign3A_270 = arith.cmpi sgt, %arg1, %sign3A_269 : i32
      %sign3A_271 = arith.extui %sign3A_270 : i1 to i32
      %sign3A_272 = arith.constant 0 : i32
      %sign3A_273 = arith.cmpi slt, %arg1, %sign3A_272 : i32
      %sign3A_274 = arith.extui %sign3A_273 : i1 to i32
      %sign3A_275 = arith.subi %sign3A_271, %sign3A_274 : i32
      %sign3A_276 = arith.constant 0 : i32
      %sign3A_277 = arith.cmpi sgt, %jit3A_267, %sign3A_276 : i32
      %sign3A_278 = arith.extui %sign3A_277 : i1 to i32
      %sign3A_279 = arith.constant 0 : i32
      %sign3A_280 = arith.cmpi slt, %jit3A_267, %sign3A_279 : i32
      %sign3A_281 = arith.extui %sign3A_280 : i1 to i32
      %sign3A_282 = arith.subi %sign3A_278, %sign3A_281 : i32
      %ne3A_283 = arith.cmpi ne, %sign3A_275, %sign3A_282 : i32
      %rem3A_284 = arith.remsi %arg1, %jit3A_267 : i32
      %ne3A_285 = arith.constant 0 : i32
      %ne3A_286 = arith.cmpi ne, %rem3A_284, %ne3A_285 : i32
      %and3A_287 = arith.andi %ne3A_283, %ne3A_286 : i1
      %sub3A_288 = arith.constant 1 : i32
      %sub3A_289 = arith.subi %div3A_268, %sub3A_288 : i32
      %select_n3A_290 = arith.select %and3A_287, %sub3A_289, %div3A_268 : i32
      %eq3A_291 = arith.cmpi eq, %select_n3A_290, %scan3A_119 : i32
      %convert_element_type3A_292 = arith.extui %eq3A_291 : i1 to i32
      %cond3A = arith.constant 0 : i32
      %cond3A_293 = arith.cmpi ne, %convert_element_type3A_292, %cond3A : i32
      scf.if %cond3A_293 {
        "tpu.region"() ({
          %run_scoped3A = tpu.sem_alloc : memref<!tpu.dma_semaphore, #tpu.memory_space<semaphore_mem>>
          tpu.enqueue_dma source(%arg21 : memref<43008xi32, #tpu.memory_space<vmem_shared>>) target(%arg6 : memref<43008xi32, #tpu.memory_space<vmem>>) target_semaphore(%run_scoped3A : memref<!tpu.dma_semaphore, #tpu.memory_space<semaphore_mem>>)
          tpu.wait_dma2 semaphore(%run_scoped3A : memref<!tpu.dma_semaphore, #tpu.memory_space<semaphore_mem>>) src(%arg21 : memref<43008xi32, #tpu.memory_space<vmem_shared>>) dst(%arg6 : memref<43008xi32, #tpu.memory_space<vmem>>)
          tpu.yield
        }) : () -> ()
      } else {
      }
      %barrier3A_294 = arith.constant 0 : index
      tpu.barrier barrier_id(%barrier3A_294)
      %scan3A_295 = arith.constant 0 : i32
      scf.yield %scan3A_295 : i32
    }
    %scan3A_20 = arith.constant 4 : i32
    %jit3A = arith.constant 4 : i32
    %div3A = arith.divsi %arg1, %jit3A : i32
    %sign3A = arith.constant 0 : i32
    %sign3A_21 = arith.cmpi sgt, %arg1, %sign3A : i32
    %sign3A_22 = arith.extui %sign3A_21 : i1 to i32
    %sign3A_23 = arith.constant 0 : i32
    %sign3A_24 = arith.cmpi slt, %arg1, %sign3A_23 : i32
    %sign3A_25 = arith.extui %sign3A_24 : i1 to i32
    %sign3A_26 = arith.subi %sign3A_22, %sign3A_25 : i32
    %sign3A_27 = arith.constant 0 : i32
    %sign3A_28 = arith.cmpi sgt, %jit3A, %sign3A_27 : i32
    %sign3A_29 = arith.extui %sign3A_28 : i1 to i32
    %sign3A_30 = arith.constant 0 : i32
    %sign3A_31 = arith.cmpi slt, %jit3A, %sign3A_30 : i32
    %sign3A_32 = arith.extui %sign3A_31 : i1 to i32
    %sign3A_33 = arith.subi %sign3A_29, %sign3A_32 : i32
    %ne3A = arith.cmpi ne, %sign3A_26, %sign3A_33 : i32
    %rem3A = arith.remsi %arg1, %jit3A : i32
    %ne3A_34 = arith.constant 0 : i32
    %ne3A_35 = arith.cmpi ne, %rem3A, %ne3A_34 : i32
    %and3A = arith.andi %ne3A, %ne3A_35 : i1
    %sub3A = arith.constant 1 : i32
    %sub3A_36 = arith.subi %div3A, %sub3A : i32
    %select_n3A = arith.select %and3A, %sub3A_36, %div3A : i32
    %jit3A_37 = arith.constant 4 : i32
    %eq3A = arith.constant 0 : i32
    %eq3A_38 = arith.cmpi eq, %jit3A_37, %eq3A : i32
    %jit3A_39 = arith.constant 1 : i32
    %select_n3A_40 = arith.select %eq3A_38, %jit3A_39, %jit3A_37 : i32
    %rem3A_41 = arith.remsi %arg1, %select_n3A_40 : i32
    %ne3A_42 = arith.constant 0 : i32
    %ne3A_43 = arith.cmpi ne, %rem3A_41, %ne3A_42 : i32
    %lt3A = arith.constant 0 : i32
    %lt3A_44 = arith.cmpi slt, %rem3A_41, %lt3A : i32
    %lt3A_45 = arith.constant 0 : i32
    %lt3A_46 = arith.cmpi slt, %select_n3A_40, %lt3A_45 : i32
    %ne3A_47 = arith.xori %lt3A_44, %lt3A_46 : i1
    %and3A_48 = arith.andi %ne3A_47, %ne3A_43 : i1
    %add3A = arith.addi %rem3A_41, %select_n3A_40 : i32
    %select_n3A_49 = arith.select %and3A_48, %add3A, %rem3A_41 : i32
    %mul3A_50 = arith.constant 4 : i32
    %mul3A_51 = arith.muli %arg0, %mul3A_50 : i32
    %add3A_52 = arith.addi %mul3A_51, %select_n3A : i32
    %mul3A_53 = arith.constant 192 : i32
    %mul3A_54 = arith.muli %select_n3A, %mul3A_53 : i32
    %add3A_55 = arith.constant 0 : i32
    %add3A_56 = arith.addi %mul3A_54, %add3A_55 : i32
    %add3A_57 = vector.broadcast %add3A_56 : i32 to vector<16xi32>
    %add3A_58 = arith.addi %add3A_57, %iota3A : vector<16xi32>
    %gather3A = tpu.vector_load_idx %arg16[%add3A_58] : memref<768xf32, #tpu.memory_space<vmem>>[vector<16xi32>], vector<16xf32>,
    %add3A_59 = arith.constant 16 : i32
    %add3A_60 = arith.addi %mul3A_54, %add3A_59 : i32
    %add3A_61 = vector.broadcast %add3A_60 : i32 to vector<16xi32>
    %add3A_62 = arith.addi %add3A_61, %iota3A : vector<16xi32>
    %gather3A_63 = tpu.vector_load_idx %arg16[%add3A_62] : memref<768xf32, #tpu.memory_space<vmem>>[vector<16xi32>], vector<16xf32>,
    %add3A_64 = arith.constant 32 : i32
    %add3A_65 = arith.addi %mul3A_54, %add3A_64 : i32
    %add3A_66 = vector.broadcast %add3A_65 : i32 to vector<16xi32>
    %add3A_67 = arith.addi %add3A_66, %iota3A : vector<16xi32>
    %gather3A_68 = tpu.vector_load_idx %arg16[%add3A_67] : memref<768xf32, #tpu.memory_space<vmem>>[vector<16xi32>], vector<16xf32>,
    %add3A_69 = arith.constant 48 : i32
    %add3A_70 = arith.addi %mul3A_54, %add3A_69 : i32
    %add3A_71 = vector.broadcast %add3A_70 : i32 to vector<16xi32>
    %add3A_72 = arith.addi %add3A_71, %iota3A : vector<16xi32>
    %gather3A_73 = tpu.vector_load_idx %arg16[%add3A_72] : memref<768xf32, #tpu.memory_space<vmem>>[vector<16xi32>], vector<16xf32>,
    %add3A_74 = arith.constant 64 : i32
    %add3A_75 = arith.addi %mul3A_54, %add3A_74 : i32
    %add3A_76 = vector.broadcast %add3A_75 : i32 to vector<16xi32>
    %add3A_77 = arith.addi %add3A_76, %iota3A : vector<16xi32>
    %gather3A_78 = tpu.vector_load_idx %arg16[%add3A_77] : memref<768xf32, #tpu.memory_space<vmem>>[vector<16xi32>], vector<16xf32>,
    %add3A_79 = arith.constant 80 : i32
    %add3A_80 = arith.addi %mul3A_54, %add3A_79 : i32
    %add3A_81 = vector.broadcast %add3A_80 : i32 to vector<16xi32>
    %add3A_82 = arith.addi %add3A_81, %iota3A : vector<16xi32>
    %gather3A_83 = tpu.vector_load_idx %arg16[%add3A_82] : memref<768xf32, #tpu.memory_space<vmem>>[vector<16xi32>], vector<16xf32>,
    %add3A_84 = arith.constant 144 : i32
    %add3A_85 = arith.addi %mul3A_54, %add3A_84 : i32
    %add3A_86 = vector.broadcast %add3A_85 : i32 to vector<16xi32>
    %add3A_87 = arith.addi %add3A_86, %iota3A : vector<16xi32>
    %gather3A_88 = tpu.vector_load_idx %arg16[%add3A_87] : memref<768xf32, #tpu.memory_space<vmem>>[vector<16xi32>], vector<16xf32>,
    %add3A_89 = arith.constant 160 : i32
    %add3A_90 = arith.addi %mul3A_54, %add3A_89 : i32
    %add3A_91 = vector.broadcast %add3A_90 : i32 to vector<16xi32>
    %add3A_92 = arith.addi %add3A_91, %iota3A : vector<16xi32>
    %gather3A_93 = tpu.vector_load_idx %arg16[%add3A_92] : memref<768xf32, #tpu.memory_space<vmem>>[vector<16xi32>], vector<16xf32>,
    %add3A_94 = arith.constant 176 : i32
    %add3A_95 = arith.addi %mul3A_54, %add3A_94 : i32
    %add3A_96 = vector.broadcast %add3A_95 : i32 to vector<16xi32>
    %add3A_97 = arith.addi %add3A_96, %iota3A : vector<16xi32>
    %gather3A_98 = tpu.vector_load_idx %arg16[%add3A_97] : memref<768xf32, #tpu.memory_space<vmem>>[vector<16xi32>], vector<16xf32>,
    %convert_element_type3A = arith.fptosi %gather3A_88 : vector<16xf32> to vector<16xi32>
    %sub3A_99 = arith.constant 1 : i32
    %sub3A_100 = vector.broadcast %sub3A_99 : i32 to vector<16xi32>
    %sub3A_101 = arith.subi %convert_element_type3A, %sub3A_100 : vector<16xi32>
    %convert_element_type3A_102 = arith.fptosi %gather3A_93 : vector<16xf32> to vector<16xi32>
    %sub3A_103 = arith.constant 1 : i32
    %sub3A_104 = vector.broadcast %sub3A_103 : i32 to vector<16xi32>
    %sub3A_105 = arith.subi %convert_element_type3A_102, %sub3A_104 : vector<16xi32>
    %convert_element_type3A_106 = arith.fptosi %gather3A_98 : vector<16xf32> to vector<16xi32>
    %sub3A_107 = arith.constant 1 : i32
    %sub3A_108 = vector.broadcast %sub3A_107 : i32 to vector<16xi32>
    %sub3A_109 = arith.subi %convert_element_type3A_106, %sub3A_108 : vector<16xi32>
    %mul3A_110 = arith.constant 65536 : i32
    %mul3A_111 = arith.muli %select_n3A_49, %mul3A_110 : i32
    %scan3A_112 = arith.constant 0 : i32
    %scan3A_113 = arith.constant 0 : i32
    %scan3A_114 = arith.constant 32 : i32
    %scan3A_115 = arith.addi %scan3A_113, %scan3A_114 : i32
    %scan3A_116 = arith.constant 1 : i32
    %scan3A_117 = scf.for %scan3A_119 = %scan3A_113 to %scan3A_115 step %scan3A_116 iter_args(%scan3A_120 = %scan3A_112) -> (i32)  : i32 {
      %mul3A_121 = arith.constant 2048 : i32
      %mul3A_122 = arith.muli %scan3A_119, %mul3A_121 : i32
      %add3A_123 = arith.addi %mul3A_111, %mul3A_122 : i32
      %mul3A_124 = arith.constant 3 : i32
      %mul3A_125 = arith.muli %add3A_52, %mul3A_124 : i32
      %add3A_126 = arith.constant 0 : i32
      %add3A_127 = arith.addi %mul3A_125, %add3A_126 : i32
      %mul3A_128 = arith.constant 262144 : i32
      %mul3A_129 = arith.muli %add3A_127, %mul3A_128 : i32
      %add3A_130 = arith.addi %mul3A_129, %add3A_123 : i32
      "tpu.region"() ({
        %run_scoped3A = tpu.sem_alloc : memref<!tpu.dma_semaphore, #tpu.memory_space<semaphore_mem>>
        %dma_start3A = arith.constant 0 : i32
        %dma_start3A_156 = tpu.memref_slice %arg17[%dma_start3A] : memref<6144xf32, #tpu.memory_space<vmem>> -> memref<2048xf32, #tpu.memory_space<vmem>>
        %dma_start3A_157 = tpu.memref_slice %arg2[%add3A_130] : memref<6291456xf32, #tpu.memory_space<hbm>> -> memref<2048xf32, #tpu.memory_space<hbm>>
        %dma_start3A_158 = arith.constant 0 : i32
        %dma_start3A_159 = tpu.memref_slice %arg17[%dma_start3A_158] : memref<6144xf32, #tpu.memory_space<vmem>> -> memref<2048xf32, #tpu.memory_space<vmem>>
        %dma_start3A_160 = tpu.memref_slice %arg2[%add3A_130] : memref<6291456xf32, #tpu.memory_space<hbm>> -> memref<2048xf32, #tpu.memory_space<hbm>>
        tpu.enqueue_dma source(%dma_start3A_160 : memref<2048xf32, #tpu.memory_space<hbm>>) target(%dma_start3A_159 : memref<2048xf32, #tpu.memory_space<vmem>>) target_semaphore(%run_scoped3A : memref<!tpu.dma_semaphore, #tpu.memory_space<semaphore_mem>>)
        %dma_wait3A = arith.constant 0 : i32
        %dma_wait3A_161 = tpu.memref_slice %arg17[%dma_wait3A] : memref<6144xf32, #tpu.memory_space<vmem>> -> memref<2048xf32, #tpu.memory_space<vmem>>
        %dma_wait3A_162 = tpu.memref_slice %arg2[%add3A_130] : memref<6291456xf32, #tpu.memory_space<hbm>> -> memref<2048xf32, #tpu.memory_space<hbm>>
        %dma_wait3A_163 = arith.constant 0 : i32
        %dma_wait3A_164 = tpu.memref_slice %arg17[%dma_wait3A_163] : memref<6144xf32, #tpu.memory_space<vmem>> -> memref<2048xf32, #tpu.memory_space<vmem>>
        %dma_wait3A_165 = tpu.memref_slice %arg2[%add3A_130] : memref<6291456xf32, #tpu.memory_space<hbm>> -> memref<2048xf32, #tpu.memory_space<hbm>>
        tpu.wait_dma2 semaphore(%run_scoped3A : memref<!tpu.dma_semaphore, #tpu.memory_space<semaphore_mem>>) src(%dma_wait3A_165 : memref<2048xf32, #tpu.memory_space<hbm>>) dst(%dma_wait3A_164 : memref<2048xf32, #tpu.memory_space<vmem>>)
        tpu.yield
      }) : () -> ()
      %mul3A_131 = arith.constant 3 : i32
      %mul3A_132 = arith.muli %add3A_52, %mul3A_131 : i32
      %add3A_133 = arith.constant 1 : i32
      %add3A_134 = arith.addi %mul3A_132, %add3A_133 : i32
      %mul3A_135 = arith.constant 262144 : i32
      %mul3A_136 = arith.muli %add3A_134, %mul3A_135 : i32
      %add3A_137 = arith.addi %mul3A_136, %add3A_123 : i32
      "tpu.region"() ({
        %run_scoped3A = tpu.sem_alloc : memref<!tpu.dma_semaphore, #tpu.memory_space<semaphore_mem>>
        %dma_start3A = arith.constant 2048 : i32
        %dma_start3A_156 = tpu.memref_slice %arg17[%dma_start3A] : memref<6144xf32, #tpu.memory_space<vmem>> -> memref<2048xf32, #tpu.memory_space<vmem>>
        %dma_start3A_157 = tpu.memref_slice %arg2[%add3A_137] : memref<6291456xf32, #tpu.memory_space<hbm>> -> memref<2048xf32, #tpu.memory_space<hbm>>
        %dma_start3A_158 = arith.constant 2048 : i32
        %dma_start3A_159 = tpu.memref_slice %arg17[%dma_start3A_158] : memref<6144xf32, #tpu.memory_space<vmem>> -> memref<2048xf32, #tpu.memory_space<vmem>>
        %dma_start3A_160 = tpu.memref_slice %arg2[%add3A_137] : memref<6291456xf32, #tpu.memory_space<hbm>> -> memref<2048xf32, #tpu.memory_space<hbm>>
        tpu.enqueue_dma source(%dma_start3A_160 : memref<2048xf32, #tpu.memory_space<hbm>>) target(%dma_start3A_159 : memref<2048xf32, #tpu.memory_space<vmem>>) target_semaphore(%run_scoped3A : memref<!tpu.dma_semaphore, #tpu.memory_space<semaphore_mem>>)
        %dma_wait3A = arith.constant 2048 : i32
        %dma_wait3A_161 = tpu.memref_slice %arg17[%dma_wait3A] : memref<6144xf32, #tpu.memory_space<vmem>> -> memref<2048xf32, #tpu.memory_space<vmem>>
        %dma_wait3A_162 = tpu.memref_slice %arg2[%add3A_137] : memref<6291456xf32, #tpu.memory_space<hbm>> -> memref<2048xf32, #tpu.memory_space<hbm>>
        %dma_wait3A_163 = arith.constant 2048 : i32
        %dma_wait3A_164 = tpu.memref_slice %arg17[%dma_wait3A_163] : memref<6144xf32, #tpu.memory_space<vmem>> -> memref<2048xf32, #tpu.memory_space<vmem>>
        %dma_wait3A_165 = tpu.memref_slice %arg2[%add3A_137] : memref<6291456xf32, #tpu.memory_space<hbm>> -> memref<2048xf32, #tpu.memory_space<hbm>>
        tpu.wait_dma2 semaphore(%run_scoped3A : memref<!tpu.dma_semaphore, #tpu.memory_space<semaphore_mem>>) src(%dma_wait3A_165 : memref<2048xf32, #tpu.memory_space<hbm>>) dst(%dma_wait3A_164 : memref<2048xf32, #tpu.memory_space<vmem>>)
        tpu.yield
      }) : () -> ()
      %mul3A_138 = arith.constant 3 : i32
      %mul3A_139 = arith.muli %add3A_52, %mul3A_138 : i32
      %add3A_140 = arith.constant 2 : i32
      %add3A_141 = arith.addi %mul3A_139, %add3A_140 : i32
      %mul3A_142 = arith.constant 262144 : i32
      %mul3A_143 = arith.muli %add3A_141, %mul3A_142 : i32
      %add3A_144 = arith.addi %mul3A_143, %add3A_123 : i32
      "tpu.region"() ({
        %run_scoped3A = tpu.sem_alloc : memref<!tpu.dma_semaphore, #tpu.memory_space<semaphore_mem>>
        %dma_start3A = arith.constant 4096 : i32
        %dma_start3A_156 = tpu.memref_slice %arg17[%dma_start3A] : memref<6144xf32, #tpu.memory_space<vmem>> -> memref<2048xf32, #tpu.memory_space<vmem>>
        %dma_start3A_157 = tpu.memref_slice %arg2[%add3A_144] : memref<6291456xf32, #tpu.memory_space<hbm>> -> memref<2048xf32, #tpu.memory_space<hbm>>
        %dma_start3A_158 = arith.constant 4096 : i32
        %dma_start3A_159 = tpu.memref_slice %arg17[%dma_start3A_158] : memref<6144xf32, #tpu.memory_space<vmem>> -> memref<2048xf32, #tpu.memory_space<vmem>>
        %dma_start3A_160 = tpu.memref_slice %arg2[%add3A_144] : memref<6291456xf32, #tpu.memory_space<hbm>> -> memref<2048xf32, #tpu.memory_space<hbm>>
        tpu.enqueue_dma source(%dma_start3A_160 : memref<2048xf32, #tpu.memory_space<hbm>>) target(%dma_start3A_159 : memref<2048xf32, #tpu.memory_space<vmem>>) target_semaphore(%run_scoped3A : memref<!tpu.dma_semaphore, #tpu.memory_space<semaphore_mem>>)
        %dma_wait3A = arith.constant 4096 : i32
        %dma_wait3A_161 = tpu.memref_slice %arg17[%dma_wait3A] : memref<6144xf32, #tpu.memory_space<vmem>> -> memref<2048xf32, #tpu.memory_space<vmem>>
        %dma_wait3A_162 = tpu.memref_slice %arg2[%add3A_144] : memref<6291456xf32, #tpu.memory_space<hbm>> -> memref<2048xf32, #tpu.memory_space<hbm>>
        %dma_wait3A_163 = arith.constant 4096 : i32
        %dma_wait3A_164 = tpu.memref_slice %arg17[%dma_wait3A_163] : memref<6144xf32, #tpu.memory_space<vmem>> -> memref<2048xf32, #tpu.memory_space<vmem>>
        %dma_wait3A_165 = tpu.memref_slice %arg2[%add3A_144] : memref<6291456xf32, #tpu.memory_space<hbm>> -> memref<2048xf32, #tpu.memory_space<hbm>>
        tpu.wait_dma2 semaphore(%run_scoped3A : memref<!tpu.dma_semaphore, #tpu.memory_space<semaphore_mem>>) src(%dma_wait3A_165 : memref<2048xf32, #tpu.memory_space<hbm>>) dst(%dma_wait3A_164 : memref<2048xf32, #tpu.memory_space<vmem>>)
        tpu.yield
      }) : () -> ()
      %scan3A_145 = arith.constant 0 : i32
      %scan3A_146 = arith.constant 0 : i32
      %scan3A_147 = arith.constant 128 : i32
      %scan3A_148 = arith.addi %scan3A_146, %scan3A_147 : i32
      %scan3A_149 = arith.constant 1 : i32
      %scan3A_150 = scf.for %scan3A_156 = %scan3A_146 to %scan3A_148 step %scan3A_149 iter_args(%scan3A_157 = %scan3A_145) -> (i32)  : i32 {
        %mul3A_158 = arith.constant 16 : i32
        %mul3A_159 = arith.muli %scan3A_156, %mul3A_158 : i32
        %add3A_160 = arith.constant 0 : i32
        %add3A_161 = arith.addi %add3A_160, %mul3A_159 : i32
        %get3A = arith.index_cast %add3A_161 : i32 to index
        %get3A_162 = tpu.vector_load %arg17[%get3A] {strides = array<i32>} : memref<6144xf32, #tpu.memory_space<vmem>>, vector<16xf32>,
        %mul3A_163 = arith.mulf %get3A_162, %gather3A : vector<16xf32>
        %sub3A_164 = arith.subf %mul3A_163, %gather3A_73 : vector<16xf32>
        %mul3A_165 = arith.constant 16 : i32
        %mul3A_166 = arith.muli %scan3A_156, %mul3A_165 : i32
        %add3A_167 = arith.constant 2048 : i32
        %add3A_168 = arith.addi %add3A_167, %mul3A_166 : i32
        %get3A_169 = arith.index_cast %add3A_168 : i32 to index
        %get3A_170 = tpu.vector_load %arg17[%get3A_169] {strides = array<i32>} : memref<6144xf32, #tpu.memory_space<vmem>>, vector<16xf32>,
        %mul3A_171 = arith.mulf %get3A_170, %gather3A_63 : vector<16xf32>
        %sub3A_172 = arith.subf %mul3A_171, %gather3A_78 : vector<16xf32>
        %mul3A_173 = arith.constant 16 : i32
        %mul3A_174 = arith.muli %scan3A_156, %mul3A_173 : i32
        %add3A_175 = arith.constant 4096 : i32
        %add3A_176 = arith.addi %add3A_175, %mul3A_174 : i32
        %get3A_177 = arith.index_cast %add3A_176 : i32 to index
        %get3A_178 = tpu.vector_load %arg17[%get3A_177] {strides = array<i32>} : memref<6144xf32, #tpu.memory_space<vmem>>, vector<16xf32>,
        %mul3A_179 = arith.mulf %get3A_178, %gather3A_68 : vector<16xf32>
        %sub3A_180 = arith.subf %mul3A_179, %gather3A_83 : vector<16xf32>
        %sub3A_181 = arith.constant 1.000000e+00 : f32
        %sub3A_182 = vector.broadcast %sub3A_181 : f32 to vector<16xf32>
        %sub3A_183 = arith.subf %gather3A_88, %sub3A_182 : vector<16xf32>
        %jit3A_184 = arith.constant 0.000000e+00 : f32
        %max3A = vector.broadcast %jit3A_184 : f32 to vector<16xf32>
        %max3A_185 = arith.maximumf %max3A, %sub3A_164 : vector<16xf32>
        %min3A = arith.minimumf %sub3A_183, %max3A_185 : vector<16xf32>
        %sub3A_186 = arith.constant 1.000000e+00 : f32
        %sub3A_187 = vector.broadcast %sub3A_186 : f32 to vector<16xf32>
        %sub3A_188 = arith.subf %gather3A_93, %sub3A_187 : vector<16xf32>
        %jit3A_189 = arith.constant 0.000000e+00 : f32
        %max3A_190 = vector.broadcast %jit3A_189 : f32 to vector<16xf32>
        %max3A_191 = arith.maximumf %max3A_190, %sub3A_172 : vector<16xf32>
        %min3A_192 = arith.minimumf %sub3A_188, %max3A_191 : vector<16xf32>
        %sub3A_193 = arith.constant 1.000000e+00 : f32
        %sub3A_194 = vector.broadcast %sub3A_193 : f32 to vector<16xf32>
        %sub3A_195 = arith.subf %gather3A_98, %sub3A_194 : vector<16xf32>
        %jit3A_196 = arith.constant 0.000000e+00 : f32
        %max3A_197 = vector.broadcast %jit3A_196 : f32 to vector<16xf32>
        %max3A_198 = arith.maximumf %max3A_197, %sub3A_180 : vector<16xf32>
        %min3A_199 = arith.minimumf %sub3A_195, %max3A_198 : vector<16xf32>
        %convert_element_type3A_200 = arith.fptosi %min3A : vector<16xf32> to vector<16xi32>
        %convert_element_type3A_201 = arith.fptosi %min3A_192 : vector<16xf32> to vector<16xi32>
        %convert_element_type3A_202 = arith.fptosi %min3A_199 : vector<16xf32> to vector<16xi32>
        %convert_element_type3A_203 = arith.sitofp %convert_element_type3A_200 : vector<16xi32> to vector<16xf32>
        %sub3A_204 = arith.subf %min3A, %convert_element_type3A_203 : vector<16xf32>
        %convert_element_type3A_205 = arith.sitofp %convert_element_type3A_201 : vector<16xi32> to vector<16xf32>
        %sub3A_206 = arith.subf %min3A_192, %convert_element_type3A_205 : vector<16xf32>
        %convert_element_type3A_207 = arith.sitofp %convert_element_type3A_202 : vector<16xi32> to vector<16xf32>
        %sub3A_208 = arith.subf %min3A_199, %convert_element_type3A_207 : vector<16xf32>
        %add3A_209 = arith.constant 1 : i32
        %add3A_210 = vector.broadcast %add3A_209 : i32 to vector<16xi32>
        %add3A_211 = arith.addi %convert_element_type3A_200, %add3A_210 : vector<16xi32>
        %min3A_212 = arith.minsi %add3A_211, %sub3A_101 : vector<16xi32>
        %add3A_213 = arith.constant 1 : i32
        %add3A_214 = vector.broadcast %add3A_213 : i32 to vector<16xi32>
        %add3A_215 = arith.addi %convert_element_type3A_201, %add3A_214 : vector<16xi32>
        %min3A_216 = arith.minsi %add3A_215, %sub3A_105 : vector<16xi32>
        %add3A_217 = arith.constant 1 : i32
        %add3A_218 = vector.broadcast %add3A_217 : i32 to vector<16xi32>
        %add3A_219 = arith.addi %convert_element_type3A_202, %add3A_218 : vector<16xi32>
        %min3A_220 = arith.minsi %add3A_219, %sub3A_109 : vector<16xi32>
        %shift_right_arithmetic3A = arith.constant 5 : i32
        %shift_right_arithmetic3A_221 = vector.broadcast %shift_right_arithmetic3A : i32 to vector<16xi32>
        %shift_right_arithmetic3A_222 = arith.shrsi %convert_element_type3A_202, %shift_right_arithmetic3A_221 : vector<16xi32>
        %and3A_223 = arith.constant 31 : i32
        %and3A_224 = vector.broadcast %and3A_223 : i32 to vector<16xi32>
        %and3A_225 = arith.andi %convert_element_type3A_202, %and3A_224 : vector<16xi32>
        %shift_right_arithmetic3A_226 = arith.constant 5 : i32
        %shift_right_arithmetic3A_227 = vector.broadcast %shift_right_arithmetic3A_226 : i32 to vector<16xi32>
        %shift_right_arithmetic3A_228 = arith.shrsi %min3A_220, %shift_right_arithmetic3A_227 : vector<16xi32>
        %and3A_229 = arith.constant 31 : i32
        %and3A_230 = vector.broadcast %and3A_229 : i32 to vector<16xi32>
        %and3A_231 = arith.andi %min3A_220, %and3A_230 : vector<16xi32>
        %mul3A_232 = arith.constant 10752 : i32
        %mul3A_233 = vector.broadcast %mul3A_232 : i32 to vector<16xi32>
        %mul3A_234 = arith.muli %shift_right_arithmetic3A_222, %mul3A_233 : vector<16xi32>
        %add3A_235 = arith.addi %mul3A_234, %convert_element_type3A_201 : vector<16xi32>
        %mul3A_236 = arith.constant 10752 : i32
        %mul3A_237 = vector.broadcast %mul3A_236 : i32 to vector<16xi32>
        %mul3A_238 = arith.muli %shift_right_arithmetic3A_222, %mul3A_237 : vector<16xi32>
        %add3A_239 = arith.addi %mul3A_238, %min3A_216 : vector<16xi32>
        %mul3A_240 = arith.constant 10752 : i32
        %mul3A_241 = vector.broadcast %mul3A_240 : i32 to vector<16xi32>
        %mul3A_242 = arith.muli %shift_right_arithmetic3A_228, %mul3A_241 : vector<16xi32>
        %add3A_243 = arith.addi %mul3A_242, %convert_element_type3A_201 : vector<16xi32>
        %mul3A_244 = arith.constant 10752 : i32
        %mul3A_245 = vector.broadcast %mul3A_244 : i32 to vector<16xi32>
        %mul3A_246 = arith.muli %shift_right_arithmetic3A_228, %mul3A_245 : vector<16xi32>
        %add3A_247 = arith.addi %mul3A_246, %min3A_216 : vector<16xi32>
        %mul3A_248 = arith.constant 104 : i32
        %mul3A_249 = vector.broadcast %mul3A_248 : i32 to vector<16xi32>
        %mul3A_250 = arith.muli %convert_element_type3A_200, %mul3A_249 : vector<16xi32>
        %mul3A_251 = arith.constant 104 : i32
        %mul3A_252 = vector.broadcast %mul3A_251 : i32 to vector<16xi32>
        %mul3A_253 = arith.muli %min3A_212, %mul3A_252 : vector<16xi32>
        %add3A_254 = arith.addi %add3A_235, %mul3A_250 : vector<16xi32>
        %add3A_255 = arith.addi %add3A_243, %mul3A_250 : vector<16xi32>
        %gather3A_256 = tpu.vector_load_idx %arg6[%add3A_254] : memref<43008xi32, #tpu.memory_space<vmem>>[vector<16xi32>], vector<16xi32>,
        %shift_right_arithmetic3A_257 = arith.shrsi %gather3A_256, %and3A_225 : vector<16xi32>
        %and3A_258 = arith.constant 1 : i32
        %and3A_259 = vector.broadcast %and3A_258 : i32 to vector<16xi32>
        %and3A_260 = arith.andi %shift_right_arithmetic3A_257, %and3A_259 : vector<16xi32>
        %convert_element_type3A_261 = arith.sitofp %and3A_260 : vector<16xi32> to vector<16xf32>
        %gather3A_262 = tpu.vector_load_idx %arg6[%add3A_255] : memref<43008xi32, #tpu.memory_space<vmem>>[vector<16xi32>], vector<16xi32>,
        %shift_right_arithmetic3A_263 = arith.shrsi %gather3A_262, %and3A_231 : vector<16xi32>
        %and3A_264 = arith.constant 1 : i32
        %and3A_265 = vector.broadcast %and3A_264 : i32 to vector<16xi32>
        %and3A_266 = arith.andi %shift_right_arithmetic3A_263, %and3A_265 : vector<16xi32>
        %convert_element_type3A_267 = arith.sitofp %and3A_266 : vector<16xi32> to vector<16xf32>
        %sub3A_268 = arith.subf %convert_element_type3A_267, %convert_element_type3A_261 : vector<16xf32>
        %mul3A_269 = arith.mulf %sub3A_208, %sub3A_268 : vector<16xf32>
        %add3A_270 = arith.addf %convert_element_type3A_261, %mul3A_269 : vector<16xf32>
        %add3A_271 = arith.addi %add3A_239, %mul3A_250 : vector<16xi32>
        %add3A_272 = arith.addi %add3A_247, %mul3A_250 : vector<16xi32>
        %gather3A_273 = tpu.vector_load_idx %arg6[%add3A_271] : memref<43008xi32, #tpu.memory_space<vmem>>[vector<16xi32>], vector<16xi32>,
        %shift_right_arithmetic3A_274 = arith.shrsi %gather3A_273, %and3A_225 : vector<16xi32>
        %and3A_275 = arith.constant 1 : i32
        %and3A_276 = vector.broadcast %and3A_275 : i32 to vector<16xi32>
        %and3A_277 = arith.andi %shift_right_arithmetic3A_274, %and3A_276 : vector<16xi32>
        %convert_element_type3A_278 = arith.sitofp %and3A_277 : vector<16xi32> to vector<16xf32>
        %gather3A_279 = tpu.vector_load_idx %arg6[%add3A_272] : memref<43008xi32, #tpu.memory_space<vmem>>[vector<16xi32>], vector<16xi32>,
        %shift_right_arithmetic3A_280 = arith.shrsi %gather3A_279, %and3A_231 : vector<16xi32>
        %and3A_281 = arith.constant 1 : i32
        %and3A_282 = vector.broadcast %and3A_281 : i32 to vector<16xi32>
        %and3A_283 = arith.andi %shift_right_arithmetic3A_280, %and3A_282 : vector<16xi32>
        %convert_element_type3A_284 = arith.sitofp %and3A_283 : vector<16xi32> to vector<16xf32>
        %sub3A_285 = arith.subf %convert_element_type3A_284, %convert_element_type3A_278 : vector<16xf32>
        %mul3A_286 = arith.mulf %sub3A_208, %sub3A_285 : vector<16xf32>
        %add3A_287 = arith.addf %convert_element_type3A_278, %mul3A_286 : vector<16xf32>
        %add3A_288 = arith.addi %add3A_235, %mul3A_253 : vector<16xi32>
        %add3A_289 = arith.addi %add3A_243, %mul3A_253 : vector<16xi32>
        %gather3A_290 = tpu.vector_load_idx %arg6[%add3A_288] : memref<43008xi32, #tpu.memory_space<vmem>>[vector<16xi32>], vector<16xi32>,
        %shift_right_arithmetic3A_291 = arith.shrsi %gather3A_290, %and3A_225 : vector<16xi32>
        %and3A_292 = arith.constant 1 : i32
        %and3A_293 = vector.broadcast %and3A_292 : i32 to vector<16xi32>
        %and3A_294 = arith.andi %shift_right_arithmetic3A_291, %and3A_293 : vector<16xi32>
        %convert_element_type3A_295 = arith.sitofp %and3A_294 : vector<16xi32> to vector<16xf32>
        %gather3A_296 = tpu.vector_load_idx %arg6[%add3A_289] : memref<43008xi32, #tpu.memory_space<vmem>>[vector<16xi32>], vector<16xi32>,
        %shift_right_arithmetic3A_297 = arith.shrsi %gather3A_296, %and3A_231 : vector<16xi32>
        %and3A_298 = arith.constant 1 : i32
        %and3A_299 = vector.broadcast %and3A_298 : i32 to vector<16xi32>
        %and3A_300 = arith.andi %shift_right_arithmetic3A_297, %and3A_299 : vector<16xi32>
        %convert_element_type3A_301 = arith.sitofp %and3A_300 : vector<16xi32> to vector<16xf32>
        %sub3A_302 = arith.subf %convert_element_type3A_301, %convert_element_type3A_295 : vector<16xf32>
        %mul3A_303 = arith.mulf %sub3A_208, %sub3A_302 : vector<16xf32>
        %add3A_304 = arith.addf %convert_element_type3A_295, %mul3A_303 : vector<16xf32>
        %add3A_305 = arith.addi %add3A_239, %mul3A_253 : vector<16xi32>
        %add3A_306 = arith.addi %add3A_247, %mul3A_253 : vector<16xi32>
        %gather3A_307 = tpu.vector_load_idx %arg6[%add3A_305] : memref<43008xi32, #tpu.memory_space<vmem>>[vector<16xi32>], vector<16xi32>,
        %shift_right_arithmetic3A_308 = arith.shrsi %gather3A_307, %and3A_225 : vector<16xi32>
        %and3A_309 = arith.constant 1 : i32
        %and3A_310 = vector.broadcast %and3A_309 : i32 to vector<16xi32>
        %and3A_311 = arith.andi %shift_right_arithmetic3A_308, %and3A_310 : vector<16xi32>
        %convert_element_type3A_312 = arith.sitofp %and3A_311 : vector<16xi32> to vector<16xf32>
        %gather3A_313 = tpu.vector_load_idx %arg6[%add3A_306] : memref<43008xi32, #tpu.memory_space<vmem>>[vector<16xi32>], vector<16xi32>,
        %shift_right_arithmetic3A_314 = arith.shrsi %gather3A_313, %and3A_231 : vector<16xi32>
        %and3A_315 = arith.constant 1 : i32
        %and3A_316 = vector.broadcast %and3A_315 : i32 to vector<16xi32>
        %and3A_317 = arith.andi %shift_right_arithmetic3A_314, %and3A_316 : vector<16xi32>
        %convert_element_type3A_318 = arith.sitofp %and3A_317 : vector<16xi32> to vector<16xf32>
        %sub3A_319 = arith.subf %convert_element_type3A_318, %convert_element_type3A_312 : vector<16xf32>
        %mul3A_320 = arith.mulf %sub3A_208, %sub3A_319 : vector<16xf32>
        %add3A_321 = arith.addf %convert_element_type3A_312, %mul3A_320 : vector<16xf32>
        %sub3A_322 = arith.subf %add3A_287, %add3A_270 : vector<16xf32>
        %mul3A_323 = arith.mulf %sub3A_206, %sub3A_322 : vector<16xf32>
        %add3A_324 = arith.addf %add3A_270, %mul3A_323 : vector<16xf32>
        %sub3A_325 = arith.subf %add3A_321, %add3A_304 : vector<16xf32>
        %mul3A_326 = arith.mulf %sub3A_206, %sub3A_325 : vector<16xf32>
        %add3A_327 = arith.addf %add3A_304, %mul3A_326 : vector<16xf32>
        %sub3A_328 = arith.subf %add3A_327, %add3A_324 : vector<16xf32>
        %mul3A_329 = arith.mulf %sub3A_204, %sub3A_328 : vector<16xf32>
        %add3A_330 = arith.addf %add3A_324, %mul3A_329 : vector<16xf32>
        %mul3A_331 = arith.constant 16 : i32
        %mul3A_332 = arith.muli %scan3A_156, %mul3A_331 : i32
        %swap3A = arith.index_cast %mul3A_332 : i32 to index
        %swap3A_333 = tpu.vector_load %arg18[%swap3A] {strides = array<i32>} : memref<2048xf32, #tpu.memory_space<vmem>>, vector<16xf32>,
        tpu.vector_store %arg18[%swap3A], %add3A_330 {strides = array<i32>} : memref<2048xf32, #tpu.memory_space<vmem>>, vector<16xf32>,
        %scan3A_334 = arith.constant 0 : i32
        scf.yield %scan3A_334 : i32
      }
      %scan3A_151 = arith.constant 128 : i32
      %mul3A_152 = arith.constant 262144 : i32
      %mul3A_153 = arith.muli %add3A_52, %mul3A_152 : i32
      %add3A_154 = arith.addi %mul3A_153, %add3A_123 : i32
      "tpu.region"() ({
        %run_scoped3A = tpu.sem_alloc : memref<!tpu.dma_semaphore, #tpu.memory_space<semaphore_mem>>
        %dma_start3A = tpu.memref_slice %arg5[%add3A_154] : memref<2097152xf32, #tpu.memory_space<hbm>> -> memref<2048xf32, #tpu.memory_space<hbm>>
        %dma_start3A_156 = tpu.memref_slice %arg5[%add3A_154] : memref<2097152xf32, #tpu.memory_space<hbm>> -> memref<2048xf32, #tpu.memory_space<hbm>>
        tpu.enqueue_dma source(%arg18 : memref<2048xf32, #tpu.memory_space<vmem>>) target(%dma_start3A_156 : memref<2048xf32, #tpu.memory_space<hbm>>) target_semaphore(%run_scoped3A : memref<!tpu.dma_semaphore, #tpu.memory_space<semaphore_mem>>)
        %dma_wait3A = tpu.memref_slice %arg5[%add3A_154] : memref<2097152xf32, #tpu.memory_space<hbm>> -> memref<2048xf32, #tpu.memory_space<hbm>>
        %dma_wait3A_157 = tpu.memref_slice %arg5[%add3A_154] : memref<2097152xf32, #tpu.memory_space<hbm>> -> memref<2048xf32, #tpu.memory_space<hbm>>
        tpu.wait_dma2 semaphore(%run_scoped3A : memref<!tpu.dma_semaphore, #tpu.memory_space<semaphore_mem>>) src(%arg18 : memref<2048xf32, #tpu.memory_space<vmem>>) dst(%dma_wait3A_157 : memref<2048xf32, #tpu.memory_space<hbm>>)
        tpu.yield
      }) : () -> ()
      %scan3A_155 = arith.constant 0 : i32
      scf.yield %scan3A_155 : i32
    }
    %scan3A_118 = arith.constant 32 : i32
    return
  }
}

module attributes {stable_mosaic.version = 14 : i64} {
  func.func @_minmax_body(%arg0: i32, %arg1: memref<1x3x2048x128xf32, #tpu.memory_space<vmem>>, %arg2: memref<1x3x128xf32, #tpu.memory_space<vmem>>, %arg3: memref<1x3x128xf32, #tpu.memory_space<vmem>>) attributes {dimension_semantics = [#tpu.dimension_semantics<arbitrary>], iteration_bounds = array<i64: 8>, scalar_prefetch = 0 : i64, scratch_operands = 0 : i64, tpu.core_type = #tpu.core_type<tc>, window_params = [{transform_indices = @transform_0, window_bounds = array<i64: 1, 3, 2048, 128>}, {transform_indices = @transform_1, window_bounds = array<i64: 1, 3, 128>}, {transform_indices = @transform_2, window_bounds = array<i64: 1, 3, 128>}]} {
    %get3A = arith.constant 0 : index
    %get3A_0 = arith.constant 0 : index
    %get3A_1 = arith.constant 0 : index
    %get3A_2 = arith.constant 0 : index
    %get3A_3 = vector.load %arg1[%get3A, %get3A_0, %get3A_1, %get3A_2] : memref<1x3x2048x128xf32, #tpu.memory_space<vmem>>, vector<1x3x2048x128xf32>
    %get3A_4 = vector.shape_cast %get3A_3 : vector<1x3x2048x128xf32> to vector<3x2048x128xf32>
    %reduce_min3A = arith.constant dense<0x7F800000> : vector<3x128xf32>
    %reduce_min3A_5 = vector.multi_reduction <minimumf>, %get3A_4, %reduce_min3A [1] : vector<3x2048x128xf32> to vector<3x128xf32>
    %swap3A = arith.constant 0 : index
    %swap3A_6 = arith.constant 0 : index
    %swap3A_7 = arith.constant 0 : index
    %swap3A_8 = vector.load %arg2[%swap3A, %swap3A_6, %swap3A_7] : memref<1x3x128xf32, #tpu.memory_space<vmem>>, vector<1x3x128xf32>
    %swap3A_9 = vector.shape_cast %swap3A_8 : vector<1x3x128xf32> to vector<3x128xf32>
    %swap3A_10 = vector.shape_cast %reduce_min3A_5 : vector<3x128xf32> to vector<1x3x128xf32>
    tpu.vector_store %arg2[%swap3A, %swap3A_6, %swap3A_7], %swap3A_10 {strides = array<i32>} : memref<1x3x128xf32, #tpu.memory_space<vmem>>, vector<1x3x128xf32>,
    %reduce_max3A = arith.constant dense<0xFF800000> : vector<3x128xf32>
    %reduce_max3A_11 = vector.multi_reduction <maximumf>, %get3A_4, %reduce_max3A [1] : vector<3x2048x128xf32> to vector<3x128xf32>
    %swap3A_12 = arith.constant 0 : index
    %swap3A_13 = arith.constant 0 : index
    %swap3A_14 = arith.constant 0 : index
    %swap3A_15 = vector.load %arg3[%swap3A_12, %swap3A_13, %swap3A_14] : memref<1x3x128xf32, #tpu.memory_space<vmem>>, vector<1x3x128xf32>
    %swap3A_16 = vector.shape_cast %swap3A_15 : vector<1x3x128xf32> to vector<3x128xf32>
    %swap3A_17 = vector.shape_cast %reduce_max3A_11 : vector<3x128xf32> to vector<1x3x128xf32>
    tpu.vector_store %arg3[%swap3A_12, %swap3A_13, %swap3A_14], %swap3A_17 {strides = array<i32>} : memref<1x3x128xf32, #tpu.memory_space<vmem>>, vector<1x3x128xf32>,
    return
  }
  func.func @transform_0(%arg0: i32) -> (i32, i32, i32, i32) {
    %c0_i32 = arith.constant 0 : i32
    %c0_i32_0 = arith.constant 0 : i32
    %c0_i32_1 = arith.constant 0 : i32
    %c0_i32_2 = arith.constant 0 : i32
    return %arg0, %c0_i32, %c0_i32_0, %c0_i32_1 : i32, i32, i32, i32
  }
  func.func @transform_1(%arg0: i32) -> (i32, i32, i32) {
    %c0_i32 = arith.constant 0 : i32
    %c0_i32_0 = arith.constant 0 : i32
    %c0_i32_1 = arith.constant 0 : i32
    return %arg0, %c0_i32, %c0_i32_0 : i32, i32, i32
  }
  func.func @transform_2(%arg0: i32) -> (i32, i32, i32) {
    %c0_i32 = arith.constant 0 : i32
    %c0_i32_0 = arith.constant 0 : i32
    %c0_i32_1 = arith.constant 0 : i32
    return %arg0, %c0_i32, %c0_i32_0 : i32, i32, i32
  }
}

</mosaic_0001>

<sc_bundles>
// kernel: kernel.4.cloned.1.call-start
scs
__scs_entry_jumppad:
0x0: {  	(pc) =	sbr.rel $0x88, $3  }
0x1: {  	(tag) =	ssettag $0x0;
	lr =	simm.s32 $0x1  }
0x2: {  	[smem:$0x3F9D] =	sst lr;
	_ =	strace $0xD0000000  }
0x3: {  	_ = 	snop  }
0x4: {  	_ = 	snop  }
0x5: {  	_ = 	snop  }
0x6: {  	_ = 	snop  }
0x7: {  	_ = 	snop  }
__scs_overlays_trampoline_lowered:
0x8: {  	[smem:$0x3FAC] =	sst s0  }
0x9: {  	[smem:$0x3FAD] =	sst s1  }
0xa: {  	[smem:$0x3FAE] =	sst s2  }
0xb: {  	[smem:$0x3FAF] =	sst s3  }
0xc: {  	[smem:$0x3FB0] =	sst s4  }
0xd: {  	[smem:$0x3FB1] =	sst s5  }
0xe: {  	[smem:$0x3FB2] =	sst s6  }
0xf: {  	[smem:$0x3FB3] =	sst s7  }
0x10: {  	[smem:$0x3FB4] =	sst s8  }
0x11: {  	[smem:$0x3FB5] =	sst s9;
	s0 =	simm.s32 @!p0 $0x0  }
0x12: {  	s1 =	sld [smem:$0x3F9B];
	s0 =	simm.s32 @p0 $0x1  }
0x13: {  	[smem:$0x3FB6] =	sst s0;
	s0 =	simm.s32 @!p1 $0x0  }
0x14: {  	s2 =	sld [smem:$0x3F9A];
	s0 =	simm.s32 @p1 $0x1  }
0x15: {  	[smem:$0x3FB7] =	sst s0;
	s0 =	simm.s32 @!p2 $0x0  }
0x16: {  	s3 =	sld [smem:$0x3FDB];
	s0 =	simm.s32 @p2 $0x1  }
0x17: {  	s4 =	simm.s32 $0x1BF5;
	[smem:$0x3FB9] =	sst s0  }
0x18: {  	s0 =	sld [smem:$0x3F9C];
	_ =	swait.ge [sflag:s4], $0x0  }
0x19: {  	s7 =	sld [smem:$0x3F9D]  }
0x1a: {  	s8 =	sadd.s32 $0xFFFFE003, lr  }
0x1b: {  	s9 =	sadd.s32 $0xFFFFFEF7, lr;
	s5 =	simm.s32 $0xFFFFFFFF;
	p2 =	slt.u32 s8, $0xFFFFF086  }
0x1c: {  	p1 =	slt.u32 s9, $0xF7A;
	s5 =	simm.s32 @!p2 $0x0  }
0x1d: {  	s5 =	simm.s32 @p1 $0x1;
	p0 =	seq.s32 s7, s2  }
0x1e: {  	s7 =	smul.u32 @!p0 $0xF7A, s2;
	p2 =	seq.s32 @!p0 s5, $0x0  }
0x1f: {  	s9 =	smul.u32 $0xF7A, s1;
	s8 =	simm.s32 @!p0 $0x1BF5;
	p2 =	por !p2, p0  }
0x20: {  	[sflag:s8] =	ssyncset.s32 @!p0 $0xFFFFF086;
	s6 =	sadd.s32 @!p0 s3, s7;
	s7 =	simm.s32 @!p0 $0x108  }
0x21: {  	s3 =	sadd.s32 s3, s9;
	s6 =	sadd.s32 @!p0 $0x88, s6;
	s7 =	simm.s32 @p2 $0x1082  }
0x22: {  	[simem:s7], [sflag:s8] =	dma.local @!p0 [hbm:s6], $0xF7A  }
0x23: {  	s9 =	sor.u32 $0xD0000000, s2;
	s6 =	simm.s32 $0x108;
	_ =	swait.ge @!p0 [sflag:s8], $0x0  }
0x24: {  	s3 =	sadd.s32 $0x88, s3;
	s6 =	simm.s32 @!p1 $0x1082;
	[sflag:s4] =	ssyncset.s32 $0xFFFFF086  }
0x25: {  	[simem:s6], [sflag:s4] =	dma.local [hbm:s3], $0xF7A  }
0x26: {  	[smem:$0x3F9D] =	sst s1;
	(tag) =	ssettag s2;
	_ =	strace s9  }
0x27: {  	s1 =	sld [smem:$0x3FAD]  }
0x28: {  	s2 =	sld [smem:$0x3FAE]  }
0x29: {  	s4 =	sld [smem:$0x3FB0]  }
0x2a: {  	p0 =	seq.s32 s5, $0x0;
	s5 =	sld [smem:$0x3FB1]  }
0x2b: {  	s6 =	sld [smem:$0x3FB2]  }
0x2c: {  	s7 =	sld [smem:$0x3FB3]  }
0x2d: {  	s3 =	simm.s32 $0x108;
	s8 =	sld [smem:$0x3FB4]  }
0x2e: {  	s3 =	simm.s32 @!p0 $0x1082;
	s9 =	sld [smem:$0x3FB5]  }
0x2f: {  	lr =	sadd.s32 s0, s3;
	s0 =	sld [smem:$0x3FAC]  }
0x30: {  	s3 =	sld [smem:$0x3FAF]  }
0x31: {  	[smem:$0x3FB8] =	sst s10  }
0x32: {  	s10 =	sld [smem:$0x3FB6];
	_ =	sdelay $0x3  }
0x33: {  	p0 =	seq.s32 s10, $0x1;
	s10 =	sld [smem:$0x3FB8];
	_ =	sdelay $0x3  }
0x34: {  	[smem:$0x3FB8] =	sst s10  }
0x35: {  	s10 =	sld [smem:$0x3FB7];
	_ =	sdelay $0x3  }
0x36: {  	p1 =	seq.s32 s10, $0x1;
	s10 =	sld [smem:$0x3FB8];
	_ =	sdelay $0x3  }
0x37: {  	[smem:$0x3FB8] =	sst s10  }
0x38: {  	s10 =	sld [smem:$0x3FB9]  }
0x39: {  	_ = 	snop;
	(pc) =	sbr.ind lr, $3  }
0x3a: {  	_ = 	snop  }
0x3b: {  	_ = 	snop  }
0x3c: {  	p2 =	seq.s32 s10, $0x1;
	s10 =	sld [smem:$0x3FB8]  }
0x3d: {  	_ =	shalt  }
0x3e: {  	_ =	shalt  }
0x3f: {  	_ =	shalt  }
0x40: {  	_ =	shalt  }
0x41: {  	_ =	shalt  }
0x42: {  	_ =	shalt  }
0x43: {  	_ =	shalt  }
0x44: {  	_ =	shalt  }
0x45: {  	_ =	shalt  }
0x46: {  	_ =	shalt  }
0x47: {  	_ =	shalt  }
0x48: {  	_ =	shalt  }
0x49: {  	_ =	shalt  }
0x4a: {  	_ =	shalt  }
0x4b: {  	_ =	shalt  }
0x4c: {  	_ =	shalt  }
0x4d: {  	_ =	shalt  }
0x4e: {  	_ =	shalt  }
0x4f: {  	_ =	shalt  }
0x50: {  	_ =	shalt  }
0x51: {  	_ =	shalt  }
0x52: {  	_ =	shalt  }
0x53: {  	_ =	shalt  }
0x54: {  	_ =	shalt  }
0x55: {  	_ =	shalt  }
0x56: {  	_ =	shalt  }
0x57: {  	_ =	shalt  }
0x58: {  	_ =	shalt  }
0x59: {  	_ =	shalt  }
0x5a: {  	_ =	shalt  }
0x5b: {  	_ =	shalt  }
0x5c: {  	_ =	shalt  }
0x5d: {  	_ =	shalt  }
0x5e: {  	_ =	shalt  }
0x5f: {  	_ =	shalt  }
0x60: {  	_ =	shalt  }
0x61: {  	_ =	shalt  }
0x62: {  	_ =	shalt  }
0x63: {  	_ =	shalt  }
0x64: {  	_ =	shalt  }
0x65: {  	_ =	shalt  }
0x66: {  	_ =	shalt  }
0x67: {  	_ =	shalt  }
0x68: {  	_ =	shalt  }
0x69: {  	_ =	shalt  }
0x6a: {  	_ =	shalt  }
0x6b: {  	_ =	shalt  }
0x6c: {  	_ =	shalt  }
0x6d: {  	_ =	shalt  }
0x6e: {  	_ =	shalt  }
0x6f: {  	_ =	shalt  }
0x70: {  	_ =	shalt  }
0x71: {  	_ =	shalt  }
0x72: {  	_ =	shalt  }
0x73: {  	_ =	shalt  }
0x74: {  	_ =	shalt  }
0x75: {  	_ =	shalt  }
0x76: {  	_ =	shalt  }
0x77: {  	_ =	shalt  }
0x78: {  	_ =	shalt  }
0x79: {  	_ =	shalt  }
0x7a: {  	_ =	shalt  }
0x7b: {  	_ =	shalt  }
0x7c: {  	_ =	shalt  }
0x7d: {  	_ =	shalt  }
0x7e: {  	_ =	shalt  }
0x7f: {  	_ =	shalt  }
0x80: {  	_ =	shalt  }
0x81: {  	_ =	shalt  }
0x82: {  	_ =	shalt  }
0x83: {  	_ =	shalt  }
0x84: {  	_ =	shalt  }
0x85: {  	_ =	shalt  }
0x86: {  	_ =	shalt  }
0x87: {  	_ =	shalt  }
.Lfunc_end0:
.L_simem_size_0:
called_computation_lowered:
.L_overlay_start_0:
0x88: {  	s2 =	sld [smem:$0x3FD9]  }
0x89: {  	s3 =	sld [smem:$0x3FFE];
	_ =	sdelay $0x1  }
0x8a: {  	s1 =	srdreg.scid  }
0x8b: {  	s0 =	sand.u32 $0x1, s1  }
0x8c: {  	s17 =	sshll.u32 s0, $0xA;
	s2 =	sadd.s32 s3, s2  }
0x8d: {  	s2 =	sadd.s32 s2, s17  }
0x8e: {  	[smem:$0x3FC4] =	sst s2  }
0x8f: {  	_ = 	snop  }
0x90: {  	s2 =	sld [smem:$0x3FD0];
	(tm) =	ssettm $0x1  }
0x91: {  	s18 =	sld [smem:$0x3FFB];
	_ =	sdelay $0x3  }
0x92: {  	_ =	strace s18  }
0x93: {  	s3 =	sld [smem:$0x3FFC];
	_ =	sdelay $0x3  }
0x94: {  	_ =	strace s3  }
0x95: {  	s3 =	sld [smem:$0x3FFD];
	_ =	sdelay $0x3  }
0x96: {  	_ =	strace s3  }
0x97: {  	_ =	strace $0x8FFFFFFF  }
0x98: {  	s19 =	sld [smem:$0x3FDB];
	_ =	sdelay $0x1  }
0x99: {  	s4 =	simm.s32 $_scs_section_size  }
0x9a: {  	s5 =	simm.s32 $_size__tile_overlayer_lowered;
	s6 =	simm.s32 $_tile_overlayer_lowered  }
0x9b: {  	s22 =	simm.s32 $0x1BFF;
	s21 =	sshll.u32 s6, $0x1;
	s3 =	sadd.s32 s4, s19  }
0x9c: {  	s7 =	simm.s32 $0x0;
	s20 =	sshll.u32 s5, $0x1;
	s5 =	sadd.s32 s21, s3  }
0x9d: {  	[timem:s7], [sflag:s22] =	dma.local [hbm:s5], s20  }
0x9e: {  	_ =	swait.ge [sflag:s22], s20  }
0x9f: {  	s4 =	ssub.s32 $0x0, s20;
	[sflag:s22] =	ssyncset.done $0x0  }
0xa0: {  	[sflag:s22] =	ssyncadd.s32 s4;
	_ =	sdelay $0x1  }
0xa1: {  	s23 =	simm.s32 $0x1B8B  }
0xa2: {  	_ =	swait.ge [sflag:s23], $0x1  }
0xa3: {  	[sflag:s23] =	ssyncset.done $0x0  }
0xa4: {  	s25 =	simm.s32 $0x1B8E;
	s24 =	sld [smem:$0x3FFE];
	[sflag:s23] =	ssyncadd.s32 $0xFFFFFFFF  }
0xa5: {  	s26 =	simm.s32 $execute0_lowered;
	[smem:$0x3FD2] =	sst s25  }
0xa6: {  	s5 =	sshll.u32 s26, $0x1;
	_ =	strace $0x80000046;
	[dreg:$0x1] =	wrdreg $0xFFFFFFFF  }
0xa7: {  	s28 =	simm.s32 $_size_execute0_lowered;
	s3 =	sadd.s32 s3, s5;
	[dreg:$0x0] =	wrdreg $0x0  }
0xa8: {  	s5 =	sshll.u32 s28, $0x1;
	[dreg:$0x2] =	wrdreg s3  }
0xa9: {  	[dreg:$0x3] =	wrdreg s5  }
0xaa: {  	[dreg:$0x4] =	wrdreg $0xC0  }
0xab: {  	_ =	task [dreg:s7], $0x5FFFF  }
0xac: {  	[dreg:$0x1] =	wrdreg $0xFFFFFFFF  }
0xad: {  	[dreg:$0x0] =	wrdreg $0x60  }
0xae: {  	[dreg:$0x2] =	wrdreg s24  }
0xaf: {  	[dreg:$0x3] =	wrdreg s2  }
0xb0: {  	[dreg:$0x4] =	wrdreg $0xE6800  }
0xb1: {  	[dreg:$0x5] =	wrdreg $0x1EFA80  }
0xb2: {  	[dreg:$0x6] =	wrdreg $0x9  }
0xb3: {  	_ =	task.clear_ibuf [dreg:s7], $0x7FFFF;
	_ =	strace $0x90000046  }
0xb4: {  	s29 =	simm.s32 $0x9;
	_ =	strace $0x80000048  }
0xb5: {  	_ =	swait.ge [sflag:s29], $0x1  }
0xb6: {  	[sflag:s29] =	ssyncadd.s32 $0xFFFFFFFF  }
0xb7: {  	_ =	strace $0x90000048  }
0xb8: {  	_ =	sfence  }
0xb9: {  	s30 =	sld [smem:$0x0];
	_ =	sdelay $0x2  }
0xba: {  	s31 =	sshll.u32 s1, $0xD;
	s1 =	sshrl.u32 s1, $0x2  }
0xbb: {  	s3 =	sand.u32 $0x4000, s31;
	s1 =	sadd.s32 s1, s30  }
0xbc: {  	s0 =	sor.u32 s3, s0;
	s1 =	sshll.u32 s1, $0x11  }
0xbd: {  	s0 =	sor.u32 s1, s0  }
0xbe: {  	s0 =	sadd.s32 $0x8F2B, s0  }
0xbf: {  	[sflag:s0] =	ssyncadd.remote.s32 $0x1  }
0xc0: {  	_ =	sfence.sel $0xFFFF  }
0xc1: {  	[dreg:$0x0] =	wrdreg $0xFFFFFFFF;
	(pc) =	sbr.abs _section_cstart, $3  }
0xc2: {  	[dreg:$0x1] =	wrdreg $0xFFFFFFFF  }
0xc3: {  	_ =	task.clear_ibuf [dreg:s7], $0x2FFFF;
	_ =	strace $0x9FFFFFFF  }
0xc4: {  	(tm) =	ssettm $0x7FFFFFFF  }
0xc5: {  	_ =	shalt  }
tec
execute0_lowered:
.L_overlay_start_1:
0x0: {  	(tag) =	ssettag $0x1  }
0x1: {  	s12 =	stileid.u32  }
0x2: {  	s19 =	sshrl.u32 s12, $0x2  }
0x3: {  	s0 =	rddreg [dreg:$0x0];
	s3 =	smul.u32 $0xC0, s19  }
0x4: {  	s1 =	rddreg [dreg:$0x1];
	v0 =	vlaneseq.u32  }
0x5: {  	s2 =	rddreg [dreg:$0x2];
	s4 =	sor.u32 $0x10, s3;
	v1 =	vor.u32 s3, v0  }
0x6: {  	s16 =	rddreg [dreg:$0x3];
	s5 =	simm.s32 $0x0;
	s21 =	sor.u32 $0x20, s3;
	[tilespmem:$0x1FE90] =	vst v1;
	v1 =	vor.u32 s4, v0  }
0x7: {  	s8 =	srdreg.scid;
	s28 =	simm.s32 $0x80;
	s6 =	sor.u32 $0x30, s3;
	[tilespmem:$0x1FEA0] =	vst v1;
	v1 =	vor.u32 s21, v0  }
0x8: {  	s29 =	simm.s32 $0xC180;
	s26 =	smul.u32 $0x30D40, s12;
	s7 =	sadd.s32 $0x40, s3;
	[tilespmem:$0x1FEB0] =	vst v1;
	v1 =	vor.u32 s6, v0  }
0x9: {  	s30 =	simm.s32 $0xBB00;
	s10 =	smul.u32 $0x424A0, s12;
	s22 =	sadd.s32 $0x50, s3;
	[tilespmem:$0x1FEC0] =	vst v1;
	v1 =	vor.u32 s7, v0  }
0xa: {  	s31 =	simm.s32 $0xC200;
	v7 =	vmul.u32 $0x3, v0;
	s15 =	smul.u32 $0x30D4, s12;
	s23 =	sadd.s32 $0x90, s3;
	[tilespmem:$0x1FED0] =	vst v1;
	v1 =	vor.u32 s22, v0  }
0xb: {  	s8 =	sand.u32 $0x1, s8;
	s20 =	smul.u32 $0xA80, s12;
	s24 =	sadd.s32 $0xA0, s3;
	[tilespmem:$0x1FEE0] =	vst v1;
	v1 =	vor.u32 s23, v0  }
0xc: {  	[smem:$0x7FF] =	sst s5;
	s9 =	smul.u32 $0x60, s8;
	v24 =	vadd.s32 $0x1, v7;
	s3 =	sadd.s32 $0xB0, s3;
	[tilespmem:$0x1FEF0] =	vst v1;
	v1 =	vor.u32 s24, v0  }
0xd: {  	s25 =	ssub.s32 $0x2, s8;
	s8 =	sshll.u32 s8, $0x2;
	v25 =	vadd.s32 $0x2, v7;
	v2 =	vadd.s32 $0x30, v7;
	v0 =	vor.u32 s3, v0;
	_ =	strace $0x80000047;
	[tilespmem:$0x1FF00] =	vst v1  }
0xe: {  	s11 =	sshrl.u32 s25, $0x1;
	v3 =	vadd.s32 $0x31, v7;
	v4 =	vadd.s32 $0x32, v7;
	s13 =	sshrl.u32 s26, $0x4;
	v5 =	vadd.s32 $0x60, v7;
	s14 =	sshrl.u32 s10, $0x2;
	[tilespmem:$0x1FF10] =	vst v0  }
0xf: {  	v6 =	vadd.s32 $0x61, v7;
	v8 =	vadd.s32 $0x62, v7;
	v9 =	vadd.s32 $0x90, v7;
	s1 =	sadd.s32 s1, s9;
	s9 =	simm.s32 $0x1;
	s4 =	simm.s32 $0x0;
	[tilespmem:$0x1FF20] =	vst v24  }
0x10: {  	v58 =	vimm.s32 $0x1;
	v10 =	vadd.s32 $0x91, v7;
	v11 =	vadd.s32 $0x92, v7;
	s21 =	sor.u32 s19, s8;
	s6 =	sadd.s32 $0xC00, s0;
	s7 =	sadd.s32 $0x192AC00, s0;
	[tilespmem:$0x1FF30] =	vst v25  }
0x11: {  	v12 =	vor.u32 $0xC0, v7;
	v13 =	vadd.s32 $0xC1, v7;
	v14 =	vadd.s32 $0xC2, v7;
	s0 =	sadd.s32 $0xC0C00, s0;
	s22 =	sshrl.u32 s20, $0x2;
	s23 =	sshll.u32 s12, $0x10;
	[tilespmem:$0x1FF40] =	vst v2  }
0x12: {  	v26 =	vadd.s32 $0xF0, v7;
	v27 =	vadd.s32 $0xF1, v7;
	v28 =	vadd.s32 $0xF2, v7;
	s24 =	sand.u32 $0x30000, s23;
	s23 =	simm.s32 $0xB280;
	[dreg:$0x6] =	wrdreg s0;
	[tilespmem:$0x1FF50] =	vst v3  }
0x13: {  	v29 =	vadd.s32 $0x120, v7;
	v30 =	vadd.s32 $0x121, v7;
	v31 =	vadd.s32 $0x122, v7;
	s0 =	ssub.s32 s25, s11;
	[dreg:$0x7] =	wrdreg s1;
	s1 =	sadd.s32 $0x30D4, s13;
	[tilespmem:$0x1FF60] =	vst v4  }
0x14: {  	v32 =	vadd.s32 $0x150, v7;
	v33 =	vadd.s32 $0x151, v7;
	v34 =	vadd.s32 $0x152, v7;
	s11 =	sadd.s32 s14, s2;
	s13 =	sand.u32 $0x3FFF8, s15;
	[dreg:$0x8] =	wrdreg s8;
	[tilespmem:$0x1FF70] =	vst v5  }
0x15: {  	v35 =	vor.u32 $0x180, v7;
	v36 =	vadd.s32 $0x181, v7;
	v37 =	vadd.s32 $0x182, v7;
	s8 =	smul.u32 $0xC0000, s21;
	s15 =	sadd.s32 s22, s2;
	[dreg:$0xa] =	wrdreg s24;
	[tilespmem:$0x1FF80] =	vst v6  }
0x16: {  	v38 =	vadd.s32 $0x1B0, v7;
	v39 =	vadd.s32 $0x1B1, v7;
	v40 =	vadd.s32 $0x1B2, v7;
	s21 =	sshll.u32 s21, $0x12;
	s24 =	simm.s32 $0x2;
	[dreg:$0x5] =	wrdreg s19;
	[tilespmem:$0x1FF90] =	vst v8  }
0x17: {  	v41 =	vadd.s32 $0x1E0, v7;
	v42 =	vadd.s32 $0x1E1, v7;
	v43 =	vadd.s32 $0x1E2, v7;
	[tilespmem:$0x1FFA0] =	vst v9;
	s17 =	sand.u32 $0x4, s1;
	s18 =	sadd.s32 $0x10800, s11;
	s0 =	smax.u32 s0, $0x1  }
0x18: {  	v44 =	vadd.s32 $0x210, v7;
	v45 =	vadd.s32 $0x211, v7;
	v46 =	vadd.s32 $0x212, v7;
	[tilespmem:$0x1FFB0] =	vst v10;
	[dreg:$0x9] =	wrdreg s18;
	s1 =	sadd.s32 s17, s1;
	s17 =	sadd.s32 s22, s16  }
0x19: {  	v47 =	vor.u32 $0x240, v7;
	v48 =	vadd.s32 $0x241, v7;
	v49 =	vadd.s32 $0x242, v7;
	[tilespmem:$0x1FFC0] =	vst v11;
	s25 =	sadd.s32 $0x40000, s8;
	s20 =	smov.u32 s8;
	[dreg:$0xd] =	wrdreg s0  }
0x1a: {  	v50 =	vadd.s32 $0x270, v7;
	v51 =	vadd.s32 $0x271, v7;
	v52 =	vadd.s32 $0x272, v7;
	[tilespmem:$0x1FFD0] =	vst v12;
	s26 =	sadd.s32 $0x80000, s8;
	s0 =	simm.s32 $0xC300;
	[dreg:$0xc] =	wrdreg s25  }
0x1b: {  	v53 =	vadd.s32 $0x2A0, v7;
	v54 =	vadd.s32 $0x2A1, v7;
	v55 =	vadd.s32 $0x2A2, v7;
	[tilespmem:$0x1FFE0] =	vst v13;
	s22 =	simm.s32 $0xA800;
	s14 =	sadd.s32 $0xFFFFFE00, s1;
	[dreg:$0xb] =	wrdreg s26  }
0x1c: {  	v56 =	vadd.s32 $0x2D0, v7;
	v57 =	vadd.s32 $0x2D1, v7;
	v1 =	vimm.f32 $0.0e+00;
	[tilespmem:$0x1FFF0] =	vst v14;
	s25 =	simm.s32 $0xB580;
	s26 =	simm.s32 $0xBB80;
	s1 =	simm.s32 $0xC280  }
.LBB2_1:
0x1d: {  	[dreg:$0xe] =	wrdreg s4  }
0x1e: {  	s3 =	rddreg [dreg:$0x7];
	s18 =	simm.s32 $0xC380  }
0x1f: {  	[tilespmem:s18], [sflag:$0x2] =	stream.linear.gather [hbm4b:s3+s5], $0x300, $0x38;
	[tilespmem:$0x1FA28] =	vst v63  }
0x20: {  	_ =	swait.ge [sflag:s24], $0x300  }
0x21: {  	[sflag:s24] =	ssyncset.done $0x0  }
0x22: {  	v0 =	vimm.f32 $1.000000000e+00;
	[sflag:s24] =	ssyncadd.s32 $0xFFFFFD00  }
0x23: {  	[tilespmem:$0xBB00] =	vst v0  }
0x24: {  	[tilespmem:$0xBB10] =	vst v0  }
0x25: {  	[tilespmem:$0xBB20] =	vst v0  }
0x26: {  	[tilespmem:$0xBB30] =	vst v0  }
0x27: {  	[tilespmem:$0xBB40] =	vst v0  }
0x28: {  	[tilespmem:$0xBB50] =	vst v0  }
0x29: {  	[tilespmem:$0xBB60] =	vst v0  }
0x2a: {  	s4 =	simm.s32 $0x0;
	s3 =	simm.s32 $0x40;
	[tilespmem:$0xBB70] =	vst v0  }
.LBB2_2:
0x2b: {  	p0 =	sne.s32 s3, $0x15C0;
	[tilespmem:s4+$0xB580] =	vst v1;
	s4 =	smov.u32 s3;
	s3 =	sadd.s32 $0x40, s3  }
.Ltmp0:
0x2c: {  	(pc) =	sbr.rel @p0 .LBB2_2-.Ltmp0, $2  }
0x2d: {  	_ =	sdelay $0x2  }
0x2e: {  	s4 =	sshra.s32 s4, $0x2  }
0x2f: {  	[tilespmem:s4+$0xB580] =	vst v1;
	s4 =	simm.s32 $0x0  }
.LBB2_4:
0x30: {  	s3 =	smul.u32 $0xC0, s4;
	_ =	sdelay $0x1  }
0x31: {  	v59 =	vld [tilespmem:s3+$0xC3E0]  }
0x32: {  	v60 =	vld [tilespmem:s3+$0xC3F0]  }
0x33: {  	v62 =	vld [tilespmem:s3+$0xC410]  }
0x34: {  	v63 =	vld [tilespmem:s3+$0xC420]  }
0x35: {  	s18 =	sadd.s32 $0x0, s11;
	s8 =	sand.u32 $0x3C0, s3;
	v0 =	vld [tilespmem:s3+$0xC430]  }
0x36: {  	v61 =	vld [tilespmem:s8+$0xC400];
	[spmem:s18] =	stream.linear.scatter [tilespmem:s25], [sflag:$0x2], $0x580, $0x38  }
0x37: {  	_ =	swait.ge [sflag:s24], $0x580  }
0x38: {  	v5 =	vld [tilespmem:$0x1FF40]  }
0x39: {  	v6 =	vld [tilespmem:$0x1FF50]  }
0x3a: {  	v8 =	vld [tilespmem:$0x1FF60]  }
0x3b: {  	v9 =	vld [tilespmem:$0x1FF70]  }
0x3c: {  	v10 =	vld [tilespmem:$0x1FF80]  }
0x3d: {  	v11 =	vld [tilespmem:$0x1FF90]  }
0x3e: {  	v12 =	vld [tilespmem:$0x1FFA0]  }
0x3f: {  	v13 =	vld [tilespmem:$0x1FFB0]  }
0x40: {  	v14 =	vld [tilespmem:$0x1FFC0]  }
0x41: {  	v15 =	vld [tilespmem:$0x1FFD0]  }
0x42: {  	v16 =	vld [tilespmem:$0x1FFE0]  }
0x43: {  	s3 =	simm.s32 $0x1600;
	v17 =	vld [tilespmem:$0x1FFF0]  }
.LBB2_5:
0x44: {  	s8 =	sshra.s32 s3, $0x2;
	[sflag:s24] =	ssyncset.done $0x0;
	p0 =	sne.s32 s3, $0x40A00  }
.Ltmp1:
0x45: {  	s8 =	sadd.s32 s8, s11;
	[sflag:s24] =	ssyncadd.s32 $0xFFFFFA80;
	(pc) =	sbr.rel @p0 .LBB2_5-.Ltmp1, $3  }
0x46: {  	[spmem:s8] =	stream.linear.scatter [tilespmem:s25], [sflag:$0x2], $0x580, $0x38;
	[tilespmem:$0x1FA28] =	vst v63  }
0x47: {  	s3 =	sadd.s32 $0x1600, s3;
	_ =	sdelay $0x1  }
0x48: {  	_ =	swait.ge [sflag:s24], $0x580  }
0x49: {  	[sflag:s24] =	ssyncset.done $0x0  }
0x4a: {  	s3 =	rddreg [dreg:$0x9];
	[sflag:s24] =	ssyncadd.s32 $0xFFFFFA80  }
0x4b: {  	[spmem:s3] =	stream.linear.scatter [tilespmem:s25], [sflag:$0x2], $0x128, $0x38;
	[tilespmem:$0x1FA28] =	vst v63  }
0x4c: {  	_ =	swait.ge [sflag:s24], $0x128  }
0x4d: {  	[sflag:s24] =	ssyncset.done $0x0;
	s18 =	rddreg [dreg:$0x8]  }
0x4e: {  	s3 =	sadd.s32 s18, s4;
	[sflag:s24] =	ssyncadd.s32 $0xFFFFFED8  }
0x4f: {  	s8 =	simm.s32 $0x0;
	[bflag:$0x0] =	sbarrier.arrive $0xFFFF;
	s3 =	smul.u32 $0x927C0, s3  }
.LBB2_7:
0x50: {  	s10 =	sadd.s32 s8, s13  }
0x51: {  	s12 =	smov.u32 s14;
	p0 =	slt.s32 s10, s14  }
0x52: {  	s12 =	smov.u32 @p0 s10  }
0x53: {  	s10 =	smul.u32 $0x3, s12;
	_ =	sdelay $0x1  }
0x54: {  	s10 =	sadd.s32 s3, s10  }
0x55: {  	s10 =	sshrl.u32 s10, $0x3  }
0x56: {  	s10 =	sadd.s32 s7, s10  }
0x57: {  	[tilespmem:s26], [sflag:$0x2] =	stream.linear.gather [hbm4b:s10+s5], $0x600, $0x38;
	[tilespmem:$0x1FA28] =	vst v63  }
0x58: {  	_ =	swait.ge [sflag:s24], $0x600  }
0x59: {  	[sflag:s24] =	ssyncset.done $0x0  }
0x5a: {  	[sflag:s24] =	ssyncadd.s32 $0xFFFFFA00  }
0x5b: {  	v1 =	vld.idx.msk [tilespmem:v7+s26+$0x0], $0xffff  }
0x5c: {  	v2 =	vld.idx.msk [tilespmem:v24+s26+$0x0], $0xffff  }
0x5d: {  	v3 =	vld.idx.msk [tilespmem:v25+s26+$0x0], $0xffff;
	_ =	sdelay $0x2  }
0x5e: {  	v1 =	vsub.f32 v1, v59  }
0x5f: {  	v2 =	vsub.f32 v2, v60  }
0x60: {  	v3 =	vsub.f32 v3, v61;
	vm0 =	vge.f32 v1, $0.0e+00  }
0x61: {  	vm1 =	vlt.f32 v1, v62;
	vm2 =	vge.f32 v2, $0.0e+00;
	v1 =	vtrunc.f32 v1  }
0x62: {  	v4 =	vtrunc.f32 v3;
	vm7 =	vlt.f32 v2, v63;
	v1 =	vcvt.f32.s32 v1  }
0x63: {  	v2 =	vtrunc.f32 v2;
	vm0 =	vmand vm0, vm2;
	v4 =	vcvt.f32.s32 v4  }
0x64: {  	v2 =	vcvt.f32.s32 v2;
	vm0 =	vmand vm0, vm1;
	v1 =	vmul.u32 $0x68, v1  }
0x65: {  	vm8 =	vge.f32 v3, $0.0e+00;
	vm0 =	vmand vm7, vm0;
	v4 =	vmul.u32 $0x2A00, v4  }
0x66: {  	vm9 =	vlt.f32 v3, v0;
	vm0 =	vmand vm8, vm0;
	v1 =	vadd.s32 v2, v1  }
0x67: {  	vm0 =	vmand vm9, vm0;
	v1 =	vadd.s32 v4, v1  }
0x68: {  	v1 =	vnsel vm0, $0x109200, v1  }
0x69: {  	[tilespmem:$0xC180] =	vst v1  }
0x6a: {  	v1 =	vld.idx.msk [tilespmem:v5+s26+$0x0], $0xffff  }
0x6b: {  	v2 =	vld.idx.msk [tilespmem:v6+s26+$0x0], $0xffff  }
0x6c: {  	v3 =	vld.idx.msk [tilespmem:v8+s26+$0x0], $0xffff;
	_ =	sdelay $0x2  }
0x6d: {  	v1 =	vsub.f32 v1, v59  }
0x6e: {  	v2 =	vsub.f32 v2, v60  }
0x6f: {  	v3 =	vsub.f32 v3, v61;
	vm10 =	vge.f32 v1, $0.0e+00  }
0x70: {  	vm11 =	vlt.f32 v1, v62;
	vm12 =	vge.f32 v2, $0.0e+00;
	v1 =	vtrunc.f32 v1  }
0x71: {  	v4 =	vtrunc.f32 v3;
	vm13 =	vlt.f32 v2, v63;
	v1 =	vcvt.f32.s32 v1  }
0x72: {  	v2 =	vtrunc.f32 v2;
	vm0 =	vmand vm10, vm12;
	v4 =	vcvt.f32.s32 v4  }
0x73: {  	v2 =	vcvt.f32.s32 v2;
	vm0 =	vmand vm0, vm11;
	v1 =	vmul.u32 $0x68, v1  }
0x74: {  	vm14 =	vge.f32 v3, $0.0e+00;
	vm0 =	vmand vm13, vm0;
	v4 =	vmul.u32 $0x2A00, v4  }
0x75: {  	vm15 =	vlt.f32 v3, v0;
	vm0 =	vmand vm14, vm0;
	v1 =	vadd.s32 v2, v1  }
0x76: {  	vm0 =	vmand vm15, vm0;
	v1 =	vadd.s32 v4, v1  }
0x77: {  	v1 =	vnsel vm0, $0x109200, v1  }
0x78: {  	[tilespmem:$0xC190] =	vst v1  }
0x79: {  	v1 =	vld.idx.msk [tilespmem:v9+s26+$0x0], $0xffff  }
0x7a: {  	v2 =	vld.idx.msk [tilespmem:v10+s26+$0x0], $0xffff  }
0x7b: {  	v3 =	vld.idx.msk [tilespmem:v11+s26+$0x0], $0xffff;
	_ =	sdelay $0x2  }
0x7c: {  	v1 =	vsub.f32 v1, v59  }
0x7d: {  	v2 =	vsub.f32 v2, v60  }
0x7e: {  	v3 =	vsub.f32 v3, v61;
	vm4 =	vge.f32 v1, $0.0e+00  }
0x7f: {  	vm5 =	vlt.f32 v1, v62;
	vm6 =	vge.f32 v2, $0.0e+00;
	v1 =	vtrunc.f32 v1  }
0x80: {  	v4 =	vtrunc.f32 v3;
	vm7 =	vlt.f32 v2, v63;
	v1 =	vcvt.f32.s32 v1  }
0x81: {  	v2 =	vtrunc.f32 v2;
	vm0 =	vmand vm4, vm6;
	v4 =	vcvt.f32.s32 v4  }
0x82: {  	v2 =	vcvt.f32.s32 v2;
	vm0 =	vmand vm0, vm5;
	v1 =	vmul.u32 $0x68, v1  }
0x83: {  	vm8 =	vge.f32 v3, $0.0e+00;
	vm0 =	vmand vm7, vm0;
	v4 =	vmul.u32 $0x2A00, v4  }
0x84: {  	vm9 =	vlt.f32 v3, v0;
	vm0 =	vmand vm8, vm0;
	v1 =	vadd.s32 v2, v1  }
0x85: {  	vm0 =	vmand vm9, vm0;
	v1 =	vadd.s32 v4, v1  }
0x86: {  	v1 =	vnsel vm0, $0x109200, v1  }
0x87: {  	[tilespmem:$0xC1A0] =	vst v1  }
0x88: {  	v1 =	vld.idx.msk [tilespmem:v12+s26+$0x0], $0xffff  }
0x89: {  	v2 =	vld.idx.msk [tilespmem:v13+s26+$0x0], $0xffff  }
0x8a: {  	v3 =	vld.idx.msk [tilespmem:v14+s26+$0x0], $0xffff;
	_ =	sdelay $0x2  }
0x8b: {  	v1 =	vsub.f32 v1, v59  }
0x8c: {  	v2 =	vsub.f32 v2, v60  }
0x8d: {  	v3 =	vsub.f32 v3, v61;
	vm10 =	vge.f32 v1, $0.0e+00  }
0x8e: {  	vm11 =	vlt.f32 v1, v62;
	vm12 =	vge.f32 v2, $0.0e+00;
	v1 =	vtrunc.f32 v1  }
0x8f: {  	v4 =	vtrunc.f32 v3;
	vm13 =	vlt.f32 v2, v63;
	v1 =	vcvt.f32.s32 v1  }
0x90: {  	v2 =	vtrunc.f32 v2;
	vm0 =	vmand vm10, vm12;
	v4 =	vcvt.f32.s32 v4  }
0x91: {  	v2 =	vcvt.f32.s32 v2;
	vm0 =	vmand vm0, vm11;
	v1 =	vmul.u32 $0x68, v1  }
0x92: {  	vm14 =	vge.f32 v3, $0.0e+00;
	vm0 =	vmand vm13, vm0;
	v4 =	vmul.u32 $0x2A00, v4  }
0x93: {  	vm15 =	vlt.f32 v3, v0;
	vm0 =	vmand vm14, vm0;
	v1 =	vadd.s32 v2, v1  }
0x94: {  	vm0 =	vmand vm15, vm0;
	v1 =	vadd.s32 v4, v1  }
0x95: {  	v1 =	vnsel vm0, $0x109200, v1  }
0x96: {  	[tilespmem:$0xC1B0] =	vst v1  }
0x97: {  	v1 =	vld.idx.msk [tilespmem:v15+s26+$0x0], $0xffff  }
0x98: {  	v2 =	vld.idx.msk [tilespmem:v16+s26+$0x0], $0xffff  }
0x99: {  	v3 =	vld.idx.msk [tilespmem:v17+s26+$0x0], $0xffff;
	_ =	sdelay $0x2  }
0x9a: {  	v1 =	vsub.f32 v1, v59  }
0x9b: {  	v2 =	vsub.f32 v2, v60  }
0x9c: {  	v3 =	vsub.f32 v3, v61;
	vm4 =	vge.f32 v1, $0.0e+00  }
0x9d: {  	vm5 =	vlt.f32 v1, v62;
	vm6 =	vge.f32 v2, $0.0e+00;
	v1 =	vtrunc.f32 v1  }
0x9e: {  	v4 =	vtrunc.f32 v3;
	vm7 =	vlt.f32 v2, v63;
	v1 =	vcvt.f32.s32 v1  }
0x9f: {  	v2 =	vtrunc.f32 v2;
	vm0 =	vmand vm4, vm6;
	v4 =	vcvt.f32.s32 v4  }
0xa0: {  	v2 =	vcvt.f32.s32 v2;
	vm0 =	vmand vm0, vm5;
	v1 =	vmul.u32 $0x68, v1  }
0xa1: {  	vm8 =	vge.f32 v3, $0.0e+00;
	vm0 =	vmand vm7, vm0;
	v4 =	vmul.u32 $0x2A00, v4  }
0xa2: {  	vm9 =	vlt.f32 v3, v0;
	vm0 =	vmand vm8, vm0;
	v1 =	vadd.s32 v2, v1  }
0xa3: {  	vm0 =	vmand vm9, vm0;
	v1 =	vadd.s32 v4, v1  }
0xa4: {  	v1 =	vnsel vm0, $0x109200, v1  }
0xa5: {  	[tilespmem:$0xC1C0] =	vst v1  }
0xa6: {  	v1 =	vld.idx.msk [tilespmem:v26+s26+$0x0], $0xffff  }
0xa7: {  	v2 =	vld.idx.msk [tilespmem:v27+s26+$0x0], $0xffff  }
0xa8: {  	v3 =	vld.idx.msk [tilespmem:v28+s26+$0x0], $0xffff;
	_ =	sdelay $0x2  }
0xa9: {  	v1 =	vsub.f32 v1, v59  }
0xaa: {  	v2 =	vsub.f32 v2, v60  }
0xab: {  	v3 =	vsub.f32 v3, v61;
	vm10 =	vge.f32 v1, $0.0e+00  }
0xac: {  	vm11 =	vlt.f32 v1, v62;
	vm12 =	vge.f32 v2, $0.0e+00;
	v1 =	vtrunc.f32 v1  }
0xad: {  	v4 =	vtrunc.f32 v3;
	vm13 =	vlt.f32 v2, v63;
	v1 =	vcvt.f32.s32 v1  }
0xae: {  	v2 =	vtrunc.f32 v2;
	vm0 =	vmand vm10, vm12;
	v4 =	vcvt.f32.s32 v4  }
0xaf: {  	v2 =	vcvt.f32.s32 v2;
	vm0 =	vmand vm0, vm11;
	v1 =	vmul.u32 $0x68, v1  }
0xb0: {  	vm14 =	vge.f32 v3, $0.0e+00;
	vm0 =	vmand vm13, vm0;
	v4 =	vmul.u32 $0x2A00, v4  }
0xb1: {  	vm15 =	vlt.f32 v3, v0;
	vm0 =	vmand vm14, vm0;
	v1 =	vadd.s32 v2, v1  }
0xb2: {  	vm0 =	vmand vm15, vm0;
	v1 =	vadd.s32 v4, v1  }
0xb3: {  	v1 =	vnsel vm0, $0x109200, v1  }
0xb4: {  	[tilespmem:$0xC1D0] =	vst v1  }
0xb5: {  	v1 =	vld.idx.msk [tilespmem:v29+s26+$0x0], $0xffff  }
0xb6: {  	v2 =	vld.idx.msk [tilespmem:v30+s26+$0x0], $0xffff  }
0xb7: {  	v3 =	vld.idx.msk [tilespmem:v31+s26+$0x0], $0xffff;
	_ =	sdelay $0x2  }
0xb8: {  	v1 =	vsub.f32 v1, v59  }
0xb9: {  	v2 =	vsub.f32 v2, v60  }
0xba: {  	v3 =	vsub.f32 v3, v61;
	vm4 =	vge.f32 v1, $0.0e+00  }
0xbb: {  	vm5 =	vlt.f32 v1, v62;
	vm6 =	vge.f32 v2, $0.0e+00;
	v1 =	vtrunc.f32 v1  }
0xbc: {  	v4 =	vtrunc.f32 v3;
	vm7 =	vlt.f32 v2, v63;
	v1 =	vcvt.f32.s32 v1  }
0xbd: {  	v2 =	vtrunc.f32 v2;
	vm0 =	vmand vm4, vm6;
	v4 =	vcvt.f32.s32 v4  }
0xbe: {  	v2 =	vcvt.f32.s32 v2;
	vm0 =	vmand vm0, vm5;
	v1 =	vmul.u32 $0x68, v1  }
0xbf: {  	vm8 =	vge.f32 v3, $0.0e+00;
	vm0 =	vmand vm7, vm0;
	v4 =	vmul.u32 $0x2A00, v4  }
0xc0: {  	vm9 =	vlt.f32 v3, v0;
	vm0 =	vmand vm8, vm0;
	v1 =	vadd.s32 v2, v1  }
0xc1: {  	vm0 =	vmand vm9, vm0;
	v1 =	vadd.s32 v4, v1  }
0xc2: {  	v1 =	vnsel vm0, $0x109200, v1  }
0xc3: {  	[tilespmem:$0xC1E0] =	vst v1  }
0xc4: {  	v1 =	vld.idx.msk [tilespmem:v32+s26+$0x0], $0xffff  }
0xc5: {  	v2 =	vld.idx.msk [tilespmem:v33+s26+$0x0], $0xffff  }
0xc6: {  	v3 =	vld.idx.msk [tilespmem:v34+s26+$0x0], $0xffff;
	_ =	sdelay $0x2  }
0xc7: {  	v1 =	vsub.f32 v1, v59  }
0xc8: {  	v2 =	vsub.f32 v2, v60  }
0xc9: {  	v3 =	vsub.f32 v3, v61;
	vm10 =	vge.f32 v1, $0.0e+00  }
0xca: {  	vm11 =	vlt.f32 v1, v62;
	vm12 =	vge.f32 v2, $0.0e+00;
	v1 =	vtrunc.f32 v1  }
0xcb: {  	v4 =	vtrunc.f32 v3;
	vm13 =	vlt.f32 v2, v63;
	v1 =	vcvt.f32.s32 v1  }
0xcc: {  	v2 =	vtrunc.f32 v2;
	vm0 =	vmand vm10, vm12;
	v4 =	vcvt.f32.s32 v4  }
0xcd: {  	v2 =	vcvt.f32.s32 v2;
	vm0 =	vmand vm0, vm11;
	v1 =	vmul.u32 $0x68, v1  }
0xce: {  	vm14 =	vge.f32 v3, $0.0e+00;
	vm0 =	vmand vm13, vm0;
	v4 =	vmul.u32 $0x2A00, v4  }
0xcf: {  	vm15 =	vlt.f32 v3, v0;
	vm0 =	vmand vm14, vm0;
	v1 =	vadd.s32 v2, v1  }
0xd0: {  	vm0 =	vmand vm15, vm0;
	v1 =	vadd.s32 v4, v1  }
0xd1: {  	v1 =	vnsel vm0, $0x109200, v1  }
0xd2: {  	[tilespmem:$0xC1F0] =	vst v1  }
0xd3: {  	[spmem:s2] =	stream.indirect.scatter [tilespmem:s30], [sflag:$0x1], $0x1, s29, s28, $0xb8;
	[tilespmem:$0x1FA28] =	vst v63  }
0xd4: {  	v1 =	vld.idx.msk [tilespmem:v35+s26+$0x0], $0xffff  }
0xd5: {  	v2 =	vld.idx.msk [tilespmem:v36+s26+$0x0], $0xffff  }
0xd6: {  	v3 =	vld.idx.msk [tilespmem:v37+s26+$0x0], $0xffff;
	_ =	sdelay $0x2  }
0xd7: {  	v1 =	vsub.f32 v1, v59  }
0xd8: {  	v2 =	vsub.f32 v2, v60  }
0xd9: {  	v3 =	vsub.f32 v3, v61;
	vm4 =	vge.f32 v1, $0.0e+00  }
0xda: {  	vm5 =	vlt.f32 v1, v62;
	vm6 =	vge.f32 v2, $0.0e+00;
	v1 =	vtrunc.f32 v1  }
0xdb: {  	v4 =	vtrunc.f32 v3;
	vm7 =	vlt.f32 v2, v63;
	v1 =	vcvt.f32.s32 v1  }
0xdc: {  	v2 =	vtrunc.f32 v2;
	vm0 =	vmand vm4, vm6;
	v4 =	vcvt.f32.s32 v4  }
0xdd: {  	v2 =	vcvt.f32.s32 v2;
	vm0 =	vmand vm0, vm5;
	v1 =	vmul.u32 $0x68, v1  }
0xde: {  	vm8 =	vge.f32 v3, $0.0e+00;
	vm0 =	vmand vm7, vm0;
	v4 =	vmul.u32 $0x2A00, v4  }
0xdf: {  	vm9 =	vlt.f32 v3, v0;
	vm0 =	vmand vm8, vm0;
	v1 =	vadd.s32 v2, v1  }
0xe0: {  	vm0 =	vmand vm9, vm0;
	v1 =	vadd.s32 v4, v1  }
0xe1: {  	v1 =	vnsel vm0, $0x109200, v1  }
0xe2: {  	[tilespmem:$0xC200] =	vst v1  }
0xe3: {  	v1 =	vld.idx.msk [tilespmem:v38+s26+$0x0], $0xffff  }
0xe4: {  	v2 =	vld.idx.msk [tilespmem:v39+s26+$0x0], $0xffff  }
0xe5: {  	v3 =	vld.idx.msk [tilespmem:v40+s26+$0x0], $0xffff;
	_ =	sdelay $0x2  }
0xe6: {  	v1 =	vsub.f32 v1, v59  }
0xe7: {  	v2 =	vsub.f32 v2, v60  }
0xe8: {  	v3 =	vsub.f32 v3, v61;
	vm10 =	vge.f32 v1, $0.0e+00  }
0xe9: {  	vm11 =	vlt.f32 v1, v62;
	vm12 =	vge.f32 v2, $0.0e+00;
	v1 =	vtrunc.f32 v1  }
0xea: {  	v4 =	vtrunc.f32 v3;
	vm13 =	vlt.f32 v2, v63;
	v1 =	vcvt.f32.s32 v1  }
0xeb: {  	v2 =	vtrunc.f32 v2;
	vm0 =	vmand vm10, vm12;
	v4 =	vcvt.f32.s32 v4  }
0xec: {  	v2 =	vcvt.f32.s32 v2;
	vm0 =	vmand vm0, vm11;
	v1 =	vmul.u32 $0x68, v1  }
0xed: {  	vm14 =	vge.f32 v3, $0.0e+00;
	vm0 =	vmand vm13, vm0;
	v4 =	vmul.u32 $0x2A00, v4  }
0xee: {  	vm15 =	vlt.f32 v3, v0;
	vm0 =	vmand vm14, vm0;
	v1 =	vadd.s32 v2, v1  }
0xef: {  	vm0 =	vmand vm15, vm0;
	v1 =	vadd.s32 v4, v1  }
0xf0: {  	v1 =	vnsel vm0, $0x109200, v1  }
0xf1: {  	[tilespmem:$0xC210] =	vst v1  }
0xf2: {  	v1 =	vld.idx.msk [tilespmem:v41+s26+$0x0], $0xffff  }
0xf3: {  	v2 =	vld.idx.msk [tilespmem:v42+s26+$0x0], $0xffff  }
0xf4: {  	v3 =	vld.idx.msk [tilespmem:v43+s26+$0x0], $0xffff;
	_ =	sdelay $0x2  }
0xf5: {  	v1 =	vsub.f32 v1, v59  }
0xf6: {  	v2 =	vsub.f32 v2, v60  }
0xf7: {  	v3 =	vsub.f32 v3, v61;
	vm4 =	vge.f32 v1, $0.0e+00  }
0xf8: {  	vm5 =	vlt.f32 v1, v62;
	vm6 =	vge.f32 v2, $0.0e+00;
	v1 =	vtrunc.f32 v1  }
0xf9: {  	v4 =	vtrunc.f32 v3;
	vm7 =	vlt.f32 v2, v63;
	v1 =	vcvt.f32.s32 v1  }
0xfa: {  	v2 =	vtrunc.f32 v2;
	vm0 =	vmand vm4, vm6;
	v4 =	vcvt.f32.s32 v4  }
0xfb: {  	v2 =	vcvt.f32.s32 v2;
	vm0 =	vmand vm0, vm5;
	v1 =	vmul.u32 $0x68, v1  }
0xfc: {  	vm8 =	vge.f32 v3, $0.0e+00;
	vm0 =	vmand vm7, vm0;
	v4 =	vmul.u32 $0x2A00, v4  }
0xfd: {  	vm9 =	vlt.f32 v3, v0;
	vm0 =	vmand vm8, vm0;
	v1 =	vadd.s32 v2, v1  }
0xfe: {  	vm0 =	vmand vm9, vm0;
	v1 =	vadd.s32 v4, v1  }
0xff: {  	v1 =	vnsel vm0, $0x109200, v1  }
0x100: {  	[tilespmem:$0xC220] =	vst v1  }
0x101: {  	v1 =	vld.idx.msk [tilespmem:v44+s26+$0x0], $0xffff  }
0x102: {  	v2 =	vld.idx.msk [tilespmem:v45+s26+$0x0], $0xffff  }
0x103: {  	v3 =	vld.idx.msk [tilespmem:v46+s26+$0x0], $0xffff;
	_ =	sdelay $0x2  }
0x104: {  	v1 =	vsub.f32 v1, v59  }
0x105: {  	v2 =	vsub.f32 v2, v60  }
0x106: {  	v3 =	vsub.f32 v3, v61;
	vm10 =	vge.f32 v1, $0.0e+00  }
0x107: {  	vm11 =	vlt.f32 v1, v62;
	vm12 =	vge.f32 v2, $0.0e+00;
	v1 =	vtrunc.f32 v1  }
0x108: {  	v4 =	vtrunc.f32 v3;
	vm13 =	vlt.f32 v2, v63;
	v1 =	vcvt.f32.s32 v1  }
0x109: {  	v2 =	vtrunc.f32 v2;
	vm0 =	vmand vm10, vm12;
	v4 =	vcvt.f32.s32 v4  }
0x10a: {  	v2 =	vcvt.f32.s32 v2;
	vm0 =	vmand vm0, vm11;
	v1 =	vmul.u32 $0x68, v1  }
0x10b: {  	vm14 =	vge.f32 v3, $0.0e+00;
	vm0 =	vmand vm13, vm0;
	v4 =	vmul.u32 $0x2A00, v4  }
0x10c: {  	vm15 =	vlt.f32 v3, v0;
	vm0 =	vmand vm14, vm0;
	v1 =	vadd.s32 v2, v1  }
0x10d: {  	vm0 =	vmand vm15, vm0;
	v1 =	vadd.s32 v4, v1  }
0x10e: {  	v1 =	vnsel vm0, $0x109200, v1  }
0x10f: {  	[tilespmem:$0xC230] =	vst v1  }
0x110: {  	v1 =	vld.idx.msk [tilespmem:v47+s26+$0x0], $0xffff  }
0x111: {  	v2 =	vld.idx.msk [tilespmem:v48+s26+$0x0], $0xffff  }
0x112: {  	v3 =	vld.idx.msk [tilespmem:v49+s26+$0x0], $0xffff;
	_ =	sdelay $0x2  }
0x113: {  	v1 =	vsub.f32 v1, v59  }
0x114: {  	v2 =	vsub.f32 v2, v60  }
0x115: {  	v3 =	vsub.f32 v3, v61;
	vm4 =	vge.f32 v1, $0.0e+00  }
0x116: {  	vm5 =	vlt.f32 v1, v62;
	vm6 =	vge.f32 v2, $0.0e+00;
	v1 =	vtrunc.f32 v1  }
0x117: {  	v4 =	vtrunc.f32 v3;
	vm7 =	vlt.f32 v2, v63;
	v1 =	vcvt.f32.s32 v1  }
0x118: {  	v2 =	vtrunc.f32 v2;
	vm0 =	vmand vm4, vm6;
	v4 =	vcvt.f32.s32 v4  }
0x119: {  	v2 =	vcvt.f32.s32 v2;
	vm0 =	vmand vm0, vm5;
	v1 =	vmul.u32 $0x68, v1  }
0x11a: {  	vm8 =	vge.f32 v3, $0.0e+00;
	vm0 =	vmand vm7, vm0;
	v4 =	vmul.u32 $0x2A00, v4  }
0x11b: {  	vm9 =	vlt.f32 v3, v0;
	vm0 =	vmand vm8, vm0;
	v1 =	vadd.s32 v2, v1  }
0x11c: {  	vm0 =	vmand vm9, vm0;
	v1 =	vadd.s32 v4, v1  }
0x11d: {  	v1 =	vnsel vm0, $0x109200, v1  }
0x11e: {  	[tilespmem:$0xC240] =	vst v1  }
0x11f: {  	v1 =	vld.idx.msk [tilespmem:v50+s26+$0x0], $0xffff  }
0x120: {  	v2 =	vld.idx.msk [tilespmem:v51+s26+$0x0], $0xffff  }
0x121: {  	v3 =	vld.idx.msk [tilespmem:v52+s26+$0x0], $0xffff;
	_ =	sdelay $0x2  }
0x122: {  	v1 =	vsub.f32 v1, v59  }
0x123: {  	v2 =	vsub.f32 v2, v60  }
0x124: {  	v3 =	vsub.f32 v3, v61;
	vm10 =	vge.f32 v1, $0.0e+00  }
0x125: {  	vm11 =	vlt.f32 v1, v62;
	vm12 =	vge.f32 v2, $0.0e+00;
	v1 =	vtrunc.f32 v1  }
0x126: {  	v4 =	vtrunc.f32 v3;
	vm13 =	vlt.f32 v2, v63;
	v1 =	vcvt.f32.s32 v1  }
0x127: {  	v2 =	vtrunc.f32 v2;
	vm0 =	vmand vm10, vm12;
	v4 =	vcvt.f32.s32 v4  }
0x128: {  	v2 =	vcvt.f32.s32 v2;
	vm0 =	vmand vm0, vm11;
	v1 =	vmul.u32 $0x68, v1  }
0x129: {  	vm14 =	vge.f32 v3, $0.0e+00;
	vm0 =	vmand vm13, vm0;
	v4 =	vmul.u32 $0x2A00, v4  }
0x12a: {  	vm15 =	vlt.f32 v3, v0;
	vm0 =	vmand vm14, vm0;
	v1 =	vadd.s32 v2, v1  }
0x12b: {  	vm0 =	vmand vm15, vm0;
	v1 =	vadd.s32 v4, v1  }
0x12c: {  	v1 =	vnsel vm0, $0x109200, v1  }
0x12d: {  	[tilespmem:$0xC250] =	vst v1  }
0x12e: {  	v1 =	vld.idx.msk [tilespmem:v53+s26+$0x0], $0xffff  }
0x12f: {  	v2 =	vld.idx.msk [tilespmem:v54+s26+$0x0], $0xffff  }
0x130: {  	v3 =	vld.idx.msk [tilespmem:v55+s26+$0x0], $0xffff;
	_ =	sdelay $0x2  }
0x131: {  	v1 =	vsub.f32 v1, v59  }
0x132: {  	v2 =	vsub.f32 v2, v60  }
0x133: {  	v3 =	vsub.f32 v3, v61;
	vm4 =	vge.f32 v1, $0.0e+00  }
0x134: {  	vm5 =	vlt.f32 v1, v62;
	vm6 =	vge.f32 v2, $0.0e+00;
	v1 =	vtrunc.f32 v1  }
0x135: {  	v4 =	vtrunc.f32 v3;
	vm7 =	vlt.f32 v2, v63;
	v1 =	vcvt.f32.s32 v1  }
0x136: {  	v2 =	vtrunc.f32 v2;
	vm0 =	vmand vm4, vm6;
	v4 =	vcvt.f32.s32 v4  }
0x137: {  	v2 =	vcvt.f32.s32 v2;
	vm0 =	vmand vm0, vm5;
	v1 =	vmul.u32 $0x68, v1  }
0x138: {  	vm8 =	vge.f32 v3, $0.0e+00;
	vm0 =	vmand vm7, vm0;
	v4 =	vmul.u32 $0x2A00, v4  }
0x139: {  	vm9 =	vlt.f32 v3, v0;
	vm0 =	vmand vm8, vm0;
	v1 =	vadd.s32 v2, v1  }
0x13a: {  	vm0 =	vmand vm9, vm0;
	v1 =	vadd.s32 v4, v1  }
0x13b: {  	v1 =	vnsel vm0, $0x109200, v1  }
0x13c: {  	[tilespmem:$0xC260] =	vst v1;
	v1 =	vadd.s32 $0x2D2, v7;
	_ =	sdelay $0x1  }
0x13d: {  	v2 =	vld.idx.msk [tilespmem:v56+s26+$0x0], $0xffff  }
0x13e: {  	v3 =	vld.idx.msk [tilespmem:v57+s26+$0x0], $0xffff;
	_ =	sdelay $0x1  }
0x13f: {  	v1 =	vld.idx.msk [tilespmem:v1+s26+$0x0], $0xffff;
	_ =	sdelay $0x2  }
0x140: {  	v2 =	vsub.f32 v2, v59;
	v3 =	vsub.f32 v3, v60;
	_ =	sdelay $0x1  }
0x141: {  	vm10 =	vge.f32 v2, $0.0e+00;
	vm11 =	vge.f32 v3, $0.0e+00;
	v1 =	vsub.f32 v1, v61  }
0x142: {  	vm12 =	vlt.f32 v2, v62;
	v2 =	vtrunc.f32 v2;
	vm13 =	vlt.f32 v3, v63  }
0x143: {  	vm0 =	vmand vm10, vm11;
	v2 =	vcvt.f32.s32 v2;
	v4 =	vtrunc.f32 v1  }
0x144: {  	v3 =	vtrunc.f32 v3;
	vm0 =	vmand vm0, vm12;
	v4 =	vcvt.f32.s32 v4  }
0x145: {  	v3 =	vcvt.f32.s32 v3;
	vm0 =	vmand vm13, vm0;
	v2 =	vmul.u32 $0x68, v2  }
0x146: {  	vm14 =	vge.f32 v1, $0.0e+00;
	vm15 =	vlt.f32 v1, v0;
	v4 =	vmul.u32 $0x2A00, v4  }
0x147: {  	vm0 =	vmand vm14, vm0;
	v1 =	vadd.s32 v3, v2;
	v2 =	vor.u32 $0x300, v7  }
0x148: {  	v3 =	vadd.s32 $0x301, v7;
	vm0 =	vmand vm15, vm0;
	v1 =	vadd.s32 v4, v1  }
0x149: {  	v1 =	vnsel vm0, $0x109200, v1  }
0x14a: {  	[tilespmem:$0xC270] =	vst v1;
	v1 =	vadd.s32 $0x302, v7  }
0x14b: {  	[spmem:s2] =	stream.indirect.scatter [tilespmem:s30], [sflag:$0x1], $0x1, s31, s28, $0xb8;
	[tilespmem:$0x1FA28] =	vst v63  }
0x14c: {  	v2 =	vld.idx.msk [tilespmem:v2+s26+$0x0], $0xffff  }
0x14d: {  	v3 =	vld.idx.msk [tilespmem:v3+s26+$0x0], $0xffff;
	_ =	sdelay $0x1  }
0x14e: {  	v1 =	vld.idx.msk [tilespmem:v1+s26+$0x0], $0xffff;
	_ =	sdelay $0x2  }
0x14f: {  	v2 =	vsub.f32 v2, v59;
	v3 =	vsub.f32 v3, v60;
	_ =	sdelay $0x1  }
0x150: {  	vm4 =	vge.f32 v2, $0.0e+00;
	vm5 =	vge.f32 v3, $0.0e+00;
	v1 =	vsub.f32 v1, v61  }
0x151: {  	vm6 =	vlt.f32 v2, v62;
	v2 =	vtrunc.f32 v2;
	vm7 =	vlt.f32 v3, v63  }
0x152: {  	vm0 =	vmand vm4, vm5;
	v2 =	vcvt.f32.s32 v2;
	v4 =	vtrunc.f32 v1  }
0x153: {  	v3 =	vtrunc.f32 v3;
	vm0 =	vmand vm0, vm6;
	v4 =	vcvt.f32.s32 v4  }
0x154: {  	v3 =	vcvt.f32.s32 v3;
	vm0 =	vmand vm7, vm0;
	v2 =	vmul.u32 $0x68, v2  }
0x155: {  	vm8 =	vge.f32 v1, $0.0e+00;
	vm9 =	vlt.f32 v1, v0;
	v1 =	vmul.u32 $0x2A00, v4  }
0x156: {  	vm0 =	vmand vm8, vm0;
	v2 =	vadd.s32 v3, v2;
	v4 =	vadd.s32 $0x330, v7  }
0x157: {  	v3 =	vadd.s32 $0x331, v7;
	vm0 =	vmand vm9, vm0;
	v1 =	vadd.s32 v1, v2  }
0x158: {  	v1 =	vnsel vm0, $0x109200, v1  }
0x159: {  	[tilespmem:$0xC280] =	vst v1;
	v1 =	vadd.s32 $0x332, v7;
	_ =	sdelay $0x1  }
0x15a: {  	v2 =	vld.idx.msk [tilespmem:v4+s26+$0x0], $0xffff  }
0x15b: {  	v3 =	vld.idx.msk [tilespmem:v3+s26+$0x0], $0xffff;
	_ =	sdelay $0x1  }
0x15c: {  	v1 =	vld.idx.msk [tilespmem:v1+s26+$0x0], $0xffff;
	_ =	sdelay $0x2  }
0x15d: {  	v2 =	vsub.f32 v2, v59;
	v3 =	vsub.f32 v3, v60;
	_ =	sdelay $0x1  }
0x15e: {  	vm10 =	vge.f32 v2, $0.0e+00;
	vm11 =	vge.f32 v3, $0.0e+00;
	v1 =	vsub.f32 v1, v61  }
0x15f: {  	vm12 =	vlt.f32 v2, v62;
	v2 =	vtrunc.f32 v2;
	vm13 =	vlt.f32 v3, v63  }
0x160: {  	vm0 =	vmand vm10, vm11;
	v2 =	vcvt.f32.s32 v2;
	v4 =	vtrunc.f32 v1  }
0x161: {  	v3 =	vtrunc.f32 v3;
	vm0 =	vmand vm0, vm12;
	v4 =	vcvt.f32.s32 v4  }
0x162: {  	v3 =	vcvt.f32.s32 v3;
	vm0 =	vmand vm13, vm0;
	v2 =	vmul.u32 $0x68, v2  }
0x163: {  	vm14 =	vge.f32 v1, $0.0e+00;
	vm15 =	vlt.f32 v1, v0;
	v1 =	vmul.u32 $0x2A00, v4  }
0x164: {  	vm0 =	vmand vm14, vm0;
	v2 =	vadd.s32 v3, v2;
	v4 =	vadd.s32 $0x360, v7  }
0x165: {  	v3 =	vadd.s32 $0x361, v7;
	vm0 =	vmand vm15, vm0;
	v1 =	vadd.s32 v1, v2  }
0x166: {  	v1 =	vnsel vm0, $0x109200, v1  }
0x167: {  	[tilespmem:$0xC290] =	vst v1;
	v1 =	vadd.s32 $0x362, v7;
	_ =	sdelay $0x1  }
0x168: {  	v2 =	vld.idx.msk [tilespmem:v4+s26+$0x0], $0xffff  }
0x169: {  	v3 =	vld.idx.msk [tilespmem:v3+s26+$0x0], $0xffff;
	_ =	sdelay $0x1  }
0x16a: {  	v1 =	vld.idx.msk [tilespmem:v1+s26+$0x0], $0xffff;
	_ =	sdelay $0x2  }
0x16b: {  	v2 =	vsub.f32 v2, v59;
	v3 =	vsub.f32 v3, v60;
	_ =	sdelay $0x1  }
0x16c: {  	vm4 =	vge.f32 v2, $0.0e+00;
	vm5 =	vge.f32 v3, $0.0e+00;
	v1 =	vsub.f32 v1, v61  }
0x16d: {  	vm6 =	vlt.f32 v2, v62;
	v2 =	vtrunc.f32 v2;
	vm7 =	vlt.f32 v3, v63  }
0x16e: {  	vm0 =	vmand vm4, vm5;
	v2 =	vcvt.f32.s32 v2;
	v4 =	vtrunc.f32 v1  }
0x16f: {  	v3 =	vtrunc.f32 v3;
	vm0 =	vmand vm0, vm6;
	v4 =	vcvt.f32.s32 v4  }
0x170: {  	v3 =	vcvt.f32.s32 v3;
	vm0 =	vmand vm7, vm0;
	v2 =	vmul.u32 $0x68, v2  }
0x171: {  	vm8 =	vge.f32 v1, $0.0e+00;
	vm9 =	vlt.f32 v1, v0;
	v1 =	vmul.u32 $0x2A00, v4  }
0x172: {  	vm0 =	vmand vm8, vm0;
	v2 =	vadd.s32 v3, v2;
	v4 =	vadd.s32 $0x390, v7  }
0x173: {  	v3 =	vadd.s32 $0x391, v7;
	vm0 =	vmand vm9, vm0;
	v1 =	vadd.s32 v1, v2  }
0x174: {  	v1 =	vnsel vm0, $0x109200, v1  }
0x175: {  	[tilespmem:$0xC2A0] =	vst v1;
	v1 =	vadd.s32 $0x392, v7;
	_ =	sdelay $0x1  }
0x176: {  	v2 =	vld.idx.msk [tilespmem:v4+s26+$0x0], $0xffff  }
0x177: {  	v3 =	vld.idx.msk [tilespmem:v3+s26+$0x0], $0xffff;
	_ =	sdelay $0x1  }
0x178: {  	v1 =	vld.idx.msk [tilespmem:v1+s26+$0x0], $0xffff;
	_ =	sdelay $0x2  }
0x179: {  	v2 =	vsub.f32 v2, v59;
	v3 =	vsub.f32 v3, v60;
	_ =	sdelay $0x1  }
0x17a: {  	vm10 =	vge.f32 v2, $0.0e+00;
	vm11 =	vge.f32 v3, $0.0e+00;
	v1 =	vsub.f32 v1, v61  }
0x17b: {  	vm12 =	vlt.f32 v2, v62;
	v2 =	vtrunc.f32 v2;
	vm13 =	vlt.f32 v3, v63  }
0x17c: {  	vm0 =	vmand vm10, vm11;
	v2 =	vcvt.f32.s32 v2;
	v4 =	vtrunc.f32 v1  }
0x17d: {  	v3 =	vtrunc.f32 v3;
	vm0 =	vmand vm0, vm12;
	v4 =	vcvt.f32.s32 v4  }
0x17e: {  	v3 =	vcvt.f32.s32 v3;
	vm0 =	vmand vm13, vm0;
	v2 =	vmul.u32 $0x68, v2  }
0x17f: {  	vm14 =	vge.f32 v1, $0.0e+00;
	vm15 =	vlt.f32 v1, v0;
	v1 =	vmul.u32 $0x2A00, v4  }
0x180: {  	vm0 =	vmand vm14, vm0;
	v2 =	vadd.s32 v3, v2;
	v4 =	vor.u32 $0x3C0, v7  }
0x181: {  	v3 =	vadd.s32 $0x3C1, v7;
	vm0 =	vmand vm15, vm0;
	v1 =	vadd.s32 v1, v2  }
0x182: {  	v1 =	vnsel vm0, $0x109200, v1  }
0x183: {  	[tilespmem:$0xC2B0] =	vst v1;
	v1 =	vadd.s32 $0x3C2, v7;
	_ =	sdelay $0x1  }
0x184: {  	v2 =	vld.idx.msk [tilespmem:v4+s26+$0x0], $0xffff  }
0x185: {  	v3 =	vld.idx.msk [tilespmem:v3+s26+$0x0], $0xffff;
	_ =	sdelay $0x1  }
0x186: {  	v1 =	vld.idx.msk [tilespmem:v1+s26+$0x0], $0xffff;
	_ =	sdelay $0x2  }
0x187: {  	v2 =	vsub.f32 v2, v59;
	v3 =	vsub.f32 v3, v60;
	_ =	sdelay $0x1  }
0x188: {  	vm4 =	vge.f32 v2, $0.0e+00;
	vm5 =	vge.f32 v3, $0.0e+00;
	v1 =	vsub.f32 v1, v61  }
0x189: {  	vm6 =	vlt.f32 v2, v62;
	v2 =	vtrunc.f32 v2;
	vm7 =	vlt.f32 v3, v63  }
0x18a: {  	vm0 =	vmand vm4, vm5;
	v2 =	vcvt.f32.s32 v2;
	v4 =	vtrunc.f32 v1  }
0x18b: {  	v3 =	vtrunc.f32 v3;
	vm0 =	vmand vm0, vm6;
	v4 =	vcvt.f32.s32 v4  }
0x18c: {  	v3 =	vcvt.f32.s32 v3;
	vm0 =	vmand vm7, vm0;
	v2 =	vmul.u32 $0x68, v2  }
0x18d: {  	vm8 =	vge.f32 v1, $0.0e+00;
	vm9 =	vlt.f32 v1, v0;
	v1 =	vmul.u32 $0x2A00, v4  }
0x18e: {  	vm0 =	vmand vm8, vm0;
	v2 =	vadd.s32 v3, v2;
	v4 =	vadd.s32 $0x3F0, v7  }
0x18f: {  	v3 =	vadd.s32 $0x3F1, v7;
	vm0 =	vmand vm9, vm0;
	v1 =	vadd.s32 v1, v2  }
0x190: {  	v1 =	vnsel vm0, $0x109200, v1  }
0x191: {  	[tilespmem:$0xC2C0] =	vst v1;
	v1 =	vadd.s32 $0x3F2, v7;
	_ =	sdelay $0x1  }
0x192: {  	v2 =	vld.idx.msk [tilespmem:v4+s26+$0x0], $0xffff  }
0x193: {  	v3 =	vld.idx.msk [tilespmem:v3+s26+$0x0], $0xffff;
	_ =	sdelay $0x1  }
0x194: {  	v1 =	vld.idx.msk [tilespmem:v1+s26+$0x0], $0xffff;
	_ =	sdelay $0x2  }
0x195: {  	v2 =	vsub.f32 v2, v59;
	v3 =	vsub.f32 v3, v60;
	_ =	sdelay $0x1  }
0x196: {  	vm10 =	vge.f32 v2, $0.0e+00;
	vm11 =	vge.f32 v3, $0.0e+00;
	v1 =	vsub.f32 v1, v61  }
0x197: {  	vm12 =	vlt.f32 v2, v62;
	v2 =	vtrunc.f32 v2;
	vm13 =	vlt.f32 v3, v63  }
0x198: {  	vm0 =	vmand vm10, vm11;
	v2 =	vcvt.f32.s32 v2;
	v4 =	vtrunc.f32 v1  }
0x199: {  	v3 =	vtrunc.f32 v3;
	vm0 =	vmand vm0, vm12;
	v4 =	vcvt.f32.s32 v4  }
0x19a: {  	v3 =	vcvt.f32.s32 v3;
	vm0 =	vmand vm13, vm0;
	v2 =	vmul.u32 $0x68, v2  }
0x19b: {  	vm14 =	vge.f32 v1, $0.0e+00;
	vm15 =	vlt.f32 v1, v0;
	v1 =	vmul.u32 $0x2A00, v4  }
0x19c: {  	vm0 =	vmand vm14, vm0;
	v2 =	vadd.s32 v3, v2;
	v4 =	vadd.s32 $0x420, v7  }
0x19d: {  	v3 =	vadd.s32 $0x421, v7;
	vm0 =	vmand vm15, vm0;
	v1 =	vadd.s32 v1, v2  }
0x19e: {  	v1 =	vnsel vm0, $0x109200, v1  }
0x19f: {  	[tilespmem:$0xC2D0] =	vst v1;
	v1 =	vadd.s32 $0x422, v7;
	_ =	sdelay $0x1  }
0x1a0: {  	v2 =	vld.idx.msk [tilespmem:v4+s26+$0x0], $0xffff  }
0x1a1: {  	v3 =	vld.idx.msk [tilespmem:v3+s26+$0x0], $0xffff;
	_ =	sdelay $0x1  }
0x1a2: {  	v1 =	vld.idx.msk [tilespmem:v1+s26+$0x0], $0xffff;
	_ =	sdelay $0x2  }
0x1a3: {  	v2 =	vsub.f32 v2, v59;
	v3 =	vsub.f32 v3, v60;
	_ =	sdelay $0x1  }
0x1a4: {  	vm4 =	vge.f32 v2, $0.0e+00;
	vm5 =	vge.f32 v3, $0.0e+00;
	v1 =	vsub.f32 v1, v61  }
0x1a5: {  	vm6 =	vlt.f32 v2, v62;
	v2 =	vtrunc.f32 v2;
	vm7 =	vlt.f32 v3, v63  }
0x1a6: {  	vm0 =	vmand vm4, vm5;
	v2 =	vcvt.f32.s32 v2;
	v4 =	vtrunc.f32 v1  }
0x1a7: {  	v3 =	vtrunc.f32 v3;
	vm0 =	vmand vm0, vm6;
	v4 =	vcvt.f32.s32 v4  }
0x1a8: {  	v3 =	vcvt.f32.s32 v3;
	vm0 =	vmand vm7, vm0;
	v2 =	vmul.u32 $0x68, v2  }
0x1a9: {  	vm8 =	vge.f32 v1, $0.0e+00;
	vm9 =	vlt.f32 v1, v0;
	v1 =	vmul.u32 $0x2A00, v4  }
0x1aa: {  	vm0 =	vmand vm8, vm0;
	v2 =	vadd.s32 v3, v2;
	v4 =	vadd.s32 $0x450, v7  }
0x1ab: {  	v3 =	vadd.s32 $0x451, v7;
	vm0 =	vmand vm9, vm0;
	v1 =	vadd.s32 v1, v2  }
0x1ac: {  	v1 =	vnsel vm0, $0x109200, v1  }
0x1ad: {  	[tilespmem:$0xC2E0] =	vst v1;
	v1 =	vadd.s32 $0x452, v7;
	_ =	sdelay $0x1  }
0x1ae: {  	v2 =	vld.idx.msk [tilespmem:v4+s26+$0x0], $0xffff  }
0x1af: {  	v3 =	vld.idx.msk [tilespmem:v3+s26+$0x0], $0xffff;
	_ =	sdelay $0x1  }
0x1b0: {  	v1 =	vld.idx.msk [tilespmem:v1+s26+$0x0], $0xffff;
	_ =	sdelay $0x2  }
0x1b1: {  	v2 =	vsub.f32 v2, v59;
	v3 =	vsub.f32 v3, v60;
	_ =	sdelay $0x1  }
0x1b2: {  	vm10 =	vge.f32 v2, $0.0e+00;
	vm11 =	vge.f32 v3, $0.0e+00;
	v1 =	vsub.f32 v1, v61  }
0x1b3: {  	vm12 =	vlt.f32 v2, v62;
	v2 =	vtrunc.f32 v2;
	vm13 =	vlt.f32 v3, v63  }
0x1b4: {  	vm0 =	vmand vm10, vm11;
	v2 =	vcvt.f32.s32 v2;
	v4 =	vtrunc.f32 v1  }
0x1b5: {  	v3 =	vtrunc.f32 v3;
	vm0 =	vmand vm0, vm12;
	v4 =	vcvt.f32.s32 v4  }
0x1b6: {  	v3 =	vcvt.f32.s32 v3;
	vm0 =	vmand vm13, vm0;
	v2 =	vmul.u32 $0x68, v2  }
0x1b7: {  	vm14 =	vge.f32 v1, $0.0e+00;
	vm15 =	vlt.f32 v1, v0;
	v4 =	vmul.u32 $0x2A00, v4  }
0x1b8: {  	vm0 =	vmand vm14, vm0;
	v1 =	vadd.s32 v3, v2;
	v2 =	vor.u32 $0x480, v7  }
0x1b9: {  	v3 =	vadd.s32 $0x481, v7;
	vm0 =	vmand vm15, vm0;
	v1 =	vadd.s32 v4, v1  }
0x1ba: {  	v1 =	vnsel vm0, $0x109200, v1  }
0x1bb: {  	[tilespmem:$0xC2F0] =	vst v1;
	v1 =	vadd.s32 $0x482, v7  }
0x1bc: {  	[spmem:s2] =	stream.indirect.scatter [tilespmem:s30], [sflag:$0x1], $0x1, s1, s28, $0xb8;
	[tilespmem:$0x1FA28] =	vst v63  }
0x1bd: {  	v2 =	vld.idx.msk [tilespmem:v2+s26+$0x0], $0xffff  }
0x1be: {  	v3 =	vld.idx.msk [tilespmem:v3+s26+$0x0], $0xffff;
	_ =	sdelay $0x1  }
0x1bf: {  	v1 =	vld.idx.msk [tilespmem:v1+s26+$0x0], $0xffff;
	_ =	sdelay $0x2  }
0x1c0: {  	v2 =	vsub.f32 v2, v59;
	v3 =	vsub.f32 v3, v60;
	_ =	sdelay $0x1  }
0x1c1: {  	vm4 =	vge.f32 v2, $0.0e+00;
	vm5 =	vge.f32 v3, $0.0e+00;
	v1 =	vsub.f32 v1, v61  }
0x1c2: {  	vm6 =	vlt.f32 v2, v62;
	v2 =	vtrunc.f32 v2;
	vm7 =	vlt.f32 v3, v63  }
0x1c3: {  	vm0 =	vmand vm4, vm5;
	v2 =	vcvt.f32.s32 v2;
	v4 =	vtrunc.f32 v1  }
0x1c4: {  	v3 =	vtrunc.f32 v3;
	vm0 =	vmand vm0, vm6;
	v4 =	vcvt.f32.s32 v4  }
0x1c5: {  	v3 =	vcvt.f32.s32 v3;
	vm0 =	vmand vm7, vm0;
	v2 =	vmul.u32 $0x68, v2  }
0x1c6: {  	vm8 =	vge.f32 v1, $0.0e+00;
	vm9 =	vlt.f32 v1, v0;
	v1 =	vmul.u32 $0x2A00, v4  }
0x1c7: {  	vm0 =	vmand vm8, vm0;
	v2 =	vadd.s32 v3, v2;
	v4 =	vadd.s32 $0x4B0, v7  }
0x1c8: {  	v3 =	vadd.s32 $0x4B1, v7;
	vm0 =	vmand vm9, vm0;
	v1 =	vadd.s32 v1, v2  }
0x1c9: {  	v1 =	vnsel vm0, $0x109200, v1  }
0x1ca: {  	[tilespmem:$0xC300] =	vst v1;
	v1 =	vadd.s32 $0x4B2, v7;
	_ =	sdelay $0x1  }
0x1cb: {  	v2 =	vld.idx.msk [tilespmem:v4+s26+$0x0], $0xffff  }
0x1cc: {  	v3 =	vld.idx.msk [tilespmem:v3+s26+$0x0], $0xffff;
	_ =	sdelay $0x1  }
0x1cd: {  	v1 =	vld.idx.msk [tilespmem:v1+s26+$0x0], $0xffff;
	_ =	sdelay $0x2  }
0x1ce: {  	v2 =	vsub.f32 v2, v59;
	v3 =	vsub.f32 v3, v60;
	_ =	sdelay $0x1  }
0x1cf: {  	vm10 =	vge.f32 v2, $0.0e+00;
	vm11 =	vge.f32 v3, $0.0e+00;
	v1 =	vsub.f32 v1, v61  }
0x1d0: {  	vm12 =	vlt.f32 v2, v62;
	v2 =	vtrunc.f32 v2;
	vm13 =	vlt.f32 v3, v63  }
0x1d1: {  	vm0 =	vmand vm10, vm11;
	v2 =	vcvt.f32.s32 v2;
	v4 =	vtrunc.f32 v1  }
0x1d2: {  	v3 =	vtrunc.f32 v3;
	vm0 =	vmand vm0, vm12;
	v4 =	vcvt.f32.s32 v4  }
0x1d3: {  	v3 =	vcvt.f32.s32 v3;
	vm0 =	vmand vm13, vm0;
	v2 =	vmul.u32 $0x68, v2  }
0x1d4: {  	vm14 =	vge.f32 v1, $0.0e+00;
	vm15 =	vlt.f32 v1, v0;
	v1 =	vmul.u32 $0x2A00, v4  }
0x1d5: {  	vm0 =	vmand vm14, vm0;
	v2 =	vadd.s32 v3, v2;
	v4 =	vadd.s32 $0x4E0, v7  }
0x1d6: {  	v3 =	vadd.s32 $0x4E1, v7;
	vm0 =	vmand vm15, vm0;
	v1 =	vadd.s32 v1, v2  }
0x1d7: {  	v1 =	vnsel vm0, $0x109200, v1  }
0x1d8: {  	[tilespmem:$0xC310] =	vst v1;
	v1 =	vadd.s32 $0x4E2, v7;
	_ =	sdelay $0x1  }
0x1d9: {  	v2 =	vld.idx.msk [tilespmem:v4+s26+$0x0], $0xffff  }
0x1da: {  	v3 =	vld.idx.msk [tilespmem:v3+s26+$0x0], $0xffff;
	_ =	sdelay $0x1  }
0x1db: {  	v1 =	vld.idx.msk [tilespmem:v1+s26+$0x0], $0xffff;
	_ =	sdelay $0x2  }
0x1dc: {  	v2 =	vsub.f32 v2, v59;
	v3 =	vsub.f32 v3, v60;
	_ =	sdelay $0x1  }
0x1dd: {  	vm4 =	vge.f32 v2, $0.0e+00;
	vm5 =	vge.f32 v3, $0.0e+00;
	v1 =	vsub.f32 v1, v61  }
0x1de: {  	vm6 =	vlt.f32 v2, v62;
	v2 =	vtrunc.f32 v2;
	vm7 =	vlt.f32 v3, v63  }
0x1df: {  	vm0 =	vmand vm4, vm5;
	v2 =	vcvt.f32.s32 v2;
	v4 =	vtrunc.f32 v1  }
0x1e0: {  	v3 =	vtrunc.f32 v3;
	vm0 =	vmand vm0, vm6;
	v4 =	vcvt.f32.s32 v4  }
0x1e1: {  	v3 =	vcvt.f32.s32 v3;
	vm0 =	vmand vm7, vm0;
	v2 =	vmul.u32 $0x68, v2  }
0x1e2: {  	vm8 =	vge.f32 v1, $0.0e+00;
	vm9 =	vlt.f32 v1, v0;
	v1 =	vmul.u32 $0x2A00, v4  }
0x1e3: {  	vm0 =	vmand vm8, vm0;
	v2 =	vadd.s32 v3, v2;
	v4 =	vadd.s32 $0x510, v7  }
0x1e4: {  	v3 =	vadd.s32 $0x511, v7;
	vm0 =	vmand vm9, vm0;
	v1 =	vadd.s32 v1, v2  }
0x1e5: {  	v1 =	vnsel vm0, $0x109200, v1  }
0x1e6: {  	[tilespmem:$0xC320] =	vst v1;
	v1 =	vadd.s32 $0x512, v7;
	_ =	sdelay $0x1  }
0x1e7: {  	v2 =	vld.idx.msk [tilespmem:v4+s26+$0x0], $0xffff  }
0x1e8: {  	v3 =	vld.idx.msk [tilespmem:v3+s26+$0x0], $0xffff;
	_ =	sdelay $0x1  }
0x1e9: {  	v1 =	vld.idx.msk [tilespmem:v1+s26+$0x0], $0xffff;
	_ =	sdelay $0x2  }
0x1ea: {  	v2 =	vsub.f32 v2, v59;
	v3 =	vsub.f32 v3, v60;
	_ =	sdelay $0x1  }
0x1eb: {  	vm10 =	vge.f32 v2, $0.0e+00;
	vm11 =	vge.f32 v3, $0.0e+00;
	v1 =	vsub.f32 v1, v61  }
0x1ec: {  	vm12 =	vlt.f32 v2, v62;
	v2 =	vtrunc.f32 v2;
	vm13 =	vlt.f32 v3, v63  }
0x1ed: {  	vm0 =	vmand vm10, vm11;
	v2 =	vcvt.f32.s32 v2;
	v4 =	vtrunc.f32 v1  }
0x1ee: {  	v3 =	vtrunc.f32 v3;
	vm0 =	vmand vm0, vm12;
	v4 =	vcvt.f32.s32 v4  }
0x1ef: {  	v3 =	vcvt.f32.s32 v3;
	vm0 =	vmand vm13, vm0;
	v2 =	vmul.u32 $0x68, v2  }
0x1f0: {  	vm14 =	vge.f32 v1, $0.0e+00;
	vm15 =	vlt.f32 v1, v0;
	v1 =	vmul.u32 $0x2A00, v4  }
0x1f1: {  	vm0 =	vmand vm14, vm0;
	v2 =	vadd.s32 v3, v2;
	v4 =	vor.u32 $0x540, v7  }
0x1f2: {  	v3 =	vadd.s32 $0x541, v7;
	vm0 =	vmand vm15, vm0;
	v1 =	vadd.s32 v1, v2  }
0x1f3: {  	v1 =	vnsel vm0, $0x109200, v1  }
0x1f4: {  	[tilespmem:$0xC330] =	vst v1;
	v1 =	vadd.s32 $0x542, v7;
	_ =	sdelay $0x1  }
0x1f5: {  	v2 =	vld.idx.msk [tilespmem:v4+s26+$0x0], $0xffff  }
0x1f6: {  	v3 =	vld.idx.msk [tilespmem:v3+s26+$0x0], $0xffff;
	_ =	sdelay $0x1  }
0x1f7: {  	v1 =	vld.idx.msk [tilespmem:v1+s26+$0x0], $0xffff;
	_ =	sdelay $0x2  }
0x1f8: {  	v2 =	vsub.f32 v2, v59;
	v3 =	vsub.f32 v3, v60;
	_ =	sdelay $0x1  }
0x1f9: {  	vm4 =	vge.f32 v2, $0.0e+00;
	vm5 =	vge.f32 v3, $0.0e+00;
	v1 =	vsub.f32 v1, v61  }
0x1fa: {  	vm6 =	vlt.f32 v2, v62;
	v2 =	vtrunc.f32 v2;
	vm7 =	vlt.f32 v3, v63  }
0x1fb: {  	vm0 =	vmand vm4, vm5;
	v2 =	vcvt.f32.s32 v2;
	v4 =	vtrunc.f32 v1  }
0x1fc: {  	v3 =	vtrunc.f32 v3;
	vm0 =	vmand vm0, vm6;
	v4 =	vcvt.f32.s32 v4  }
0x1fd: {  	v3 =	vcvt.f32.s32 v3;
	vm0 =	vmand vm7, vm0;
	v2 =	vmul.u32 $0x68, v2  }
0x1fe: {  	vm8 =	vge.f32 v1, $0.0e+00;
	vm9 =	vlt.f32 v1, v0;
	v1 =	vmul.u32 $0x2A00, v4  }
0x1ff: {  	vm0 =	vmand vm8, vm0;
	v2 =	vadd.s32 v3, v2;
	v4 =	vadd.s32 $0x570, v7  }
0x200: {  	v3 =	vadd.s32 $0x571, v7;
	vm0 =	vmand vm9, vm0;
	v1 =	vadd.s32 v1, v2  }
0x201: {  	v1 =	vnsel vm0, $0x109200, v1  }
0x202: {  	[tilespmem:$0xC340] =	vst v1;
	v1 =	vadd.s32 $0x572, v7;
	_ =	sdelay $0x1  }
0x203: {  	v2 =	vld.idx.msk [tilespmem:v4+s26+$0x0], $0xffff  }
0x204: {  	v3 =	vld.idx.msk [tilespmem:v3+s26+$0x0], $0xffff;
	_ =	sdelay $0x1  }
0x205: {  	v1 =	vld.idx.msk [tilespmem:v1+s26+$0x0], $0xffff;
	_ =	sdelay $0x2  }
0x206: {  	v2 =	vsub.f32 v2, v59;
	v3 =	vsub.f32 v3, v60;
	_ =	sdelay $0x1  }
0x207: {  	vm10 =	vge.f32 v2, $0.0e+00;
	vm11 =	vge.f32 v3, $0.0e+00;
	v1 =	vsub.f32 v1, v61  }
0x208: {  	vm12 =	vlt.f32 v2, v62;
	v2 =	vtrunc.f32 v2;
	vm13 =	vlt.f32 v3, v63  }
0x209: {  	vm0 =	vmand vm10, vm11;
	v2 =	vcvt.f32.s32 v2;
	v4 =	vtrunc.f32 v1  }
0x20a: {  	v3 =	vtrunc.f32 v3;
	vm0 =	vmand vm0, vm12;
	v4 =	vcvt.f32.s32 v4  }
0x20b: {  	v3 =	vcvt.f32.s32 v3;
	vm0 =	vmand vm13, vm0;
	v2 =	vmul.u32 $0x68, v2  }
0x20c: {  	vm14 =	vge.f32 v1, $0.0e+00;
	vm15 =	vlt.f32 v1, v0;
	v1 =	vmul.u32 $0x2A00, v4  }
0x20d: {  	vm0 =	vmand vm14, vm0;
	v2 =	vadd.s32 v3, v2;
	v4 =	vadd.s32 $0x5A0, v7  }
0x20e: {  	v3 =	vadd.s32 $0x5A1, v7;
	vm0 =	vmand vm15, vm0;
	v1 =	vadd.s32 v1, v2  }
0x20f: {  	v1 =	vnsel vm0, $0x109200, v1  }
0x210: {  	[tilespmem:$0xC350] =	vst v1;
	v1 =	vadd.s32 $0x5A2, v7;
	_ =	sdelay $0x1  }
0x211: {  	v2 =	vld.idx.msk [tilespmem:v4+s26+$0x0], $0xffff  }
0x212: {  	v3 =	vld.idx.msk [tilespmem:v3+s26+$0x0], $0xffff;
	_ =	sdelay $0x1  }
0x213: {  	v1 =	vld.idx.msk [tilespmem:v1+s26+$0x0], $0xffff;
	_ =	sdelay $0x1  }
0x214: {  	v2 =	vsub.f32 v2, v59  }
0x215: {  	v3 =	vsub.f32 v3, v60  }
0x216: {  	vm4 =	vge.f32 v2, $0.0e+00  }
0x217: {  	vm5 =	vge.f32 v3, $0.0e+00;
	vm6 =	vlt.f32 v2, v62;
	v1 =	vsub.f32 v1, v61  }
0x218: {  	v2 =	vtrunc.f32 v2;
	vm7 =	vlt.f32 v3, v63;
	v3 =	vtrunc.f32 v3  }
0x219: {  	vm0 =	vmand vm4, vm5;
	v2 =	vcvt.f32.s32 v2;
	v4 =	vtrunc.f32 v1  }
0x21a: {  	v3 =	vcvt.f32.s32 v3;
	vm0 =	vmand vm0, vm6;
	v4 =	vcvt.f32.s32 v4  }
0x21b: {  	vm0 =	vmand vm7, vm0;
	v2 =	vmul.u32 $0x68, v2;
	vm8 =	vge.f32 v1, $0.0e+00  }
0x21c: {  	vm9 =	vlt.f32 v1, v0;
	v1 =	vmul.u32 $0x2A00, v4;
	v4 =	vadd.s32 $0x5D0, v7  }
0x21d: {  	vm0 =	vmand vm8, vm0;
	v2 =	vadd.s32 v3, v2;
	v3 =	vadd.s32 $0x5D1, v7  }
0x21e: {  	vm0 =	vmand vm9, vm0;
	v1 =	vadd.s32 v1, v2;
	v2 =	vadd.s32 $0x5D2, v7  }
0x21f: {  	v1 =	vnsel vm0, $0x109200, v1  }
0x220: {  	[tilespmem:$0xC360] =	vst v1  }
0x221: {  	v1 =	vld.idx.msk [tilespmem:v4+s26+$0x0], $0xffff  }
0x222: {  	v3 =	vld.idx.msk [tilespmem:v3+s26+$0x0], $0xffff  }
0x223: {  	v2 =	vld.idx.msk [tilespmem:v2+s26+$0x0], $0xffff;
	_ =	sdelay $0x2  }
0x224: {  	v1 =	vsub.f32 v1, v59  }
0x225: {  	v3 =	vsub.f32 v3, v60  }
0x226: {  	v2 =	vsub.f32 v2, v61;
	vm10 =	vge.f32 v1, $0.0e+00  }
0x227: {  	vm11 =	vlt.f32 v1, v62;
	vm12 =	vge.f32 v3, $0.0e+00;
	v1 =	vtrunc.f32 v1  }
0x228: {  	vm13 =	vlt.f32 v3, v63;
	v1 =	vcvt.f32.s32 v1;
	v4 =	vtrunc.f32 v2  }
0x229: {  	v3 =	vtrunc.f32 v3;
	vm0 =	vmand vm10, vm12;
	v4 =	vcvt.f32.s32 v4  }
0x22a: {  	v3 =	vcvt.f32.s32 v3;
	vm0 =	vmand vm0, vm11;
	v1 =	vmul.u32 $0x68, v1  }
0x22b: {  	vm14 =	vge.f32 v2, $0.0e+00;
	vm0 =	vmand vm13, vm0;
	v4 =	vmul.u32 $0x2A00, v4  }
0x22c: {  	vm15 =	vlt.f32 v2, v0;
	vm0 =	vmand vm14, vm0;
	v1 =	vadd.s32 v3, v1  }
0x22d: {  	vm0 =	vmand vm15, vm0;
	v1 =	vadd.s32 v4, v1  }
0x22e: {  	v1 =	vnsel vm0, $0x109200, v1  }
0x22f: {  	[tilespmem:$0xC370] =	vst v1  }
0x230: {  	[spmem:s2] =	stream.indirect.scatter [tilespmem:s30], [sflag:$0x1], $0x1, s0, s28, $0xb8;
	[tilespmem:$0x1FA28] =	vst v63  }
0x231: {  	_ =	swait.ge [sflag:s9], $0x80  }
0x232: {  	[sflag:s9] =	ssyncset.done $0x0  }
0x233: {  	[sflag:s9] =	ssyncadd.s32 $0xFFFFFF80  }
0x234: {  	_ =	swait.ge [sflag:s9], $0x80  }
0x235: {  	[sflag:s9] =	ssyncset.done $0x0  }
0x236: {  	[sflag:s9] =	ssyncadd.s32 $0xFFFFFF80  }
0x237: {  	p0 =	sne.s32 s8, $0x3000;
	_ =	swait.ge [sflag:s9], $0x80  }
.Ltmp2:
0x238: {  	[sflag:s9] =	ssyncset.done $0x0;
	(pc) =	sbr.rel @p0 .LBB2_7-.Ltmp2, $4  }
0x239: {  	[sflag:s9] =	ssyncadd.s32 $0xFFFFFF80  }
0x23a: {  	_ =	swait.ge [sflag:s9], $0x80  }
0x23b: {  	[sflag:s9] =	ssyncset.done $0x0  }
0x23c: {  	s8 =	sadd.s32 $0x200, s8;
	[sflag:s9] =	ssyncadd.s32 $0xFFFFFF80  }
0x23d: {  	[bflag:$0x0] =	sbarrier.arrive $0xFFFF  }
0x23e: {  	s3 =	simm.s32 $0x0;
	s8 =	simm.s32 $0x65;
	s10 =	smov.u32 s15  }
.LBB2_9:
0x23f: {  	s12 =	smin.u32 s8, $0x20;
	s16 =	smov.u32 s10;
	s18 =	simm.s32 $0x0  }
.LBB2_10:
0x240: {  	[tilespmem:s22], [sflag:$0x2] =	stream.linear.gather [spmem:s16], $0x2A0, $0x38;
	[tilespmem:$0x1FA28] =	vst v63  }
0x241: {  	_ =	swait.ge [sflag:s24], $0x2A0  }
0x242: {  	[sflag:s24] =	ssyncset.done $0x0  }
0x243: {  	[sflag:s24] =	ssyncadd.s32 $0xFFFFFD60  }
0x244: {  	v0 =	vld [tilespmem:$0xA800]  }
0x245: {  	v1 =	vld [tilespmem:$0xB280]  }
0x246: {  	v2 =	vld [tilespmem:$0xA810]  }
0x247: {  	v3 =	vld [tilespmem:$0xA820]  }
0x248: {  	v5 =	vld [tilespmem:$0xB290]  }
0x249: {  	v8 =	vld [tilespmem:$0xA830]  }
0x24a: {  	v9 =	vld [tilespmem:$0xB2B0]  }
0x24b: {  	v11 =	vld [tilespmem:$0xA850]  }
0x24c: {  	v10 =	vld [tilespmem:$0xB2C0]  }
0x24d: {  	v4 =	vmov s18;
	v16 =	vld [tilespmem:$0xB2E0];
	vm0 =	vlt.f32 v0, $0.0e+00;
	vm1 =	vgt.f32 v0, $0.0e+00  }
0x24e: {  	v59 =	vld [tilespmem:$0xA870];
	v0 =	vshll.u32 v58, s18;
	vm9 =	vlt.f32 v2, $0.0e+00;
	vm2 =	vgt.f32 v2, $0.0e+00  }
0x24f: {  	v18 =	vld [tilespmem:$0xB2F0];
	vm10 =	vlt.f32 v3, $0.0e+00;
	vm3 =	vgt.f32 v3, $0.0e+00;
	vm12 =	vlt.f32 v8, $0.0e+00  }
0x250: {  	v60 =	vld [tilespmem:$0xB300];
	vm13 =	vgt.f32 v8, $0.0e+00;
	vm7 =	vlt.f32 v11, $0.0e+00;
	vm8 =	vgt.f32 v11, $0.0e+00  }
0x251: {  	v62 =	vld [tilespmem:$0xA8A0];
	vm1 =	vmor vm1, vm0;
	vm0 =	veq.s32 v4, $0x0;
	vm11 =	vmor vm3, vm10  }
0x252: {  	v8 =	vld [tilespmem:$0xA860];
	v6 =	vnsel vm1, $0x0, v0;
	v1 =	vsel vm0, $0x0, v1;
	vm1 =	vmor vm2, vm9  }
0x253: {  	v4 =	vld [tilespmem:$0xB2A0];
	v14 =	vsel vm0, $0x0, v5;
	v15 =	vnsel vm11, $0x0, v0;
	v5 =	vsel vm0, $0x0, v9  }
0x254: {  	v61 =	vld [tilespmem:$0xA890];
	v10 =	vsel vm0, $0x0, v10;
	v9 =	vsel vm0, $0x0, v16;
	v11 =	vsel vm0, $0x0, v18  }
0x255: {  	v22 =	vsel vm0, $0x0, v60;
	v16 =	vld [tilespmem:$0xB330];
	v1 =	vor.u32 v1, v6;
	v13 =	vnsel vm1, $0x0, v0  }
0x256: {  	v6 =	vld [tilespmem:$0xA840];
	vm1 =	vmor vm13, vm12;
	vm12 =	vlt.f32 v59, $0.0e+00;
	vm13 =	vgt.f32 v59, $0.0e+00  }
0x257: {  	v17 =	vld [tilespmem:$0xA880];
	v3 =	vor.u32 v14, v13;
	vm9 =	vlt.f32 v8, $0.0e+00;
	vm10 =	vgt.f32 v8, $0.0e+00  }
0x258: {  	v12 =	vld [tilespmem:$0xA8B0];
	v4 =	vsel vm0, $0x0, v4;
	vm11 =	vmor vm10, vm9;
	vm9 =	vlt.f32 v62, $0.0e+00  }
0x259: {  	v13 =	vld [tilespmem:$0xB340];
	vm10 =	vgt.f32 v62, $0.0e+00;
	v2 =	vor.u32 v4, v15;
	v4 =	vnsel vm1, $0x0, v0  }
0x25a: {  	v14 =	vld [tilespmem:$0xA8D0];
	vm1 =	vmor vm8, vm7;
	vm7 =	vlt.f32 v61, $0.0e+00;
	vm8 =	vgt.f32 v61, $0.0e+00  }
0x25b: {  	v19 =	vld [tilespmem:$0xB310];
	v62 =	vsel vm0, $0x0, v16;
	vm14 =	vlt.f32 v6, $0.0e+00;
	vm15 =	vgt.f32 v6, $0.0e+00  }
0x25c: {  	v63 =	vld [tilespmem:$0xB320];
	v5 =	vor.u32 v5, v4;
	v8 =	vnsel vm1, $0x0, v0;
	vm1 =	vmor vm13, vm12  }
0x25d: {  	v23 =	vld [tilespmem:$0xA8C0];
	vm12 =	vlt.f32 v12, $0.0e+00;
	vm13 =	vgt.f32 v12, $0.0e+00;
	vm6 =	vmor vm15, vm14  }
0x25e: {  	v15 =	vld [tilespmem:$0xB360];
	vm14 =	vlt.f32 v17, $0.0e+00;
	vm15 =	vgt.f32 v17, $0.0e+00;
	v20 =	vnsel vm1, $0x0, v0  }
0x25f: {  	v16 =	vld [tilespmem:$0xA8F0];
	vm1 =	vmor vm8, vm7;
	v13 =	vsel vm0, $0x0, v13;
	vm7 =	vlt.f32 v14, $0.0e+00  }
0x260: {  	v6 =	vld [tilespmem:$0xB2D0];
	vm8 =	vgt.f32 v14, $0.0e+00;
	v4 =	vnsel vm6, $0x0, v0;
	vm6 =	vmor vm15, vm14  }
0x261: {  	v59 =	vor.u32 v11, v20;
	v17 =	vnsel vm1, $0x0, v0;
	vm1 =	vmor vm13, vm12  }
0x262: {  	v14 =	vld [tilespmem:$0xB380];
	vm14 =	vlt.f32 v23, $0.0e+00;
	vm15 =	vgt.f32 v23, $0.0e+00;
	v4 =	vor.u32 v10, v4  }
0x263: {  	v20 =	vld [tilespmem:$0xA8E0];
	v21 =	vnsel vm6, $0x0, v0;
	v10 =	vsel vm0, $0x0, v19;
	v19 =	vsel vm0, $0x0, v63  }
0x264: {  	v11 =	vld [tilespmem:$0xB350];
	vm6 =	vmor vm15, vm14;
	v61 =	vor.u32 v10, v17;
	v15 =	vsel vm0, $0x0, v15  }
0x265: {  	v23 =	vld [tilespmem:$0xA900];
	vm12 =	vlt.f32 v16, $0.0e+00;
	vm13 =	vgt.f32 v16, $0.0e+00;
	v6 =	vsel vm0, $0x0, v6  }
0x266: {  	v8 =	vor.u32 v6, v8;
	v6 =	vnsel vm11, $0x0, v0;
	vm11 =	vmor vm10, vm9  }
0x267: {  	v14 =	vsel vm0, $0x0, v14;
	v6 =	vor.u32 v9, v6;
	v9 =	vor.u32 v22, v21  }
0x268: {  	v18 =	vnsel vm11, $0x0, v0;
	v21 =	vnsel vm1, $0x0, v0;
	v22 =	vnsel vm6, $0x0, v0  }
0x269: {  	v17 =	vld [tilespmem:$0xA910];
	vm1 =	vmor vm8, vm7;
	vm9 =	vlt.f32 v20, $0.0e+00;
	vm10 =	vgt.f32 v20, $0.0e+00  }
0x26a: {  	v16 =	vld [tilespmem:$0xA940];
	v11 =	vsel vm0, $0x0, v11;
	vm14 =	vlt.f32 v23, $0.0e+00;
	vm15 =	vgt.f32 v23, $0.0e+00  }
0x26b: {  	v20 =	vld [tilespmem:$0xB370];
	v60 =	vor.u32 v19, v18;
	v63 =	vor.u32 v62, v21;
	vm11 =	vmor vm10, vm9  }
0x26c: {  	v23 =	vld [tilespmem:$0xB390];
	v62 =	vor.u32 v13, v22;
	v21 =	vnsel vm1, $0x0, v0;
	v22 =	vnsel vm11, $0x0, v0  }
0x26d: {  	vm1 =	vmor vm13, vm12;
	vm6 =	vmor vm15, vm14;
	v13 =	vor.u32 v15, v22;
	v15 =	vld [tilespmem:$0xA920]  }
0x26e: {  	v18 =	vld [tilespmem:$0xB3A0];
	v11 =	vor.u32 v11, v21;
	v21 =	vnsel vm1, $0x0, v0;
	vm7 =	vlt.f32 v17, $0.0e+00  }
0x26f: {  	v19 =	vld [tilespmem:$0xA930];
	vm8 =	vgt.f32 v17, $0.0e+00;
	vm14 =	vlt.f32 v16, $0.0e+00;
	vm15 =	vgt.f32 v16, $0.0e+00  }
0x270: {  	v16 =	vld [tilespmem:$0xB3D0];
	v22 =	vnsel vm6, $0x0, v0;
	vm1 =	vmor vm8, vm7;
	v10 =	vsel vm0, $0x0, v20  }
0x271: {  	vm6 =	vmor vm15, vm14;
	v17 =	vnsel vm1, $0x0, v0;
	v10 =	vor.u32 v10, v21;
	v21 =	vld [tilespmem:$0xA950]  }
0x272: {  	v12 =	vsel vm0, $0x0, v23;
	vm9 =	vlt.f32 v15, $0.0e+00;
	vm10 =	vgt.f32 v15, $0.0e+00;
	v15 =	vld [tilespmem:$0xB3B0]  }
0x273: {  	v14 =	vor.u32 v14, v22;
	v20 =	vld [tilespmem:$0xB3C0];
	v12 =	vor.u32 v12, v17;
	v18 =	vsel vm0, $0x0, v18  }
0x274: {  	v22 =	vld [tilespmem:$0xB3E0];
	vm12 =	vlt.f32 v19, $0.0e+00;
	vm13 =	vgt.f32 v19, $0.0e+00;
	vm11 =	vmor vm10, vm9  }
0x275: {  	v23 =	vld [tilespmem:$0xA970];
	vm1 =	vmor vm13, vm12;
	v16 =	vsel vm0, $0x0, v16;
	v17 =	vnsel vm11, $0x0, v0  }
0x276: {  	[tilespmem:$0xB280] =	vst v1;
	v17 =	vor.u32 v18, v17;
	v18 =	vld [tilespmem:$0xA960];
	vm7 =	vlt.f32 v21, $0.0e+00;
	vm8 =	vgt.f32 v21, $0.0e+00  }
0x277: {  	[tilespmem:$0xB2B0] =	vst v5;
	v5 =	vld [tilespmem:$0xB410];
	v19 =	vnsel vm1, $0x0, v0;
	vm1 =	vmor vm8, vm7;
	v15 =	vsel vm0, $0x0, v15  }
0x278: {  	[tilespmem:$0xB320] =	vst v60;
	v60 =	vld [tilespmem:$0xA9E0];
	v20 =	vsel vm0, $0x0, v20;
	v1 =	vnsel vm1, $0x0, v0;
	v15 =	vor.u32 v15, v19  }
0x279: {  	v19 =	vnsel vm6, $0x0, v0;
	v1 =	vor.u32 v16, v1;
	v16 =	vsel vm0, $0x0, v22;
	v22 =	vld [tilespmem:$0xA990]  }
0x27a: {  	vm12 =	vlt.f32 v23, $0.0e+00;
	v19 =	vor.u32 v20, v19;
	v20 =	vld [tilespmem:$0xA980]  }
0x27b: {  	[tilespmem:$0xB290] =	vst v3;
	vm13 =	vgt.f32 v23, $0.0e+00;
	vm9 =	vlt.f32 v18, $0.0e+00;
	vm10 =	vgt.f32 v18, $0.0e+00;
	v18 =	vld [tilespmem:$0xB3F0]  }
0x27c: {  	[tilespmem:$0xB340] =	vst v62;
	v62 =	vld [tilespmem:$0xB460];
	vm1 =	vmor vm13, vm12;
	vm11 =	vmor vm10, vm9  }
0x27d: {  	[tilespmem:$0xB2C0] =	vst v4;
	v21 =	vld [tilespmem:$0xB400];
	v4 =	vnsel vm1, $0x0, v0;
	v3 =	vnsel vm11, $0x0, v0  }
0x27e: {  	[tilespmem:$0xB2A0] =	vst v2;
	v2 =	vor.u32 v16, v3;
	v3 =	vld [tilespmem:$0xA9A0];
	vm7 =	vlt.f32 v22, $0.0e+00;
	vm8 =	vgt.f32 v22, $0.0e+00  }
0x27f: {  	vm14 =	vlt.f32 v20, $0.0e+00;
	vm15 =	vgt.f32 v20, $0.0e+00;
	v20 =	vld [tilespmem:$0xA9B0];
	vm1 =	vmor vm8, vm7  }
0x280: {  	[tilespmem:$0xB2F0] =	vst v59;
	v5 =	vsel vm0, $0x0, v5;
	v23 =	vsel vm0, $0x0, v18;
	v18 =	vld [tilespmem:$0xB420];
	v59 =	vnsel vm1, $0x0, v0  }
0x281: {  	vm6 =	vmor vm15, vm14;
	v5 =	vor.u32 v5, v59;
	v59 =	vld [tilespmem:$0xA9D0]  }
0x282: {  	[tilespmem:$0xB2D0] =	vst v8;
	v16 =	vsel vm0, $0x0, v21;
	v4 =	vor.u32 v23, v4;
	v8 =	vnsel vm6, $0x0, v0;
	v23 =	vld [tilespmem:$0xB470]  }
0x283: {  	[tilespmem:$0xB2E0] =	vst v6;
	v6 =	vor.u32 v16, v8;
	v8 =	vld [tilespmem:$0xA9C0]  }
0x284: {  	v16 =	vld [tilespmem:$0xB440];
	vm9 =	vlt.f32 v3, $0.0e+00;
	vm10 =	vgt.f32 v3, $0.0e+00  }
0x285: {  	v62 =	vsel vm0, $0x0, v62;
	[tilespmem:$0xB3F0] =	vst v4;
	v4 =	vld [tilespmem:$0xB4A0];
	vm11 =	vmor vm10, vm9;
	vm12 =	vlt.f32 v20, $0.0e+00  }
0x286: {  	v3 =	vld [tilespmem:$0xB430];
	vm13 =	vgt.f32 v20, $0.0e+00;
	vm9 =	vlt.f32 v60, $0.0e+00;
	vm10 =	vgt.f32 v60, $0.0e+00  }
0x287: {  	[tilespmem:$0xB310] =	vst v61;
	v21 =	vld [tilespmem:$0xAA00];
	v61 =	vnsel vm11, $0x0, v0;
	v18 =	vsel vm0, $0x0, v18;
	vm1 =	vmor vm13, vm12  }
0x288: {  	[tilespmem:$0xB300] =	vst v9;
	vm11 =	vmor vm10, vm9;
	v9 =	vor.u32 v18, v61;
	v61 =	vnsel vm1, $0x0, v0  }
0x289: {  	[tilespmem:$0xB370] =	vst v10;
	v20 =	vld [tilespmem:$0xA9F0];
	vm7 =	vlt.f32 v59, $0.0e+00;
	vm8 =	vgt.f32 v59, $0.0e+00;
	v10 =	vsel vm0, $0x0, v23  }
0x28a: {  	[tilespmem:$0xB330] =	vst v63;
	v60 =	vld [tilespmem:$0xB480];
	vm14 =	vlt.f32 v8, $0.0e+00;
	vm15 =	vgt.f32 v8, $0.0e+00;
	v16 =	vsel vm0, $0x0, v16  }
0x28b: {  	[tilespmem:$0xB350] =	vst v11;
	v23 =	vld [tilespmem:$0xAA30];
	vm1 =	vmor vm8, vm7;
	v4 =	vsel vm0, $0x0, v4;
	v3 =	vsel vm0, $0x0, v3  }
0x28c: {  	[tilespmem:$0xB360] =	vst v13;
	v8 =	vld [tilespmem:$0xB450];
	vm6 =	vmor vm15, vm14;
	v59 =	vnsel vm1, $0x0, v0;
	vm14 =	vlt.f32 v21, $0.0e+00  }
0x28d: {  	[tilespmem:$0xB380] =	vst v14;
	vm15 =	vgt.f32 v21, $0.0e+00;
	v21 =	vld [tilespmem:$0xB490];
	v3 =	vor.u32 v3, v61;
	v63 =	vnsel vm6, $0x0, v0  }
0x28e: {  	[tilespmem:$0xB390] =	vst v12;
	v61 =	vnsel vm11, $0x0, v0;
	vm12 =	vlt.f32 v20, $0.0e+00;
	vm13 =	vgt.f32 v20, $0.0e+00;
	v20 =	vld [tilespmem:$0xAA20]  }
0x28f: {  	[tilespmem:$0xB3A0] =	vst v17;
	vm5 =	vmor vm15, vm14;
	v11 =	vor.u32 v16, v63;
	v63 =	vld [tilespmem:$0xAA10];
	vm1 =	vmor vm13, vm12  }
0x290: {  	[tilespmem:$0xB3B0] =	vst v15;
	v60 =	vsel vm0, $0x0, v60;
	v12 =	vor.u32 v62, v61;
	v61 =	vld [tilespmem:$0xAA40];
	v22 =	vnsel vm1, $0x0, v0  }
0x291: {  	[tilespmem:$0xB3D0] =	vst v1;
	v62 =	vld [tilespmem:$0xAA50];
	vm11 =	vlt.f32 v23, $0.0e+00;
	vm12 =	vgt.f32 v23, $0.0e+00;
	v8 =	vsel vm0, $0x0, v8  }
0x292: {  	[tilespmem:$0xB3C0] =	vst v19;
	v1 =	vor.u32 v10, v22;
	v8 =	vor.u32 v8, v59;
	v59 =	vnsel vm5, $0x0, v0  }
0x293: {  	[tilespmem:$0xB3E0] =	vst v2;
	v22 =	vld [tilespmem:$0xB4B0];
	v13 =	vsel vm0, $0x0, v21;
	v2 =	vor.u32 v60, v59;
	vm8 =	vlt.f32 v20, $0.0e+00  }
0x294: {  	[tilespmem:$0xB410] =	vst v5;
	v21 =	vld [tilespmem:$0xAA80];
	vm9 =	vgt.f32 v20, $0.0e+00;
	vm6 =	vlt.f32 v63, $0.0e+00;
	vm7 =	vgt.f32 v63, $0.0e+00  }
0x295: {  	[tilespmem:$0xB400] =	vst v6;
	v20 =	vld [tilespmem:$0xAA70];
	vm10 =	vmor vm9, vm8;
	vm13 =	vlt.f32 v61, $0.0e+00;
	vm14 =	vgt.f32 v61, $0.0e+00  }
0x296: {  	[tilespmem:$0xB420] =	vst v9;
	v60 =	vld [tilespmem:$0xB4C0];
	vm15 =	vlt.f32 v62, $0.0e+00;
	vm4 =	vgt.f32 v62, $0.0e+00;
	vm1 =	vmor vm7, vm6  }
0x297: {  	[tilespmem:$0xB430] =	vst v3;
	v63 =	vld [tilespmem:$0xAA60];
	v5 =	vnsel vm10, $0x0, v0;
	vm2 =	vmor vm14, vm13;
	vm7 =	vmor vm4, vm15  }
0x298: {  	[tilespmem:$0xB440] =	vst v11;
	v61 =	vld [tilespmem:$0xB4D0];
	v6 =	vnsel vm1, $0x0, v0;
	vm1 =	vmor vm12, vm11;
	v59 =	vnsel vm2, $0x0, v0  }
0x299: {  	[tilespmem:$0xB450] =	vst v8;
	v62 =	vld [tilespmem:$0xB4E0];
	v8 =	vnsel vm7, $0x0, v0;
	v17 =	vor.u32 v4, v5;
	v3 =	vsel vm0, $0x0, v22  }
0x29a: {  	[tilespmem:$0xB460] =	vst v12;
	v23 =	vnsel vm1, $0x0, v0;
	vm12 =	vlt.f32 v21, $0.0e+00;
	vm13 =	vgt.f32 v21, $0.0e+00  }
0x29b: {  	[tilespmem:$0xB470] =	vst v1;
	v5 =	vld [tilespmem:$0xB500];
	v15 =	vor.u32 v13, v6;
	vm10 =	vlt.f32 v20, $0.0e+00;
	vm11 =	vgt.f32 v20, $0.0e+00  }
0x29c: {  	[tilespmem:$0xB480] =	vst v2;
	vm3 =	vmor vm13, vm12;
	vm8 =	vlt.f32 v63, $0.0e+00;
	vm9 =	vgt.f32 v63, $0.0e+00;
	v63 =	vld [tilespmem:$0xAA90]  }
0x29d: {  	v6 =	vld [tilespmem:$0xB4F0];
	[tilespmem:$0xB4A0] =	vst v17;
	v4 =	vsel vm0, $0x0, v60;
	v18 =	vor.u32 v3, v23;
	vm2 =	vmor vm11, vm10  }
0x29e: {  	[tilespmem:$0xB490] =	vst v15;
	v20 =	vld [tilespmem:$0xB510];
	v19 =	vor.u32 v4, v59;
	v4 =	vsel vm0, $0x0, v61;
	v22 =	vsel vm0, $0x0, v62  }
0x29f: {  	s18 =	sadd.s32 $0x1, s18;
	[tilespmem:$0xB4B0] =	vst v18;
	v60 =	vnsel vm3, $0x0, v0;
	vm1 =	vmor vm9, vm8;
	v21 =	vor.u32 v4, v8  }
0x2a0: {  	p0 =	sne.s32 s12, s18;
	v8 =	vnsel vm2, $0x0, v0;
	[tilespmem:$0xB4C0] =	vst v19;
	v4 =	vnsel vm1, $0x0, v0;
	v61 =	vsel vm0, $0x0, v5  }
.Ltmp3:
0x2a1: {  	[tilespmem:$0xB4D0] =	vst v21;
	v1 =	vor.u32 v22, v4;
	vm14 =	vlt.f32 v63, $0.0e+00;
	vm15 =	vgt.f32 v63, $0.0e+00;
	(pc) =	sbr.rel @p0 .LBB2_10-.Ltmp3, $4  }
0x2a2: {  	v23 =	vsel vm0, $0x0, v6;
	v62 =	vor.u32 v61, v60;
	[tilespmem:$0xB4E0] =	vst v1;
	vm1 =	vmor vm15, vm14  }
0x2a3: {  	v59 =	vor.u32 v23, v8;
	[tilespmem:$0xB500] =	vst v62;
	v63 =	vsel vm0, $0x0, v20;
	v0 =	vnsel vm1, $0x0, v0  }
0x2a4: {  	[tilespmem:$0xB4F0] =	vst v59;
	v0 =	vor.u32 v63, v0  }
0x2a5: {  	s16 =	sadd.s32 $0x2A00, s16;
	[tilespmem:$0xB510] =	vst v0  }
0x2a6: {  	s12 =	smul.u32 $0xA800, s3  }
0x2a7: {  	s3 =	sadd.s32 $0x1, s3  }
0x2a8: {  	p0 =	sne.s32 s3, $0x4;
	s12 =	sshra.s32 s12, $0x2  }
.Ltmp4:
0x2a9: {  	s12 =	sadd.s32 s12, s17;
	(pc) =	sbr.rel @p0 .LBB2_9-.Ltmp4, $4  }
0x2aa: {  	[spmem:s12] =	stream.linear.scatter [tilespmem:s23], [sflag:$0x2], $0x2A0, $0x38;
	[tilespmem:$0x1FA28] =	vst v63  }
0x2ab: {  	_ =	swait.ge [sflag:s24], $0x2A0  }
0x2ac: {  	[sflag:s24] =	ssyncset.done $0x0  }
0x2ad: {  	s8 =	sadd.s32 $0xFFFFFFE0, s8;
	s10 =	sadd.s32 $0x54000, s10;
	[sflag:s24] =	ssyncadd.s32 $0xFFFFFD60  }
0x2ae: {  	p0 =	sne.s32 s19, s4;
	[bflag:$0x0] =	sbarrier.arrive $0xFFFF  }
0x2af: {  	s3 =	simm.s32 @!p0 $0x0;
	s8 =	rddreg [dreg:$0x3]  }
0x2b0: {  	[tilespmem:s3], [sflag:$0x2] =	stream.linear.gather @!p0 [spmem:s8], $0xA800, $0x38;
	[tilespmem:$0x1FA28] =	vst v63  }
0x2b1: {  	s3 =	simm.s32 @!p0 $0x2  }
0x2b2: {  	_ =	swait.ge @!p0 [sflag:s3], $0xA800  }
0x2b3: {  	s4 =	sadd.s32 $0x1, s4;
	[sflag:s3] =	ssyncset.done @!p0 $0x0  }
0x2b4: {  	[sflag:s3] =	ssyncadd.s32 @!p0 $0xFFFF5800;
	p0 =	sne.s32 s4, $0x4  }
.Ltmp5:
0x2b5: {  	_ = 	snop;
	(pc) =	sbr.rel @p0 .LBB2_4-.Ltmp5, $2  }
0x2b6: {  	_ =	sdelay $0x1  }
0x2b7: {  	[bflag:$0x0] =	sbarrier.arrive $0xFFFF;
	_ =	sdelay $0x1  }
0x2b8: {  	v0 =	vld [tilespmem:$0x1FEF0];
	_ =	sdelay $0x6  }
0x2b9: {  	s3 =	simm.s32 $0xC380  }
0x2ba: {  	v2 =	vld.idx.msk [tilespmem:v0+s3+$0x0], $0xffff  }
0x2bb: {  	v0 =	vld [tilespmem:$0x1FF00];
	_ =	sdelay $0x5  }
0x2bc: {  	v3 =	vld [tilespmem:$0x1FEA0]  }
0x2bd: {  	v8 =	vld [tilespmem:$0x1FEC0]  }
0x2be: {  	v5 =	vld.idx.msk [tilespmem:v0+s3+$0x0], $0xffff  }
0x2bf: {  	v0 =	vld [tilespmem:$0x1FF10];
	_ =	sdelay $0x3  }
0x2c0: {  	v4 =	vld [tilespmem:$0x1FEB0]  }
0x2c1: {  	v59 =	vld.idx.msk [tilespmem:v3+s3+$0x0], $0xffff  }
0x2c2: {  	v61 =	vld.idx.msk [tilespmem:v8+s3+$0x0], $0xffff  }
0x2c3: {  	v8 =	vld [tilespmem:$0x1FED0];
	v1 =	vtrunc.f32 v2;
	v3 =	vtrunc.f32 v5  }
0x2c4: {  	v1 =	vcvt.f32.s32 v1;
	v3 =	vcvt.f32.s32 v3;
	v6 =	vld.idx.msk [tilespmem:v0+s3+$0x0], $0xffff  }
0x2c5: {  	v0 =	vld [tilespmem:$0x1FE90]  }
0x2c6: {  	v63 =	vadd.s32 $0xFFFFFFFF, v1;
	v1 =	vadd.s32 $0xFFFFFFFF, v3;
	v3 =	vld [tilespmem:$0x1FEE0];
	_ =	sdelay $0x4  }
0x2c7: {  	v60 =	vld.idx.msk [tilespmem:v4+s3+$0x0], $0xffff;
	v4 =	vtrunc.f32 v6  }
0x2c8: {  	v62 =	vld.idx.msk [tilespmem:v8+s3+$0x0], $0xffff;
	v4 =	vcvt.f32.s32 v4  }
0x2c9: {  	v5 =	vadd.f32 $-1.000000000e+00, v5;
	v0 =	vld.idx.msk [tilespmem:v0+s3+$0x0], $0xffff  }
0x2ca: {  	s4 =	simm.s32 $0x0;
	v2 =	vadd.f32 $-1.000000000e+00, v2;
	v6 =	vadd.f32 $-1.000000000e+00, v6;
	v3 =	vld.idx.msk [tilespmem:v3+s3+$0x0], $0xffff;
	v4 =	vadd.s32 $0xFFFFFFFF, v4;
	s3 =	simm.s32 $0x0  }
.LBB2_14:
0x2cb: {  	s8 =	sshll.u32 s4, $0xB;
	s10 =	rddreg [dreg:$0xa]  }
0x2cc: {  	s8 =	sadd.s32 s10, s8  }
0x2cd: {  	s10 =	sor.u32 s20, s8  }
0x2ce: {  	s10 =	sshrl.u32 s10, $0x3  }
0x2cf: {  	s12 =	simm.s32 $0xC680;
	s10 =	sadd.s32 s6, s10  }
0x2d0: {  	[tilespmem:s12], [sflag:$0x2] =	stream.linear.gather [hbm4b:s10+s3], $0x800, $0x38;
	[tilespmem:$0x1FA28] =	vst v63  }
0x2d1: {  	_ =	swait.ge [sflag:s24], $0x800  }
0x2d2: {  	s19 =	rddreg [dreg:$0xc]  }
0x2d3: {  	s10 =	sadd.s32 s19, s8  }
0x2d4: {  	[sflag:s24] =	ssyncset.done $0x0;
	s10 =	sshrl.u32 s10, $0x3  }
0x2d5: {  	s16 =	simm.s32 $0xCE80;
	[sflag:s24] =	ssyncadd.s32 $0xFFFFF800;
	s10 =	sadd.s32 s6, s10  }
0x2d6: {  	[tilespmem:s16], [sflag:$0x2] =	stream.linear.gather [hbm4b:s10+s3], $0x800, $0x38;
	[tilespmem:$0x1FA28] =	vst v63  }
0x2d7: {  	_ =	swait.ge [sflag:s24], $0x800  }
0x2d8: {  	s16 =	rddreg [dreg:$0xb]  }
0x2d9: {  	s10 =	sadd.s32 s16, s8  }
0x2da: {  	[sflag:s24] =	ssyncset.done $0x0;
	s10 =	sshrl.u32 s10, $0x3  }
0x2db: {  	s18 =	simm.s32 $0xD680;
	[sflag:s24] =	ssyncadd.s32 $0xFFFFF800;
	s10 =	sadd.s32 s6, s10  }
0x2dc: {  	[tilespmem:s18], [sflag:$0x2] =	stream.linear.gather [hbm4b:s10+s3], $0x800, $0x38;
	[tilespmem:$0x1FA28] =	vst v63  }
0x2dd: {  	_ =	swait.ge [sflag:s24], $0x800  }
0x2de: {  	[sflag:s24] =	ssyncset.done $0x0  }
0x2df: {  	s19 =	sand.u32 $0x7F0, s3;
	[sflag:s24] =	ssyncadd.s32 $0xFFFFF800  }
0x2e0: {  	v8 =	vld [tilespmem:s19+$0xD680]  }
0x2e1: {  	v9 =	vld [tilespmem:s12+$0x0]  }
0x2e2: {  	v10 =	vld [tilespmem:s19+$0xCE80];
	_ =	sdelay $0x2  }
0x2e3: {  	v8 =	vmul.f32 v8, v60  }
0x2e4: {  	v9 =	vmul.f32 v9, v0  }
0x2e5: {  	v10 =	vmul.f32 v10, v59;
	v8 =	vsub.f32 v8, v3  }
0x2e6: {  	v9 =	vsub.f32 v9, v61  }
0x2e7: {  	v10 =	vsub.f32 v10, v62;
	v8 =	vmax.f32 v8, $0.0e+00  }
0x2e8: {  	v11 =	vmax.f32 v9, $0.0e+00;
	v9 =	vmin.f32 v6, v8  }
0x2e9: {  	s16 =	simm.s32 $0xDE80;
	s18 =	simm.s32 $0x10;
	s10 =	simm.s32 $0xDE80;
	v8 =	vmin.f32 v2, v11;
	v11 =	vmax.f32 v10, $0.0e+00;
	v10 =	vtrunc.f32 v9  }
.LBB2_15:
0x2ea: {  	p0 =	sne.s32 s18, $0x7F0;
	v11 =	vmin.f32 v5, v11;
	v12 =	vtrunc.f32 v8;
	v10 =	vcvt.f32.s32 v10;
	s12 =	sadd.s32 $0x10, s12;
	s16 =	sadd.s32 $0x10, s16  }
0x2eb: {  	s19 =	smov.u32 s18;
	s18 =	sadd.s32 $0x10, s18;
	v12 =	vcvt.f32.s32 v12  }
0x2ec: {  	v13 =	vtrunc.f32 v11;
	v14 =	vadd.s32 $0x1, v10;
	v15 =	vshrl.u32 v10, $0x5  }
0x2ed: {  	v16 =	vadd.s32 $0x1, v12;
	vm0 =	vlt.s32 v14, v4;
	v17 =	vmul.u32 $0x68, v12  }
0x2ee: {  	v13 =	vcvt.f32.s32 v13;
	vm1 =	vlt.s32 v16, v63;
	v14 =	vsel vm0, v14, v4  }
0x2ef: {  	v15 =	vmul.u32 $0x2A00, v15;
	v16 =	vsel vm1, v16, v63;
	v18 =	vshrl.u32 v14, $0x5  }
0x2f0: {  	s19 =	sand.u32 $0x7F0, s19;
	v19 =	vcvt.s32.f32 v10;
	v20 =	vadd.s32 $0x1, v13;
	v16 =	vmul.u32 $0x68, v16  }
0x2f1: {  	vm0 =	vlt.s32 v20, v1;
	v21 =	vadd.s32 v13, v15;
	v18 =	vmul.u32 $0x2A00, v18  }
0x2f2: {  	v20 =	vsel vm0, v20, v1;
	v22 =	vadd.s32 v17, v21;
	v21 =	vadd.s32 v16, v21  }
0x2f3: {  	v15 =	vadd.s32 v20, v15;
	v23 =	vadd.s32 v13, v18;
	v18 =	vadd.s32 v20, v18  }
0x2f4: {  	v20 =	vadd.s32 v17, v15;
	v24 =	vadd.s32 v17, v18;
	v25 =	vadd.s32 v16, v23  }
0x2f5: {  	v15 =	vadd.s32 v16, v15;
	v17 =	vadd.s32 v17, v23;
	v16 =	vadd.s32 v16, v18  }
0x2f6: {  	v12 =	vcvt.s32.f32 v12;
	v13 =	vcvt.s32.f32 v13  }
0x2f7: {  	v18 =	vld.idx.msk [tilespmem:v21+s5+$0x0], $0xffff  }
0x2f8: {  	v8 =	vsub.f32 v8, v12;
	v12 =	vld.idx.msk [tilespmem:v22+s5+$0x0], $0xffff  }
0x2f9: {  	v21 =	vld.idx.msk [tilespmem:v25+s5+$0x0], $0xffff  }
0x2fa: {  	v17 =	vld.idx.msk [tilespmem:v17+s5+$0x0], $0xffff  }
0x2fb: {  	v15 =	vld.idx.msk [tilespmem:v15+s5+$0x0], $0xffff  }
0x2fc: {  	v10 =	vand.u32 $0x1F, v10;
	v20 =	vld.idx.msk [tilespmem:v20+s5+$0x0], $0xffff  }
0x2fd: {  	v18 =	vshrl.u32 v18, v10;
	v22 =	vld.idx.msk [tilespmem:v24+s5+$0x0], $0xffff  }
0x2fe: {  	v9 =	vsub.f32 v9, v19;
	v14 =	vand.u32 $0x1F, v14;
	v18 =	vand.u32 $0x1, v18;
	v16 =	vld.idx.msk [tilespmem:v16+s5+$0x0], $0xffff  }
0x2ff: {  	v12 =	vshrl.u32 v12, v10;
	v18 =	vcvt.s32.f32 v18;
	v19 =	vshrl.u32 v21, v14  }
0x300: {  	v12 =	vand.u32 $0x1, v12;
	v17 =	vshrl.u32 v17, v14;
	v19 =	vand.u32 $0x1, v19  }
0x301: {  	v12 =	vcvt.s32.f32 v12;
	v17 =	vand.u32 $0x1, v17;
	v15 =	vshrl.u32 v15, v10  }
0x302: {  	v17 =	vcvt.s32.f32 v17;
	v10 =	vshrl.u32 v20, v10;
	v15 =	vand.u32 $0x1, v15  }
0x303: {  	v19 =	vcvt.s32.f32 v19;
	v10 =	vand.u32 $0x1, v10;
	v20 =	vshrl.u32 v22, v14  }
0x304: {  	v17 =	vsub.f32 v17, v12;
	v20 =	vand.u32 $0x1, v20;
	v14 =	vshrl.u32 v16, v14  }
0x305: {  	v10 =	vcvt.s32.f32 v10;
	v16 =	vcvt.s32.f32 v20;
	v14 =	vand.u32 $0x1, v14  }
0x306: {  	v19 =	vsub.f32 v19, v18;
	v15 =	vcvt.s32.f32 v15;
	v14 =	vcvt.s32.f32 v14  }
0x307: {  	v17 =	vmul.f32 v17, v9;
	v16 =	vsub.f32 v16, v10  }
0x308: {  	v19 =	vmul.f32 v19, v9;
	v14 =	vsub.f32 v14, v15  }
0x309: {  	v16 =	vmul.f32 v16, v9  }
0x30a: {  	v9 =	vmul.f32 v14, v9  }
0x30b: {  	v12 =	vadd.f32 v12, v17;
	v10 =	vadd.f32 v10, v16  }
0x30c: {  	v14 =	vadd.f32 v18, v19;
	v9 =	vadd.f32 v15, v9  }
0x30d: {  	v11 =	vsub.f32 v11, v13;
	v10 =	vsub.f32 v10, v12  }
0x30e: {  	v9 =	vsub.f32 v9, v14  }
0x30f: {  	v10 =	vmul.f32 v10, v11  }
0x310: {  	v9 =	vmul.f32 v9, v11;
	_ =	sdelay $0x1  }
0x311: {  	v10 =	vadd.f32 v10, v12;
	v9 =	vadd.f32 v9, v14;
	_ =	sdelay $0x1  }
0x312: {  	v9 =	vsub.f32 v9, v10;
	_ =	sdelay $0x1  }
0x313: {  	v8 =	vmul.f32 v9, v8;
	_ =	sdelay $0x1  }
0x314: {  	v8 =	vadd.f32 v8, v10;
	_ =	sdelay $0x1  }
0x315: {  	[tilespmem:s10+$0x0] =	vst v8;
	s10 =	smov.u32 s16  }
0x316: {  	v8 =	vld [tilespmem:s19+$0xD680]  }
0x317: {  	v9 =	vld [tilespmem:s12+$0x0]  }
0x318: {  	v10 =	vld [tilespmem:s19+$0xCE80];
	_ =	sdelay $0x2  }
0x319: {  	v8 =	vmul.f32 v8, v60  }
0x31a: {  	v9 =	vmul.f32 v9, v0  }
.Ltmp6:
0x31b: {  	v10 =	vmul.f32 v10, v59;
	v8 =	vsub.f32 v8, v3;
	(pc) =	sbr.rel @p0 .LBB2_15-.Ltmp6, $4  }
0x31c: {  	v9 =	vsub.f32 v9, v61  }
0x31d: {  	v10 =	vsub.f32 v10, v62;
	v8 =	vmax.f32 v8, $0.0e+00  }
0x31e: {  	v11 =	vmax.f32 v9, $0.0e+00;
	v9 =	vmin.f32 v6, v8  }
0x31f: {  	v8 =	vmin.f32 v2, v11;
	v11 =	vmax.f32 v10, $0.0e+00;
	v10 =	vtrunc.f32 v9  }
0x320: {  	v12 =	vtrunc.f32 v8  }
0x321: {  	v11 =	vmin.f32 v5, v11;
	v10 =	vcvt.f32.s32 v10;
	v12 =	vcvt.f32.s32 v12  }
0x322: {  	v13 =	vtrunc.f32 v11  }
0x323: {  	v14 =	vadd.s32 $0x1, v10;
	v15 =	vshrl.u32 v10, $0x5;
	v16 =	vadd.s32 $0x1, v12  }
0x324: {  	v13 =	vcvt.f32.s32 v13;
	vm0 =	vlt.s32 v14, v4;
	vm1 =	vlt.s32 v16, v63  }
0x325: {  	v15 =	vmul.u32 $0x2A00, v15;
	v18 =	vmul.u32 $0x68, v12;
	v16 =	vsel vm1, v16, v63  }
0x326: {  	v14 =	vsel vm0, v14, v4;
	v20 =	vadd.s32 $0x1, v13;
	v16 =	vmul.u32 $0x68, v16  }
0x327: {  	v17 =	vshrl.u32 v14, $0x5;
	v19 =	vadd.s32 v13, v15;
	vm15 =	vlt.s32 v20, v1  }
0x328: {  	v17 =	vmul.u32 $0x2A00, v17;
	v20 =	vsel vm15, v20, v1;
	v21 =	vadd.s32 v16, v19  }
0x329: {  	v15 =	vadd.s32 v20, v15;
	v19 =	vadd.s32 v18, v19  }
0x32a: {  	v22 =	vadd.s32 v13, v17;
	v24 =	vadd.s32 v16, v15;
	v15 =	vadd.s32 v18, v15  }
0x32b: {  	v23 =	vadd.s32 v16, v22  }
0x32c: {  	v22 =	vadd.s32 v18, v22  }
0x32d: {  	v17 =	vadd.s32 v20, v17;
	v20 =	vld.idx.msk [tilespmem:v21+s5+$0x0], $0xffff  }
0x32e: {  	v18 =	vadd.s32 v18, v17;
	v19 =	vld.idx.msk [tilespmem:v19+s5+$0x0], $0xffff  }
0x32f: {  	v16 =	vadd.s32 v16, v17;
	v15 =	vld.idx.msk [tilespmem:v15+s5+$0x0], $0xffff  }
0x330: {  	v17 =	vld.idx.msk [tilespmem:v23+s5+$0x0], $0xffff  }
0x331: {  	v21 =	vld.idx.msk [tilespmem:v22+s5+$0x0], $0xffff  }
0x332: {  	v22 =	vld.idx.msk [tilespmem:v24+s5+$0x0], $0xffff  }
0x333: {  	v18 =	vld.idx.msk [tilespmem:v18+s5+$0x0], $0xffff  }
0x334: {  	v23 =	vand.u32 $0x1F, v10;
	v16 =	vld.idx.msk [tilespmem:v16+s5+$0x0], $0xffff  }
0x335: {  	v14 =	vand.u32 $0x1F, v14;
	v10 =	vcvt.s32.f32 v10;
	v20 =	vshrl.u32 v20, v23  }
0x336: {  	v19 =	vshrl.u32 v19, v23;
	v15 =	vshrl.u32 v15, v23;
	v20 =	vand.u32 $0x1, v20  }
0x337: {  	v17 =	vshrl.u32 v17, v14;
	v19 =	vand.u32 $0x1, v19;
	v21 =	vshrl.u32 v21, v14  }
0x338: {  	v22 =	vshrl.u32 v22, v23;
	v15 =	vand.u32 $0x1, v15;
	v18 =	vshrl.u32 v18, v14  }
0x339: {  	v14 =	vshrl.u32 v16, v14;
	v20 =	vcvt.s32.f32 v20;
	v17 =	vand.u32 $0x1, v17  }
0x33a: {  	v19 =	vcvt.s32.f32 v19;
	v21 =	vand.u32 $0x1, v21;
	v22 =	vand.u32 $0x1, v22  }
0x33b: {  	v18 =	vand.u32 $0x1, v18;
	v15 =	vcvt.s32.f32 v15;
	v21 =	vcvt.s32.f32 v21  }
0x33c: {  	v14 =	vand.u32 $0x1, v14;
	v17 =	vcvt.s32.f32 v17;
	v16 =	vcvt.s32.f32 v18  }
0x33d: {  	v9 =	vsub.f32 v9, v10;
	v22 =	vcvt.s32.f32 v22;
	v14 =	vcvt.s32.f32 v14  }
0x33e: {  	v23 =	vsub.f32 v21, v19;
	v16 =	vsub.f32 v16, v15  }
0x33f: {  	v17 =	vsub.f32 v17, v20;
	v14 =	vsub.f32 v14, v22  }
0x340: {  	v18 =	vmul.f32 v23, v9;
	v16 =	vmul.f32 v16, v9  }
0x341: {  	v17 =	vmul.f32 v17, v9;
	v9 =	vmul.f32 v14, v9  }
0x342: {  	v13 =	vcvt.s32.f32 v13;
	v14 =	vadd.f32 v19, v18;
	v15 =	vadd.f32 v15, v16  }
0x343: {  	v20 =	vadd.f32 v20, v17;
	v9 =	vadd.f32 v22, v9  }
0x344: {  	v21 =	vsub.f32 v11, v13  }
0x345: {  	v22 =	vsub.f32 v15, v14;
	v9 =	vsub.f32 v9, v20;
	_ =	sdelay $0x1  }
0x346: {  	v11 =	vmul.f32 v22, v21;
	v9 =	vmul.f32 v9, v21;
	_ =	sdelay $0x1  }
0x347: {  	v23 =	vcvt.s32.f32 v12;
	v11 =	vadd.f32 v11, v14;
	v9 =	vadd.f32 v9, v20;
	_ =	sdelay $0x1  }
0x348: {  	v8 =	vsub.f32 v8, v23;
	v9 =	vsub.f32 v9, v11;
	_ =	sdelay $0x1  }
0x349: {  	v8 =	vmul.f32 v9, v8;
	_ =	sdelay $0x1  }
0x34a: {  	s8 =	sadd.s32 s21, s8;
	s4 =	sadd.s32 $0x1, s4;
	v8 =	vadd.f32 v8, v11  }
0x34b: {  	s18 =	rddreg [dreg:$0x6];
	s8 =	sshrl.u32 s8, $0x3;
	p0 =	sne.s32 s4, $0x20  }
.Ltmp7:
0x34c: {  	s19 =	simm.s32 $0xDE80;
	s8 =	sadd.s32 s18, s8;
	[tilespmem:s10+$0x0] =	vst v8;
	(pc) =	sbr.rel @p0 .LBB2_14-.Ltmp7, $4  }
0x34d: {  	[hbm4b:s8+s5] =	stream.linear.scatter [tilespmem:s19], [sflag:$0x2], $0x800, $0x38;
	[tilespmem:$0x1FA28] =	vst v63  }
0x34e: {  	_ =	swait.ge [sflag:s24], $0x800  }
0x34f: {  	[sflag:s24] =	ssyncset.done $0x0  }
0x350: {  	[sflag:s24] =	ssyncadd.s32 $0xFFFFF800  }
0x351: {  	s4 =	rddreg [dreg:$0xe]  }
0x352: {  	s3 =	rddreg [dreg:$0xd];
	s4 =	sadd.s32 $0x1, s4  }
0x353: {  	p0 =	sne.s32 s4, s3  }
.Ltmp8:
0x354: {  	_ = 	snop;
	(pc) =	sbr.rel @p0 .LBB2_1-.Ltmp8, $3  }
0x355: {  	_ =	sdelay $0x1  }
0x356: {  	v24 =	vld [tilespmem:$0x1FF20]  }
0x357: {  	s19 =	rddreg [dreg:$0x5];
	v1 =	vimm.f32 $0.0e+00;
	v25 =	vld [tilespmem:$0x1FF30]  }
0x358: {  	_ =	sfence.sel $0x180000  }
0x359: {  	[bflag:$0x0] =	sbarrier.arrive $0xFFFF  }
0x35a: {  	_ =	strace $0x90000047  }
0x35b: {  	s0 =	stileid.u32;
	[bflag:$0x2] =	sbarrier.arrive $0xFFFF  }
0x35c: {  	p0 =	sne.s32 s0, $0x0;
	s0 =	rddreg [dreg:$0x4]  }
0x35d: {  	s0 =	sadd.s32 @!p0 $0x100000, s0  }
0x35e: {  	[sflag:s0] =	ssyncadd.tile.s32 @!p0 $0x1;
	_ =	shalt  }
.Lfunc_end2:
_tile_overlayer_lowered:
.L_overlay_start_2:
0x35f: {  	(tag) =	ssettag $0x2  }
0x360: {  	s0 =	rddreg [dreg:$0x0];
	s2 =	stileid.u32  }
0x361: {  	s1 =	rddreg [dreg:$0x1];
	p0 =	sne.s32 s2, $0x0  }
0x362: {  	s3 =	rddreg [dreg:$0x2];
	[bflag:$0x3] =	sbarrier.arrive $0xFFFF;
	s2 =	simm.s32 @!p0 $0x1C02  }
0x363: {  	[timem:s3], [sflag:s2] =	dma.local @!p0 [hbm:s0], s1  }
0x364: {  	s0 =	simm.s32 @!p0 $0x2  }
0x365: {  	_ =	swait.ge @!p0 [sflag:s0], s1  }
0x366: {  	s1 =	ssub.s32 @!p0 $0x0, s1;
	[sflag:s0] =	ssyncset.done @!p0 $0x0  }
0x367: {  	[sflag:s0] =	ssyncadd.s32 @!p0 s1  }
0x368: {  	[bflag:$0x3] =	sbarrier.arrive $0xFFFF  }
0x369: {  	_ =	shalt  }

</sc_bundles>
